<compile_context>
chip_gen: v7x
topology: tpu7x:2x2x1
jax: 0.10.2.dev20260603
libtpu: 0.0.44.dev20260713+nightly
codegen_flags: <defaults>
</compile_context>

<pallas_src>
import functools
import math

import jax
import jax.numpy as jnp
from jax import lax
from jax.experimental import pallas as pl
from jax.experimental.pallas import tpu as pltpu
from jax.experimental.pallas import tpu_sc as plsc

D_MODEL_ = 128
SCALE_ = math.sqrt(float(D_MODEL_))
NC_, NS_, LANES_ = 2, 16, 16
NW_ = NC_ * NS_

G_ = 128
NG_ = 4
NSB_ = 3


def _scale_rows(src, dst):
    @plsc.parallel_loop(0, G_, unroll=2)
    def _row(r):
        for c in range(D_MODEL_ // LANES_):
            s = pl.ds(c * LANES_, LANES_)
            dst[r, s] = src[r, s] * SCALE_


def _emb_body(xt_hbm, lut_hbm, out_hbm,
              idx_v, g0, g1, g2, g3, s0, s1, s2,
              gsem0, gsem1, gsem2, gsem3, ssem0, ssem1, ssem2,
              *, seq):
    wid = lax.axis_index("s") * NC_ + lax.axis_index("c")
    tok0 = wid * G_
    gbuf = (g0, g1, g2, g3)
    sbuf = (s0, s1, s2)
    gsem = (gsem0, gsem1, gsem2, gsem3)
    ssem = (ssem0, ssem1, ssem2)

    pltpu.sync_copy(xt_hbm.at[:, pl.ds(tok0, G_)], idx_v)

    def gather(j, gb):
        pltpu.async_copy(lut_hbm.at[idx_v.at[j]], gbuf[gb], gsem[gb])

    def wait_gather(j, gb):
        pltpu.make_async_copy(
            lut_hbm.at[idx_v.at[j]], gbuf[gb], gsem[gb]).wait()

    def scatter(j, sb):
        pltpu.async_copy(
            sbuf[sb], out_hbm.at[j, pl.ds(tok0, G_)], ssem[sb])

    def wait_scatter(j, sb):
        pltpu.make_async_copy(
            sbuf[sb], out_hbm.at[j, pl.ds(tok0, G_)], ssem[sb]).wait()

    for gb in range(NG_):
        gather(gb, gb)

    def slot(j, gb, sb, first_rounds):
        if first_rounds:
            @pl.when(j >= NSB_)
            def _():
                wait_scatter(j, sb)
        else:
            wait_scatter(j, sb)

        wait_gather(j, gb)
        _scale_rows(gbuf[gb], sbuf[sb])
        scatter(j, sb)

        @pl.when(j + NG_ < seq)
        def _():
            gather(j + NG_, gb)

    nfull = seq // NG_

    def round_body(g, carry, first_rounds):
        for gb in range(NG_):
            slot(g * NG_ + gb, gb, gb % NSB_, first_rounds)
        return carry

    lax.fori_loop(0, 1, functools.partial(round_body, first_rounds=True), 0)
    lax.fori_loop(1, nfull,
                  functools.partial(round_body, first_rounds=False), 0)
    for b in range(seq - nfull * NG_):
        j = nfull * NG_ + b
        slot(j, j % NG_, j % NSB_, first_rounds=False)

    for j in range(seq - NSB_, seq):
        wait_scatter(j, j % NSB_)


@functools.partial(jax.jit, static_argnums=(2, 3))
def _emb_lookup(xt, lut, seq, ntok):
    mesh = plsc.VectorSubcoreMesh(
        core_axis_name="c", subcore_axis_name="s",
        num_cores=NC_, num_subcores=NS_)
    return pl.kernel(
        functools.partial(_emb_body, seq=seq),
        out_type=jax.ShapeDtypeStruct((seq, ntok, D_MODEL_), jnp.float32),
        mesh=mesh,
        scratch_types=(
            [pltpu.VMEM((seq, G_), jnp.int32)]
            + [pltpu.VMEM((G_, D_MODEL_), jnp.float32)] * (NG_ + NSB_)
            + [pltpu.SemaphoreType.DMA] * (NG_ + NSB_)
        ),
    )(xt, lut)


def kernel(x, lut):
    xt = x.astype(jnp.int32).T
    out_t = _emb_lookup(xt, lut, xt.shape[0], xt.shape[1])
    return out_t.transpose(1, 0, 2)

# --- scband reference (transcript-rebuilt; emitter-appended) ---
"""Pipeline reference for scband-embeddings-22325240004618 (READ-ONLY COPY).

The authoritative reference and input builder live on the scoring server;
editing this copy changes nothing except your own understanding.
"""

import jax, jax.numpy as jnp
import numpy as np
import math

D_MODEL = 128
VOCAB = 100000

def setup_inputs(seed: int = 0) -> dict:
    key = jax.random.key(seed)
    k1, k2 = jax.random.split(key)
    x = jax.random.randint(k1, (4096, 50), 0, VOCAB, dtype=jnp.int64 if jax.config.jax_enable_x64 else jnp.int32)
    lut = jax.random.normal(k2, (VOCAB, D_MODEL), dtype=jnp.float32)
    return {"x": x, "lut": lut}

def reference(x, lut):
    # Faithful translation of Embeddings.forward: self.lut(x) * math.sqrt(self.d_model)
    emb = jnp.take(lut, x, axis=0)
    return emb * math.sqrt(D_MODEL)

if __name__ == "__main__":
    import jax
    _d = setup_inputs()
    print(jax.jit(kernel)(*tuple(_d.values())))

</pallas_src>

<mosaic_0001>
#map = affine_map<(d0, d1) -> (0, 0)>
#map1 = affine_map<(d0, d1) -> (0, 0, 0)>
module attributes {stable_mosaic.version = 14 : i64} {
  func.func @_emb_body(%arg0: i32, %arg1: i32, %arg2: memref<50x4096xi32, #tpu.memory_space<hbm>>, %arg3: memref<100000x128xf32, #tpu.memory_space<hbm>>, %arg4: memref<50x4096x128xf32, #tpu.memory_space<hbm>>, %arg5: memref<50x128xi32, #tpu.memory_space<vmem>>, %arg6: memref<128x128xf32, #tpu.memory_space<vmem>>, %arg7: memref<128x128xf32, #tpu.memory_space<vmem>>, %arg8: memref<128x128xf32, #tpu.memory_space<vmem>>, %arg9: memref<128x128xf32, #tpu.memory_space<vmem>>, %arg10: memref<128x128xf32, #tpu.memory_space<vmem>>, %arg11: memref<128x128xf32, #tpu.memory_space<vmem>>, %arg12: memref<128x128xf32, #tpu.memory_space<vmem>>, %arg13: memref<!tpu.dma_semaphore, #tpu.memory_space<semaphore_mem>>, %arg14: memref<!tpu.dma_semaphore, #tpu.memory_space<semaphore_mem>>, %arg15: memref<!tpu.dma_semaphore, #tpu.memory_space<semaphore_mem>>, %arg16: memref<!tpu.dma_semaphore, #tpu.memory_space<semaphore_mem>>, %arg17: memref<!tpu.dma_semaphore, #tpu.memory_space<semaphore_mem>>, %arg18: memref<!tpu.dma_semaphore, #tpu.memory_space<semaphore_mem>>, %arg19: memref<!tpu.dma_semaphore, #tpu.memory_space<semaphore_mem>>) attributes {dimension_semantics = [#tpu.dimension_semantics<core_parallel>, #tpu.dimension_semantics<subcore_parallel>], iteration_bounds = array<i64: 2, 16>, scalar_prefetch = 0 : i64, scratch_operands = 15 : i64, tpu.core_type = #tpu.core_type<sc_vector_subcore>, window_params = [{transform_indices = #map}, {transform_indices = #map}, {transform_indices = #map1}]} {
    %mul3A = arith.constant 2 : i32
    %mul3A_0 = arith.muli %arg1, %mul3A : i32
    %add3A = arith.addi %mul3A_0, %arg0 : i32
    %mul3A_1 = arith.constant 128 : i32
    %mul3A_2 = arith.muli %add3A, %mul3A_1 : i32
    "tpu.region"() ({
      %run_scoped3A = tpu.sem_alloc : memref<!tpu.dma_semaphore, #tpu.memory_space<semaphore_mem>>
      %dma_start3A_225 = arith.constant 0 : i32
      %dma_start3A_226 = tpu.memref_slice %arg2[%dma_start3A_225, %mul3A_2] : memref<50x4096xi32, #tpu.memory_space<hbm>> -> memref<50x128xi32, #tpu.memory_space<hbm>>
      %dma_start3A_227 = arith.constant 0 : i32
      %dma_start3A_228 = tpu.memref_slice %arg2[%dma_start3A_227, %mul3A_2] : memref<50x4096xi32, #tpu.memory_space<hbm>> -> memref<50x128xi32, #tpu.memory_space<hbm>>
      tpu.enqueue_dma source(%dma_start3A_228 : memref<50x128xi32, #tpu.memory_space<hbm>>) target(%arg5 : memref<50x128xi32, #tpu.memory_space<vmem>>) target_semaphore(%run_scoped3A : memref<!tpu.dma_semaphore, #tpu.memory_space<semaphore_mem>>)
      %dma_wait3A_229 = arith.constant 0 : i32
      %dma_wait3A_230 = tpu.memref_slice %arg2[%dma_wait3A_229, %mul3A_2] : memref<50x4096xi32, #tpu.memory_space<hbm>> -> memref<50x128xi32, #tpu.memory_space<hbm>>
      %dma_wait3A_231 = arith.constant 0 : i32
      %dma_wait3A_232 = tpu.memref_slice %arg2[%dma_wait3A_231, %mul3A_2] : memref<50x4096xi32, #tpu.memory_space<hbm>> -> memref<50x128xi32, #tpu.memory_space<hbm>>
      tpu.wait_dma2 semaphore(%run_scoped3A : memref<!tpu.dma_semaphore, #tpu.memory_space<semaphore_mem>>) src(%dma_wait3A_232 : memref<50x128xi32, #tpu.memory_space<hbm>>) dst(%arg5 : memref<50x128xi32, #tpu.memory_space<vmem>>)
      tpu.yield
    }) : () -> ()
    %dma_start3A = arith.constant 0 : i32
    %dma_start3A_3 = arith.constant 0 : i32
    %dma_start3A_4 = tpu.memref_slice %arg5[%dma_start3A, %dma_start3A_3] : memref<50x128xi32, #tpu.memory_space<vmem>> -> memref<1x128xi32, #tpu.memory_space<vmem>>
    %dma_start3A_5 = tpu.memref_squeeze %dma_start3A_4 : memref<1x128xi32, #tpu.memory_space<vmem>> -> memref<128xi32, #tpu.memory_space<vmem>>
    %dma_start3A_6 = arith.constant 0 : i32
    %dma_start3A_7 = arith.constant 0 : i32
    %dma_start3A_8 = tpu.memref_slice %arg3[%dma_start3A_6, %dma_start3A_7] : memref<100000x128xf32, #tpu.memory_space<hbm>> -> memref<100000x128xf32, #tpu.memory_space<hbm>>
    tpu.enqueue_indirect_dma source(%dma_start3A_8 : memref<100000x128xf32, #tpu.memory_space<hbm>>) target(%arg6 : memref<128x128xf32, #tpu.memory_space<vmem>>) offsets(%dma_start3A_5 : memref<128xi32, #tpu.memory_space<vmem>>) semaphore(%arg13 : memref<!tpu.dma_semaphore, #tpu.memory_space<semaphore_mem>>)
    %dma_start3A_9 = arith.constant 1 : i32
    %dma_start3A_10 = arith.constant 0 : i32
    %dma_start3A_11 = tpu.memref_slice %arg5[%dma_start3A_9, %dma_start3A_10] : memref<50x128xi32, #tpu.memory_space<vmem>> -> memref<1x128xi32, #tpu.memory_space<vmem>>
    %dma_start3A_12 = tpu.memref_squeeze %dma_start3A_11 : memref<1x128xi32, #tpu.memory_space<vmem>> -> memref<128xi32, #tpu.memory_space<vmem>>
    %dma_start3A_13 = arith.constant 0 : i32
    %dma_start3A_14 = arith.constant 0 : i32
    %dma_start3A_15 = tpu.memref_slice %arg3[%dma_start3A_13, %dma_start3A_14] : memref<100000x128xf32, #tpu.memory_space<hbm>> -> memref<100000x128xf32, #tpu.memory_space<hbm>>
    tpu.enqueue_indirect_dma source(%dma_start3A_15 : memref<100000x128xf32, #tpu.memory_space<hbm>>) target(%arg7 : memref<128x128xf32, #tpu.memory_space<vmem>>) offsets(%dma_start3A_12 : memref<128xi32, #tpu.memory_space<vmem>>) semaphore(%arg14 : memref<!tpu.dma_semaphore, #tpu.memory_space<semaphore_mem>>)
    %dma_start3A_16 = arith.constant 2 : i32
    %dma_start3A_17 = arith.constant 0 : i32
    %dma_start3A_18 = tpu.memref_slice %arg5[%dma_start3A_16, %dma_start3A_17] : memref<50x128xi32, #tpu.memory_space<vmem>> -> memref<1x128xi32, #tpu.memory_space<vmem>>
    %dma_start3A_19 = tpu.memref_squeeze %dma_start3A_18 : memref<1x128xi32, #tpu.memory_space<vmem>> -> memref<128xi32, #tpu.memory_space<vmem>>
    %dma_start3A_20 = arith.constant 0 : i32
    %dma_start3A_21 = arith.constant 0 : i32
    %dma_start3A_22 = tpu.memref_slice %arg3[%dma_start3A_20, %dma_start3A_21] : memref<100000x128xf32, #tpu.memory_space<hbm>> -> memref<100000x128xf32, #tpu.memory_space<hbm>>
    tpu.enqueue_indirect_dma source(%dma_start3A_22 : memref<100000x128xf32, #tpu.memory_space<hbm>>) target(%arg8 : memref<128x128xf32, #tpu.memory_space<vmem>>) offsets(%dma_start3A_19 : memref<128xi32, #tpu.memory_space<vmem>>) semaphore(%arg15 : memref<!tpu.dma_semaphore, #tpu.memory_space<semaphore_mem>>)
    %dma_start3A_23 = arith.constant 3 : i32
    %dma_start3A_24 = arith.constant 0 : i32
    %dma_start3A_25 = tpu.memref_slice %arg5[%dma_start3A_23, %dma_start3A_24] : memref<50x128xi32, #tpu.memory_space<vmem>> -> memref<1x128xi32, #tpu.memory_space<vmem>>
    %dma_start3A_26 = tpu.memref_squeeze %dma_start3A_25 : memref<1x128xi32, #tpu.memory_space<vmem>> -> memref<128xi32, #tpu.memory_space<vmem>>
    %dma_start3A_27 = arith.constant 0 : i32
    %dma_start3A_28 = arith.constant 0 : i32
    %dma_start3A_29 = tpu.memref_slice %arg3[%dma_start3A_27, %dma_start3A_28] : memref<100000x128xf32, #tpu.memory_space<hbm>> -> memref<100000x128xf32, #tpu.memory_space<hbm>>
    tpu.enqueue_indirect_dma source(%dma_start3A_29 : memref<100000x128xf32, #tpu.memory_space<hbm>>) target(%arg9 : memref<128x128xf32, #tpu.memory_space<vmem>>) offsets(%dma_start3A_26 : memref<128xi32, #tpu.memory_space<vmem>>) semaphore(%arg16 : memref<!tpu.dma_semaphore, #tpu.memory_space<semaphore_mem>>)
    %scan3A = arith.constant 0 : i32
    %scan3A_30 = arith.constant 0 : i32
    %mul3A_31 = arith.constant 4 : i32
    %mul3A_32 = arith.muli %scan3A_30, %mul3A_31 : i32
    %add3A_33 = arith.constant 0 : i32
    %add3A_34 = arith.addi %mul3A_32, %add3A_33 : i32
    %ge3A = arith.constant 3 : i32
    %ge3A_35 = arith.cmpi sge, %add3A_34, %ge3A : i32
    %convert_element_type3A = arith.extui %ge3A_35 : i1 to i32
    %cond3A = arith.constant 0 : i32
    %cond3A_36 = arith.cmpi ne, %convert_element_type3A, %cond3A : i32
    scf.if %cond3A_36 {
      %dma_wait3A_225 = arith.constant 0 : i32
      %dma_wait3A_226 = tpu.memref_slice %arg4[%add3A_34, %mul3A_2, %dma_wait3A_225] : memref<50x4096x128xf32, #tpu.memory_space<hbm>> -> memref<1x128x128xf32, #tpu.memory_space<hbm>>
      %dma_wait3A_227 = tpu.memref_squeeze %dma_wait3A_226 : memref<1x128x128xf32, #tpu.memory_space<hbm>> -> memref<128x128xf32, #tpu.memory_space<hbm>>
      %dma_wait3A_228 = arith.constant 0 : i32
      %dma_wait3A_229 = tpu.memref_slice %arg4[%add3A_34, %mul3A_2, %dma_wait3A_228] : memref<50x4096x128xf32, #tpu.memory_space<hbm>> -> memref<1x128x128xf32, #tpu.memory_space<hbm>>
      %dma_wait3A_230 = tpu.memref_squeeze %dma_wait3A_229 : memref<1x128x128xf32, #tpu.memory_space<hbm>> -> memref<128x128xf32, #tpu.memory_space<hbm>>
      tpu.wait_dma2 semaphore(%arg17 : memref<!tpu.dma_semaphore, #tpu.memory_space<semaphore_mem>>) src(%arg10 : memref<128x128xf32, #tpu.memory_space<vmem>>) dst(%dma_wait3A_230 : memref<128x128xf32, #tpu.memory_space<hbm>>)
    } else {
    }
    %dma_wait3A = arith.constant 0 : i32
    %dma_wait3A_37 = tpu.memref_slice %arg5[%add3A_34, %dma_wait3A] : memref<50x128xi32, #tpu.memory_space<vmem>> -> memref<1x128xi32, #tpu.memory_space<vmem>>
    %dma_wait3A_38 = tpu.memref_squeeze %dma_wait3A_37 : memref<1x128xi32, #tpu.memory_space<vmem>> -> memref<128xi32, #tpu.memory_space<vmem>>
    %dma_wait3A_39 = arith.constant 0 : i32
    %dma_wait3A_40 = arith.constant 0 : i32
    %dma_wait3A_41 = tpu.memref_slice %arg3[%dma_wait3A_39, %dma_wait3A_40] : memref<100000x128xf32, #tpu.memory_space<hbm>> -> memref<100000x128xf32, #tpu.memory_space<hbm>>
    tpu.wait_indirect_dma semaphore(%arg13 : memref<!tpu.dma_semaphore, #tpu.memory_space<semaphore_mem>>) src(%dma_wait3A_41 : memref<100000x128xf32, #tpu.memory_space<hbm>>) dst(%arg6 : memref<128x128xf32, #tpu.memory_space<vmem>>)
    %parallel_loop3A = arith.constant 0 : i32
    %parallel_loop3A_42 = arith.constant 128 : i32
    %parallel_loop3A_43 = arith.constant 1 : i32
    scf.for %parallel_loop3A_225 = %parallel_loop3A to %parallel_loop3A_42 step %parallel_loop3A_43  : i32 {
      %parallel_loop3A_226 = arith.index_cast %parallel_loop3A_225 : i32 to index
      %parallel_loop3A_227 = arith.constant 0 : index
      %parallel_loop3A_228 = tpu.vector_load %arg6[%parallel_loop3A_226, %parallel_loop3A_227] {strides = array<i32>} : memref<128x128xf32, #tpu.memory_space<vmem>>, vector<1x16xf32>,
      %parallel_loop3A_229 = vector.shape_cast %parallel_loop3A_228 : vector<1x16xf32> to vector<16xf32>
      %parallel_loop3A_230 = arith.constant 11.3137083 : f32
      %parallel_loop3A_231 = vector.broadcast %parallel_loop3A_230 : f32 to vector<16xf32>
      %parallel_loop3A_232 = arith.mulf %parallel_loop3A_229, %parallel_loop3A_231 : vector<16xf32>
      %parallel_loop3A_233 = arith.index_cast %parallel_loop3A_225 : i32 to index
      %parallel_loop3A_234 = arith.constant 0 : index
      %parallel_loop3A_235 = tpu.vector_load %arg10[%parallel_loop3A_233, %parallel_loop3A_234] {strides = array<i32>} : memref<128x128xf32, #tpu.memory_space<vmem>>, vector<1x16xf32>,
      %parallel_loop3A_236 = vector.shape_cast %parallel_loop3A_235 : vector<1x16xf32> to vector<16xf32>
      %parallel_loop3A_237 = vector.shape_cast %parallel_loop3A_232 : vector<16xf32> to vector<1x16xf32>
      tpu.vector_store %arg10[%parallel_loop3A_233, %parallel_loop3A_234], %parallel_loop3A_237 {strides = array<i32>} : memref<128x128xf32, #tpu.memory_space<vmem>>, vector<1x16xf32>,
      %parallel_loop3A_238 = arith.index_cast %parallel_loop3A_225 : i32 to index
      %parallel_loop3A_239 = arith.constant 16 : index
      %parallel_loop3A_240 = tpu.vector_load %arg6[%parallel_loop3A_238, %parallel_loop3A_239] {strides = array<i32>} : memref<128x128xf32, #tpu.memory_space<vmem>>, vector<1x16xf32>,
      %parallel_loop3A_241 = vector.shape_cast %parallel_loop3A_240 : vector<1x16xf32> to vector<16xf32>
      %parallel_loop3A_242 = arith.constant 11.3137083 : f32
      %parallel_loop3A_243 = vector.broadcast %parallel_loop3A_242 : f32 to vector<16xf32>
      %parallel_loop3A_244 = arith.mulf %parallel_loop3A_241, %parallel_loop3A_243 : vector<16xf32>
      %parallel_loop3A_245 = arith.index_cast %parallel_loop3A_225 : i32 to index
      %parallel_loop3A_246 = arith.constant 16 : index
      %parallel_loop3A_247 = tpu.vector_load %arg10[%parallel_loop3A_245, %parallel_loop3A_246] {strides = array<i32>} : memref<128x128xf32, #tpu.memory_space<vmem>>, vector<1x16xf32>,
      %parallel_loop3A_248 = vector.shape_cast %parallel_loop3A_247 : vector<1x16xf32> to vector<16xf32>
      %parallel_loop3A_249 = vector.shape_cast %parallel_loop3A_244 : vector<16xf32> to vector<1x16xf32>
      tpu.vector_store %arg10[%parallel_loop3A_245, %parallel_loop3A_246], %parallel_loop3A_249 {strides = array<i32>} : memref<128x128xf32, #tpu.memory_space<vmem>>, vector<1x16xf32>,
      %parallel_loop3A_250 = arith.index_cast %parallel_loop3A_225 : i32 to index
      %parallel_loop3A_251 = arith.constant 32 : index
      %parallel_loop3A_252 = tpu.vector_load %arg6[%parallel_loop3A_250, %parallel_loop3A_251] {strides = array<i32>} : memref<128x128xf32, #tpu.memory_space<vmem>>, vector<1x16xf32>,
      %parallel_loop3A_253 = vector.shape_cast %parallel_loop3A_252 : vector<1x16xf32> to vector<16xf32>
      %parallel_loop3A_254 = arith.constant 11.3137083 : f32
      %parallel_loop3A_255 = vector.broadcast %parallel_loop3A_254 : f32 to vector<16xf32>
      %parallel_loop3A_256 = arith.mulf %parallel_loop3A_253, %parallel_loop3A_255 : vector<16xf32>
      %parallel_loop3A_257 = arith.index_cast %parallel_loop3A_225 : i32 to index
      %parallel_loop3A_258 = arith.constant 32 : index
      %parallel_loop3A_259 = tpu.vector_load %arg10[%parallel_loop3A_257, %parallel_loop3A_258] {strides = array<i32>} : memref<128x128xf32, #tpu.memory_space<vmem>>, vector<1x16xf32>,
      %parallel_loop3A_260 = vector.shape_cast %parallel_loop3A_259 : vector<1x16xf32> to vector<16xf32>
      %parallel_loop3A_261 = vector.shape_cast %parallel_loop3A_256 : vector<16xf32> to vector<1x16xf32>
      tpu.vector_store %arg10[%parallel_loop3A_257, %parallel_loop3A_258], %parallel_loop3A_261 {strides = array<i32>} : memref<128x128xf32, #tpu.memory_space<vmem>>, vector<1x16xf32>,
      %parallel_loop3A_262 = arith.index_cast %parallel_loop3A_225 : i32 to index
      %parallel_loop3A_263 = arith.constant 48 : index
      %parallel_loop3A_264 = tpu.vector_load %arg6[%parallel_loop3A_262, %parallel_loop3A_263] {strides = array<i32>} : memref<128x128xf32, #tpu.memory_space<vmem>>, vector<1x16xf32>,
      %parallel_loop3A_265 = vector.shape_cast %parallel_loop3A_264 : vector<1x16xf32> to vector<16xf32>
      %parallel_loop3A_266 = arith.constant 11.3137083 : f32
      %parallel_loop3A_267 = vector.broadcast %parallel_loop3A_266 : f32 to vector<16xf32>
      %parallel_loop3A_268 = arith.mulf %parallel_loop3A_265, %parallel_loop3A_267 : vector<16xf32>
      %parallel_loop3A_269 = arith.index_cast %parallel_loop3A_225 : i32 to index
      %parallel_loop3A_270 = arith.constant 48 : index
      %parallel_loop3A_271 = tpu.vector_load %arg10[%parallel_loop3A_269, %parallel_loop3A_270] {strides = array<i32>} : memref<128x128xf32, #tpu.memory_space<vmem>>, vector<1x16xf32>,
      %parallel_loop3A_272 = vector.shape_cast %parallel_loop3A_271 : vector<1x16xf32> to vector<16xf32>
      %parallel_loop3A_273 = vector.shape_cast %parallel_loop3A_268 : vector<16xf32> to vector<1x16xf32>
      tpu.vector_store %arg10[%parallel_loop3A_269, %parallel_loop3A_270], %parallel_loop3A_273 {strides = array<i32>} : memref<128x128xf32, #tpu.memory_space<vmem>>, vector<1x16xf32>,
      %parallel_loop3A_274 = arith.index_cast %parallel_loop3A_225 : i32 to index
      %parallel_loop3A_275 = arith.constant 64 : index
      %parallel_loop3A_276 = tpu.vector_load %arg6[%parallel_loop3A_274, %parallel_loop3A_275] {strides = array<i32>} : memref<128x128xf32, #tpu.memory_space<vmem>>, vector<1x16xf32>,
      %parallel_loop3A_277 = vector.shape_cast %parallel_loop3A_276 : vector<1x16xf32> to vector<16xf32>
      %parallel_loop3A_278 = arith.constant 11.3137083 : f32
      %parallel_loop3A_279 = vector.broadcast %parallel_loop3A_278 : f32 to vector<16xf32>
      %parallel_loop3A_280 = arith.mulf %parallel_loop3A_277, %parallel_loop3A_279 : vector<16xf32>
      %parallel_loop3A_281 = arith.index_cast %parallel_loop3A_225 : i32 to index
      %parallel_loop3A_282 = arith.constant 64 : index
      %parallel_loop3A_283 = tpu.vector_load %arg10[%parallel_loop3A_281, %parallel_loop3A_282] {strides = array<i32>} : memref<128x128xf32, #tpu.memory_space<vmem>>, vector<1x16xf32>,
      %parallel_loop3A_284 = vector.shape_cast %parallel_loop3A_283 : vector<1x16xf32> to vector<16xf32>
      %parallel_loop3A_285 = vector.shape_cast %parallel_loop3A_280 : vector<16xf32> to vector<1x16xf32>
      tpu.vector_store %arg10[%parallel_loop3A_281, %parallel_loop3A_282], %parallel_loop3A_285 {strides = array<i32>} : memref<128x128xf32, #tpu.memory_space<vmem>>, vector<1x16xf32>,
      %parallel_loop3A_286 = arith.index_cast %parallel_loop3A_225 : i32 to index
      %parallel_loop3A_287 = arith.constant 80 : index
      %parallel_loop3A_288 = tpu.vector_load %arg6[%parallel_loop3A_286, %parallel_loop3A_287] {strides = array<i32>} : memref<128x128xf32, #tpu.memory_space<vmem>>, vector<1x16xf32>,
      %parallel_loop3A_289 = vector.shape_cast %parallel_loop3A_288 : vector<1x16xf32> to vector<16xf32>
      %parallel_loop3A_290 = arith.constant 11.3137083 : f32
      %parallel_loop3A_291 = vector.broadcast %parallel_loop3A_290 : f32 to vector<16xf32>
      %parallel_loop3A_292 = arith.mulf %parallel_loop3A_289, %parallel_loop3A_291 : vector<16xf32>
      %parallel_loop3A_293 = arith.index_cast %parallel_loop3A_225 : i32 to index
      %parallel_loop3A_294 = arith.constant 80 : index
      %parallel_loop3A_295 = tpu.vector_load %arg10[%parallel_loop3A_293, %parallel_loop3A_294] {strides = array<i32>} : memref<128x128xf32, #tpu.memory_space<vmem>>, vector<1x16xf32>,
      %parallel_loop3A_296 = vector.shape_cast %parallel_loop3A_295 : vector<1x16xf32> to vector<16xf32>
      %parallel_loop3A_297 = vector.shape_cast %parallel_loop3A_292 : vector<16xf32> to vector<1x16xf32>
      tpu.vector_store %arg10[%parallel_loop3A_293, %parallel_loop3A_294], %parallel_loop3A_297 {strides = array<i32>} : memref<128x128xf32, #tpu.memory_space<vmem>>, vector<1x16xf32>,
      %parallel_loop3A_298 = arith.index_cast %parallel_loop3A_225 : i32 to index
      %parallel_loop3A_299 = arith.constant 96 : index
      %parallel_loop3A_300 = tpu.vector_load %arg6[%parallel_loop3A_298, %parallel_loop3A_299] {strides = array<i32>} : memref<128x128xf32, #tpu.memory_space<vmem>>, vector<1x16xf32>,
      %parallel_loop3A_301 = vector.shape_cast %parallel_loop3A_300 : vector<1x16xf32> to vector<16xf32>
      %parallel_loop3A_302 = arith.constant 11.3137083 : f32
      %parallel_loop3A_303 = vector.broadcast %parallel_loop3A_302 : f32 to vector<16xf32>
      %parallel_loop3A_304 = arith.mulf %parallel_loop3A_301, %parallel_loop3A_303 : vector<16xf32>
      %parallel_loop3A_305 = arith.index_cast %parallel_loop3A_225 : i32 to index
      %parallel_loop3A_306 = arith.constant 96 : index
      %parallel_loop3A_307 = tpu.vector_load %arg10[%parallel_loop3A_305, %parallel_loop3A_306] {strides = array<i32>} : memref<128x128xf32, #tpu.memory_space<vmem>>, vector<1x16xf32>,
      %parallel_loop3A_308 = vector.shape_cast %parallel_loop3A_307 : vector<1x16xf32> to vector<16xf32>
      %parallel_loop3A_309 = vector.shape_cast %parallel_loop3A_304 : vector<16xf32> to vector<1x16xf32>
      tpu.vector_store %arg10[%parallel_loop3A_305, %parallel_loop3A_306], %parallel_loop3A_309 {strides = array<i32>} : memref<128x128xf32, #tpu.memory_space<vmem>>, vector<1x16xf32>,
      %parallel_loop3A_310 = arith.index_cast %parallel_loop3A_225 : i32 to index
      %parallel_loop3A_311 = arith.constant 112 : index
      %parallel_loop3A_312 = tpu.vector_load %arg6[%parallel_loop3A_310, %parallel_loop3A_311] {strides = array<i32>} : memref<128x128xf32, #tpu.memory_space<vmem>>, vector<1x16xf32>,
      %parallel_loop3A_313 = vector.shape_cast %parallel_loop3A_312 : vector<1x16xf32> to vector<16xf32>
      %parallel_loop3A_314 = arith.constant 11.3137083 : f32
      %parallel_loop3A_315 = vector.broadcast %parallel_loop3A_314 : f32 to vector<16xf32>
      %parallel_loop3A_316 = arith.mulf %parallel_loop3A_313, %parallel_loop3A_315 : vector<16xf32>
      %parallel_loop3A_317 = arith.index_cast %parallel_loop3A_225 : i32 to index
      %parallel_loop3A_318 = arith.constant 112 : index
      %parallel_loop3A_319 = tpu.vector_load %arg10[%parallel_loop3A_317, %parallel_loop3A_318] {strides = array<i32>} : memref<128x128xf32, #tpu.memory_space<vmem>>, vector<1x16xf32>,
      %parallel_loop3A_320 = vector.shape_cast %parallel_loop3A_319 : vector<1x16xf32> to vector<16xf32>
      %parallel_loop3A_321 = vector.shape_cast %parallel_loop3A_316 : vector<16xf32> to vector<1x16xf32>
      tpu.vector_store %arg10[%parallel_loop3A_317, %parallel_loop3A_318], %parallel_loop3A_321 {strides = array<i32>} : memref<128x128xf32, #tpu.memory_space<vmem>>, vector<1x16xf32>,
    } {sc.loop_unroll_factor = 2 : i64, sc.parallel_access}
    %dma_start3A_44 = arith.constant 0 : i32
    %dma_start3A_45 = tpu.memref_slice %arg4[%add3A_34, %mul3A_2, %dma_start3A_44] : memref<50x4096x128xf32, #tpu.memory_space<hbm>> -> memref<1x128x128xf32, #tpu.memory_space<hbm>>
    %dma_start3A_46 = tpu.memref_squeeze %dma_start3A_45 : memref<1x128x128xf32, #tpu.memory_space<hbm>> -> memref<128x128xf32, #tpu.memory_space<hbm>>
    %dma_start3A_47 = arith.constant 0 : i32
    %dma_start3A_48 = tpu.memref_slice %arg4[%add3A_34, %mul3A_2, %dma_start3A_47] : memref<50x4096x128xf32, #tpu.memory_space<hbm>> -> memref<1x128x128xf32, #tpu.memory_space<hbm>>
    %dma_start3A_49 = tpu.memref_squeeze %dma_start3A_48 : memref<1x128x128xf32, #tpu.memory_space<hbm>> -> memref<128x128xf32, #tpu.memory_space<hbm>>
    tpu.enqueue_dma source(%arg10 : memref<128x128xf32, #tpu.memory_space<vmem>>) target(%dma_start3A_49 : memref<128x128xf32, #tpu.memory_space<hbm>>) target_semaphore(%arg17 : memref<!tpu.dma_semaphore, #tpu.memory_space<semaphore_mem>>)
    %add3A_50 = arith.constant 4 : i32
    %add3A_51 = arith.addi %add3A_34, %add3A_50 : i32
    %lt3A = arith.constant 50 : i32
    %lt3A_52 = arith.cmpi slt, %add3A_51, %lt3A : i32
    %convert_element_type3A_53 = arith.extui %lt3A_52 : i1 to i32
    %cond3A_54 = arith.constant 0 : i32
    %cond3A_55 = arith.cmpi ne, %convert_element_type3A_53, %cond3A_54 : i32
    scf.if %cond3A_55 {
      %add3A_225 = arith.constant 4 : i32
      %add3A_226 = arith.addi %add3A_34, %add3A_225 : i32
      %dma_start3A_227 = arith.constant 0 : i32
      %dma_start3A_228 = tpu.memref_slice %arg5[%add3A_226, %dma_start3A_227] : memref<50x128xi32, #tpu.memory_space<vmem>> -> memref<1x128xi32, #tpu.memory_space<vmem>>
      %dma_start3A_229 = tpu.memref_squeeze %dma_start3A_228 : memref<1x128xi32, #tpu.memory_space<vmem>> -> memref<128xi32, #tpu.memory_space<vmem>>
      %dma_start3A_230 = arith.constant 0 : i32
      %dma_start3A_231 = arith.constant 0 : i32
      %dma_start3A_232 = tpu.memref_slice %arg3[%dma_start3A_230, %dma_start3A_231] : memref<100000x128xf32, #tpu.memory_space<hbm>> -> memref<100000x128xf32, #tpu.memory_space<hbm>>
      tpu.enqueue_indirect_dma source(%dma_start3A_232 : memref<100000x128xf32, #tpu.memory_space<hbm>>) target(%arg6 : memref<128x128xf32, #tpu.memory_space<vmem>>) offsets(%dma_start3A_229 : memref<128xi32, #tpu.memory_space<vmem>>) semaphore(%arg13 : memref<!tpu.dma_semaphore, #tpu.memory_space<semaphore_mem>>)
    } else {
    }
    %mul3A_56 = arith.constant 4 : i32
    %mul3A_57 = arith.muli %scan3A_30, %mul3A_56 : i32
    %add3A_58 = arith.constant 1 : i32
    %add3A_59 = arith.addi %mul3A_57, %add3A_58 : i32
    %ge3A_60 = arith.constant 3 : i32
    %ge3A_61 = arith.cmpi sge, %add3A_59, %ge3A_60 : i32
    %convert_element_type3A_62 = arith.extui %ge3A_61 : i1 to i32
    %cond3A_63 = arith.constant 0 : i32
    %cond3A_64 = arith.cmpi ne, %convert_element_type3A_62, %cond3A_63 : i32
    scf.if %cond3A_64 {
      %dma_wait3A_225 = arith.constant 0 : i32
      %dma_wait3A_226 = tpu.memref_slice %arg4[%add3A_59, %mul3A_2, %dma_wait3A_225] : memref<50x4096x128xf32, #tpu.memory_space<hbm>> -> memref<1x128x128xf32, #tpu.memory_space<hbm>>
      %dma_wait3A_227 = tpu.memref_squeeze %dma_wait3A_226 : memref<1x128x128xf32, #tpu.memory_space<hbm>> -> memref<128x128xf32, #tpu.memory_space<hbm>>
      %dma_wait3A_228 = arith.constant 0 : i32
      %dma_wait3A_229 = tpu.memref_slice %arg4[%add3A_59, %mul3A_2, %dma_wait3A_228] : memref<50x4096x128xf32, #tpu.memory_space<hbm>> -> memref<1x128x128xf32, #tpu.memory_space<hbm>>
      %dma_wait3A_230 = tpu.memref_squeeze %dma_wait3A_229 : memref<1x128x128xf32, #tpu.memory_space<hbm>> -> memref<128x128xf32, #tpu.memory_space<hbm>>
      tpu.wait_dma2 semaphore(%arg18 : memref<!tpu.dma_semaphore, #tpu.memory_space<semaphore_mem>>) src(%arg11 : memref<128x128xf32, #tpu.memory_space<vmem>>) dst(%dma_wait3A_230 : memref<128x128xf32, #tpu.memory_space<hbm>>)
    } else {
    }
    %dma_wait3A_65 = arith.constant 0 : i32
    %dma_wait3A_66 = tpu.memref_slice %arg5[%add3A_59, %dma_wait3A_65] : memref<50x128xi32, #tpu.memory_space<vmem>> -> memref<1x128xi32, #tpu.memory_space<vmem>>
    %dma_wait3A_67 = tpu.memref_squeeze %dma_wait3A_66 : memref<1x128xi32, #tpu.memory_space<vmem>> -> memref<128xi32, #tpu.memory_space<vmem>>
    %dma_wait3A_68 = arith.constant 0 : i32
    %dma_wait3A_69 = arith.constant 0 : i32
    %dma_wait3A_70 = tpu.memref_slice %arg3[%dma_wait3A_68, %dma_wait3A_69] : memref<100000x128xf32, #tpu.memory_space<hbm>> -> memref<100000x128xf32, #tpu.memory_space<hbm>>
    tpu.wait_indirect_dma semaphore(%arg14 : memref<!tpu.dma_semaphore, #tpu.memory_space<semaphore_mem>>) src(%dma_wait3A_70 : memref<100000x128xf32, #tpu.memory_space<hbm>>) dst(%arg7 : memref<128x128xf32, #tpu.memory_space<vmem>>)
    %parallel_loop3A_71 = arith.constant 0 : i32
    %parallel_loop3A_72 = arith.constant 128 : i32
    %parallel_loop3A_73 = arith.constant 1 : i32
    scf.for %parallel_loop3A_225 = %parallel_loop3A_71 to %parallel_loop3A_72 step %parallel_loop3A_73  : i32 {
      %parallel_loop3A_226 = arith.index_cast %parallel_loop3A_225 : i32 to index
      %parallel_loop3A_227 = arith.constant 0 : index
      %parallel_loop3A_228 = tpu.vector_load %arg7[%parallel_loop3A_226, %parallel_loop3A_227] {strides = array<i32>} : memref<128x128xf32, #tpu.memory_space<vmem>>, vector<1x16xf32>,
      %parallel_loop3A_229 = vector.shape_cast %parallel_loop3A_228 : vector<1x16xf32> to vector<16xf32>
      %parallel_loop3A_230 = arith.constant 11.3137083 : f32
      %parallel_loop3A_231 = vector.broadcast %parallel_loop3A_230 : f32 to vector<16xf32>
      %parallel_loop3A_232 = arith.mulf %parallel_loop3A_229, %parallel_loop3A_231 : vector<16xf32>
      %parallel_loop3A_233 = arith.index_cast %parallel_loop3A_225 : i32 to index
      %parallel_loop3A_234 = arith.constant 0 : index
      %parallel_loop3A_235 = tpu.vector_load %arg11[%parallel_loop3A_233, %parallel_loop3A_234] {strides = array<i32>} : memref<128x128xf32, #tpu.memory_space<vmem>>, vector<1x16xf32>,
      %parallel_loop3A_236 = vector.shape_cast %parallel_loop3A_235 : vector<1x16xf32> to vector<16xf32>
      %parallel_loop3A_237 = vector.shape_cast %parallel_loop3A_232 : vector<16xf32> to vector<1x16xf32>
      tpu.vector_store %arg11[%parallel_loop3A_233, %parallel_loop3A_234], %parallel_loop3A_237 {strides = array<i32>} : memref<128x128xf32, #tpu.memory_space<vmem>>, vector<1x16xf32>,
      %parallel_loop3A_238 = arith.index_cast %parallel_loop3A_225 : i32 to index
      %parallel_loop3A_239 = arith.constant 16 : index
      %parallel_loop3A_240 = tpu.vector_load %arg7[%parallel_loop3A_238, %parallel_loop3A_239] {strides = array<i32>} : memref<128x128xf32, #tpu.memory_space<vmem>>, vector<1x16xf32>,
      %parallel_loop3A_241 = vector.shape_cast %parallel_loop3A_240 : vector<1x16xf32> to vector<16xf32>
      %parallel_loop3A_242 = arith.constant 11.3137083 : f32
      %parallel_loop3A_243 = vector.broadcast %parallel_loop3A_242 : f32 to vector<16xf32>
      %parallel_loop3A_244 = arith.mulf %parallel_loop3A_241, %parallel_loop3A_243 : vector<16xf32>
      %parallel_loop3A_245 = arith.index_cast %parallel_loop3A_225 : i32 to index
      %parallel_loop3A_246 = arith.constant 16 : index
      %parallel_loop3A_247 = tpu.vector_load %arg11[%parallel_loop3A_245, %parallel_loop3A_246] {strides = array<i32>} : memref<128x128xf32, #tpu.memory_space<vmem>>, vector<1x16xf32>,
      %parallel_loop3A_248 = vector.shape_cast %parallel_loop3A_247 : vector<1x16xf32> to vector<16xf32>
      %parallel_loop3A_249 = vector.shape_cast %parallel_loop3A_244 : vector<16xf32> to vector<1x16xf32>
      tpu.vector_store %arg11[%parallel_loop3A_245, %parallel_loop3A_246], %parallel_loop3A_249 {strides = array<i32>} : memref<128x128xf32, #tpu.memory_space<vmem>>, vector<1x16xf32>,
      %parallel_loop3A_250 = arith.index_cast %parallel_loop3A_225 : i32 to index
      %parallel_loop3A_251 = arith.constant 32 : index
      %parallel_loop3A_252 = tpu.vector_load %arg7[%parallel_loop3A_250, %parallel_loop3A_251] {strides = array<i32>} : memref<128x128xf32, #tpu.memory_space<vmem>>, vector<1x16xf32>,
      %parallel_loop3A_253 = vector.shape_cast %parallel_loop3A_252 : vector<1x16xf32> to vector<16xf32>
      %parallel_loop3A_254 = arith.constant 11.3137083 : f32
      %parallel_loop3A_255 = vector.broadcast %parallel_loop3A_254 : f32 to vector<16xf32>
      %parallel_loop3A_256 = arith.mulf %parallel_loop3A_253, %parallel_loop3A_255 : vector<16xf32>
      %parallel_loop3A_257 = arith.index_cast %parallel_loop3A_225 : i32 to index
      %parallel_loop3A_258 = arith.constant 32 : index
      %parallel_loop3A_259 = tpu.vector_load %arg11[%parallel_loop3A_257, %parallel_loop3A_258] {strides = array<i32>} : memref<128x128xf32, #tpu.memory_space<vmem>>, vector<1x16xf32>,
      %parallel_loop3A_260 = vector.shape_cast %parallel_loop3A_259 : vector<1x16xf32> to vector<16xf32>
      %parallel_loop3A_261 = vector.shape_cast %parallel_loop3A_256 : vector<16xf32> to vector<1x16xf32>
      tpu.vector_store %arg11[%parallel_loop3A_257, %parallel_loop3A_258], %parallel_loop3A_261 {strides = array<i32>} : memref<128x128xf32, #tpu.memory_space<vmem>>, vector<1x16xf32>,
      %parallel_loop3A_262 = arith.index_cast %parallel_loop3A_225 : i32 to index
      %parallel_loop3A_263 = arith.constant 48 : index
      %parallel_loop3A_264 = tpu.vector_load %arg7[%parallel_loop3A_262, %parallel_loop3A_263] {strides = array<i32>} : memref<128x128xf32, #tpu.memory_space<vmem>>, vector<1x16xf32>,
      %parallel_loop3A_265 = vector.shape_cast %parallel_loop3A_264 : vector<1x16xf32> to vector<16xf32>
      %parallel_loop3A_266 = arith.constant 11.3137083 : f32
      %parallel_loop3A_267 = vector.broadcast %parallel_loop3A_266 : f32 to vector<16xf32>
      %parallel_loop3A_268 = arith.mulf %parallel_loop3A_265, %parallel_loop3A_267 : vector<16xf32>
      %parallel_loop3A_269 = arith.index_cast %parallel_loop3A_225 : i32 to index
      %parallel_loop3A_270 = arith.constant 48 : index
      %parallel_loop3A_271 = tpu.vector_load %arg11[%parallel_loop3A_269, %parallel_loop3A_270] {strides = array<i32>} : memref<128x128xf32, #tpu.memory_space<vmem>>, vector<1x16xf32>,
      %parallel_loop3A_272 = vector.shape_cast %parallel_loop3A_271 : vector<1x16xf32> to vector<16xf32>
      %parallel_loop3A_273 = vector.shape_cast %parallel_loop3A_268 : vector<16xf32> to vector<1x16xf32>
      tpu.vector_store %arg11[%parallel_loop3A_269, %parallel_loop3A_270], %parallel_loop3A_273 {strides = array<i32>} : memref<128x128xf32, #tpu.memory_space<vmem>>, vector<1x16xf32>,
      %parallel_loop3A_274 = arith.index_cast %parallel_loop3A_225 : i32 to index
      %parallel_loop3A_275 = arith.constant 64 : index
      %parallel_loop3A_276 = tpu.vector_load %arg7[%parallel_loop3A_274, %parallel_loop3A_275] {strides = array<i32>} : memref<128x128xf32, #tpu.memory_space<vmem>>, vector<1x16xf32>,
      %parallel_loop3A_277 = vector.shape_cast %parallel_loop3A_276 : vector<1x16xf32> to vector<16xf32>
      %parallel_loop3A_278 = arith.constant 11.3137083 : f32
      %parallel_loop3A_279 = vector.broadcast %parallel_loop3A_278 : f32 to vector<16xf32>
      %parallel_loop3A_280 = arith.mulf %parallel_loop3A_277, %parallel_loop3A_279 : vector<16xf32>
      %parallel_loop3A_281 = arith.index_cast %parallel_loop3A_225 : i32 to index
      %parallel_loop3A_282 = arith.constant 64 : index
      %parallel_loop3A_283 = tpu.vector_load %arg11[%parallel_loop3A_281, %parallel_loop3A_282] {strides = array<i32>} : memref<128x128xf32, #tpu.memory_space<vmem>>, vector<1x16xf32>,
      %parallel_loop3A_284 = vector.shape_cast %parallel_loop3A_283 : vector<1x16xf32> to vector<16xf32>
      %parallel_loop3A_285 = vector.shape_cast %parallel_loop3A_280 : vector<16xf32> to vector<1x16xf32>
      tpu.vector_store %arg11[%parallel_loop3A_281, %parallel_loop3A_282], %parallel_loop3A_285 {strides = array<i32>} : memref<128x128xf32, #tpu.memory_space<vmem>>, vector<1x16xf32>,
      %parallel_loop3A_286 = arith.index_cast %parallel_loop3A_225 : i32 to index
      %parallel_loop3A_287 = arith.constant 80 : index
      %parallel_loop3A_288 = tpu.vector_load %arg7[%parallel_loop3A_286, %parallel_loop3A_287] {strides = array<i32>} : memref<128x128xf32, #tpu.memory_space<vmem>>, vector<1x16xf32>,
      %parallel_loop3A_289 = vector.shape_cast %parallel_loop3A_288 : vector<1x16xf32> to vector<16xf32>
      %parallel_loop3A_290 = arith.constant 11.3137083 : f32
      %parallel_loop3A_291 = vector.broadcast %parallel_loop3A_290 : f32 to vector<16xf32>
      %parallel_loop3A_292 = arith.mulf %parallel_loop3A_289, %parallel_loop3A_291 : vector<16xf32>
      %parallel_loop3A_293 = arith.index_cast %parallel_loop3A_225 : i32 to index
      %parallel_loop3A_294 = arith.constant 80 : index
      %parallel_loop3A_295 = tpu.vector_load %arg11[%parallel_loop3A_293, %parallel_loop3A_294] {strides = array<i32>} : memref<128x128xf32, #tpu.memory_space<vmem>>, vector<1x16xf32>,
      %parallel_loop3A_296 = vector.shape_cast %parallel_loop3A_295 : vector<1x16xf32> to vector<16xf32>
      %parallel_loop3A_297 = vector.shape_cast %parallel_loop3A_292 : vector<16xf32> to vector<1x16xf32>
      tpu.vector_store %arg11[%parallel_loop3A_293, %parallel_loop3A_294], %parallel_loop3A_297 {strides = array<i32>} : memref<128x128xf32, #tpu.memory_space<vmem>>, vector<1x16xf32>,
      %parallel_loop3A_298 = arith.index_cast %parallel_loop3A_225 : i32 to index
      %parallel_loop3A_299 = arith.constant 96 : index
      %parallel_loop3A_300 = tpu.vector_load %arg7[%parallel_loop3A_298, %parallel_loop3A_299] {strides = array<i32>} : memref<128x128xf32, #tpu.memory_space<vmem>>, vector<1x16xf32>,
      %parallel_loop3A_301 = vector.shape_cast %parallel_loop3A_300 : vector<1x16xf32> to vector<16xf32>
      %parallel_loop3A_302 = arith.constant 11.3137083 : f32
      %parallel_loop3A_303 = vector.broadcast %parallel_loop3A_302 : f32 to vector<16xf32>
      %parallel_loop3A_304 = arith.mulf %parallel_loop3A_301, %parallel_loop3A_303 : vector<16xf32>
      %parallel_loop3A_305 = arith.index_cast %parallel_loop3A_225 : i32 to index
      %parallel_loop3A_306 = arith.constant 96 : index
      %parallel_loop3A_307 = tpu.vector_load %arg11[%parallel_loop3A_305, %parallel_loop3A_306] {strides = array<i32>} : memref<128x128xf32, #tpu.memory_space<vmem>>, vector<1x16xf32>,
      %parallel_loop3A_308 = vector.shape_cast %parallel_loop3A_307 : vector<1x16xf32> to vector<16xf32>
      %parallel_loop3A_309 = vector.shape_cast %parallel_loop3A_304 : vector<16xf32> to vector<1x16xf32>
      tpu.vector_store %arg11[%parallel_loop3A_305, %parallel_loop3A_306], %parallel_loop3A_309 {strides = array<i32>} : memref<128x128xf32, #tpu.memory_space<vmem>>, vector<1x16xf32>,
      %parallel_loop3A_310 = arith.index_cast %parallel_loop3A_225 : i32 to index
      %parallel_loop3A_311 = arith.constant 112 : index
      %parallel_loop3A_312 = tpu.vector_load %arg7[%parallel_loop3A_310, %parallel_loop3A_311] {strides = array<i32>} : memref<128x128xf32, #tpu.memory_space<vmem>>, vector<1x16xf32>,
      %parallel_loop3A_313 = vector.shape_cast %parallel_loop3A_312 : vector<1x16xf32> to vector<16xf32>
      %parallel_loop3A_314 = arith.constant 11.3137083 : f32
      %parallel_loop3A_315 = vector.broadcast %parallel_loop3A_314 : f32 to vector<16xf32>
      %parallel_loop3A_316 = arith.mulf %parallel_loop3A_313, %parallel_loop3A_315 : vector<16xf32>
      %parallel_loop3A_317 = arith.index_cast %parallel_loop3A_225 : i32 to index
      %parallel_loop3A_318 = arith.constant 112 : index
      %parallel_loop3A_319 = tpu.vector_load %arg11[%parallel_loop3A_317, %parallel_loop3A_318] {strides = array<i32>} : memref<128x128xf32, #tpu.memory_space<vmem>>, vector<1x16xf32>,
      %parallel_loop3A_320 = vector.shape_cast %parallel_loop3A_319 : vector<1x16xf32> to vector<16xf32>
      %parallel_loop3A_321 = vector.shape_cast %parallel_loop3A_316 : vector<16xf32> to vector<1x16xf32>
      tpu.vector_store %arg11[%parallel_loop3A_317, %parallel_loop3A_318], %parallel_loop3A_321 {strides = array<i32>} : memref<128x128xf32, #tpu.memory_space<vmem>>, vector<1x16xf32>,
    } {sc.loop_unroll_factor = 2 : i64, sc.parallel_access}
    %dma_start3A_74 = arith.constant 0 : i32
    %dma_start3A_75 = tpu.memref_slice %arg4[%add3A_59, %mul3A_2, %dma_start3A_74] : memref<50x4096x128xf32, #tpu.memory_space<hbm>> -> memref<1x128x128xf32, #tpu.memory_space<hbm>>
    %dma_start3A_76 = tpu.memref_squeeze %dma_start3A_75 : memref<1x128x128xf32, #tpu.memory_space<hbm>> -> memref<128x128xf32, #tpu.memory_space<hbm>>
    %dma_start3A_77 = arith.constant 0 : i32
    %dma_start3A_78 = tpu.memref_slice %arg4[%add3A_59, %mul3A_2, %dma_start3A_77] : memref<50x4096x128xf32, #tpu.memory_space<hbm>> -> memref<1x128x128xf32, #tpu.memory_space<hbm>>
    %dma_start3A_79 = tpu.memref_squeeze %dma_start3A_78 : memref<1x128x128xf32, #tpu.memory_space<hbm>> -> memref<128x128xf32, #tpu.memory_space<hbm>>
    tpu.enqueue_dma source(%arg11 : memref<128x128xf32, #tpu.memory_space<vmem>>) target(%dma_start3A_79 : memref<128x128xf32, #tpu.memory_space<hbm>>) target_semaphore(%arg18 : memref<!tpu.dma_semaphore, #tpu.memory_space<semaphore_mem>>)
    %add3A_80 = arith.constant 4 : i32
    %add3A_81 = arith.addi %add3A_59, %add3A_80 : i32
    %lt3A_82 = arith.constant 50 : i32
    %lt3A_83 = arith.cmpi slt, %add3A_81, %lt3A_82 : i32
    %convert_element_type3A_84 = arith.extui %lt3A_83 : i1 to i32
    %cond3A_85 = arith.constant 0 : i32
    %cond3A_86 = arith.cmpi ne, %convert_element_type3A_84, %cond3A_85 : i32
    scf.if %cond3A_86 {
      %add3A_225 = arith.constant 4 : i32
      %add3A_226 = arith.addi %add3A_59, %add3A_225 : i32
      %dma_start3A_227 = arith.constant 0 : i32
      %dma_start3A_228 = tpu.memref_slice %arg5[%add3A_226, %dma_start3A_227] : memref<50x128xi32, #tpu.memory_space<vmem>> -> memref<1x128xi32, #tpu.memory_space<vmem>>
      %dma_start3A_229 = tpu.memref_squeeze %dma_start3A_228 : memref<1x128xi32, #tpu.memory_space<vmem>> -> memref<128xi32, #tpu.memory_space<vmem>>
      %dma_start3A_230 = arith.constant 0 : i32
      %dma_start3A_231 = arith.constant 0 : i32
      %dma_start3A_232 = tpu.memref_slice %arg3[%dma_start3A_230, %dma_start3A_231] : memref<100000x128xf32, #tpu.memory_space<hbm>> -> memref<100000x128xf32, #tpu.memory_space<hbm>>
      tpu.enqueue_indirect_dma source(%dma_start3A_232 : memref<100000x128xf32, #tpu.memory_space<hbm>>) target(%arg7 : memref<128x128xf32, #tpu.memory_space<vmem>>) offsets(%dma_start3A_229 : memref<128xi32, #tpu.memory_space<vmem>>) semaphore(%arg14 : memref<!tpu.dma_semaphore, #tpu.memory_space<semaphore_mem>>)
    } else {
    }
    %mul3A_87 = arith.constant 4 : i32
    %mul3A_88 = arith.muli %scan3A_30, %mul3A_87 : i32
    %add3A_89 = arith.constant 2 : i32
    %add3A_90 = arith.addi %mul3A_88, %add3A_89 : i32
    %ge3A_91 = arith.constant 3 : i32
    %ge3A_92 = arith.cmpi sge, %add3A_90, %ge3A_91 : i32
    %convert_element_type3A_93 = arith.extui %ge3A_92 : i1 to i32
    %cond3A_94 = arith.constant 0 : i32
    %cond3A_95 = arith.cmpi ne, %convert_element_type3A_93, %cond3A_94 : i32
    scf.if %cond3A_95 {
      %dma_wait3A_225 = arith.constant 0 : i32
      %dma_wait3A_226 = tpu.memref_slice %arg4[%add3A_90, %mul3A_2, %dma_wait3A_225] : memref<50x4096x128xf32, #tpu.memory_space<hbm>> -> memref<1x128x128xf32, #tpu.memory_space<hbm>>
      %dma_wait3A_227 = tpu.memref_squeeze %dma_wait3A_226 : memref<1x128x128xf32, #tpu.memory_space<hbm>> -> memref<128x128xf32, #tpu.memory_space<hbm>>
      %dma_wait3A_228 = arith.constant 0 : i32
      %dma_wait3A_229 = tpu.memref_slice %arg4[%add3A_90, %mul3A_2, %dma_wait3A_228] : memref<50x4096x128xf32, #tpu.memory_space<hbm>> -> memref<1x128x128xf32, #tpu.memory_space<hbm>>
      %dma_wait3A_230 = tpu.memref_squeeze %dma_wait3A_229 : memref<1x128x128xf32, #tpu.memory_space<hbm>> -> memref<128x128xf32, #tpu.memory_space<hbm>>
      tpu.wait_dma2 semaphore(%arg19 : memref<!tpu.dma_semaphore, #tpu.memory_space<semaphore_mem>>) src(%arg12 : memref<128x128xf32, #tpu.memory_space<vmem>>) dst(%dma_wait3A_230 : memref<128x128xf32, #tpu.memory_space<hbm>>)
    } else {
    }
    %dma_wait3A_96 = arith.constant 0 : i32
    %dma_wait3A_97 = tpu.memref_slice %arg5[%add3A_90, %dma_wait3A_96] : memref<50x128xi32, #tpu.memory_space<vmem>> -> memref<1x128xi32, #tpu.memory_space<vmem>>
    %dma_wait3A_98 = tpu.memref_squeeze %dma_wait3A_97 : memref<1x128xi32, #tpu.memory_space<vmem>> -> memref<128xi32, #tpu.memory_space<vmem>>
    %dma_wait3A_99 = arith.constant 0 : i32
    %dma_wait3A_100 = arith.constant 0 : i32
    %dma_wait3A_101 = tpu.memref_slice %arg3[%dma_wait3A_99, %dma_wait3A_100] : memref<100000x128xf32, #tpu.memory_space<hbm>> -> memref<100000x128xf32, #tpu.memory_space<hbm>>
    tpu.wait_indirect_dma semaphore(%arg15 : memref<!tpu.dma_semaphore, #tpu.memory_space<semaphore_mem>>) src(%dma_wait3A_101 : memref<100000x128xf32, #tpu.memory_space<hbm>>) dst(%arg8 : memref<128x128xf32, #tpu.memory_space<vmem>>)
    %parallel_loop3A_102 = arith.constant 0 : i32
    %parallel_loop3A_103 = arith.constant 128 : i32
    %parallel_loop3A_104 = arith.constant 1 : i32
    scf.for %parallel_loop3A_225 = %parallel_loop3A_102 to %parallel_loop3A_103 step %parallel_loop3A_104  : i32 {
      %parallel_loop3A_226 = arith.index_cast %parallel_loop3A_225 : i32 to index
      %parallel_loop3A_227 = arith.constant 0 : index
      %parallel_loop3A_228 = tpu.vector_load %arg8[%parallel_loop3A_226, %parallel_loop3A_227] {strides = array<i32>} : memref<128x128xf32, #tpu.memory_space<vmem>>, vector<1x16xf32>,
      %parallel_loop3A_229 = vector.shape_cast %parallel_loop3A_228 : vector<1x16xf32> to vector<16xf32>
      %parallel_loop3A_230 = arith.constant 11.3137083 : f32
      %parallel_loop3A_231 = vector.broadcast %parallel_loop3A_230 : f32 to vector<16xf32>
      %parallel_loop3A_232 = arith.mulf %parallel_loop3A_229, %parallel_loop3A_231 : vector<16xf32>
      %parallel_loop3A_233 = arith.index_cast %parallel_loop3A_225 : i32 to index
      %parallel_loop3A_234 = arith.constant 0 : index
      %parallel_loop3A_235 = tpu.vector_load %arg12[%parallel_loop3A_233, %parallel_loop3A_234] {strides = array<i32>} : memref<128x128xf32, #tpu.memory_space<vmem>>, vector<1x16xf32>,
      %parallel_loop3A_236 = vector.shape_cast %parallel_loop3A_235 : vector<1x16xf32> to vector<16xf32>
      %parallel_loop3A_237 = vector.shape_cast %parallel_loop3A_232 : vector<16xf32> to vector<1x16xf32>
      tpu.vector_store %arg12[%parallel_loop3A_233, %parallel_loop3A_234], %parallel_loop3A_237 {strides = array<i32>} : memref<128x128xf32, #tpu.memory_space<vmem>>, vector<1x16xf32>,
      %parallel_loop3A_238 = arith.index_cast %parallel_loop3A_225 : i32 to index
      %parallel_loop3A_239 = arith.constant 16 : index
      %parallel_loop3A_240 = tpu.vector_load %arg8[%parallel_loop3A_238, %parallel_loop3A_239] {strides = array<i32>} : memref<128x128xf32, #tpu.memory_space<vmem>>, vector<1x16xf32>,
      %parallel_loop3A_241 = vector.shape_cast %parallel_loop3A_240 : vector<1x16xf32> to vector<16xf32>
      %parallel_loop3A_242 = arith.constant 11.3137083 : f32
      %parallel_loop3A_243 = vector.broadcast %parallel_loop3A_242 : f32 to vector<16xf32>
      %parallel_loop3A_244 = arith.mulf %parallel_loop3A_241, %parallel_loop3A_243 : vector<16xf32>
      %parallel_loop3A_245 = arith.index_cast %parallel_loop3A_225 : i32 to index
      %parallel_loop3A_246 = arith.constant 16 : index
      %parallel_loop3A_247 = tpu.vector_load %arg12[%parallel_loop3A_245, %parallel_loop3A_246] {strides = array<i32>} : memref<128x128xf32, #tpu.memory_space<vmem>>, vector<1x16xf32>,
      %parallel_loop3A_248 = vector.shape_cast %parallel_loop3A_247 : vector<1x16xf32> to vector<16xf32>
      %parallel_loop3A_249 = vector.shape_cast %parallel_loop3A_244 : vector<16xf32> to vector<1x16xf32>
      tpu.vector_store %arg12[%parallel_loop3A_245, %parallel_loop3A_246], %parallel_loop3A_249 {strides = array<i32>} : memref<128x128xf32, #tpu.memory_space<vmem>>, vector<1x16xf32>,
      %parallel_loop3A_250 = arith.index_cast %parallel_loop3A_225 : i32 to index
      %parallel_loop3A_251 = arith.constant 32 : index
      %parallel_loop3A_252 = tpu.vector_load %arg8[%parallel_loop3A_250, %parallel_loop3A_251] {strides = array<i32>} : memref<128x128xf32, #tpu.memory_space<vmem>>, vector<1x16xf32>,
      %parallel_loop3A_253 = vector.shape_cast %parallel_loop3A_252 : vector<1x16xf32> to vector<16xf32>
      %parallel_loop3A_254 = arith.constant 11.3137083 : f32
      %parallel_loop3A_255 = vector.broadcast %parallel_loop3A_254 : f32 to vector<16xf32>
      %parallel_loop3A_256 = arith.mulf %parallel_loop3A_253, %parallel_loop3A_255 : vector<16xf32>
      %parallel_loop3A_257 = arith.index_cast %parallel_loop3A_225 : i32 to index
      %parallel_loop3A_258 = arith.constant 32 : index
      %parallel_loop3A_259 = tpu.vector_load %arg12[%parallel_loop3A_257, %parallel_loop3A_258] {strides = array<i32>} : memref<128x128xf32, #tpu.memory_space<vmem>>, vector<1x16xf32>,
      %parallel_loop3A_260 = vector.shape_cast %parallel_loop3A_259 : vector<1x16xf32> to vector<16xf32>
      %parallel_loop3A_261 = vector.shape_cast %parallel_loop3A_256 : vector<16xf32> to vector<1x16xf32>
      tpu.vector_store %arg12[%parallel_loop3A_257, %parallel_loop3A_258], %parallel_loop3A_261 {strides = array<i32>} : memref<128x128xf32, #tpu.memory_space<vmem>>, vector<1x16xf32>,
      %parallel_loop3A_262 = arith.index_cast %parallel_loop3A_225 : i32 to index
      %parallel_loop3A_263 = arith.constant 48 : index
      %parallel_loop3A_264 = tpu.vector_load %arg8[%parallel_loop3A_262, %parallel_loop3A_263] {strides = array<i32>} : memref<128x128xf32, #tpu.memory_space<vmem>>, vector<1x16xf32>,
      %parallel_loop3A_265 = vector.shape_cast %parallel_loop3A_264 : vector<1x16xf32> to vector<16xf32>
      %parallel_loop3A_266 = arith.constant 11.3137083 : f32
      %parallel_loop3A_267 = vector.broadcast %parallel_loop3A_266 : f32 to vector<16xf32>
      %parallel_loop3A_268 = arith.mulf %parallel_loop3A_265, %parallel_loop3A_267 : vector<16xf32>
      %parallel_loop3A_269 = arith.index_cast %parallel_loop3A_225 : i32 to index
      %parallel_loop3A_270 = arith.constant 48 : index
      %parallel_loop3A_271 = tpu.vector_load %arg12[%parallel_loop3A_269, %parallel_loop3A_270] {strides = array<i32>} : memref<128x128xf32, #tpu.memory_space<vmem>>, vector<1x16xf32>,
      %parallel_loop3A_272 = vector.shape_cast %parallel_loop3A_271 : vector<1x16xf32> to vector<16xf32>
      %parallel_loop3A_273 = vector.shape_cast %parallel_loop3A_268 : vector<16xf32> to vector<1x16xf32>
      tpu.vector_store %arg12[%parallel_loop3A_269, %parallel_loop3A_270], %parallel_loop3A_273 {strides = array<i32>} : memref<128x128xf32, #tpu.memory_space<vmem>>, vector<1x16xf32>,
      %parallel_loop3A_274 = arith.index_cast %parallel_loop3A_225 : i32 to index
      %parallel_loop3A_275 = arith.constant 64 : index
      %parallel_loop3A_276 = tpu.vector_load %arg8[%parallel_loop3A_274, %parallel_loop3A_275] {strides = array<i32>} : memref<128x128xf32, #tpu.memory_space<vmem>>, vector<1x16xf32>,
      %parallel_loop3A_277 = vector.shape_cast %parallel_loop3A_276 : vector<1x16xf32> to vector<16xf32>
      %parallel_loop3A_278 = arith.constant 11.3137083 : f32
      %parallel_loop3A_279 = vector.broadcast %parallel_loop3A_278 : f32 to vector<16xf32>
      %parallel_loop3A_280 = arith.mulf %parallel_loop3A_277, %parallel_loop3A_279 : vector<16xf32>
      %parallel_loop3A_281 = arith.index_cast %parallel_loop3A_225 : i32 to index
      %parallel_loop3A_282 = arith.constant 64 : index
      %parallel_loop3A_283 = tpu.vector_load %arg12[%parallel_loop3A_281, %parallel_loop3A_282] {strides = array<i32>} : memref<128x128xf32, #tpu.memory_space<vmem>>, vector<1x16xf32>,
      %parallel_loop3A_284 = vector.shape_cast %parallel_loop3A_283 : vector<1x16xf32> to vector<16xf32>
      %parallel_loop3A_285 = vector.shape_cast %parallel_loop3A_280 : vector<16xf32> to vector<1x16xf32>
      tpu.vector_store %arg12[%parallel_loop3A_281, %parallel_loop3A_282], %parallel_loop3A_285 {strides = array<i32>} : memref<128x128xf32, #tpu.memory_space<vmem>>, vector<1x16xf32>,
      %parallel_loop3A_286 = arith.index_cast %parallel_loop3A_225 : i32 to index
      %parallel_loop3A_287 = arith.constant 80 : index
      %parallel_loop3A_288 = tpu.vector_load %arg8[%parallel_loop3A_286, %parallel_loop3A_287] {strides = array<i32>} : memref<128x128xf32, #tpu.memory_space<vmem>>, vector<1x16xf32>,
      %parallel_loop3A_289 = vector.shape_cast %parallel_loop3A_288 : vector<1x16xf32> to vector<16xf32>
      %parallel_loop3A_290 = arith.constant 11.3137083 : f32
      %parallel_loop3A_291 = vector.broadcast %parallel_loop3A_290 : f32 to vector<16xf32>
      %parallel_loop3A_292 = arith.mulf %parallel_loop3A_289, %parallel_loop3A_291 : vector<16xf32>
      %parallel_loop3A_293 = arith.index_cast %parallel_loop3A_225 : i32 to index
      %parallel_loop3A_294 = arith.constant 80 : index
      %parallel_loop3A_295 = tpu.vector_load %arg12[%parallel_loop3A_293, %parallel_loop3A_294] {strides = array<i32>} : memref<128x128xf32, #tpu.memory_space<vmem>>, vector<1x16xf32>,
      %parallel_loop3A_296 = vector.shape_cast %parallel_loop3A_295 : vector<1x16xf32> to vector<16xf32>
      %parallel_loop3A_297 = vector.shape_cast %parallel_loop3A_292 : vector<16xf32> to vector<1x16xf32>
      tpu.vector_store %arg12[%parallel_loop3A_293, %parallel_loop3A_294], %parallel_loop3A_297 {strides = array<i32>} : memref<128x128xf32, #tpu.memory_space<vmem>>, vector<1x16xf32>,
      %parallel_loop3A_298 = arith.index_cast %parallel_loop3A_225 : i32 to index
      %parallel_loop3A_299 = arith.constant 96 : index
      %parallel_loop3A_300 = tpu.vector_load %arg8[%parallel_loop3A_298, %parallel_loop3A_299] {strides = array<i32>} : memref<128x128xf32, #tpu.memory_space<vmem>>, vector<1x16xf32>,
      %parallel_loop3A_301 = vector.shape_cast %parallel_loop3A_300 : vector<1x16xf32> to vector<16xf32>
      %parallel_loop3A_302 = arith.constant 11.3137083 : f32
      %parallel_loop3A_303 = vector.broadcast %parallel_loop3A_302 : f32 to vector<16xf32>
      %parallel_loop3A_304 = arith.mulf %parallel_loop3A_301, %parallel_loop3A_303 : vector<16xf32>
      %parallel_loop3A_305 = arith.index_cast %parallel_loop3A_225 : i32 to index
      %parallel_loop3A_306 = arith.constant 96 : index
      %parallel_loop3A_307 = tpu.vector_load %arg12[%parallel_loop3A_305, %parallel_loop3A_306] {strides = array<i32>} : memref<128x128xf32, #tpu.memory_space<vmem>>, vector<1x16xf32>,
      %parallel_loop3A_308 = vector.shape_cast %parallel_loop3A_307 : vector<1x16xf32> to vector<16xf32>
      %parallel_loop3A_309 = vector.shape_cast %parallel_loop3A_304 : vector<16xf32> to vector<1x16xf32>
      tpu.vector_store %arg12[%parallel_loop3A_305, %parallel_loop3A_306], %parallel_loop3A_309 {strides = array<i32>} : memref<128x128xf32, #tpu.memory_space<vmem>>, vector<1x16xf32>,
      %parallel_loop3A_310 = arith.index_cast %parallel_loop3A_225 : i32 to index
      %parallel_loop3A_311 = arith.constant 112 : index
      %parallel_loop3A_312 = tpu.vector_load %arg8[%parallel_loop3A_310, %parallel_loop3A_311] {strides = array<i32>} : memref<128x128xf32, #tpu.memory_space<vmem>>, vector<1x16xf32>,
      %parallel_loop3A_313 = vector.shape_cast %parallel_loop3A_312 : vector<1x16xf32> to vector<16xf32>
      %parallel_loop3A_314 = arith.constant 11.3137083 : f32
      %parallel_loop3A_315 = vector.broadcast %parallel_loop3A_314 : f32 to vector<16xf32>
      %parallel_loop3A_316 = arith.mulf %parallel_loop3A_313, %parallel_loop3A_315 : vector<16xf32>
      %parallel_loop3A_317 = arith.index_cast %parallel_loop3A_225 : i32 to index
      %parallel_loop3A_318 = arith.constant 112 : index
      %parallel_loop3A_319 = tpu.vector_load %arg12[%parallel_loop3A_317, %parallel_loop3A_318] {strides = array<i32>} : memref<128x128xf32, #tpu.memory_space<vmem>>, vector<1x16xf32>,
      %parallel_loop3A_320 = vector.shape_cast %parallel_loop3A_319 : vector<1x16xf32> to vector<16xf32>
      %parallel_loop3A_321 = vector.shape_cast %parallel_loop3A_316 : vector<16xf32> to vector<1x16xf32>
      tpu.vector_store %arg12[%parallel_loop3A_317, %parallel_loop3A_318], %parallel_loop3A_321 {strides = array<i32>} : memref<128x128xf32, #tpu.memory_space<vmem>>, vector<1x16xf32>,
    } {sc.loop_unroll_factor = 2 : i64, sc.parallel_access}
    %dma_start3A_105 = arith.constant 0 : i32
    %dma_start3A_106 = tpu.memref_slice %arg4[%add3A_90, %mul3A_2, %dma_start3A_105] : memref<50x4096x128xf32, #tpu.memory_space<hbm>> -> memref<1x128x128xf32, #tpu.memory_space<hbm>>
    %dma_start3A_107 = tpu.memref_squeeze %dma_start3A_106 : memref<1x128x128xf32, #tpu.memory_space<hbm>> -> memref<128x128xf32, #tpu.memory_space<hbm>>
    %dma_start3A_108 = arith.constant 0 : i32
    %dma_start3A_109 = tpu.memref_slice %arg4[%add3A_90, %mul3A_2, %dma_start3A_108] : memref<50x4096x128xf32, #tpu.memory_space<hbm>> -> memref<1x128x128xf32, #tpu.memory_space<hbm>>
    %dma_start3A_110 = tpu.memref_squeeze %dma_start3A_109 : memref<1x128x128xf32, #tpu.memory_space<hbm>> -> memref<128x128xf32, #tpu.memory_space<hbm>>
    tpu.enqueue_dma source(%arg12 : memref<128x128xf32, #tpu.memory_space<vmem>>) target(%dma_start3A_110 : memref<128x128xf32, #tpu.memory_space<hbm>>) target_semaphore(%arg19 : memref<!tpu.dma_semaphore, #tpu.memory_space<semaphore_mem>>)
    %add3A_111 = arith.constant 4 : i32
    %add3A_112 = arith.addi %add3A_90, %add3A_111 : i32
    %lt3A_113 = arith.constant 50 : i32
    %lt3A_114 = arith.cmpi slt, %add3A_112, %lt3A_113 : i32
    %convert_element_type3A_115 = arith.extui %lt3A_114 : i1 to i32
    %cond3A_116 = arith.constant 0 : i32
    %cond3A_117 = arith.cmpi ne, %convert_element_type3A_115, %cond3A_116 : i32
    scf.if %cond3A_117 {
      %add3A_225 = arith.constant 4 : i32
      %add3A_226 = arith.addi %add3A_90, %add3A_225 : i32
      %dma_start3A_227 = arith.constant 0 : i32
      %dma_start3A_228 = tpu.memref_slice %arg5[%add3A_226, %dma_start3A_227] : memref<50x128xi32, #tpu.memory_space<vmem>> -> memref<1x128xi32, #tpu.memory_space<vmem>>
      %dma_start3A_229 = tpu.memref_squeeze %dma_start3A_228 : memref<1x128xi32, #tpu.memory_space<vmem>> -> memref<128xi32, #tpu.memory_space<vmem>>
      %dma_start3A_230 = arith.constant 0 : i32
      %dma_start3A_231 = arith.constant 0 : i32
      %dma_start3A_232 = tpu.memref_slice %arg3[%dma_start3A_230, %dma_start3A_231] : memref<100000x128xf32, #tpu.memory_space<hbm>> -> memref<100000x128xf32, #tpu.memory_space<hbm>>
      tpu.enqueue_indirect_dma source(%dma_start3A_232 : memref<100000x128xf32, #tpu.memory_space<hbm>>) target(%arg8 : memref<128x128xf32, #tpu.memory_space<vmem>>) offsets(%dma_start3A_229 : memref<128xi32, #tpu.memory_space<vmem>>) semaphore(%arg15 : memref<!tpu.dma_semaphore, #tpu.memory_space<semaphore_mem>>)
    } else {
    }
    %mul3A_118 = arith.constant 4 : i32
    %mul3A_119 = arith.muli %scan3A_30, %mul3A_118 : i32
    %add3A_120 = arith.constant 3 : i32
    %add3A_121 = arith.addi %mul3A_119, %add3A_120 : i32
    %ge3A_122 = arith.constant 3 : i32
    %ge3A_123 = arith.cmpi sge, %add3A_121, %ge3A_122 : i32
    %convert_element_type3A_124 = arith.extui %ge3A_123 : i1 to i32
    %cond3A_125 = arith.constant 0 : i32
    %cond3A_126 = arith.cmpi ne, %convert_element_type3A_124, %cond3A_125 : i32
    scf.if %cond3A_126 {
      %dma_wait3A_225 = arith.constant 0 : i32
      %dma_wait3A_226 = tpu.memref_slice %arg4[%add3A_121, %mul3A_2, %dma_wait3A_225] : memref<50x4096x128xf32, #tpu.memory_space<hbm>> -> memref<1x128x128xf32, #tpu.memory_space<hbm>>
      %dma_wait3A_227 = tpu.memref_squeeze %dma_wait3A_226 : memref<1x128x128xf32, #tpu.memory_space<hbm>> -> memref<128x128xf32, #tpu.memory_space<hbm>>
      %dma_wait3A_228 = arith.constant 0 : i32
      %dma_wait3A_229 = tpu.memref_slice %arg4[%add3A_121, %mul3A_2, %dma_wait3A_228] : memref<50x4096x128xf32, #tpu.memory_space<hbm>> -> memref<1x128x128xf32, #tpu.memory_space<hbm>>
      %dma_wait3A_230 = tpu.memref_squeeze %dma_wait3A_229 : memref<1x128x128xf32, #tpu.memory_space<hbm>> -> memref<128x128xf32, #tpu.memory_space<hbm>>
      tpu.wait_dma2 semaphore(%arg17 : memref<!tpu.dma_semaphore, #tpu.memory_space<semaphore_mem>>) src(%arg10 : memref<128x128xf32, #tpu.memory_space<vmem>>) dst(%dma_wait3A_230 : memref<128x128xf32, #tpu.memory_space<hbm>>)
    } else {
    }
    %dma_wait3A_127 = arith.constant 0 : i32
    %dma_wait3A_128 = tpu.memref_slice %arg5[%add3A_121, %dma_wait3A_127] : memref<50x128xi32, #tpu.memory_space<vmem>> -> memref<1x128xi32, #tpu.memory_space<vmem>>
    %dma_wait3A_129 = tpu.memref_squeeze %dma_wait3A_128 : memref<1x128xi32, #tpu.memory_space<vmem>> -> memref<128xi32, #tpu.memory_space<vmem>>
    %dma_wait3A_130 = arith.constant 0 : i32
    %dma_wait3A_131 = arith.constant 0 : i32
    %dma_wait3A_132 = tpu.memref_slice %arg3[%dma_wait3A_130, %dma_wait3A_131] : memref<100000x128xf32, #tpu.memory_space<hbm>> -> memref<100000x128xf32, #tpu.memory_space<hbm>>
    tpu.wait_indirect_dma semaphore(%arg16 : memref<!tpu.dma_semaphore, #tpu.memory_space<semaphore_mem>>) src(%dma_wait3A_132 : memref<100000x128xf32, #tpu.memory_space<hbm>>) dst(%arg9 : memref<128x128xf32, #tpu.memory_space<vmem>>)
    %parallel_loop3A_133 = arith.constant 0 : i32
    %parallel_loop3A_134 = arith.constant 128 : i32
    %parallel_loop3A_135 = arith.constant 1 : i32
    scf.for %parallel_loop3A_225 = %parallel_loop3A_133 to %parallel_loop3A_134 step %parallel_loop3A_135  : i32 {
      %parallel_loop3A_226 = arith.index_cast %parallel_loop3A_225 : i32 to index
      %parallel_loop3A_227 = arith.constant 0 : index
      %parallel_loop3A_228 = tpu.vector_load %arg9[%parallel_loop3A_226, %parallel_loop3A_227] {strides = array<i32>} : memref<128x128xf32, #tpu.memory_space<vmem>>, vector<1x16xf32>,
      %parallel_loop3A_229 = vector.shape_cast %parallel_loop3A_228 : vector<1x16xf32> to vector<16xf32>
      %parallel_loop3A_230 = arith.constant 11.3137083 : f32
      %parallel_loop3A_231 = vector.broadcast %parallel_loop3A_230 : f32 to vector<16xf32>
      %parallel_loop3A_232 = arith.mulf %parallel_loop3A_229, %parallel_loop3A_231 : vector<16xf32>
      %parallel_loop3A_233 = arith.index_cast %parallel_loop3A_225 : i32 to index
      %parallel_loop3A_234 = arith.constant 0 : index
      %parallel_loop3A_235 = tpu.vector_load %arg10[%parallel_loop3A_233, %parallel_loop3A_234] {strides = array<i32>} : memref<128x128xf32, #tpu.memory_space<vmem>>, vector<1x16xf32>,
      %parallel_loop3A_236 = vector.shape_cast %parallel_loop3A_235 : vector<1x16xf32> to vector<16xf32>
      %parallel_loop3A_237 = vector.shape_cast %parallel_loop3A_232 : vector<16xf32> to vector<1x16xf32>
      tpu.vector_store %arg10[%parallel_loop3A_233, %parallel_loop3A_234], %parallel_loop3A_237 {strides = array<i32>} : memref<128x128xf32, #tpu.memory_space<vmem>>, vector<1x16xf32>,
      %parallel_loop3A_238 = arith.index_cast %parallel_loop3A_225 : i32 to index
      %parallel_loop3A_239 = arith.constant 16 : index
      %parallel_loop3A_240 = tpu.vector_load %arg9[%parallel_loop3A_238, %parallel_loop3A_239] {strides = array<i32>} : memref<128x128xf32, #tpu.memory_space<vmem>>, vector<1x16xf32>,
      %parallel_loop3A_241 = vector.shape_cast %parallel_loop3A_240 : vector<1x16xf32> to vector<16xf32>
      %parallel_loop3A_242 = arith.constant 11.3137083 : f32
      %parallel_loop3A_243 = vector.broadcast %parallel_loop3A_242 : f32 to vector<16xf32>
      %parallel_loop3A_244 = arith.mulf %parallel_loop3A_241, %parallel_loop3A_243 : vector<16xf32>
      %parallel_loop3A_245 = arith.index_cast %parallel_loop3A_225 : i32 to index
      %parallel_loop3A_246 = arith.constant 16 : index
      %parallel_loop3A_247 = tpu.vector_load %arg10[%parallel_loop3A_245, %parallel_loop3A_246] {strides = array<i32>} : memref<128x128xf32, #tpu.memory_space<vmem>>, vector<1x16xf32>,
      %parallel_loop3A_248 = vector.shape_cast %parallel_loop3A_247 : vector<1x16xf32> to vector<16xf32>
      %parallel_loop3A_249 = vector.shape_cast %parallel_loop3A_244 : vector<16xf32> to vector<1x16xf32>
      tpu.vector_store %arg10[%parallel_loop3A_245, %parallel_loop3A_246], %parallel_loop3A_249 {strides = array<i32>} : memref<128x128xf32, #tpu.memory_space<vmem>>, vector<1x16xf32>,
      %parallel_loop3A_250 = arith.index_cast %parallel_loop3A_225 : i32 to index
      %parallel_loop3A_251 = arith.constant 32 : index
      %parallel_loop3A_252 = tpu.vector_load %arg9[%parallel_loop3A_250, %parallel_loop3A_251] {strides = array<i32>} : memref<128x128xf32, #tpu.memory_space<vmem>>, vector<1x16xf32>,
      %parallel_loop3A_253 = vector.shape_cast %parallel_loop3A_252 : vector<1x16xf32> to vector<16xf32>
      %parallel_loop3A_254 = arith.constant 11.3137083 : f32
      %parallel_loop3A_255 = vector.broadcast %parallel_loop3A_254 : f32 to vector<16xf32>
      %parallel_loop3A_256 = arith.mulf %parallel_loop3A_253, %parallel_loop3A_255 : vector<16xf32>
      %parallel_loop3A_257 = arith.index_cast %parallel_loop3A_225 : i32 to index
      %parallel_loop3A_258 = arith.constant 32 : index
      %parallel_loop3A_259 = tpu.vector_load %arg10[%parallel_loop3A_257, %parallel_loop3A_258] {strides = array<i32>} : memref<128x128xf32, #tpu.memory_space<vmem>>, vector<1x16xf32>,
      %parallel_loop3A_260 = vector.shape_cast %parallel_loop3A_259 : vector<1x16xf32> to vector<16xf32>
      %parallel_loop3A_261 = vector.shape_cast %parallel_loop3A_256 : vector<16xf32> to vector<1x16xf32>
      tpu.vector_store %arg10[%parallel_loop3A_257, %parallel_loop3A_258], %parallel_loop3A_261 {strides = array<i32>} : memref<128x128xf32, #tpu.memory_space<vmem>>, vector<1x16xf32>,
      %parallel_loop3A_262 = arith.index_cast %parallel_loop3A_225 : i32 to index
      %parallel_loop3A_263 = arith.constant 48 : index
      %parallel_loop3A_264 = tpu.vector_load %arg9[%parallel_loop3A_262, %parallel_loop3A_263] {strides = array<i32>} : memref<128x128xf32, #tpu.memory_space<vmem>>, vector<1x16xf32>,
      %parallel_loop3A_265 = vector.shape_cast %parallel_loop3A_264 : vector<1x16xf32> to vector<16xf32>
      %parallel_loop3A_266 = arith.constant 11.3137083 : f32
      %parallel_loop3A_267 = vector.broadcast %parallel_loop3A_266 : f32 to vector<16xf32>
      %parallel_loop3A_268 = arith.mulf %parallel_loop3A_265, %parallel_loop3A_267 : vector<16xf32>
      %parallel_loop3A_269 = arith.index_cast %parallel_loop3A_225 : i32 to index
      %parallel_loop3A_270 = arith.constant 48 : index
      %parallel_loop3A_271 = tpu.vector_load %arg10[%parallel_loop3A_269, %parallel_loop3A_270] {strides = array<i32>} : memref<128x128xf32, #tpu.memory_space<vmem>>, vector<1x16xf32>,
      %parallel_loop3A_272 = vector.shape_cast %parallel_loop3A_271 : vector<1x16xf32> to vector<16xf32>
      %parallel_loop3A_273 = vector.shape_cast %parallel_loop3A_268 : vector<16xf32> to vector<1x16xf32>
      tpu.vector_store %arg10[%parallel_loop3A_269, %parallel_loop3A_270], %parallel_loop3A_273 {strides = array<i32>} : memref<128x128xf32, #tpu.memory_space<vmem>>, vector<1x16xf32>,
      %parallel_loop3A_274 = arith.index_cast %parallel_loop3A_225 : i32 to index
      %parallel_loop3A_275 = arith.constant 64 : index
      %parallel_loop3A_276 = tpu.vector_load %arg9[%parallel_loop3A_274, %parallel_loop3A_275] {strides = array<i32>} : memref<128x128xf32, #tpu.memory_space<vmem>>, vector<1x16xf32>,
      %parallel_loop3A_277 = vector.shape_cast %parallel_loop3A_276 : vector<1x16xf32> to vector<16xf32>
      %parallel_loop3A_278 = arith.constant 11.3137083 : f32
      %parallel_loop3A_279 = vector.broadcast %parallel_loop3A_278 : f32 to vector<16xf32>
      %parallel_loop3A_280 = arith.mulf %parallel_loop3A_277, %parallel_loop3A_279 : vector<16xf32>
      %parallel_loop3A_281 = arith.index_cast %parallel_loop3A_225 : i32 to index
      %parallel_loop3A_282 = arith.constant 64 : index
      %parallel_loop3A_283 = tpu.vector_load %arg10[%parallel_loop3A_281, %parallel_loop3A_282] {strides = array<i32>} : memref<128x128xf32, #tpu.memory_space<vmem>>, vector<1x16xf32>,
      %parallel_loop3A_284 = vector.shape_cast %parallel_loop3A_283 : vector<1x16xf32> to vector<16xf32>
      %parallel_loop3A_285 = vector.shape_cast %parallel_loop3A_280 : vector<16xf32> to vector<1x16xf32>
      tpu.vector_store %arg10[%parallel_loop3A_281, %parallel_loop3A_282], %parallel_loop3A_285 {strides = array<i32>} : memref<128x128xf32, #tpu.memory_space<vmem>>, vector<1x16xf32>,
      %parallel_loop3A_286 = arith.index_cast %parallel_loop3A_225 : i32 to index
      %parallel_loop3A_287 = arith.constant 80 : index
      %parallel_loop3A_288 = tpu.vector_load %arg9[%parallel_loop3A_286, %parallel_loop3A_287] {strides = array<i32>} : memref<128x128xf32, #tpu.memory_space<vmem>>, vector<1x16xf32>,
      %parallel_loop3A_289 = vector.shape_cast %parallel_loop3A_288 : vector<1x16xf32> to vector<16xf32>
      %parallel_loop3A_290 = arith.constant 11.3137083 : f32
      %parallel_loop3A_291 = vector.broadcast %parallel_loop3A_290 : f32 to vector<16xf32>
      %parallel_loop3A_292 = arith.mulf %parallel_loop3A_289, %parallel_loop3A_291 : vector<16xf32>
      %parallel_loop3A_293 = arith.index_cast %parallel_loop3A_225 : i32 to index
      %parallel_loop3A_294 = arith.constant 80 : index
      %parallel_loop3A_295 = tpu.vector_load %arg10[%parallel_loop3A_293, %parallel_loop3A_294] {strides = array<i32>} : memref<128x128xf32, #tpu.memory_space<vmem>>, vector<1x16xf32>,
      %parallel_loop3A_296 = vector.shape_cast %parallel_loop3A_295 : vector<1x16xf32> to vector<16xf32>
      %parallel_loop3A_297 = vector.shape_cast %parallel_loop3A_292 : vector<16xf32> to vector<1x16xf32>
      tpu.vector_store %arg10[%parallel_loop3A_293, %parallel_loop3A_294], %parallel_loop3A_297 {strides = array<i32>} : memref<128x128xf32, #tpu.memory_space<vmem>>, vector<1x16xf32>,
      %parallel_loop3A_298 = arith.index_cast %parallel_loop3A_225 : i32 to index
      %parallel_loop3A_299 = arith.constant 96 : index
      %parallel_loop3A_300 = tpu.vector_load %arg9[%parallel_loop3A_298, %parallel_loop3A_299] {strides = array<i32>} : memref<128x128xf32, #tpu.memory_space<vmem>>, vector<1x16xf32>,
      %parallel_loop3A_301 = vector.shape_cast %parallel_loop3A_300 : vector<1x16xf32> to vector<16xf32>
      %parallel_loop3A_302 = arith.constant 11.3137083 : f32
      %parallel_loop3A_303 = vector.broadcast %parallel_loop3A_302 : f32 to vector<16xf32>
      %parallel_loop3A_304 = arith.mulf %parallel_loop3A_301, %parallel_loop3A_303 : vector<16xf32>
      %parallel_loop3A_305 = arith.index_cast %parallel_loop3A_225 : i32 to index
      %parallel_loop3A_306 = arith.constant 96 : index
      %parallel_loop3A_307 = tpu.vector_load %arg10[%parallel_loop3A_305, %parallel_loop3A_306] {strides = array<i32>} : memref<128x128xf32, #tpu.memory_space<vmem>>, vector<1x16xf32>,
      %parallel_loop3A_308 = vector.shape_cast %parallel_loop3A_307 : vector<1x16xf32> to vector<16xf32>
      %parallel_loop3A_309 = vector.shape_cast %parallel_loop3A_304 : vector<16xf32> to vector<1x16xf32>
      tpu.vector_store %arg10[%parallel_loop3A_305, %parallel_loop3A_306], %parallel_loop3A_309 {strides = array<i32>} : memref<128x128xf32, #tpu.memory_space<vmem>>, vector<1x16xf32>,
      %parallel_loop3A_310 = arith.index_cast %parallel_loop3A_225 : i32 to index
      %parallel_loop3A_311 = arith.constant 112 : index
      %parallel_loop3A_312 = tpu.vector_load %arg9[%parallel_loop3A_310, %parallel_loop3A_311] {strides = array<i32>} : memref<128x128xf32, #tpu.memory_space<vmem>>, vector<1x16xf32>,
      %parallel_loop3A_313 = vector.shape_cast %parallel_loop3A_312 : vector<1x16xf32> to vector<16xf32>
      %parallel_loop3A_314 = arith.constant 11.3137083 : f32
      %parallel_loop3A_315 = vector.broadcast %parallel_loop3A_314 : f32 to vector<16xf32>
      %parallel_loop3A_316 = arith.mulf %parallel_loop3A_313, %parallel_loop3A_315 : vector<16xf32>
      %parallel_loop3A_317 = arith.index_cast %parallel_loop3A_225 : i32 to index
      %parallel_loop3A_318 = arith.constant 112 : index
      %parallel_loop3A_319 = tpu.vector_load %arg10[%parallel_loop3A_317, %parallel_loop3A_318] {strides = array<i32>} : memref<128x128xf32, #tpu.memory_space<vmem>>, vector<1x16xf32>,
      %parallel_loop3A_320 = vector.shape_cast %parallel_loop3A_319 : vector<1x16xf32> to vector<16xf32>
      %parallel_loop3A_321 = vector.shape_cast %parallel_loop3A_316 : vector<16xf32> to vector<1x16xf32>
      tpu.vector_store %arg10[%parallel_loop3A_317, %parallel_loop3A_318], %parallel_loop3A_321 {strides = array<i32>} : memref<128x128xf32, #tpu.memory_space<vmem>>, vector<1x16xf32>,
    } {sc.loop_unroll_factor = 2 : i64, sc.parallel_access}
    %dma_start3A_136 = arith.constant 0 : i32
    %dma_start3A_137 = tpu.memref_slice %arg4[%add3A_121, %mul3A_2, %dma_start3A_136] : memref<50x4096x128xf32, #tpu.memory_space<hbm>> -> memref<1x128x128xf32, #tpu.memory_space<hbm>>
    %dma_start3A_138 = tpu.memref_squeeze %dma_start3A_137 : memref<1x128x128xf32, #tpu.memory_space<hbm>> -> memref<128x128xf32, #tpu.memory_space<hbm>>
    %dma_start3A_139 = arith.constant 0 : i32
    %dma_start3A_140 = tpu.memref_slice %arg4[%add3A_121, %mul3A_2, %dma_start3A_139] : memref<50x4096x128xf32, #tpu.memory_space<hbm>> -> memref<1x128x128xf32, #tpu.memory_space<hbm>>
    %dma_start3A_141 = tpu.memref_squeeze %dma_start3A_140 : memref<1x128x128xf32, #tpu.memory_space<hbm>> -> memref<128x128xf32, #tpu.memory_space<hbm>>
    tpu.enqueue_dma source(%arg10 : memref<128x128xf32, #tpu.memory_space<vmem>>) target(%dma_start3A_141 : memref<128x128xf32, #tpu.memory_space<hbm>>) target_semaphore(%arg17 : memref<!tpu.dma_semaphore, #tpu.memory_space<semaphore_mem>>)
    %add3A_142 = arith.constant 4 : i32
    %add3A_143 = arith.addi %add3A_121, %add3A_142 : i32
    %lt3A_144 = arith.constant 50 : i32
    %lt3A_145 = arith.cmpi slt, %add3A_143, %lt3A_144 : i32
    %convert_element_type3A_146 = arith.extui %lt3A_145 : i1 to i32
    %cond3A_147 = arith.constant 0 : i32
    %cond3A_148 = arith.cmpi ne, %convert_element_type3A_146, %cond3A_147 : i32
    scf.if %cond3A_148 {
      %add3A_225 = arith.constant 4 : i32
      %add3A_226 = arith.addi %add3A_121, %add3A_225 : i32
      %dma_start3A_227 = arith.constant 0 : i32
      %dma_start3A_228 = tpu.memref_slice %arg5[%add3A_226, %dma_start3A_227] : memref<50x128xi32, #tpu.memory_space<vmem>> -> memref<1x128xi32, #tpu.memory_space<vmem>>
      %dma_start3A_229 = tpu.memref_squeeze %dma_start3A_228 : memref<1x128xi32, #tpu.memory_space<vmem>> -> memref<128xi32, #tpu.memory_space<vmem>>
      %dma_start3A_230 = arith.constant 0 : i32
      %dma_start3A_231 = arith.constant 0 : i32
      %dma_start3A_232 = tpu.memref_slice %arg3[%dma_start3A_230, %dma_start3A_231] : memref<100000x128xf32, #tpu.memory_space<hbm>> -> memref<100000x128xf32, #tpu.memory_space<hbm>>
      tpu.enqueue_indirect_dma source(%dma_start3A_232 : memref<100000x128xf32, #tpu.memory_space<hbm>>) target(%arg9 : memref<128x128xf32, #tpu.memory_space<vmem>>) offsets(%dma_start3A_229 : memref<128xi32, #tpu.memory_space<vmem>>) semaphore(%arg16 : memref<!tpu.dma_semaphore, #tpu.memory_space<semaphore_mem>>)
    } else {
    }
    %scan3A_149 = arith.constant 1 : i32
    %scan3A_150 = arith.constant 0 : i32
    %scan3A_151 = arith.constant 1 : i32
    %scan3A_152 = arith.constant 11 : i32
    %scan3A_153 = arith.addi %scan3A_151, %scan3A_152 : i32
    %scan3A_154 = arith.constant 1 : i32
    scf.for %scan3A_225 = %scan3A_151 to %scan3A_153 step %scan3A_154  : i32 {
      %mul3A_226 = arith.constant 4 : i32
      %mul3A_227 = arith.muli %scan3A_225, %mul3A_226 : i32
      %add3A_228 = arith.constant 0 : i32
      %add3A_229 = arith.addi %mul3A_227, %add3A_228 : i32
      %dma_wait3A_230 = arith.constant 0 : i32
      %dma_wait3A_231 = tpu.memref_slice %arg4[%add3A_229, %mul3A_2, %dma_wait3A_230] : memref<50x4096x128xf32, #tpu.memory_space<hbm>> -> memref<1x128x128xf32, #tpu.memory_space<hbm>>
      %dma_wait3A_232 = tpu.memref_squeeze %dma_wait3A_231 : memref<1x128x128xf32, #tpu.memory_space<hbm>> -> memref<128x128xf32, #tpu.memory_space<hbm>>
      %dma_wait3A_233 = arith.constant 0 : i32
      %dma_wait3A_234 = tpu.memref_slice %arg4[%add3A_229, %mul3A_2, %dma_wait3A_233] : memref<50x4096x128xf32, #tpu.memory_space<hbm>> -> memref<1x128x128xf32, #tpu.memory_space<hbm>>
      %dma_wait3A_235 = tpu.memref_squeeze %dma_wait3A_234 : memref<1x128x128xf32, #tpu.memory_space<hbm>> -> memref<128x128xf32, #tpu.memory_space<hbm>>
      tpu.wait_dma2 semaphore(%arg17 : memref<!tpu.dma_semaphore, #tpu.memory_space<semaphore_mem>>) src(%arg10 : memref<128x128xf32, #tpu.memory_space<vmem>>) dst(%dma_wait3A_235 : memref<128x128xf32, #tpu.memory_space<hbm>>)
      %dma_wait3A_236 = arith.constant 0 : i32
      %dma_wait3A_237 = tpu.memref_slice %arg5[%add3A_229, %dma_wait3A_236] : memref<50x128xi32, #tpu.memory_space<vmem>> -> memref<1x128xi32, #tpu.memory_space<vmem>>
      %dma_wait3A_238 = tpu.memref_squeeze %dma_wait3A_237 : memref<1x128xi32, #tpu.memory_space<vmem>> -> memref<128xi32, #tpu.memory_space<vmem>>
      %dma_wait3A_239 = arith.constant 0 : i32
      %dma_wait3A_240 = arith.constant 0 : i32
      %dma_wait3A_241 = tpu.memref_slice %arg3[%dma_wait3A_239, %dma_wait3A_240] : memref<100000x128xf32, #tpu.memory_space<hbm>> -> memref<100000x128xf32, #tpu.memory_space<hbm>>
      tpu.wait_indirect_dma semaphore(%arg13 : memref<!tpu.dma_semaphore, #tpu.memory_space<semaphore_mem>>) src(%dma_wait3A_241 : memref<100000x128xf32, #tpu.memory_space<hbm>>) dst(%arg6 : memref<128x128xf32, #tpu.memory_space<vmem>>)
      %parallel_loop3A_242 = arith.constant 0 : i32
      %parallel_loop3A_243 = arith.constant 128 : i32
      %parallel_loop3A_244 = arith.constant 1 : i32
      scf.for %parallel_loop3A_354 = %parallel_loop3A_242 to %parallel_loop3A_243 step %parallel_loop3A_244  : i32 {
        %parallel_loop3A_355 = arith.index_cast %parallel_loop3A_354 : i32 to index
        %parallel_loop3A_356 = arith.constant 0 : index
        %parallel_loop3A_357 = tpu.vector_load %arg6[%parallel_loop3A_355, %parallel_loop3A_356] {strides = array<i32>} : memref<128x128xf32, #tpu.memory_space<vmem>>, vector<1x16xf32>,
        %parallel_loop3A_358 = vector.shape_cast %parallel_loop3A_357 : vector<1x16xf32> to vector<16xf32>
        %parallel_loop3A_359 = arith.constant 11.3137083 : f32
        %parallel_loop3A_360 = vector.broadcast %parallel_loop3A_359 : f32 to vector<16xf32>
        %parallel_loop3A_361 = arith.mulf %parallel_loop3A_358, %parallel_loop3A_360 : vector<16xf32>
        %parallel_loop3A_362 = arith.index_cast %parallel_loop3A_354 : i32 to index
        %parallel_loop3A_363 = arith.constant 0 : index
        %parallel_loop3A_364 = tpu.vector_load %arg10[%parallel_loop3A_362, %parallel_loop3A_363] {strides = array<i32>} : memref<128x128xf32, #tpu.memory_space<vmem>>, vector<1x16xf32>,
        %parallel_loop3A_365 = vector.shape_cast %parallel_loop3A_364 : vector<1x16xf32> to vector<16xf32>
        %parallel_loop3A_366 = vector.shape_cast %parallel_loop3A_361 : vector<16xf32> to vector<1x16xf32>
        tpu.vector_store %arg10[%parallel_loop3A_362, %parallel_loop3A_363], %parallel_loop3A_366 {strides = array<i32>} : memref<128x128xf32, #tpu.memory_space<vmem>>, vector<1x16xf32>,
        %parallel_loop3A_367 = arith.index_cast %parallel_loop3A_354 : i32 to index
        %parallel_loop3A_368 = arith.constant 16 : index
        %parallel_loop3A_369 = tpu.vector_load %arg6[%parallel_loop3A_367, %parallel_loop3A_368] {strides = array<i32>} : memref<128x128xf32, #tpu.memory_space<vmem>>, vector<1x16xf32>,
        %parallel_loop3A_370 = vector.shape_cast %parallel_loop3A_369 : vector<1x16xf32> to vector<16xf32>
        %parallel_loop3A_371 = arith.constant 11.3137083 : f32
        %parallel_loop3A_372 = vector.broadcast %parallel_loop3A_371 : f32 to vector<16xf32>
        %parallel_loop3A_373 = arith.mulf %parallel_loop3A_370, %parallel_loop3A_372 : vector<16xf32>
        %parallel_loop3A_374 = arith.index_cast %parallel_loop3A_354 : i32 to index
        %parallel_loop3A_375 = arith.constant 16 : index
        %parallel_loop3A_376 = tpu.vector_load %arg10[%parallel_loop3A_374, %parallel_loop3A_375] {strides = array<i32>} : memref<128x128xf32, #tpu.memory_space<vmem>>, vector<1x16xf32>,
        %parallel_loop3A_377 = vector.shape_cast %parallel_loop3A_376 : vector<1x16xf32> to vector<16xf32>
        %parallel_loop3A_378 = vector.shape_cast %parallel_loop3A_373 : vector<16xf32> to vector<1x16xf32>
        tpu.vector_store %arg10[%parallel_loop3A_374, %parallel_loop3A_375], %parallel_loop3A_378 {strides = array<i32>} : memref<128x128xf32, #tpu.memory_space<vmem>>, vector<1x16xf32>,
        %parallel_loop3A_379 = arith.index_cast %parallel_loop3A_354 : i32 to index
        %parallel_loop3A_380 = arith.constant 32 : index
        %parallel_loop3A_381 = tpu.vector_load %arg6[%parallel_loop3A_379, %parallel_loop3A_380] {strides = array<i32>} : memref<128x128xf32, #tpu.memory_space<vmem>>, vector<1x16xf32>,
        %parallel_loop3A_382 = vector.shape_cast %parallel_loop3A_381 : vector<1x16xf32> to vector<16xf32>
        %parallel_loop3A_383 = arith.constant 11.3137083 : f32
        %parallel_loop3A_384 = vector.broadcast %parallel_loop3A_383 : f32 to vector<16xf32>
        %parallel_loop3A_385 = arith.mulf %parallel_loop3A_382, %parallel_loop3A_384 : vector<16xf32>
        %parallel_loop3A_386 = arith.index_cast %parallel_loop3A_354 : i32 to index
        %parallel_loop3A_387 = arith.constant 32 : index
        %parallel_loop3A_388 = tpu.vector_load %arg10[%parallel_loop3A_386, %parallel_loop3A_387] {strides = array<i32>} : memref<128x128xf32, #tpu.memory_space<vmem>>, vector<1x16xf32>,
        %parallel_loop3A_389 = vector.shape_cast %parallel_loop3A_388 : vector<1x16xf32> to vector<16xf32>
        %parallel_loop3A_390 = vector.shape_cast %parallel_loop3A_385 : vector<16xf32> to vector<1x16xf32>
        tpu.vector_store %arg10[%parallel_loop3A_386, %parallel_loop3A_387], %parallel_loop3A_390 {strides = array<i32>} : memref<128x128xf32, #tpu.memory_space<vmem>>, vector<1x16xf32>,
        %parallel_loop3A_391 = arith.index_cast %parallel_loop3A_354 : i32 to index
        %parallel_loop3A_392 = arith.constant 48 : index
        %parallel_loop3A_393 = tpu.vector_load %arg6[%parallel_loop3A_391, %parallel_loop3A_392] {strides = array<i32>} : memref<128x128xf32, #tpu.memory_space<vmem>>, vector<1x16xf32>,
        %parallel_loop3A_394 = vector.shape_cast %parallel_loop3A_393 : vector<1x16xf32> to vector<16xf32>
        %parallel_loop3A_395 = arith.constant 11.3137083 : f32
        %parallel_loop3A_396 = vector.broadcast %parallel_loop3A_395 : f32 to vector<16xf32>
        %parallel_loop3A_397 = arith.mulf %parallel_loop3A_394, %parallel_loop3A_396 : vector<16xf32>
        %parallel_loop3A_398 = arith.index_cast %parallel_loop3A_354 : i32 to index
        %parallel_loop3A_399 = arith.constant 48 : index
        %parallel_loop3A_400 = tpu.vector_load %arg10[%parallel_loop3A_398, %parallel_loop3A_399] {strides = array<i32>} : memref<128x128xf32, #tpu.memory_space<vmem>>, vector<1x16xf32>,
        %parallel_loop3A_401 = vector.shape_cast %parallel_loop3A_400 : vector<1x16xf32> to vector<16xf32>
        %parallel_loop3A_402 = vector.shape_cast %parallel_loop3A_397 : vector<16xf32> to vector<1x16xf32>
        tpu.vector_store %arg10[%parallel_loop3A_398, %parallel_loop3A_399], %parallel_loop3A_402 {strides = array<i32>} : memref<128x128xf32, #tpu.memory_space<vmem>>, vector<1x16xf32>,
        %parallel_loop3A_403 = arith.index_cast %parallel_loop3A_354 : i32 to index
        %parallel_loop3A_404 = arith.constant 64 : index
        %parallel_loop3A_405 = tpu.vector_load %arg6[%parallel_loop3A_403, %parallel_loop3A_404] {strides = array<i32>} : memref<128x128xf32, #tpu.memory_space<vmem>>, vector<1x16xf32>,
        %parallel_loop3A_406 = vector.shape_cast %parallel_loop3A_405 : vector<1x16xf32> to vector<16xf32>
        %parallel_loop3A_407 = arith.constant 11.3137083 : f32
        %parallel_loop3A_408 = vector.broadcast %parallel_loop3A_407 : f32 to vector<16xf32>
        %parallel_loop3A_409 = arith.mulf %parallel_loop3A_406, %parallel_loop3A_408 : vector<16xf32>
        %parallel_loop3A_410 = arith.index_cast %parallel_loop3A_354 : i32 to index
        %parallel_loop3A_411 = arith.constant 64 : index
        %parallel_loop3A_412 = tpu.vector_load %arg10[%parallel_loop3A_410, %parallel_loop3A_411] {strides = array<i32>} : memref<128x128xf32, #tpu.memory_space<vmem>>, vector<1x16xf32>,
        %parallel_loop3A_413 = vector.shape_cast %parallel_loop3A_412 : vector<1x16xf32> to vector<16xf32>
        %parallel_loop3A_414 = vector.shape_cast %parallel_loop3A_409 : vector<16xf32> to vector<1x16xf32>
        tpu.vector_store %arg10[%parallel_loop3A_410, %parallel_loop3A_411], %parallel_loop3A_414 {strides = array<i32>} : memref<128x128xf32, #tpu.memory_space<vmem>>, vector<1x16xf32>,
        %parallel_loop3A_415 = arith.index_cast %parallel_loop3A_354 : i32 to index
        %parallel_loop3A_416 = arith.constant 80 : index
        %parallel_loop3A_417 = tpu.vector_load %arg6[%parallel_loop3A_415, %parallel_loop3A_416] {strides = array<i32>} : memref<128x128xf32, #tpu.memory_space<vmem>>, vector<1x16xf32>,
        %parallel_loop3A_418 = vector.shape_cast %parallel_loop3A_417 : vector<1x16xf32> to vector<16xf32>
        %parallel_loop3A_419 = arith.constant 11.3137083 : f32
        %parallel_loop3A_420 = vector.broadcast %parallel_loop3A_419 : f32 to vector<16xf32>
        %parallel_loop3A_421 = arith.mulf %parallel_loop3A_418, %parallel_loop3A_420 : vector<16xf32>
        %parallel_loop3A_422 = arith.index_cast %parallel_loop3A_354 : i32 to index
        %parallel_loop3A_423 = arith.constant 80 : index
        %parallel_loop3A_424 = tpu.vector_load %arg10[%parallel_loop3A_422, %parallel_loop3A_423] {strides = array<i32>} : memref<128x128xf32, #tpu.memory_space<vmem>>, vector<1x16xf32>,
        %parallel_loop3A_425 = vector.shape_cast %parallel_loop3A_424 : vector<1x16xf32> to vector<16xf32>
        %parallel_loop3A_426 = vector.shape_cast %parallel_loop3A_421 : vector<16xf32> to vector<1x16xf32>
        tpu.vector_store %arg10[%parallel_loop3A_422, %parallel_loop3A_423], %parallel_loop3A_426 {strides = array<i32>} : memref<128x128xf32, #tpu.memory_space<vmem>>, vector<1x16xf32>,
        %parallel_loop3A_427 = arith.index_cast %parallel_loop3A_354 : i32 to index
        %parallel_loop3A_428 = arith.constant 96 : index
        %parallel_loop3A_429 = tpu.vector_load %arg6[%parallel_loop3A_427, %parallel_loop3A_428] {strides = array<i32>} : memref<128x128xf32, #tpu.memory_space<vmem>>, vector<1x16xf32>,
        %parallel_loop3A_430 = vector.shape_cast %parallel_loop3A_429 : vector<1x16xf32> to vector<16xf32>
        %parallel_loop3A_431 = arith.constant 11.3137083 : f32
        %parallel_loop3A_432 = vector.broadcast %parallel_loop3A_431 : f32 to vector<16xf32>
        %parallel_loop3A_433 = arith.mulf %parallel_loop3A_430, %parallel_loop3A_432 : vector<16xf32>
        %parallel_loop3A_434 = arith.index_cast %parallel_loop3A_354 : i32 to index
        %parallel_loop3A_435 = arith.constant 96 : index
        %parallel_loop3A_436 = tpu.vector_load %arg10[%parallel_loop3A_434, %parallel_loop3A_435] {strides = array<i32>} : memref<128x128xf32, #tpu.memory_space<vmem>>, vector<1x16xf32>,
        %parallel_loop3A_437 = vector.shape_cast %parallel_loop3A_436 : vector<1x16xf32> to vector<16xf32>
        %parallel_loop3A_438 = vector.shape_cast %parallel_loop3A_433 : vector<16xf32> to vector<1x16xf32>
        tpu.vector_store %arg10[%parallel_loop3A_434, %parallel_loop3A_435], %parallel_loop3A_438 {strides = array<i32>} : memref<128x128xf32, #tpu.memory_space<vmem>>, vector<1x16xf32>,
        %parallel_loop3A_439 = arith.index_cast %parallel_loop3A_354 : i32 to index
        %parallel_loop3A_440 = arith.constant 112 : index
        %parallel_loop3A_441 = tpu.vector_load %arg6[%parallel_loop3A_439, %parallel_loop3A_440] {strides = array<i32>} : memref<128x128xf32, #tpu.memory_space<vmem>>, vector<1x16xf32>,
        %parallel_loop3A_442 = vector.shape_cast %parallel_loop3A_441 : vector<1x16xf32> to vector<16xf32>
        %parallel_loop3A_443 = arith.constant 11.3137083 : f32
        %parallel_loop3A_444 = vector.broadcast %parallel_loop3A_443 : f32 to vector<16xf32>
        %parallel_loop3A_445 = arith.mulf %parallel_loop3A_442, %parallel_loop3A_444 : vector<16xf32>
        %parallel_loop3A_446 = arith.index_cast %parallel_loop3A_354 : i32 to index
        %parallel_loop3A_447 = arith.constant 112 : index
        %parallel_loop3A_448 = tpu.vector_load %arg10[%parallel_loop3A_446, %parallel_loop3A_447] {strides = array<i32>} : memref<128x128xf32, #tpu.memory_space<vmem>>, vector<1x16xf32>,
        %parallel_loop3A_449 = vector.shape_cast %parallel_loop3A_448 : vector<1x16xf32> to vector<16xf32>
        %parallel_loop3A_450 = vector.shape_cast %parallel_loop3A_445 : vector<16xf32> to vector<1x16xf32>
        tpu.vector_store %arg10[%parallel_loop3A_446, %parallel_loop3A_447], %parallel_loop3A_450 {strides = array<i32>} : memref<128x128xf32, #tpu.memory_space<vmem>>, vector<1x16xf32>,
      } {sc.loop_unroll_factor = 2 : i64, sc.parallel_access}
      %dma_start3A_245 = arith.constant 0 : i32
      %dma_start3A_246 = tpu.memref_slice %arg4[%add3A_229, %mul3A_2, %dma_start3A_245] : memref<50x4096x128xf32, #tpu.memory_space<hbm>> -> memref<1x128x128xf32, #tpu.memory_space<hbm>>
      %dma_start3A_247 = tpu.memref_squeeze %dma_start3A_246 : memref<1x128x128xf32, #tpu.memory_space<hbm>> -> memref<128x128xf32, #tpu.memory_space<hbm>>
      %dma_start3A_248 = arith.constant 0 : i32
      %dma_start3A_249 = tpu.memref_slice %arg4[%add3A_229, %mul3A_2, %dma_start3A_248] : memref<50x4096x128xf32, #tpu.memory_space<hbm>> -> memref<1x128x128xf32, #tpu.memory_space<hbm>>
      %dma_start3A_250 = tpu.memref_squeeze %dma_start3A_249 : memref<1x128x128xf32, #tpu.memory_space<hbm>> -> memref<128x128xf32, #tpu.memory_space<hbm>>
      tpu.enqueue_dma source(%arg10 : memref<128x128xf32, #tpu.memory_space<vmem>>) target(%dma_start3A_250 : memref<128x128xf32, #tpu.memory_space<hbm>>) target_semaphore(%arg17 : memref<!tpu.dma_semaphore, #tpu.memory_space<semaphore_mem>>)
      %add3A_251 = arith.constant 4 : i32
      %add3A_252 = arith.addi %add3A_229, %add3A_251 : i32
      %lt3A_253 = arith.constant 50 : i32
      %lt3A_254 = arith.cmpi slt, %add3A_252, %lt3A_253 : i32
      %convert_element_type3A_255 = arith.extui %lt3A_254 : i1 to i32
      %cond3A_256 = arith.constant 0 : i32
      %cond3A_257 = arith.cmpi ne, %convert_element_type3A_255, %cond3A_256 : i32
      scf.if %cond3A_257 {
        %add3A_354 = arith.constant 4 : i32
        %add3A_355 = arith.addi %add3A_229, %add3A_354 : i32
        %dma_start3A_356 = arith.constant 0 : i32
        %dma_start3A_357 = tpu.memref_slice %arg5[%add3A_355, %dma_start3A_356] : memref<50x128xi32, #tpu.memory_space<vmem>> -> memref<1x128xi32, #tpu.memory_space<vmem>>
        %dma_start3A_358 = tpu.memref_squeeze %dma_start3A_357 : memref<1x128xi32, #tpu.memory_space<vmem>> -> memref<128xi32, #tpu.memory_space<vmem>>
        %dma_start3A_359 = arith.constant 0 : i32
        %dma_start3A_360 = arith.constant 0 : i32
        %dma_start3A_361 = tpu.memref_slice %arg3[%dma_start3A_359, %dma_start3A_360] : memref<100000x128xf32, #tpu.memory_space<hbm>> -> memref<100000x128xf32, #tpu.memory_space<hbm>>
        tpu.enqueue_indirect_dma source(%dma_start3A_361 : memref<100000x128xf32, #tpu.memory_space<hbm>>) target(%arg6 : memref<128x128xf32, #tpu.memory_space<vmem>>) offsets(%dma_start3A_358 : memref<128xi32, #tpu.memory_space<vmem>>) semaphore(%arg13 : memref<!tpu.dma_semaphore, #tpu.memory_space<semaphore_mem>>)
      } else {
      }
      %mul3A_258 = arith.constant 4 : i32
      %mul3A_259 = arith.muli %scan3A_225, %mul3A_258 : i32
      %add3A_260 = arith.constant 1 : i32
      %add3A_261 = arith.addi %mul3A_259, %add3A_260 : i32
      %dma_wait3A_262 = arith.constant 0 : i32
      %dma_wait3A_263 = tpu.memref_slice %arg4[%add3A_261, %mul3A_2, %dma_wait3A_262] : memref<50x4096x128xf32, #tpu.memory_space<hbm>> -> memref<1x128x128xf32, #tpu.memory_space<hbm>>
      %dma_wait3A_264 = tpu.memref_squeeze %dma_wait3A_263 : memref<1x128x128xf32, #tpu.memory_space<hbm>> -> memref<128x128xf32, #tpu.memory_space<hbm>>
      %dma_wait3A_265 = arith.constant 0 : i32
      %dma_wait3A_266 = tpu.memref_slice %arg4[%add3A_261, %mul3A_2, %dma_wait3A_265] : memref<50x4096x128xf32, #tpu.memory_space<hbm>> -> memref<1x128x128xf32, #tpu.memory_space<hbm>>
      %dma_wait3A_267 = tpu.memref_squeeze %dma_wait3A_266 : memref<1x128x128xf32, #tpu.memory_space<hbm>> -> memref<128x128xf32, #tpu.memory_space<hbm>>
      tpu.wait_dma2 semaphore(%arg18 : memref<!tpu.dma_semaphore, #tpu.memory_space<semaphore_mem>>) src(%arg11 : memref<128x128xf32, #tpu.memory_space<vmem>>) dst(%dma_wait3A_267 : memref<128x128xf32, #tpu.memory_space<hbm>>)
      %dma_wait3A_268 = arith.constant 0 : i32
      %dma_wait3A_269 = tpu.memref_slice %arg5[%add3A_261, %dma_wait3A_268] : memref<50x128xi32, #tpu.memory_space<vmem>> -> memref<1x128xi32, #tpu.memory_space<vmem>>
      %dma_wait3A_270 = tpu.memref_squeeze %dma_wait3A_269 : memref<1x128xi32, #tpu.memory_space<vmem>> -> memref<128xi32, #tpu.memory_space<vmem>>
      %dma_wait3A_271 = arith.constant 0 : i32
      %dma_wait3A_272 = arith.constant 0 : i32
      %dma_wait3A_273 = tpu.memref_slice %arg3[%dma_wait3A_271, %dma_wait3A_272] : memref<100000x128xf32, #tpu.memory_space<hbm>> -> memref<100000x128xf32, #tpu.memory_space<hbm>>
      tpu.wait_indirect_dma semaphore(%arg14 : memref<!tpu.dma_semaphore, #tpu.memory_space<semaphore_mem>>) src(%dma_wait3A_273 : memref<100000x128xf32, #tpu.memory_space<hbm>>) dst(%arg7 : memref<128x128xf32, #tpu.memory_space<vmem>>)
      %parallel_loop3A_274 = arith.constant 0 : i32
      %parallel_loop3A_275 = arith.constant 128 : i32
      %parallel_loop3A_276 = arith.constant 1 : i32
      scf.for %parallel_loop3A_354 = %parallel_loop3A_274 to %parallel_loop3A_275 step %parallel_loop3A_276  : i32 {
        %parallel_loop3A_355 = arith.index_cast %parallel_loop3A_354 : i32 to index
        %parallel_loop3A_356 = arith.constant 0 : index
        %parallel_loop3A_357 = tpu.vector_load %arg7[%parallel_loop3A_355, %parallel_loop3A_356] {strides = array<i32>} : memref<128x128xf32, #tpu.memory_space<vmem>>, vector<1x16xf32>,
        %parallel_loop3A_358 = vector.shape_cast %parallel_loop3A_357 : vector<1x16xf32> to vector<16xf32>
        %parallel_loop3A_359 = arith.constant 11.3137083 : f32
        %parallel_loop3A_360 = vector.broadcast %parallel_loop3A_359 : f32 to vector<16xf32>
        %parallel_loop3A_361 = arith.mulf %parallel_loop3A_358, %parallel_loop3A_360 : vector<16xf32>
        %parallel_loop3A_362 = arith.index_cast %parallel_loop3A_354 : i32 to index
        %parallel_loop3A_363 = arith.constant 0 : index
        %parallel_loop3A_364 = tpu.vector_load %arg11[%parallel_loop3A_362, %parallel_loop3A_363] {strides = array<i32>} : memref<128x128xf32, #tpu.memory_space<vmem>>, vector<1x16xf32>,
        %parallel_loop3A_365 = vector.shape_cast %parallel_loop3A_364 : vector<1x16xf32> to vector<16xf32>
        %parallel_loop3A_366 = vector.shape_cast %parallel_loop3A_361 : vector<16xf32> to vector<1x16xf32>
        tpu.vector_store %arg11[%parallel_loop3A_362, %parallel_loop3A_363], %parallel_loop3A_366 {strides = array<i32>} : memref<128x128xf32, #tpu.memory_space<vmem>>, vector<1x16xf32>,
        %parallel_loop3A_367 = arith.index_cast %parallel_loop3A_354 : i32 to index
        %parallel_loop3A_368 = arith.constant 16 : index
        %parallel_loop3A_369 = tpu.vector_load %arg7[%parallel_loop3A_367, %parallel_loop3A_368] {strides = array<i32>} : memref<128x128xf32, #tpu.memory_space<vmem>>, vector<1x16xf32>,
        %parallel_loop3A_370 = vector.shape_cast %parallel_loop3A_369 : vector<1x16xf32> to vector<16xf32>
        %parallel_loop3A_371 = arith.constant 11.3137083 : f32
        %parallel_loop3A_372 = vector.broadcast %parallel_loop3A_371 : f32 to vector<16xf32>
        %parallel_loop3A_373 = arith.mulf %parallel_loop3A_370, %parallel_loop3A_372 : vector<16xf32>
        %parallel_loop3A_374 = arith.index_cast %parallel_loop3A_354 : i32 to index
        %parallel_loop3A_375 = arith.constant 16 : index
        %parallel_loop3A_376 = tpu.vector_load %arg11[%parallel_loop3A_374, %parallel_loop3A_375] {strides = array<i32>} : memref<128x128xf32, #tpu.memory_space<vmem>>, vector<1x16xf32>,
        %parallel_loop3A_377 = vector.shape_cast %parallel_loop3A_376 : vector<1x16xf32> to vector<16xf32>
        %parallel_loop3A_378 = vector.shape_cast %parallel_loop3A_373 : vector<16xf32> to vector<1x16xf32>
        tpu.vector_store %arg11[%parallel_loop3A_374, %parallel_loop3A_375], %parallel_loop3A_378 {strides = array<i32>} : memref<128x128xf32, #tpu.memory_space<vmem>>, vector<1x16xf32>,
        %parallel_loop3A_379 = arith.index_cast %parallel_loop3A_354 : i32 to index
        %parallel_loop3A_380 = arith.constant 32 : index
        %parallel_loop3A_381 = tpu.vector_load %arg7[%parallel_loop3A_379, %parallel_loop3A_380] {strides = array<i32>} : memref<128x128xf32, #tpu.memory_space<vmem>>, vector<1x16xf32>,
        %parallel_loop3A_382 = vector.shape_cast %parallel_loop3A_381 : vector<1x16xf32> to vector<16xf32>
        %parallel_loop3A_383 = arith.constant 11.3137083 : f32
        %parallel_loop3A_384 = vector.broadcast %parallel_loop3A_383 : f32 to vector<16xf32>
        %parallel_loop3A_385 = arith.mulf %parallel_loop3A_382, %parallel_loop3A_384 : vector<16xf32>
        %parallel_loop3A_386 = arith.index_cast %parallel_loop3A_354 : i32 to index
        %parallel_loop3A_387 = arith.constant 32 : index
        %parallel_loop3A_388 = tpu.vector_load %arg11[%parallel_loop3A_386, %parallel_loop3A_387] {strides = array<i32>} : memref<128x128xf32, #tpu.memory_space<vmem>>, vector<1x16xf32>,
        %parallel_loop3A_389 = vector.shape_cast %parallel_loop3A_388 : vector<1x16xf32> to vector<16xf32>
        %parallel_loop3A_390 = vector.shape_cast %parallel_loop3A_385 : vector<16xf32> to vector<1x16xf32>
        tpu.vector_store %arg11[%parallel_loop3A_386, %parallel_loop3A_387], %parallel_loop3A_390 {strides = array<i32>} : memref<128x128xf32, #tpu.memory_space<vmem>>, vector<1x16xf32>,
        %parallel_loop3A_391 = arith.index_cast %parallel_loop3A_354 : i32 to index
        %parallel_loop3A_392 = arith.constant 48 : index
        %parallel_loop3A_393 = tpu.vector_load %arg7[%parallel_loop3A_391, %parallel_loop3A_392] {strides = array<i32>} : memref<128x128xf32, #tpu.memory_space<vmem>>, vector<1x16xf32>,
        %parallel_loop3A_394 = vector.shape_cast %parallel_loop3A_393 : vector<1x16xf32> to vector<16xf32>
        %parallel_loop3A_395 = arith.constant 11.3137083 : f32
        %parallel_loop3A_396 = vector.broadcast %parallel_loop3A_395 : f32 to vector<16xf32>
        %parallel_loop3A_397 = arith.mulf %parallel_loop3A_394, %parallel_loop3A_396 : vector<16xf32>
        %parallel_loop3A_398 = arith.index_cast %parallel_loop3A_354 : i32 to index
        %parallel_loop3A_399 = arith.constant 48 : index
        %parallel_loop3A_400 = tpu.vector_load %arg11[%parallel_loop3A_398, %parallel_loop3A_399] {strides = array<i32>} : memref<128x128xf32, #tpu.memory_space<vmem>>, vector<1x16xf32>,
        %parallel_loop3A_401 = vector.shape_cast %parallel_loop3A_400 : vector<1x16xf32> to vector<16xf32>
        %parallel_loop3A_402 = vector.shape_cast %parallel_loop3A_397 : vector<16xf32> to vector<1x16xf32>
        tpu.vector_store %arg11[%parallel_loop3A_398, %parallel_loop3A_399], %parallel_loop3A_402 {strides = array<i32>} : memref<128x128xf32, #tpu.memory_space<vmem>>, vector<1x16xf32>,
        %parallel_loop3A_403 = arith.index_cast %parallel_loop3A_354 : i32 to index
        %parallel_loop3A_404 = arith.constant 64 : index
        %parallel_loop3A_405 = tpu.vector_load %arg7[%parallel_loop3A_403, %parallel_loop3A_404] {strides = array<i32>} : memref<128x128xf32, #tpu.memory_space<vmem>>, vector<1x16xf32>,
        %parallel_loop3A_406 = vector.shape_cast %parallel_loop3A_405 : vector<1x16xf32> to vector<16xf32>
        %parallel_loop3A_407 = arith.constant 11.3137083 : f32
        %parallel_loop3A_408 = vector.broadcast %parallel_loop3A_407 : f32 to vector<16xf32>
        %parallel_loop3A_409 = arith.mulf %parallel_loop3A_406, %parallel_loop3A_408 : vector<16xf32>
        %parallel_loop3A_410 = arith.index_cast %parallel_loop3A_354 : i32 to index
        %parallel_loop3A_411 = arith.constant 64 : index
        %parallel_loop3A_412 = tpu.vector_load %arg11[%parallel_loop3A_410, %parallel_loop3A_411] {strides = array<i32>} : memref<128x128xf32, #tpu.memory_space<vmem>>, vector<1x16xf32>,
        %parallel_loop3A_413 = vector.shape_cast %parallel_loop3A_412 : vector<1x16xf32> to vector<16xf32>
        %parallel_loop3A_414 = vector.shape_cast %parallel_loop3A_409 : vector<16xf32> to vector<1x16xf32>
        tpu.vector_store %arg11[%parallel_loop3A_410, %parallel_loop3A_411], %parallel_loop3A_414 {strides = array<i32>} : memref<128x128xf32, #tpu.memory_space<vmem>>, vector<1x16xf32>,
        %parallel_loop3A_415 = arith.index_cast %parallel_loop3A_354 : i32 to index
        %parallel_loop3A_416 = arith.constant 80 : index
        %parallel_loop3A_417 = tpu.vector_load %arg7[%parallel_loop3A_415, %parallel_loop3A_416] {strides = array<i32>} : memref<128x128xf32, #tpu.memory_space<vmem>>, vector<1x16xf32>,
        %parallel_loop3A_418 = vector.shape_cast %parallel_loop3A_417 : vector<1x16xf32> to vector<16xf32>
        %parallel_loop3A_419 = arith.constant 11.3137083 : f32
        %parallel_loop3A_420 = vector.broadcast %parallel_loop3A_419 : f32 to vector<16xf32>
        %parallel_loop3A_421 = arith.mulf %parallel_loop3A_418, %parallel_loop3A_420 : vector<16xf32>
        %parallel_loop3A_422 = arith.index_cast %parallel_loop3A_354 : i32 to index
        %parallel_loop3A_423 = arith.constant 80 : index
        %parallel_loop3A_424 = tpu.vector_load %arg11[%parallel_loop3A_422, %parallel_loop3A_423] {strides = array<i32>} : memref<128x128xf32, #tpu.memory_space<vmem>>, vector<1x16xf32>,
        %parallel_loop3A_425 = vector.shape_cast %parallel_loop3A_424 : vector<1x16xf32> to vector<16xf32>
        %parallel_loop3A_426 = vector.shape_cast %parallel_loop3A_421 : vector<16xf32> to vector<1x16xf32>
        tpu.vector_store %arg11[%parallel_loop3A_422, %parallel_loop3A_423], %parallel_loop3A_426 {strides = array<i32>} : memref<128x128xf32, #tpu.memory_space<vmem>>, vector<1x16xf32>,
        %parallel_loop3A_427 = arith.index_cast %parallel_loop3A_354 : i32 to index
        %parallel_loop3A_428 = arith.constant 96 : index
        %parallel_loop3A_429 = tpu.vector_load %arg7[%parallel_loop3A_427, %parallel_loop3A_428] {strides = array<i32>} : memref<128x128xf32, #tpu.memory_space<vmem>>, vector<1x16xf32>,
        %parallel_loop3A_430 = vector.shape_cast %parallel_loop3A_429 : vector<1x16xf32> to vector<16xf32>
        %parallel_loop3A_431 = arith.constant 11.3137083 : f32
        %parallel_loop3A_432 = vector.broadcast %parallel_loop3A_431 : f32 to vector<16xf32>
        %parallel_loop3A_433 = arith.mulf %parallel_loop3A_430, %parallel_loop3A_432 : vector<16xf32>
        %parallel_loop3A_434 = arith.index_cast %parallel_loop3A_354 : i32 to index
        %parallel_loop3A_435 = arith.constant 96 : index
        %parallel_loop3A_436 = tpu.vector_load %arg11[%parallel_loop3A_434, %parallel_loop3A_435] {strides = array<i32>} : memref<128x128xf32, #tpu.memory_space<vmem>>, vector<1x16xf32>,
        %parallel_loop3A_437 = vector.shape_cast %parallel_loop3A_436 : vector<1x16xf32> to vector<16xf32>
        %parallel_loop3A_438 = vector.shape_cast %parallel_loop3A_433 : vector<16xf32> to vector<1x16xf32>
        tpu.vector_store %arg11[%parallel_loop3A_434, %parallel_loop3A_435], %parallel_loop3A_438 {strides = array<i32>} : memref<128x128xf32, #tpu.memory_space<vmem>>, vector<1x16xf32>,
        %parallel_loop3A_439 = arith.index_cast %parallel_loop3A_354 : i32 to index
        %parallel_loop3A_440 = arith.constant 112 : index
        %parallel_loop3A_441 = tpu.vector_load %arg7[%parallel_loop3A_439, %parallel_loop3A_440] {strides = array<i32>} : memref<128x128xf32, #tpu.memory_space<vmem>>, vector<1x16xf32>,
        %parallel_loop3A_442 = vector.shape_cast %parallel_loop3A_441 : vector<1x16xf32> to vector<16xf32>
        %parallel_loop3A_443 = arith.constant 11.3137083 : f32
        %parallel_loop3A_444 = vector.broadcast %parallel_loop3A_443 : f32 to vector<16xf32>
        %parallel_loop3A_445 = arith.mulf %parallel_loop3A_442, %parallel_loop3A_444 : vector<16xf32>
        %parallel_loop3A_446 = arith.index_cast %parallel_loop3A_354 : i32 to index
        %parallel_loop3A_447 = arith.constant 112 : index
        %parallel_loop3A_448 = tpu.vector_load %arg11[%parallel_loop3A_446, %parallel_loop3A_447] {strides = array<i32>} : memref<128x128xf32, #tpu.memory_space<vmem>>, vector<1x16xf32>,
        %parallel_loop3A_449 = vector.shape_cast %parallel_loop3A_448 : vector<1x16xf32> to vector<16xf32>
        %parallel_loop3A_450 = vector.shape_cast %parallel_loop3A_445 : vector<16xf32> to vector<1x16xf32>
        tpu.vector_store %arg11[%parallel_loop3A_446, %parallel_loop3A_447], %parallel_loop3A_450 {strides = array<i32>} : memref<128x128xf32, #tpu.memory_space<vmem>>, vector<1x16xf32>,
      } {sc.loop_unroll_factor = 2 : i64, sc.parallel_access}
      %dma_start3A_277 = arith.constant 0 : i32
      %dma_start3A_278 = tpu.memref_slice %arg4[%add3A_261, %mul3A_2, %dma_start3A_277] : memref<50x4096x128xf32, #tpu.memory_space<hbm>> -> memref<1x128x128xf32, #tpu.memory_space<hbm>>
      %dma_start3A_279 = tpu.memref_squeeze %dma_start3A_278 : memref<1x128x128xf32, #tpu.memory_space<hbm>> -> memref<128x128xf32, #tpu.memory_space<hbm>>
      %dma_start3A_280 = arith.constant 0 : i32
      %dma_start3A_281 = tpu.memref_slice %arg4[%add3A_261, %mul3A_2, %dma_start3A_280] : memref<50x4096x128xf32, #tpu.memory_space<hbm>> -> memref<1x128x128xf32, #tpu.memory_space<hbm>>
      %dma_start3A_282 = tpu.memref_squeeze %dma_start3A_281 : memref<1x128x128xf32, #tpu.memory_space<hbm>> -> memref<128x128xf32, #tpu.memory_space<hbm>>
      tpu.enqueue_dma source(%arg11 : memref<128x128xf32, #tpu.memory_space<vmem>>) target(%dma_start3A_282 : memref<128x128xf32, #tpu.memory_space<hbm>>) target_semaphore(%arg18 : memref<!tpu.dma_semaphore, #tpu.memory_space<semaphore_mem>>)
      %add3A_283 = arith.constant 4 : i32
      %add3A_284 = arith.addi %add3A_261, %add3A_283 : i32
      %lt3A_285 = arith.constant 50 : i32
      %lt3A_286 = arith.cmpi slt, %add3A_284, %lt3A_285 : i32
      %convert_element_type3A_287 = arith.extui %lt3A_286 : i1 to i32
      %cond3A_288 = arith.constant 0 : i32
      %cond3A_289 = arith.cmpi ne, %convert_element_type3A_287, %cond3A_288 : i32
      scf.if %cond3A_289 {
        %add3A_354 = arith.constant 4 : i32
        %add3A_355 = arith.addi %add3A_261, %add3A_354 : i32
        %dma_start3A_356 = arith.constant 0 : i32
        %dma_start3A_357 = tpu.memref_slice %arg5[%add3A_355, %dma_start3A_356] : memref<50x128xi32, #tpu.memory_space<vmem>> -> memref<1x128xi32, #tpu.memory_space<vmem>>
        %dma_start3A_358 = tpu.memref_squeeze %dma_start3A_357 : memref<1x128xi32, #tpu.memory_space<vmem>> -> memref<128xi32, #tpu.memory_space<vmem>>
        %dma_start3A_359 = arith.constant 0 : i32
        %dma_start3A_360 = arith.constant 0 : i32
        %dma_start3A_361 = tpu.memref_slice %arg3[%dma_start3A_359, %dma_start3A_360] : memref<100000x128xf32, #tpu.memory_space<hbm>> -> memref<100000x128xf32, #tpu.memory_space<hbm>>
        tpu.enqueue_indirect_dma source(%dma_start3A_361 : memref<100000x128xf32, #tpu.memory_space<hbm>>) target(%arg7 : memref<128x128xf32, #tpu.memory_space<vmem>>) offsets(%dma_start3A_358 : memref<128xi32, #tpu.memory_space<vmem>>) semaphore(%arg14 : memref<!tpu.dma_semaphore, #tpu.memory_space<semaphore_mem>>)
      } else {
      }
      %mul3A_290 = arith.constant 4 : i32
      %mul3A_291 = arith.muli %scan3A_225, %mul3A_290 : i32
      %add3A_292 = arith.constant 2 : i32
      %add3A_293 = arith.addi %mul3A_291, %add3A_292 : i32
      %dma_wait3A_294 = arith.constant 0 : i32
      %dma_wait3A_295 = tpu.memref_slice %arg4[%add3A_293, %mul3A_2, %dma_wait3A_294] : memref<50x4096x128xf32, #tpu.memory_space<hbm>> -> memref<1x128x128xf32, #tpu.memory_space<hbm>>
      %dma_wait3A_296 = tpu.memref_squeeze %dma_wait3A_295 : memref<1x128x128xf32, #tpu.memory_space<hbm>> -> memref<128x128xf32, #tpu.memory_space<hbm>>
      %dma_wait3A_297 = arith.constant 0 : i32
      %dma_wait3A_298 = tpu.memref_slice %arg4[%add3A_293, %mul3A_2, %dma_wait3A_297] : memref<50x4096x128xf32, #tpu.memory_space<hbm>> -> memref<1x128x128xf32, #tpu.memory_space<hbm>>
      %dma_wait3A_299 = tpu.memref_squeeze %dma_wait3A_298 : memref<1x128x128xf32, #tpu.memory_space<hbm>> -> memref<128x128xf32, #tpu.memory_space<hbm>>
      tpu.wait_dma2 semaphore(%arg19 : memref<!tpu.dma_semaphore, #tpu.memory_space<semaphore_mem>>) src(%arg12 : memref<128x128xf32, #tpu.memory_space<vmem>>) dst(%dma_wait3A_299 : memref<128x128xf32, #tpu.memory_space<hbm>>)
      %dma_wait3A_300 = arith.constant 0 : i32
      %dma_wait3A_301 = tpu.memref_slice %arg5[%add3A_293, %dma_wait3A_300] : memref<50x128xi32, #tpu.memory_space<vmem>> -> memref<1x128xi32, #tpu.memory_space<vmem>>
      %dma_wait3A_302 = tpu.memref_squeeze %dma_wait3A_301 : memref<1x128xi32, #tpu.memory_space<vmem>> -> memref<128xi32, #tpu.memory_space<vmem>>
      %dma_wait3A_303 = arith.constant 0 : i32
      %dma_wait3A_304 = arith.constant 0 : i32
      %dma_wait3A_305 = tpu.memref_slice %arg3[%dma_wait3A_303, %dma_wait3A_304] : memref<100000x128xf32, #tpu.memory_space<hbm>> -> memref<100000x128xf32, #tpu.memory_space<hbm>>
      tpu.wait_indirect_dma semaphore(%arg15 : memref<!tpu.dma_semaphore, #tpu.memory_space<semaphore_mem>>) src(%dma_wait3A_305 : memref<100000x128xf32, #tpu.memory_space<hbm>>) dst(%arg8 : memref<128x128xf32, #tpu.memory_space<vmem>>)
      %parallel_loop3A_306 = arith.constant 0 : i32
      %parallel_loop3A_307 = arith.constant 128 : i32
      %parallel_loop3A_308 = arith.constant 1 : i32
      scf.for %parallel_loop3A_354 = %parallel_loop3A_306 to %parallel_loop3A_307 step %parallel_loop3A_308  : i32 {
        %parallel_loop3A_355 = arith.index_cast %parallel_loop3A_354 : i32 to index
        %parallel_loop3A_356 = arith.constant 0 : index
        %parallel_loop3A_357 = tpu.vector_load %arg8[%parallel_loop3A_355, %parallel_loop3A_356] {strides = array<i32>} : memref<128x128xf32, #tpu.memory_space<vmem>>, vector<1x16xf32>,
        %parallel_loop3A_358 = vector.shape_cast %parallel_loop3A_357 : vector<1x16xf32> to vector<16xf32>
        %parallel_loop3A_359 = arith.constant 11.3137083 : f32
        %parallel_loop3A_360 = vector.broadcast %parallel_loop3A_359 : f32 to vector<16xf32>
        %parallel_loop3A_361 = arith.mulf %parallel_loop3A_358, %parallel_loop3A_360 : vector<16xf32>
        %parallel_loop3A_362 = arith.index_cast %parallel_loop3A_354 : i32 to index
        %parallel_loop3A_363 = arith.constant 0 : index
        %parallel_loop3A_364 = tpu.vector_load %arg12[%parallel_loop3A_362, %parallel_loop3A_363] {strides = array<i32>} : memref<128x128xf32, #tpu.memory_space<vmem>>, vector<1x16xf32>,
        %parallel_loop3A_365 = vector.shape_cast %parallel_loop3A_364 : vector<1x16xf32> to vector<16xf32>
        %parallel_loop3A_366 = vector.shape_cast %parallel_loop3A_361 : vector<16xf32> to vector<1x16xf32>
        tpu.vector_store %arg12[%parallel_loop3A_362, %parallel_loop3A_363], %parallel_loop3A_366 {strides = array<i32>} : memref<128x128xf32, #tpu.memory_space<vmem>>, vector<1x16xf32>,
        %parallel_loop3A_367 = arith.index_cast %parallel_loop3A_354 : i32 to index
        %parallel_loop3A_368 = arith.constant 16 : index
        %parallel_loop3A_369 = tpu.vector_load %arg8[%parallel_loop3A_367, %parallel_loop3A_368] {strides = array<i32>} : memref<128x128xf32, #tpu.memory_space<vmem>>, vector<1x16xf32>,
        %parallel_loop3A_370 = vector.shape_cast %parallel_loop3A_369 : vector<1x16xf32> to vector<16xf32>
        %parallel_loop3A_371 = arith.constant 11.3137083 : f32
        %parallel_loop3A_372 = vector.broadcast %parallel_loop3A_371 : f32 to vector<16xf32>
        %parallel_loop3A_373 = arith.mulf %parallel_loop3A_370, %parallel_loop3A_372 : vector<16xf32>
        %parallel_loop3A_374 = arith.index_cast %parallel_loop3A_354 : i32 to index
        %parallel_loop3A_375 = arith.constant 16 : index
        %parallel_loop3A_376 = tpu.vector_load %arg12[%parallel_loop3A_374, %parallel_loop3A_375] {strides = array<i32>} : memref<128x128xf32, #tpu.memory_space<vmem>>, vector<1x16xf32>,
        %parallel_loop3A_377 = vector.shape_cast %parallel_loop3A_376 : vector<1x16xf32> to vector<16xf32>
        %parallel_loop3A_378 = vector.shape_cast %parallel_loop3A_373 : vector<16xf32> to vector<1x16xf32>
        tpu.vector_store %arg12[%parallel_loop3A_374, %parallel_loop3A_375], %parallel_loop3A_378 {strides = array<i32>} : memref<128x128xf32, #tpu.memory_space<vmem>>, vector<1x16xf32>,
        %parallel_loop3A_379 = arith.index_cast %parallel_loop3A_354 : i32 to index
        %parallel_loop3A_380 = arith.constant 32 : index
        %parallel_loop3A_381 = tpu.vector_load %arg8[%parallel_loop3A_379, %parallel_loop3A_380] {strides = array<i32>} : memref<128x128xf32, #tpu.memory_space<vmem>>, vector<1x16xf32>,
        %parallel_loop3A_382 = vector.shape_cast %parallel_loop3A_381 : vector<1x16xf32> to vector<16xf32>
        %parallel_loop3A_383 = arith.constant 11.3137083 : f32
        %parallel_loop3A_384 = vector.broadcast %parallel_loop3A_383 : f32 to vector<16xf32>
        %parallel_loop3A_385 = arith.mulf %parallel_loop3A_382, %parallel_loop3A_384 : vector<16xf32>
        %parallel_loop3A_386 = arith.index_cast %parallel_loop3A_354 : i32 to index
        %parallel_loop3A_387 = arith.constant 32 : index
        %parallel_loop3A_388 = tpu.vector_load %arg12[%parallel_loop3A_386, %parallel_loop3A_387] {strides = array<i32>} : memref<128x128xf32, #tpu.memory_space<vmem>>, vector<1x16xf32>,
        %parallel_loop3A_389 = vector.shape_cast %parallel_loop3A_388 : vector<1x16xf32> to vector<16xf32>
        %parallel_loop3A_390 = vector.shape_cast %parallel_loop3A_385 : vector<16xf32> to vector<1x16xf32>
        tpu.vector_store %arg12[%parallel_loop3A_386, %parallel_loop3A_387], %parallel_loop3A_390 {strides = array<i32>} : memref<128x128xf32, #tpu.memory_space<vmem>>, vector<1x16xf32>,
        %parallel_loop3A_391 = arith.index_cast %parallel_loop3A_354 : i32 to index
        %parallel_loop3A_392 = arith.constant 48 : index
        %parallel_loop3A_393 = tpu.vector_load %arg8[%parallel_loop3A_391, %parallel_loop3A_392] {strides = array<i32>} : memref<128x128xf32, #tpu.memory_space<vmem>>, vector<1x16xf32>,
        %parallel_loop3A_394 = vector.shape_cast %parallel_loop3A_393 : vector<1x16xf32> to vector<16xf32>
        %parallel_loop3A_395 = arith.constant 11.3137083 : f32
        %parallel_loop3A_396 = vector.broadcast %parallel_loop3A_395 : f32 to vector<16xf32>
        %parallel_loop3A_397 = arith.mulf %parallel_loop3A_394, %parallel_loop3A_396 : vector<16xf32>
        %parallel_loop3A_398 = arith.index_cast %parallel_loop3A_354 : i32 to index
        %parallel_loop3A_399 = arith.constant 48 : index
        %parallel_loop3A_400 = tpu.vector_load %arg12[%parallel_loop3A_398, %parallel_loop3A_399] {strides = array<i32>} : memref<128x128xf32, #tpu.memory_space<vmem>>, vector<1x16xf32>,
        %parallel_loop3A_401 = vector.shape_cast %parallel_loop3A_400 : vector<1x16xf32> to vector<16xf32>
        %parallel_loop3A_402 = vector.shape_cast %parallel_loop3A_397 : vector<16xf32> to vector<1x16xf32>
        tpu.vector_store %arg12[%parallel_loop3A_398, %parallel_loop3A_399], %parallel_loop3A_402 {strides = array<i32>} : memref<128x128xf32, #tpu.memory_space<vmem>>, vector<1x16xf32>,
        %parallel_loop3A_403 = arith.index_cast %parallel_loop3A_354 : i32 to index
        %parallel_loop3A_404 = arith.constant 64 : index
        %parallel_loop3A_405 = tpu.vector_load %arg8[%parallel_loop3A_403, %parallel_loop3A_404] {strides = array<i32>} : memref<128x128xf32, #tpu.memory_space<vmem>>, vector<1x16xf32>,
        %parallel_loop3A_406 = vector.shape_cast %parallel_loop3A_405 : vector<1x16xf32> to vector<16xf32>
        %parallel_loop3A_407 = arith.constant 11.3137083 : f32
        %parallel_loop3A_408 = vector.broadcast %parallel_loop3A_407 : f32 to vector<16xf32>
        %parallel_loop3A_409 = arith.mulf %parallel_loop3A_406, %parallel_loop3A_408 : vector<16xf32>
        %parallel_loop3A_410 = arith.index_cast %parallel_loop3A_354 : i32 to index
        %parallel_loop3A_411 = arith.constant 64 : index
        %parallel_loop3A_412 = tpu.vector_load %arg12[%parallel_loop3A_410, %parallel_loop3A_411] {strides = array<i32>} : memref<128x128xf32, #tpu.memory_space<vmem>>, vector<1x16xf32>,
        %parallel_loop3A_413 = vector.shape_cast %parallel_loop3A_412 : vector<1x16xf32> to vector<16xf32>
        %parallel_loop3A_414 = vector.shape_cast %parallel_loop3A_409 : vector<16xf32> to vector<1x16xf32>
        tpu.vector_store %arg12[%parallel_loop3A_410, %parallel_loop3A_411], %parallel_loop3A_414 {strides = array<i32>} : memref<128x128xf32, #tpu.memory_space<vmem>>, vector<1x16xf32>,
        %parallel_loop3A_415 = arith.index_cast %parallel_loop3A_354 : i32 to index
        %parallel_loop3A_416 = arith.constant 80 : index
        %parallel_loop3A_417 = tpu.vector_load %arg8[%parallel_loop3A_415, %parallel_loop3A_416] {strides = array<i32>} : memref<128x128xf32, #tpu.memory_space<vmem>>, vector<1x16xf32>,
        %parallel_loop3A_418 = vector.shape_cast %parallel_loop3A_417 : vector<1x16xf32> to vector<16xf32>
        %parallel_loop3A_419 = arith.constant 11.3137083 : f32
        %parallel_loop3A_420 = vector.broadcast %parallel_loop3A_419 : f32 to vector<16xf32>
        %parallel_loop3A_421 = arith.mulf %parallel_loop3A_418, %parallel_loop3A_420 : vector<16xf32>
        %parallel_loop3A_422 = arith.index_cast %parallel_loop3A_354 : i32 to index
        %parallel_loop3A_423 = arith.constant 80 : index
        %parallel_loop3A_424 = tpu.vector_load %arg12[%parallel_loop3A_422, %parallel_loop3A_423] {strides = array<i32>} : memref<128x128xf32, #tpu.memory_space<vmem>>, vector<1x16xf32>,
        %parallel_loop3A_425 = vector.shape_cast %parallel_loop3A_424 : vector<1x16xf32> to vector<16xf32>
        %parallel_loop3A_426 = vector.shape_cast %parallel_loop3A_421 : vector<16xf32> to vector<1x16xf32>
        tpu.vector_store %arg12[%parallel_loop3A_422, %parallel_loop3A_423], %parallel_loop3A_426 {strides = array<i32>} : memref<128x128xf32, #tpu.memory_space<vmem>>, vector<1x16xf32>,
        %parallel_loop3A_427 = arith.index_cast %parallel_loop3A_354 : i32 to index
        %parallel_loop3A_428 = arith.constant 96 : index
        %parallel_loop3A_429 = tpu.vector_load %arg8[%parallel_loop3A_427, %parallel_loop3A_428] {strides = array<i32>} : memref<128x128xf32, #tpu.memory_space<vmem>>, vector<1x16xf32>,
        %parallel_loop3A_430 = vector.shape_cast %parallel_loop3A_429 : vector<1x16xf32> to vector<16xf32>
        %parallel_loop3A_431 = arith.constant 11.3137083 : f32
        %parallel_loop3A_432 = vector.broadcast %parallel_loop3A_431 : f32 to vector<16xf32>
        %parallel_loop3A_433 = arith.mulf %parallel_loop3A_430, %parallel_loop3A_432 : vector<16xf32>
        %parallel_loop3A_434 = arith.index_cast %parallel_loop3A_354 : i32 to index
        %parallel_loop3A_435 = arith.constant 96 : index
        %parallel_loop3A_436 = tpu.vector_load %arg12[%parallel_loop3A_434, %parallel_loop3A_435] {strides = array<i32>} : memref<128x128xf32, #tpu.memory_space<vmem>>, vector<1x16xf32>,
        %parallel_loop3A_437 = vector.shape_cast %parallel_loop3A_436 : vector<1x16xf32> to vector<16xf32>
        %parallel_loop3A_438 = vector.shape_cast %parallel_loop3A_433 : vector<16xf32> to vector<1x16xf32>
        tpu.vector_store %arg12[%parallel_loop3A_434, %parallel_loop3A_435], %parallel_loop3A_438 {strides = array<i32>} : memref<128x128xf32, #tpu.memory_space<vmem>>, vector<1x16xf32>,
        %parallel_loop3A_439 = arith.index_cast %parallel_loop3A_354 : i32 to index
        %parallel_loop3A_440 = arith.constant 112 : index
        %parallel_loop3A_441 = tpu.vector_load %arg8[%parallel_loop3A_439, %parallel_loop3A_440] {strides = array<i32>} : memref<128x128xf32, #tpu.memory_space<vmem>>, vector<1x16xf32>,
        %parallel_loop3A_442 = vector.shape_cast %parallel_loop3A_441 : vector<1x16xf32> to vector<16xf32>
        %parallel_loop3A_443 = arith.constant 11.3137083 : f32
        %parallel_loop3A_444 = vector.broadcast %parallel_loop3A_443 : f32 to vector<16xf32>
        %parallel_loop3A_445 = arith.mulf %parallel_loop3A_442, %parallel_loop3A_444 : vector<16xf32>
        %parallel_loop3A_446 = arith.index_cast %parallel_loop3A_354 : i32 to index
        %parallel_loop3A_447 = arith.constant 112 : index
        %parallel_loop3A_448 = tpu.vector_load %arg12[%parallel_loop3A_446, %parallel_loop3A_447] {strides = array<i32>} : memref<128x128xf32, #tpu.memory_space<vmem>>, vector<1x16xf32>,
        %parallel_loop3A_449 = vector.shape_cast %parallel_loop3A_448 : vector<1x16xf32> to vector<16xf32>
        %parallel_loop3A_450 = vector.shape_cast %parallel_loop3A_445 : vector<16xf32> to vector<1x16xf32>
        tpu.vector_store %arg12[%parallel_loop3A_446, %parallel_loop3A_447], %parallel_loop3A_450 {strides = array<i32>} : memref<128x128xf32, #tpu.memory_space<vmem>>, vector<1x16xf32>,
      } {sc.loop_unroll_factor = 2 : i64, sc.parallel_access}
      %dma_start3A_309 = arith.constant 0 : i32
      %dma_start3A_310 = tpu.memref_slice %arg4[%add3A_293, %mul3A_2, %dma_start3A_309] : memref<50x4096x128xf32, #tpu.memory_space<hbm>> -> memref<1x128x128xf32, #tpu.memory_space<hbm>>
      %dma_start3A_311 = tpu.memref_squeeze %dma_start3A_310 : memref<1x128x128xf32, #tpu.memory_space<hbm>> -> memref<128x128xf32, #tpu.memory_space<hbm>>
      %dma_start3A_312 = arith.constant 0 : i32
      %dma_start3A_313 = tpu.memref_slice %arg4[%add3A_293, %mul3A_2, %dma_start3A_312] : memref<50x4096x128xf32, #tpu.memory_space<hbm>> -> memref<1x128x128xf32, #tpu.memory_space<hbm>>
      %dma_start3A_314 = tpu.memref_squeeze %dma_start3A_313 : memref<1x128x128xf32, #tpu.memory_space<hbm>> -> memref<128x128xf32, #tpu.memory_space<hbm>>
      tpu.enqueue_dma source(%arg12 : memref<128x128xf32, #tpu.memory_space<vmem>>) target(%dma_start3A_314 : memref<128x128xf32, #tpu.memory_space<hbm>>) target_semaphore(%arg19 : memref<!tpu.dma_semaphore, #tpu.memory_space<semaphore_mem>>)
      %add3A_315 = arith.constant 4 : i32
      %add3A_316 = arith.addi %add3A_293, %add3A_315 : i32
      %lt3A_317 = arith.constant 50 : i32
      %lt3A_318 = arith.cmpi slt, %add3A_316, %lt3A_317 : i32
      %convert_element_type3A_319 = arith.extui %lt3A_318 : i1 to i32
      %cond3A_320 = arith.constant 0 : i32
      %cond3A_321 = arith.cmpi ne, %convert_element_type3A_319, %cond3A_320 : i32
      scf.if %cond3A_321 {
        %add3A_354 = arith.constant 4 : i32
        %add3A_355 = arith.addi %add3A_293, %add3A_354 : i32
        %dma_start3A_356 = arith.constant 0 : i32
        %dma_start3A_357 = tpu.memref_slice %arg5[%add3A_355, %dma_start3A_356] : memref<50x128xi32, #tpu.memory_space<vmem>> -> memref<1x128xi32, #tpu.memory_space<vmem>>
        %dma_start3A_358 = tpu.memref_squeeze %dma_start3A_357 : memref<1x128xi32, #tpu.memory_space<vmem>> -> memref<128xi32, #tpu.memory_space<vmem>>
        %dma_start3A_359 = arith.constant 0 : i32
        %dma_start3A_360 = arith.constant 0 : i32
        %dma_start3A_361 = tpu.memref_slice %arg3[%dma_start3A_359, %dma_start3A_360] : memref<100000x128xf32, #tpu.memory_space<hbm>> -> memref<100000x128xf32, #tpu.memory_space<hbm>>
        tpu.enqueue_indirect_dma source(%dma_start3A_361 : memref<100000x128xf32, #tpu.memory_space<hbm>>) target(%arg8 : memref<128x128xf32, #tpu.memory_space<vmem>>) offsets(%dma_start3A_358 : memref<128xi32, #tpu.memory_space<vmem>>) semaphore(%arg15 : memref<!tpu.dma_semaphore, #tpu.memory_space<semaphore_mem>>)
      } else {
      }
      %mul3A_322 = arith.constant 4 : i32
      %mul3A_323 = arith.muli %scan3A_225, %mul3A_322 : i32
      %add3A_324 = arith.constant 3 : i32
      %add3A_325 = arith.addi %mul3A_323, %add3A_324 : i32
      %dma_wait3A_326 = arith.constant 0 : i32
      %dma_wait3A_327 = tpu.memref_slice %arg4[%add3A_325, %mul3A_2, %dma_wait3A_326] : memref<50x4096x128xf32, #tpu.memory_space<hbm>> -> memref<1x128x128xf32, #tpu.memory_space<hbm>>
      %dma_wait3A_328 = tpu.memref_squeeze %dma_wait3A_327 : memref<1x128x128xf32, #tpu.memory_space<hbm>> -> memref<128x128xf32, #tpu.memory_space<hbm>>
      %dma_wait3A_329 = arith.constant 0 : i32
      %dma_wait3A_330 = tpu.memref_slice %arg4[%add3A_325, %mul3A_2, %dma_wait3A_329] : memref<50x4096x128xf32, #tpu.memory_space<hbm>> -> memref<1x128x128xf32, #tpu.memory_space<hbm>>
      %dma_wait3A_331 = tpu.memref_squeeze %dma_wait3A_330 : memref<1x128x128xf32, #tpu.memory_space<hbm>> -> memref<128x128xf32, #tpu.memory_space<hbm>>
      tpu.wait_dma2 semaphore(%arg17 : memref<!tpu.dma_semaphore, #tpu.memory_space<semaphore_mem>>) src(%arg10 : memref<128x128xf32, #tpu.memory_space<vmem>>) dst(%dma_wait3A_331 : memref<128x128xf32, #tpu.memory_space<hbm>>)
      %dma_wait3A_332 = arith.constant 0 : i32
      %dma_wait3A_333 = tpu.memref_slice %arg5[%add3A_325, %dma_wait3A_332] : memref<50x128xi32, #tpu.memory_space<vmem>> -> memref<1x128xi32, #tpu.memory_space<vmem>>
      %dma_wait3A_334 = tpu.memref_squeeze %dma_wait3A_333 : memref<1x128xi32, #tpu.memory_space<vmem>> -> memref<128xi32, #tpu.memory_space<vmem>>
      %dma_wait3A_335 = arith.constant 0 : i32
      %dma_wait3A_336 = arith.constant 0 : i32
      %dma_wait3A_337 = tpu.memref_slice %arg3[%dma_wait3A_335, %dma_wait3A_336] : memref<100000x128xf32, #tpu.memory_space<hbm>> -> memref<100000x128xf32, #tpu.memory_space<hbm>>
      tpu.wait_indirect_dma semaphore(%arg16 : memref<!tpu.dma_semaphore, #tpu.memory_space<semaphore_mem>>) src(%dma_wait3A_337 : memref<100000x128xf32, #tpu.memory_space<hbm>>) dst(%arg9 : memref<128x128xf32, #tpu.memory_space<vmem>>)
      %parallel_loop3A_338 = arith.constant 0 : i32
      %parallel_loop3A_339 = arith.constant 128 : i32
      %parallel_loop3A_340 = arith.constant 1 : i32
      scf.for %parallel_loop3A_354 = %parallel_loop3A_338 to %parallel_loop3A_339 step %parallel_loop3A_340  : i32 {
        %parallel_loop3A_355 = arith.index_cast %parallel_loop3A_354 : i32 to index
        %parallel_loop3A_356 = arith.constant 0 : index
        %parallel_loop3A_357 = tpu.vector_load %arg9[%parallel_loop3A_355, %parallel_loop3A_356] {strides = array<i32>} : memref<128x128xf32, #tpu.memory_space<vmem>>, vector<1x16xf32>,
        %parallel_loop3A_358 = vector.shape_cast %parallel_loop3A_357 : vector<1x16xf32> to vector<16xf32>
        %parallel_loop3A_359 = arith.constant 11.3137083 : f32
        %parallel_loop3A_360 = vector.broadcast %parallel_loop3A_359 : f32 to vector<16xf32>
        %parallel_loop3A_361 = arith.mulf %parallel_loop3A_358, %parallel_loop3A_360 : vector<16xf32>
        %parallel_loop3A_362 = arith.index_cast %parallel_loop3A_354 : i32 to index
        %parallel_loop3A_363 = arith.constant 0 : index
        %parallel_loop3A_364 = tpu.vector_load %arg10[%parallel_loop3A_362, %parallel_loop3A_363] {strides = array<i32>} : memref<128x128xf32, #tpu.memory_space<vmem>>, vector<1x16xf32>,
        %parallel_loop3A_365 = vector.shape_cast %parallel_loop3A_364 : vector<1x16xf32> to vector<16xf32>
        %parallel_loop3A_366 = vector.shape_cast %parallel_loop3A_361 : vector<16xf32> to vector<1x16xf32>
        tpu.vector_store %arg10[%parallel_loop3A_362, %parallel_loop3A_363], %parallel_loop3A_366 {strides = array<i32>} : memref<128x128xf32, #tpu.memory_space<vmem>>, vector<1x16xf32>,
        %parallel_loop3A_367 = arith.index_cast %parallel_loop3A_354 : i32 to index
        %parallel_loop3A_368 = arith.constant 16 : index
        %parallel_loop3A_369 = tpu.vector_load %arg9[%parallel_loop3A_367, %parallel_loop3A_368] {strides = array<i32>} : memref<128x128xf32, #tpu.memory_space<vmem>>, vector<1x16xf32>,
        %parallel_loop3A_370 = vector.shape_cast %parallel_loop3A_369 : vector<1x16xf32> to vector<16xf32>
        %parallel_loop3A_371 = arith.constant 11.3137083 : f32
        %parallel_loop3A_372 = vector.broadcast %parallel_loop3A_371 : f32 to vector<16xf32>
        %parallel_loop3A_373 = arith.mulf %parallel_loop3A_370, %parallel_loop3A_372 : vector<16xf32>
        %parallel_loop3A_374 = arith.index_cast %parallel_loop3A_354 : i32 to index
        %parallel_loop3A_375 = arith.constant 16 : index
        %parallel_loop3A_376 = tpu.vector_load %arg10[%parallel_loop3A_374, %parallel_loop3A_375] {strides = array<i32>} : memref<128x128xf32, #tpu.memory_space<vmem>>, vector<1x16xf32>,
        %parallel_loop3A_377 = vector.shape_cast %parallel_loop3A_376 : vector<1x16xf32> to vector<16xf32>
        %parallel_loop3A_378 = vector.shape_cast %parallel_loop3A_373 : vector<16xf32> to vector<1x16xf32>
        tpu.vector_store %arg10[%parallel_loop3A_374, %parallel_loop3A_375], %parallel_loop3A_378 {strides = array<i32>} : memref<128x128xf32, #tpu.memory_space<vmem>>, vector<1x16xf32>,
        %parallel_loop3A_379 = arith.index_cast %parallel_loop3A_354 : i32 to index
        %parallel_loop3A_380 = arith.constant 32 : index
        %parallel_loop3A_381 = tpu.vector_load %arg9[%parallel_loop3A_379, %parallel_loop3A_380] {strides = array<i32>} : memref<128x128xf32, #tpu.memory_space<vmem>>, vector<1x16xf32>,
        %parallel_loop3A_382 = vector.shape_cast %parallel_loop3A_381 : vector<1x16xf32> to vector<16xf32>
        %parallel_loop3A_383 = arith.constant 11.3137083 : f32
        %parallel_loop3A_384 = vector.broadcast %parallel_loop3A_383 : f32 to vector<16xf32>
        %parallel_loop3A_385 = arith.mulf %parallel_loop3A_382, %parallel_loop3A_384 : vector<16xf32>
        %parallel_loop3A_386 = arith.index_cast %parallel_loop3A_354 : i32 to index
        %parallel_loop3A_387 = arith.constant 32 : index
        %parallel_loop3A_388 = tpu.vector_load %arg10[%parallel_loop3A_386, %parallel_loop3A_387] {strides = array<i32>} : memref<128x128xf32, #tpu.memory_space<vmem>>, vector<1x16xf32>,
        %parallel_loop3A_389 = vector.shape_cast %parallel_loop3A_388 : vector<1x16xf32> to vector<16xf32>
        %parallel_loop3A_390 = vector.shape_cast %parallel_loop3A_385 : vector<16xf32> to vector<1x16xf32>
        tpu.vector_store %arg10[%parallel_loop3A_386, %parallel_loop3A_387], %parallel_loop3A_390 {strides = array<i32>} : memref<128x128xf32, #tpu.memory_space<vmem>>, vector<1x16xf32>,
        %parallel_loop3A_391 = arith.index_cast %parallel_loop3A_354 : i32 to index
        %parallel_loop3A_392 = arith.constant 48 : index
        %parallel_loop3A_393 = tpu.vector_load %arg9[%parallel_loop3A_391, %parallel_loop3A_392] {strides = array<i32>} : memref<128x128xf32, #tpu.memory_space<vmem>>, vector<1x16xf32>,
        %parallel_loop3A_394 = vector.shape_cast %parallel_loop3A_393 : vector<1x16xf32> to vector<16xf32>
        %parallel_loop3A_395 = arith.constant 11.3137083 : f32
        %parallel_loop3A_396 = vector.broadcast %parallel_loop3A_395 : f32 to vector<16xf32>
        %parallel_loop3A_397 = arith.mulf %parallel_loop3A_394, %parallel_loop3A_396 : vector<16xf32>
        %parallel_loop3A_398 = arith.index_cast %parallel_loop3A_354 : i32 to index
        %parallel_loop3A_399 = arith.constant 48 : index
        %parallel_loop3A_400 = tpu.vector_load %arg10[%parallel_loop3A_398, %parallel_loop3A_399] {strides = array<i32>} : memref<128x128xf32, #tpu.memory_space<vmem>>, vector<1x16xf32>,
        %parallel_loop3A_401 = vector.shape_cast %parallel_loop3A_400 : vector<1x16xf32> to vector<16xf32>
        %parallel_loop3A_402 = vector.shape_cast %parallel_loop3A_397 : vector<16xf32> to vector<1x16xf32>
        tpu.vector_store %arg10[%parallel_loop3A_398, %parallel_loop3A_399], %parallel_loop3A_402 {strides = array<i32>} : memref<128x128xf32, #tpu.memory_space<vmem>>, vector<1x16xf32>,
        %parallel_loop3A_403 = arith.index_cast %parallel_loop3A_354 : i32 to index
        %parallel_loop3A_404 = arith.constant 64 : index
        %parallel_loop3A_405 = tpu.vector_load %arg9[%parallel_loop3A_403, %parallel_loop3A_404] {strides = array<i32>} : memref<128x128xf32, #tpu.memory_space<vmem>>, vector<1x16xf32>,
        %parallel_loop3A_406 = vector.shape_cast %parallel_loop3A_405 : vector<1x16xf32> to vector<16xf32>
        %parallel_loop3A_407 = arith.constant 11.3137083 : f32
        %parallel_loop3A_408 = vector.broadcast %parallel_loop3A_407 : f32 to vector<16xf32>
        %parallel_loop3A_409 = arith.mulf %parallel_loop3A_406, %parallel_loop3A_408 : vector<16xf32>
        %parallel_loop3A_410 = arith.index_cast %parallel_loop3A_354 : i32 to index
        %parallel_loop3A_411 = arith.constant 64 : index
        %parallel_loop3A_412 = tpu.vector_load %arg10[%parallel_loop3A_410, %parallel_loop3A_411] {strides = array<i32>} : memref<128x128xf32, #tpu.memory_space<vmem>>, vector<1x16xf32>,
        %parallel_loop3A_413 = vector.shape_cast %parallel_loop3A_412 : vector<1x16xf32> to vector<16xf32>
        %parallel_loop3A_414 = vector.shape_cast %parallel_loop3A_409 : vector<16xf32> to vector<1x16xf32>
        tpu.vector_store %arg10[%parallel_loop3A_410, %parallel_loop3A_411], %parallel_loop3A_414 {strides = array<i32>} : memref<128x128xf32, #tpu.memory_space<vmem>>, vector<1x16xf32>,
        %parallel_loop3A_415 = arith.index_cast %parallel_loop3A_354 : i32 to index
        %parallel_loop3A_416 = arith.constant 80 : index
        %parallel_loop3A_417 = tpu.vector_load %arg9[%parallel_loop3A_415, %parallel_loop3A_416] {strides = array<i32>} : memref<128x128xf32, #tpu.memory_space<vmem>>, vector<1x16xf32>,
        %parallel_loop3A_418 = vector.shape_cast %parallel_loop3A_417 : vector<1x16xf32> to vector<16xf32>
        %parallel_loop3A_419 = arith.constant 11.3137083 : f32
        %parallel_loop3A_420 = vector.broadcast %parallel_loop3A_419 : f32 to vector<16xf32>
        %parallel_loop3A_421 = arith.mulf %parallel_loop3A_418, %parallel_loop3A_420 : vector<16xf32>
        %parallel_loop3A_422 = arith.index_cast %parallel_loop3A_354 : i32 to index
        %parallel_loop3A_423 = arith.constant 80 : index
        %parallel_loop3A_424 = tpu.vector_load %arg10[%parallel_loop3A_422, %parallel_loop3A_423] {strides = array<i32>} : memref<128x128xf32, #tpu.memory_space<vmem>>, vector<1x16xf32>,
        %parallel_loop3A_425 = vector.shape_cast %parallel_loop3A_424 : vector<1x16xf32> to vector<16xf32>
        %parallel_loop3A_426 = vector.shape_cast %parallel_loop3A_421 : vector<16xf32> to vector<1x16xf32>
        tpu.vector_store %arg10[%parallel_loop3A_422, %parallel_loop3A_423], %parallel_loop3A_426 {strides = array<i32>} : memref<128x128xf32, #tpu.memory_space<vmem>>, vector<1x16xf32>,
        %parallel_loop3A_427 = arith.index_cast %parallel_loop3A_354 : i32 to index
        %parallel_loop3A_428 = arith.constant 96 : index
        %parallel_loop3A_429 = tpu.vector_load %arg9[%parallel_loop3A_427, %parallel_loop3A_428] {strides = array<i32>} : memref<128x128xf32, #tpu.memory_space<vmem>>, vector<1x16xf32>,
        %parallel_loop3A_430 = vector.shape_cast %parallel_loop3A_429 : vector<1x16xf32> to vector<16xf32>
        %parallel_loop3A_431 = arith.constant 11.3137083 : f32
        %parallel_loop3A_432 = vector.broadcast %parallel_loop3A_431 : f32 to vector<16xf32>
        %parallel_loop3A_433 = arith.mulf %parallel_loop3A_430, %parallel_loop3A_432 : vector<16xf32>
        %parallel_loop3A_434 = arith.index_cast %parallel_loop3A_354 : i32 to index
        %parallel_loop3A_435 = arith.constant 96 : index
        %parallel_loop3A_436 = tpu.vector_load %arg10[%parallel_loop3A_434, %parallel_loop3A_435] {strides = array<i32>} : memref<128x128xf32, #tpu.memory_space<vmem>>, vector<1x16xf32>,
        %parallel_loop3A_437 = vector.shape_cast %parallel_loop3A_436 : vector<1x16xf32> to vector<16xf32>
        %parallel_loop3A_438 = vector.shape_cast %parallel_loop3A_433 : vector<16xf32> to vector<1x16xf32>
        tpu.vector_store %arg10[%parallel_loop3A_434, %parallel_loop3A_435], %parallel_loop3A_438 {strides = array<i32>} : memref<128x128xf32, #tpu.memory_space<vmem>>, vector<1x16xf32>,
        %parallel_loop3A_439 = arith.index_cast %parallel_loop3A_354 : i32 to index
        %parallel_loop3A_440 = arith.constant 112 : index
        %parallel_loop3A_441 = tpu.vector_load %arg9[%parallel_loop3A_439, %parallel_loop3A_440] {strides = array<i32>} : memref<128x128xf32, #tpu.memory_space<vmem>>, vector<1x16xf32>,
        %parallel_loop3A_442 = vector.shape_cast %parallel_loop3A_441 : vector<1x16xf32> to vector<16xf32>
        %parallel_loop3A_443 = arith.constant 11.3137083 : f32
        %parallel_loop3A_444 = vector.broadcast %parallel_loop3A_443 : f32 to vector<16xf32>
        %parallel_loop3A_445 = arith.mulf %parallel_loop3A_442, %parallel_loop3A_444 : vector<16xf32>
        %parallel_loop3A_446 = arith.index_cast %parallel_loop3A_354 : i32 to index
        %parallel_loop3A_447 = arith.constant 112 : index
        %parallel_loop3A_448 = tpu.vector_load %arg10[%parallel_loop3A_446, %parallel_loop3A_447] {strides = array<i32>} : memref<128x128xf32, #tpu.memory_space<vmem>>, vector<1x16xf32>,
        %parallel_loop3A_449 = vector.shape_cast %parallel_loop3A_448 : vector<1x16xf32> to vector<16xf32>
        %parallel_loop3A_450 = vector.shape_cast %parallel_loop3A_445 : vector<16xf32> to vector<1x16xf32>
        tpu.vector_store %arg10[%parallel_loop3A_446, %parallel_loop3A_447], %parallel_loop3A_450 {strides = array<i32>} : memref<128x128xf32, #tpu.memory_space<vmem>>, vector<1x16xf32>,
      } {sc.loop_unroll_factor = 2 : i64, sc.parallel_access}
      %dma_start3A_341 = arith.constant 0 : i32
      %dma_start3A_342 = tpu.memref_slice %arg4[%add3A_325, %mul3A_2, %dma_start3A_341] : memref<50x4096x128xf32, #tpu.memory_space<hbm>> -> memref<1x128x128xf32, #tpu.memory_space<hbm>>
      %dma_start3A_343 = tpu.memref_squeeze %dma_start3A_342 : memref<1x128x128xf32, #tpu.memory_space<hbm>> -> memref<128x128xf32, #tpu.memory_space<hbm>>
      %dma_start3A_344 = arith.constant 0 : i32
      %dma_start3A_345 = tpu.memref_slice %arg4[%add3A_325, %mul3A_2, %dma_start3A_344] : memref<50x4096x128xf32, #tpu.memory_space<hbm>> -> memref<1x128x128xf32, #tpu.memory_space<hbm>>
      %dma_start3A_346 = tpu.memref_squeeze %dma_start3A_345 : memref<1x128x128xf32, #tpu.memory_space<hbm>> -> memref<128x128xf32, #tpu.memory_space<hbm>>
      tpu.enqueue_dma source(%arg10 : memref<128x128xf32, #tpu.memory_space<vmem>>) target(%dma_start3A_346 : memref<128x128xf32, #tpu.memory_space<hbm>>) target_semaphore(%arg17 : memref<!tpu.dma_semaphore, #tpu.memory_space<semaphore_mem>>)
      %add3A_347 = arith.constant 4 : i32
      %add3A_348 = arith.addi %add3A_325, %add3A_347 : i32
      %lt3A_349 = arith.constant 50 : i32
      %lt3A_350 = arith.cmpi slt, %add3A_348, %lt3A_349 : i32
      %convert_element_type3A_351 = arith.extui %lt3A_350 : i1 to i32
      %cond3A_352 = arith.constant 0 : i32
      %cond3A_353 = arith.cmpi ne, %convert_element_type3A_351, %cond3A_352 : i32
      scf.if %cond3A_353 {
        %add3A_354 = arith.constant 4 : i32
        %add3A_355 = arith.addi %add3A_325, %add3A_354 : i32
        %dma_start3A_356 = arith.constant 0 : i32
        %dma_start3A_357 = tpu.memref_slice %arg5[%add3A_355, %dma_start3A_356] : memref<50x128xi32, #tpu.memory_space<vmem>> -> memref<1x128xi32, #tpu.memory_space<vmem>>
        %dma_start3A_358 = tpu.memref_squeeze %dma_start3A_357 : memref<1x128xi32, #tpu.memory_space<vmem>> -> memref<128xi32, #tpu.memory_space<vmem>>
        %dma_start3A_359 = arith.constant 0 : i32
        %dma_start3A_360 = arith.constant 0 : i32
        %dma_start3A_361 = tpu.memref_slice %arg3[%dma_start3A_359, %dma_start3A_360] : memref<100000x128xf32, #tpu.memory_space<hbm>> -> memref<100000x128xf32, #tpu.memory_space<hbm>>
        tpu.enqueue_indirect_dma source(%dma_start3A_361 : memref<100000x128xf32, #tpu.memory_space<hbm>>) target(%arg9 : memref<128x128xf32, #tpu.memory_space<vmem>>) offsets(%dma_start3A_358 : memref<128xi32, #tpu.memory_space<vmem>>) semaphore(%arg16 : memref<!tpu.dma_semaphore, #tpu.memory_space<semaphore_mem>>)
      } else {
      }
    }
    %scan3A_155 = arith.constant 11 : i32
    %dma_wait3A_156 = arith.constant 48 : i32
    %dma_wait3A_157 = arith.constant 0 : i32
    %dma_wait3A_158 = tpu.memref_slice %arg4[%dma_wait3A_156, %mul3A_2, %dma_wait3A_157] : memref<50x4096x128xf32, #tpu.memory_space<hbm>> -> memref<1x128x128xf32, #tpu.memory_space<hbm>>
    %dma_wait3A_159 = tpu.memref_squeeze %dma_wait3A_158 : memref<1x128x128xf32, #tpu.memory_space<hbm>> -> memref<128x128xf32, #tpu.memory_space<hbm>>
    %dma_wait3A_160 = arith.constant 0 : i32
    %dma_wait3A_161 = tpu.memref_slice %arg4[%dma_wait3A_156, %mul3A_2, %dma_wait3A_160] : memref<50x4096x128xf32, #tpu.memory_space<hbm>> -> memref<1x128x128xf32, #tpu.memory_space<hbm>>
    %dma_wait3A_162 = tpu.memref_squeeze %dma_wait3A_161 : memref<1x128x128xf32, #tpu.memory_space<hbm>> -> memref<128x128xf32, #tpu.memory_space<hbm>>
    tpu.wait_dma2 semaphore(%arg17 : memref<!tpu.dma_semaphore, #tpu.memory_space<semaphore_mem>>) src(%arg10 : memref<128x128xf32, #tpu.memory_space<vmem>>) dst(%dma_wait3A_162 : memref<128x128xf32, #tpu.memory_space<hbm>>)
    %dma_wait3A_163 = arith.constant 48 : i32
    %dma_wait3A_164 = arith.constant 0 : i32
    %dma_wait3A_165 = tpu.memref_slice %arg5[%dma_wait3A_163, %dma_wait3A_164] : memref<50x128xi32, #tpu.memory_space<vmem>> -> memref<1x128xi32, #tpu.memory_space<vmem>>
    %dma_wait3A_166 = tpu.memref_squeeze %dma_wait3A_165 : memref<1x128xi32, #tpu.memory_space<vmem>> -> memref<128xi32, #tpu.memory_space<vmem>>
    %dma_wait3A_167 = arith.constant 0 : i32
    %dma_wait3A_168 = arith.constant 0 : i32
    %dma_wait3A_169 = tpu.memref_slice %arg3[%dma_wait3A_167, %dma_wait3A_168] : memref<100000x128xf32, #tpu.memory_space<hbm>> -> memref<100000x128xf32, #tpu.memory_space<hbm>>
    tpu.wait_indirect_dma semaphore(%arg13 : memref<!tpu.dma_semaphore, #tpu.memory_space<semaphore_mem>>) src(%dma_wait3A_169 : memref<100000x128xf32, #tpu.memory_space<hbm>>) dst(%arg6 : memref<128x128xf32, #tpu.memory_space<vmem>>)
    %parallel_loop3A_170 = arith.constant 0 : i32
    %parallel_loop3A_171 = arith.constant 128 : i32
    %parallel_loop3A_172 = arith.constant 1 : i32
    scf.for %parallel_loop3A_225 = %parallel_loop3A_170 to %parallel_loop3A_171 step %parallel_loop3A_172  : i32 {
      %parallel_loop3A_226 = arith.index_cast %parallel_loop3A_225 : i32 to index
      %parallel_loop3A_227 = arith.constant 0 : index
      %parallel_loop3A_228 = tpu.vector_load %arg6[%parallel_loop3A_226, %parallel_loop3A_227] {strides = array<i32>} : memref<128x128xf32, #tpu.memory_space<vmem>>, vector<1x16xf32>,
      %parallel_loop3A_229 = vector.shape_cast %parallel_loop3A_228 : vector<1x16xf32> to vector<16xf32>
      %parallel_loop3A_230 = arith.constant 11.3137083 : f32
      %parallel_loop3A_231 = vector.broadcast %parallel_loop3A_230 : f32 to vector<16xf32>
      %parallel_loop3A_232 = arith.mulf %parallel_loop3A_229, %parallel_loop3A_231 : vector<16xf32>
      %parallel_loop3A_233 = arith.index_cast %parallel_loop3A_225 : i32 to index
      %parallel_loop3A_234 = arith.constant 0 : index
      %parallel_loop3A_235 = tpu.vector_load %arg10[%parallel_loop3A_233, %parallel_loop3A_234] {strides = array<i32>} : memref<128x128xf32, #tpu.memory_space<vmem>>, vector<1x16xf32>,
      %parallel_loop3A_236 = vector.shape_cast %parallel_loop3A_235 : vector<1x16xf32> to vector<16xf32>
      %parallel_loop3A_237 = vector.shape_cast %parallel_loop3A_232 : vector<16xf32> to vector<1x16xf32>
      tpu.vector_store %arg10[%parallel_loop3A_233, %parallel_loop3A_234], %parallel_loop3A_237 {strides = array<i32>} : memref<128x128xf32, #tpu.memory_space<vmem>>, vector<1x16xf32>,
      %parallel_loop3A_238 = arith.index_cast %parallel_loop3A_225 : i32 to index
      %parallel_loop3A_239 = arith.constant 16 : index
      %parallel_loop3A_240 = tpu.vector_load %arg6[%parallel_loop3A_238, %parallel_loop3A_239] {strides = array<i32>} : memref<128x128xf32, #tpu.memory_space<vmem>>, vector<1x16xf32>,
      %parallel_loop3A_241 = vector.shape_cast %parallel_loop3A_240 : vector<1x16xf32> to vector<16xf32>
      %parallel_loop3A_242 = arith.constant 11.3137083 : f32
      %parallel_loop3A_243 = vector.broadcast %parallel_loop3A_242 : f32 to vector<16xf32>
      %parallel_loop3A_244 = arith.mulf %parallel_loop3A_241, %parallel_loop3A_243 : vector<16xf32>
      %parallel_loop3A_245 = arith.index_cast %parallel_loop3A_225 : i32 to index
      %parallel_loop3A_246 = arith.constant 16 : index
      %parallel_loop3A_247 = tpu.vector_load %arg10[%parallel_loop3A_245, %parallel_loop3A_246] {strides = array<i32>} : memref<128x128xf32, #tpu.memory_space<vmem>>, vector<1x16xf32>,
      %parallel_loop3A_248 = vector.shape_cast %parallel_loop3A_247 : vector<1x16xf32> to vector<16xf32>
      %parallel_loop3A_249 = vector.shape_cast %parallel_loop3A_244 : vector<16xf32> to vector<1x16xf32>
      tpu.vector_store %arg10[%parallel_loop3A_245, %parallel_loop3A_246], %parallel_loop3A_249 {strides = array<i32>} : memref<128x128xf32, #tpu.memory_space<vmem>>, vector<1x16xf32>,
      %parallel_loop3A_250 = arith.index_cast %parallel_loop3A_225 : i32 to index
      %parallel_loop3A_251 = arith.constant 32 : index
      %parallel_loop3A_252 = tpu.vector_load %arg6[%parallel_loop3A_250, %parallel_loop3A_251] {strides = array<i32>} : memref<128x128xf32, #tpu.memory_space<vmem>>, vector<1x16xf32>,
      %parallel_loop3A_253 = vector.shape_cast %parallel_loop3A_252 : vector<1x16xf32> to vector<16xf32>
      %parallel_loop3A_254 = arith.constant 11.3137083 : f32
      %parallel_loop3A_255 = vector.broadcast %parallel_loop3A_254 : f32 to vector<16xf32>
      %parallel_loop3A_256 = arith.mulf %parallel_loop3A_253, %parallel_loop3A_255 : vector<16xf32>
      %parallel_loop3A_257 = arith.index_cast %parallel_loop3A_225 : i32 to index
      %parallel_loop3A_258 = arith.constant 32 : index
      %parallel_loop3A_259 = tpu.vector_load %arg10[%parallel_loop3A_257, %parallel_loop3A_258] {strides = array<i32>} : memref<128x128xf32, #tpu.memory_space<vmem>>, vector<1x16xf32>,
      %parallel_loop3A_260 = vector.shape_cast %parallel_loop3A_259 : vector<1x16xf32> to vector<16xf32>
      %parallel_loop3A_261 = vector.shape_cast %parallel_loop3A_256 : vector<16xf32> to vector<1x16xf32>
      tpu.vector_store %arg10[%parallel_loop3A_257, %parallel_loop3A_258], %parallel_loop3A_261 {strides = array<i32>} : memref<128x128xf32, #tpu.memory_space<vmem>>, vector<1x16xf32>,
      %parallel_loop3A_262 = arith.index_cast %parallel_loop3A_225 : i32 to index
      %parallel_loop3A_263 = arith.constant 48 : index
      %parallel_loop3A_264 = tpu.vector_load %arg6[%parallel_loop3A_262, %parallel_loop3A_263] {strides = array<i32>} : memref<128x128xf32, #tpu.memory_space<vmem>>, vector<1x16xf32>,
      %parallel_loop3A_265 = vector.shape_cast %parallel_loop3A_264 : vector<1x16xf32> to vector<16xf32>
      %parallel_loop3A_266 = arith.constant 11.3137083 : f32
      %parallel_loop3A_267 = vector.broadcast %parallel_loop3A_266 : f32 to vector<16xf32>
      %parallel_loop3A_268 = arith.mulf %parallel_loop3A_265, %parallel_loop3A_267 : vector<16xf32>
      %parallel_loop3A_269 = arith.index_cast %parallel_loop3A_225 : i32 to index
      %parallel_loop3A_270 = arith.constant 48 : index
      %parallel_loop3A_271 = tpu.vector_load %arg10[%parallel_loop3A_269, %parallel_loop3A_270] {strides = array<i32>} : memref<128x128xf32, #tpu.memory_space<vmem>>, vector<1x16xf32>,
      %parallel_loop3A_272 = vector.shape_cast %parallel_loop3A_271 : vector<1x16xf32> to vector<16xf32>
      %parallel_loop3A_273 = vector.shape_cast %parallel_loop3A_268 : vector<16xf32> to vector<1x16xf32>
      tpu.vector_store %arg10[%parallel_loop3A_269, %parallel_loop3A_270], %parallel_loop3A_273 {strides = array<i32>} : memref<128x128xf32, #tpu.memory_space<vmem>>, vector<1x16xf32>,
      %parallel_loop3A_274 = arith.index_cast %parallel_loop3A_225 : i32 to index
      %parallel_loop3A_275 = arith.constant 64 : index
      %parallel_loop3A_276 = tpu.vector_load %arg6[%parallel_loop3A_274, %parallel_loop3A_275] {strides = array<i32>} : memref<128x128xf32, #tpu.memory_space<vmem>>, vector<1x16xf32>,
      %parallel_loop3A_277 = vector.shape_cast %parallel_loop3A_276 : vector<1x16xf32> to vector<16xf32>
      %parallel_loop3A_278 = arith.constant 11.3137083 : f32
      %parallel_loop3A_279 = vector.broadcast %parallel_loop3A_278 : f32 to vector<16xf32>
      %parallel_loop3A_280 = arith.mulf %parallel_loop3A_277, %parallel_loop3A_279 : vector<16xf32>
      %parallel_loop3A_281 = arith.index_cast %parallel_loop3A_225 : i32 to index
      %parallel_loop3A_282 = arith.constant 64 : index
      %parallel_loop3A_283 = tpu.vector_load %arg10[%parallel_loop3A_281, %parallel_loop3A_282] {strides = array<i32>} : memref<128x128xf32, #tpu.memory_space<vmem>>, vector<1x16xf32>,
      %parallel_loop3A_284 = vector.shape_cast %parallel_loop3A_283 : vector<1x16xf32> to vector<16xf32>
      %parallel_loop3A_285 = vector.shape_cast %parallel_loop3A_280 : vector<16xf32> to vector<1x16xf32>
      tpu.vector_store %arg10[%parallel_loop3A_281, %parallel_loop3A_282], %parallel_loop3A_285 {strides = array<i32>} : memref<128x128xf32, #tpu.memory_space<vmem>>, vector<1x16xf32>,
      %parallel_loop3A_286 = arith.index_cast %parallel_loop3A_225 : i32 to index
      %parallel_loop3A_287 = arith.constant 80 : index
      %parallel_loop3A_288 = tpu.vector_load %arg6[%parallel_loop3A_286, %parallel_loop3A_287] {strides = array<i32>} : memref<128x128xf32, #tpu.memory_space<vmem>>, vector<1x16xf32>,
      %parallel_loop3A_289 = vector.shape_cast %parallel_loop3A_288 : vector<1x16xf32> to vector<16xf32>
      %parallel_loop3A_290 = arith.constant 11.3137083 : f32
      %parallel_loop3A_291 = vector.broadcast %parallel_loop3A_290 : f32 to vector<16xf32>
      %parallel_loop3A_292 = arith.mulf %parallel_loop3A_289, %parallel_loop3A_291 : vector<16xf32>
      %parallel_loop3A_293 = arith.index_cast %parallel_loop3A_225 : i32 to index
      %parallel_loop3A_294 = arith.constant 80 : index
      %parallel_loop3A_295 = tpu.vector_load %arg10[%parallel_loop3A_293, %parallel_loop3A_294] {strides = array<i32>} : memref<128x128xf32, #tpu.memory_space<vmem>>, vector<1x16xf32>,
      %parallel_loop3A_296 = vector.shape_cast %parallel_loop3A_295 : vector<1x16xf32> to vector<16xf32>
      %parallel_loop3A_297 = vector.shape_cast %parallel_loop3A_292 : vector<16xf32> to vector<1x16xf32>
      tpu.vector_store %arg10[%parallel_loop3A_293, %parallel_loop3A_294], %parallel_loop3A_297 {strides = array<i32>} : memref<128x128xf32, #tpu.memory_space<vmem>>, vector<1x16xf32>,
      %parallel_loop3A_298 = arith.index_cast %parallel_loop3A_225 : i32 to index
      %parallel_loop3A_299 = arith.constant 96 : index
      %parallel_loop3A_300 = tpu.vector_load %arg6[%parallel_loop3A_298, %parallel_loop3A_299] {strides = array<i32>} : memref<128x128xf32, #tpu.memory_space<vmem>>, vector<1x16xf32>,
      %parallel_loop3A_301 = vector.shape_cast %parallel_loop3A_300 : vector<1x16xf32> to vector<16xf32>
      %parallel_loop3A_302 = arith.constant 11.3137083 : f32
      %parallel_loop3A_303 = vector.broadcast %parallel_loop3A_302 : f32 to vector<16xf32>
      %parallel_loop3A_304 = arith.mulf %parallel_loop3A_301, %parallel_loop3A_303 : vector<16xf32>
      %parallel_loop3A_305 = arith.index_cast %parallel_loop3A_225 : i32 to index
      %parallel_loop3A_306 = arith.constant 96 : index
      %parallel_loop3A_307 = tpu.vector_load %arg10[%parallel_loop3A_305, %parallel_loop3A_306] {strides = array<i32>} : memref<128x128xf32, #tpu.memory_space<vmem>>, vector<1x16xf32>,
      %parallel_loop3A_308 = vector.shape_cast %parallel_loop3A_307 : vector<1x16xf32> to vector<16xf32>
      %parallel_loop3A_309 = vector.shape_cast %parallel_loop3A_304 : vector<16xf32> to vector<1x16xf32>
      tpu.vector_store %arg10[%parallel_loop3A_305, %parallel_loop3A_306], %parallel_loop3A_309 {strides = array<i32>} : memref<128x128xf32, #tpu.memory_space<vmem>>, vector<1x16xf32>,
      %parallel_loop3A_310 = arith.index_cast %parallel_loop3A_225 : i32 to index
      %parallel_loop3A_311 = arith.constant 112 : index
      %parallel_loop3A_312 = tpu.vector_load %arg6[%parallel_loop3A_310, %parallel_loop3A_311] {strides = array<i32>} : memref<128x128xf32, #tpu.memory_space<vmem>>, vector<1x16xf32>,
      %parallel_loop3A_313 = vector.shape_cast %parallel_loop3A_312 : vector<1x16xf32> to vector<16xf32>
      %parallel_loop3A_314 = arith.constant 11.3137083 : f32
      %parallel_loop3A_315 = vector.broadcast %parallel_loop3A_314 : f32 to vector<16xf32>
      %parallel_loop3A_316 = arith.mulf %parallel_loop3A_313, %parallel_loop3A_315 : vector<16xf32>
      %parallel_loop3A_317 = arith.index_cast %parallel_loop3A_225 : i32 to index
      %parallel_loop3A_318 = arith.constant 112 : index
      %parallel_loop3A_319 = tpu.vector_load %arg10[%parallel_loop3A_317, %parallel_loop3A_318] {strides = array<i32>} : memref<128x128xf32, #tpu.memory_space<vmem>>, vector<1x16xf32>,
      %parallel_loop3A_320 = vector.shape_cast %parallel_loop3A_319 : vector<1x16xf32> to vector<16xf32>
      %parallel_loop3A_321 = vector.shape_cast %parallel_loop3A_316 : vector<16xf32> to vector<1x16xf32>
      tpu.vector_store %arg10[%parallel_loop3A_317, %parallel_loop3A_318], %parallel_loop3A_321 {strides = array<i32>} : memref<128x128xf32, #tpu.memory_space<vmem>>, vector<1x16xf32>,
    } {sc.loop_unroll_factor = 2 : i64, sc.parallel_access}
    %dma_start3A_173 = arith.constant 48 : i32
    %dma_start3A_174 = arith.constant 0 : i32
    %dma_start3A_175 = tpu.memref_slice %arg4[%dma_start3A_173, %mul3A_2, %dma_start3A_174] : memref<50x4096x128xf32, #tpu.memory_space<hbm>> -> memref<1x128x128xf32, #tpu.memory_space<hbm>>
    %dma_start3A_176 = tpu.memref_squeeze %dma_start3A_175 : memref<1x128x128xf32, #tpu.memory_space<hbm>> -> memref<128x128xf32, #tpu.memory_space<hbm>>
    %dma_start3A_177 = arith.constant 0 : i32
    %dma_start3A_178 = tpu.memref_slice %arg4[%dma_start3A_173, %mul3A_2, %dma_start3A_177] : memref<50x4096x128xf32, #tpu.memory_space<hbm>> -> memref<1x128x128xf32, #tpu.memory_space<hbm>>
    %dma_start3A_179 = tpu.memref_squeeze %dma_start3A_178 : memref<1x128x128xf32, #tpu.memory_space<hbm>> -> memref<128x128xf32, #tpu.memory_space<hbm>>
    tpu.enqueue_dma source(%arg10 : memref<128x128xf32, #tpu.memory_space<vmem>>) target(%dma_start3A_179 : memref<128x128xf32, #tpu.memory_space<hbm>>) target_semaphore(%arg17 : memref<!tpu.dma_semaphore, #tpu.memory_space<semaphore_mem>>)
    %dma_wait3A_180 = arith.constant 49 : i32
    %dma_wait3A_181 = arith.constant 0 : i32
    %dma_wait3A_182 = tpu.memref_slice %arg4[%dma_wait3A_180, %mul3A_2, %dma_wait3A_181] : memref<50x4096x128xf32, #tpu.memory_space<hbm>> -> memref<1x128x128xf32, #tpu.memory_space<hbm>>
    %dma_wait3A_183 = tpu.memref_squeeze %dma_wait3A_182 : memref<1x128x128xf32, #tpu.memory_space<hbm>> -> memref<128x128xf32, #tpu.memory_space<hbm>>
    %dma_wait3A_184 = arith.constant 0 : i32
    %dma_wait3A_185 = tpu.memref_slice %arg4[%dma_wait3A_180, %mul3A_2, %dma_wait3A_184] : memref<50x4096x128xf32, #tpu.memory_space<hbm>> -> memref<1x128x128xf32, #tpu.memory_space<hbm>>
    %dma_wait3A_186 = tpu.memref_squeeze %dma_wait3A_185 : memref<1x128x128xf32, #tpu.memory_space<hbm>> -> memref<128x128xf32, #tpu.memory_space<hbm>>
    tpu.wait_dma2 semaphore(%arg18 : memref<!tpu.dma_semaphore, #tpu.memory_space<semaphore_mem>>) src(%arg11 : memref<128x128xf32, #tpu.memory_space<vmem>>) dst(%dma_wait3A_186 : memref<128x128xf32, #tpu.memory_space<hbm>>)
    %dma_wait3A_187 = arith.constant 49 : i32
    %dma_wait3A_188 = arith.constant 0 : i32
    %dma_wait3A_189 = tpu.memref_slice %arg5[%dma_wait3A_187, %dma_wait3A_188] : memref<50x128xi32, #tpu.memory_space<vmem>> -> memref<1x128xi32, #tpu.memory_space<vmem>>
    %dma_wait3A_190 = tpu.memref_squeeze %dma_wait3A_189 : memref<1x128xi32, #tpu.memory_space<vmem>> -> memref<128xi32, #tpu.memory_space<vmem>>
    %dma_wait3A_191 = arith.constant 0 : i32
    %dma_wait3A_192 = arith.constant 0 : i32
    %dma_wait3A_193 = tpu.memref_slice %arg3[%dma_wait3A_191, %dma_wait3A_192] : memref<100000x128xf32, #tpu.memory_space<hbm>> -> memref<100000x128xf32, #tpu.memory_space<hbm>>
    tpu.wait_indirect_dma semaphore(%arg14 : memref<!tpu.dma_semaphore, #tpu.memory_space<semaphore_mem>>) src(%dma_wait3A_193 : memref<100000x128xf32, #tpu.memory_space<hbm>>) dst(%arg7 : memref<128x128xf32, #tpu.memory_space<vmem>>)
    %parallel_loop3A_194 = arith.constant 0 : i32
    %parallel_loop3A_195 = arith.constant 128 : i32
    %parallel_loop3A_196 = arith.constant 1 : i32
    scf.for %parallel_loop3A_225 = %parallel_loop3A_194 to %parallel_loop3A_195 step %parallel_loop3A_196  : i32 {
      %parallel_loop3A_226 = arith.index_cast %parallel_loop3A_225 : i32 to index
      %parallel_loop3A_227 = arith.constant 0 : index
      %parallel_loop3A_228 = tpu.vector_load %arg7[%parallel_loop3A_226, %parallel_loop3A_227] {strides = array<i32>} : memref<128x128xf32, #tpu.memory_space<vmem>>, vector<1x16xf32>,
      %parallel_loop3A_229 = vector.shape_cast %parallel_loop3A_228 : vector<1x16xf32> to vector<16xf32>
      %parallel_loop3A_230 = arith.constant 11.3137083 : f32
      %parallel_loop3A_231 = vector.broadcast %parallel_loop3A_230 : f32 to vector<16xf32>
      %parallel_loop3A_232 = arith.mulf %parallel_loop3A_229, %parallel_loop3A_231 : vector<16xf32>
      %parallel_loop3A_233 = arith.index_cast %parallel_loop3A_225 : i32 to index
      %parallel_loop3A_234 = arith.constant 0 : index
      %parallel_loop3A_235 = tpu.vector_load %arg11[%parallel_loop3A_233, %parallel_loop3A_234] {strides = array<i32>} : memref<128x128xf32, #tpu.memory_space<vmem>>, vector<1x16xf32>,
      %parallel_loop3A_236 = vector.shape_cast %parallel_loop3A_235 : vector<1x16xf32> to vector<16xf32>
      %parallel_loop3A_237 = vector.shape_cast %parallel_loop3A_232 : vector<16xf32> to vector<1x16xf32>
      tpu.vector_store %arg11[%parallel_loop3A_233, %parallel_loop3A_234], %parallel_loop3A_237 {strides = array<i32>} : memref<128x128xf32, #tpu.memory_space<vmem>>, vector<1x16xf32>,
      %parallel_loop3A_238 = arith.index_cast %parallel_loop3A_225 : i32 to index
      %parallel_loop3A_239 = arith.constant 16 : index
      %parallel_loop3A_240 = tpu.vector_load %arg7[%parallel_loop3A_238, %parallel_loop3A_239] {strides = array<i32>} : memref<128x128xf32, #tpu.memory_space<vmem>>, vector<1x16xf32>,
      %parallel_loop3A_241 = vector.shape_cast %parallel_loop3A_240 : vector<1x16xf32> to vector<16xf32>
      %parallel_loop3A_242 = arith.constant 11.3137083 : f32
      %parallel_loop3A_243 = vector.broadcast %parallel_loop3A_242 : f32 to vector<16xf32>
      %parallel_loop3A_244 = arith.mulf %parallel_loop3A_241, %parallel_loop3A_243 : vector<16xf32>
      %parallel_loop3A_245 = arith.index_cast %parallel_loop3A_225 : i32 to index
      %parallel_loop3A_246 = arith.constant 16 : index
      %parallel_loop3A_247 = tpu.vector_load %arg11[%parallel_loop3A_245, %parallel_loop3A_246] {strides = array<i32>} : memref<128x128xf32, #tpu.memory_space<vmem>>, vector<1x16xf32>,
      %parallel_loop3A_248 = vector.shape_cast %parallel_loop3A_247 : vector<1x16xf32> to vector<16xf32>
      %parallel_loop3A_249 = vector.shape_cast %parallel_loop3A_244 : vector<16xf32> to vector<1x16xf32>
      tpu.vector_store %arg11[%parallel_loop3A_245, %parallel_loop3A_246], %parallel_loop3A_249 {strides = array<i32>} : memref<128x128xf32, #tpu.memory_space<vmem>>, vector<1x16xf32>,
      %parallel_loop3A_250 = arith.index_cast %parallel_loop3A_225 : i32 to index
      %parallel_loop3A_251 = arith.constant 32 : index
      %parallel_loop3A_252 = tpu.vector_load %arg7[%parallel_loop3A_250, %parallel_loop3A_251] {strides = array<i32>} : memref<128x128xf32, #tpu.memory_space<vmem>>, vector<1x16xf32>,
      %parallel_loop3A_253 = vector.shape_cast %parallel_loop3A_252 : vector<1x16xf32> to vector<16xf32>
      %parallel_loop3A_254 = arith.constant 11.3137083 : f32
      %parallel_loop3A_255 = vector.broadcast %parallel_loop3A_254 : f32 to vector<16xf32>
      %parallel_loop3A_256 = arith.mulf %parallel_loop3A_253, %parallel_loop3A_255 : vector<16xf32>
      %parallel_loop3A_257 = arith.index_cast %parallel_loop3A_225 : i32 to index
      %parallel_loop3A_258 = arith.constant 32 : index
      %parallel_loop3A_259 = tpu.vector_load %arg11[%parallel_loop3A_257, %parallel_loop3A_258] {strides = array<i32>} : memref<128x128xf32, #tpu.memory_space<vmem>>, vector<1x16xf32>,
      %parallel_loop3A_260 = vector.shape_cast %parallel_loop3A_259 : vector<1x16xf32> to vector<16xf32>
      %parallel_loop3A_261 = vector.shape_cast %parallel_loop3A_256 : vector<16xf32> to vector<1x16xf32>
      tpu.vector_store %arg11[%parallel_loop3A_257, %parallel_loop3A_258], %parallel_loop3A_261 {strides = array<i32>} : memref<128x128xf32, #tpu.memory_space<vmem>>, vector<1x16xf32>,
      %parallel_loop3A_262 = arith.index_cast %parallel_loop3A_225 : i32 to index
      %parallel_loop3A_263 = arith.constant 48 : index
      %parallel_loop3A_264 = tpu.vector_load %arg7[%parallel_loop3A_262, %parallel_loop3A_263] {strides = array<i32>} : memref<128x128xf32, #tpu.memory_space<vmem>>, vector<1x16xf32>,
      %parallel_loop3A_265 = vector.shape_cast %parallel_loop3A_264 : vector<1x16xf32> to vector<16xf32>
      %parallel_loop3A_266 = arith.constant 11.3137083 : f32
      %parallel_loop3A_267 = vector.broadcast %parallel_loop3A_266 : f32 to vector<16xf32>
      %parallel_loop3A_268 = arith.mulf %parallel_loop3A_265, %parallel_loop3A_267 : vector<16xf32>
      %parallel_loop3A_269 = arith.index_cast %parallel_loop3A_225 : i32 to index
      %parallel_loop3A_270 = arith.constant 48 : index
      %parallel_loop3A_271 = tpu.vector_load %arg11[%parallel_loop3A_269, %parallel_loop3A_270] {strides = array<i32>} : memref<128x128xf32, #tpu.memory_space<vmem>>, vector<1x16xf32>,
      %parallel_loop3A_272 = vector.shape_cast %parallel_loop3A_271 : vector<1x16xf32> to vector<16xf32>
      %parallel_loop3A_273 = vector.shape_cast %parallel_loop3A_268 : vector<16xf32> to vector<1x16xf32>
      tpu.vector_store %arg11[%parallel_loop3A_269, %parallel_loop3A_270], %parallel_loop3A_273 {strides = array<i32>} : memref<128x128xf32, #tpu.memory_space<vmem>>, vector<1x16xf32>,
      %parallel_loop3A_274 = arith.index_cast %parallel_loop3A_225 : i32 to index
      %parallel_loop3A_275 = arith.constant 64 : index
      %parallel_loop3A_276 = tpu.vector_load %arg7[%parallel_loop3A_274, %parallel_loop3A_275] {strides = array<i32>} : memref<128x128xf32, #tpu.memory_space<vmem>>, vector<1x16xf32>,
      %parallel_loop3A_277 = vector.shape_cast %parallel_loop3A_276 : vector<1x16xf32> to vector<16xf32>
      %parallel_loop3A_278 = arith.constant 11.3137083 : f32
      %parallel_loop3A_279 = vector.broadcast %parallel_loop3A_278 : f32 to vector<16xf32>
      %parallel_loop3A_280 = arith.mulf %parallel_loop3A_277, %parallel_loop3A_279 : vector<16xf32>
      %parallel_loop3A_281 = arith.index_cast %parallel_loop3A_225 : i32 to index
      %parallel_loop3A_282 = arith.constant 64 : index
      %parallel_loop3A_283 = tpu.vector_load %arg11[%parallel_loop3A_281, %parallel_loop3A_282] {strides = array<i32>} : memref<128x128xf32, #tpu.memory_space<vmem>>, vector<1x16xf32>,
      %parallel_loop3A_284 = vector.shape_cast %parallel_loop3A_283 : vector<1x16xf32> to vector<16xf32>
      %parallel_loop3A_285 = vector.shape_cast %parallel_loop3A_280 : vector<16xf32> to vector<1x16xf32>
      tpu.vector_store %arg11[%parallel_loop3A_281, %parallel_loop3A_282], %parallel_loop3A_285 {strides = array<i32>} : memref<128x128xf32, #tpu.memory_space<vmem>>, vector<1x16xf32>,
      %parallel_loop3A_286 = arith.index_cast %parallel_loop3A_225 : i32 to index
      %parallel_loop3A_287 = arith.constant 80 : index
      %parallel_loop3A_288 = tpu.vector_load %arg7[%parallel_loop3A_286, %parallel_loop3A_287] {strides = array<i32>} : memref<128x128xf32, #tpu.memory_space<vmem>>, vector<1x16xf32>,
      %parallel_loop3A_289 = vector.shape_cast %parallel_loop3A_288 : vector<1x16xf32> to vector<16xf32>
      %parallel_loop3A_290 = arith.constant 11.3137083 : f32
      %parallel_loop3A_291 = vector.broadcast %parallel_loop3A_290 : f32 to vector<16xf32>
      %parallel_loop3A_292 = arith.mulf %parallel_loop3A_289, %parallel_loop3A_291 : vector<16xf32>
      %parallel_loop3A_293 = arith.index_cast %parallel_loop3A_225 : i32 to index
      %parallel_loop3A_294 = arith.constant 80 : index
      %parallel_loop3A_295 = tpu.vector_load %arg11[%parallel_loop3A_293, %parallel_loop3A_294] {strides = array<i32>} : memref<128x128xf32, #tpu.memory_space<vmem>>, vector<1x16xf32>,
      %parallel_loop3A_296 = vector.shape_cast %parallel_loop3A_295 : vector<1x16xf32> to vector<16xf32>
      %parallel_loop3A_297 = vector.shape_cast %parallel_loop3A_292 : vector<16xf32> to vector<1x16xf32>
      tpu.vector_store %arg11[%parallel_loop3A_293, %parallel_loop3A_294], %parallel_loop3A_297 {strides = array<i32>} : memref<128x128xf32, #tpu.memory_space<vmem>>, vector<1x16xf32>,
      %parallel_loop3A_298 = arith.index_cast %parallel_loop3A_225 : i32 to index
      %parallel_loop3A_299 = arith.constant 96 : index
      %parallel_loop3A_300 = tpu.vector_load %arg7[%parallel_loop3A_298, %parallel_loop3A_299] {strides = array<i32>} : memref<128x128xf32, #tpu.memory_space<vmem>>, vector<1x16xf32>,
      %parallel_loop3A_301 = vector.shape_cast %parallel_loop3A_300 : vector<1x16xf32> to vector<16xf32>
      %parallel_loop3A_302 = arith.constant 11.3137083 : f32
      %parallel_loop3A_303 = vector.broadcast %parallel_loop3A_302 : f32 to vector<16xf32>
      %parallel_loop3A_304 = arith.mulf %parallel_loop3A_301, %parallel_loop3A_303 : vector<16xf32>
      %parallel_loop3A_305 = arith.index_cast %parallel_loop3A_225 : i32 to index
      %parallel_loop3A_306 = arith.constant 96 : index
      %parallel_loop3A_307 = tpu.vector_load %arg11[%parallel_loop3A_305, %parallel_loop3A_306] {strides = array<i32>} : memref<128x128xf32, #tpu.memory_space<vmem>>, vector<1x16xf32>,
      %parallel_loop3A_308 = vector.shape_cast %parallel_loop3A_307 : vector<1x16xf32> to vector<16xf32>
      %parallel_loop3A_309 = vector.shape_cast %parallel_loop3A_304 : vector<16xf32> to vector<1x16xf32>
      tpu.vector_store %arg11[%parallel_loop3A_305, %parallel_loop3A_306], %parallel_loop3A_309 {strides = array<i32>} : memref<128x128xf32, #tpu.memory_space<vmem>>, vector<1x16xf32>,
      %parallel_loop3A_310 = arith.index_cast %parallel_loop3A_225 : i32 to index
      %parallel_loop3A_311 = arith.constant 112 : index
      %parallel_loop3A_312 = tpu.vector_load %arg7[%parallel_loop3A_310, %parallel_loop3A_311] {strides = array<i32>} : memref<128x128xf32, #tpu.memory_space<vmem>>, vector<1x16xf32>,
      %parallel_loop3A_313 = vector.shape_cast %parallel_loop3A_312 : vector<1x16xf32> to vector<16xf32>
      %parallel_loop3A_314 = arith.constant 11.3137083 : f32
      %parallel_loop3A_315 = vector.broadcast %parallel_loop3A_314 : f32 to vector<16xf32>
      %parallel_loop3A_316 = arith.mulf %parallel_loop3A_313, %parallel_loop3A_315 : vector<16xf32>
      %parallel_loop3A_317 = arith.index_cast %parallel_loop3A_225 : i32 to index
      %parallel_loop3A_318 = arith.constant 112 : index
      %parallel_loop3A_319 = tpu.vector_load %arg11[%parallel_loop3A_317, %parallel_loop3A_318] {strides = array<i32>} : memref<128x128xf32, #tpu.memory_space<vmem>>, vector<1x16xf32>,
      %parallel_loop3A_320 = vector.shape_cast %parallel_loop3A_319 : vector<1x16xf32> to vector<16xf32>
      %parallel_loop3A_321 = vector.shape_cast %parallel_loop3A_316 : vector<16xf32> to vector<1x16xf32>
      tpu.vector_store %arg11[%parallel_loop3A_317, %parallel_loop3A_318], %parallel_loop3A_321 {strides = array<i32>} : memref<128x128xf32, #tpu.memory_space<vmem>>, vector<1x16xf32>,
    } {sc.loop_unroll_factor = 2 : i64, sc.parallel_access}
    %dma_start3A_197 = arith.constant 49 : i32
    %dma_start3A_198 = arith.constant 0 : i32
    %dma_start3A_199 = tpu.memref_slice %arg4[%dma_start3A_197, %mul3A_2, %dma_start3A_198] : memref<50x4096x128xf32, #tpu.memory_space<hbm>> -> memref<1x128x128xf32, #tpu.memory_space<hbm>>
    %dma_start3A_200 = tpu.memref_squeeze %dma_start3A_199 : memref<1x128x128xf32, #tpu.memory_space<hbm>> -> memref<128x128xf32, #tpu.memory_space<hbm>>
    %dma_start3A_201 = arith.constant 0 : i32
    %dma_start3A_202 = tpu.memref_slice %arg4[%dma_start3A_197, %mul3A_2, %dma_start3A_201] : memref<50x4096x128xf32, #tpu.memory_space<hbm>> -> memref<1x128x128xf32, #tpu.memory_space<hbm>>
    %dma_start3A_203 = tpu.memref_squeeze %dma_start3A_202 : memref<1x128x128xf32, #tpu.memory_space<hbm>> -> memref<128x128xf32, #tpu.memory_space<hbm>>
    tpu.enqueue_dma source(%arg11 : memref<128x128xf32, #tpu.memory_space<vmem>>) target(%dma_start3A_203 : memref<128x128xf32, #tpu.memory_space<hbm>>) target_semaphore(%arg18 : memref<!tpu.dma_semaphore, #tpu.memory_space<semaphore_mem>>)
    %dma_wait3A_204 = arith.constant 47 : i32
    %dma_wait3A_205 = arith.constant 0 : i32
    %dma_wait3A_206 = tpu.memref_slice %arg4[%dma_wait3A_204, %mul3A_2, %dma_wait3A_205] : memref<50x4096x128xf32, #tpu.memory_space<hbm>> -> memref<1x128x128xf32, #tpu.memory_space<hbm>>
    %dma_wait3A_207 = tpu.memref_squeeze %dma_wait3A_206 : memref<1x128x128xf32, #tpu.memory_space<hbm>> -> memref<128x128xf32, #tpu.memory_space<hbm>>
    %dma_wait3A_208 = arith.constant 0 : i32
    %dma_wait3A_209 = tpu.memref_slice %arg4[%dma_wait3A_204, %mul3A_2, %dma_wait3A_208] : memref<50x4096x128xf32, #tpu.memory_space<hbm>> -> memref<1x128x128xf32, #tpu.memory_space<hbm>>
    %dma_wait3A_210 = tpu.memref_squeeze %dma_wait3A_209 : memref<1x128x128xf32, #tpu.memory_space<hbm>> -> memref<128x128xf32, #tpu.memory_space<hbm>>
    tpu.wait_dma2 semaphore(%arg19 : memref<!tpu.dma_semaphore, #tpu.memory_space<semaphore_mem>>) src(%arg12 : memref<128x128xf32, #tpu.memory_space<vmem>>) dst(%dma_wait3A_210 : memref<128x128xf32, #tpu.memory_space<hbm>>)
    %dma_wait3A_211 = arith.constant 48 : i32
    %dma_wait3A_212 = arith.constant 0 : i32
    %dma_wait3A_213 = tpu.memref_slice %arg4[%dma_wait3A_211, %mul3A_2, %dma_wait3A_212] : memref<50x4096x128xf32, #tpu.memory_space<hbm>> -> memref<1x128x128xf32, #tpu.memory_space<hbm>>
    %dma_wait3A_214 = tpu.memref_squeeze %dma_wait3A_213 : memref<1x128x128xf32, #tpu.memory_space<hbm>> -> memref<128x128xf32, #tpu.memory_space<hbm>>
    %dma_wait3A_215 = arith.constant 0 : i32
    %dma_wait3A_216 = tpu.memref_slice %arg4[%dma_wait3A_211, %mul3A_2, %dma_wait3A_215] : memref<50x4096x128xf32, #tpu.memory_space<hbm>> -> memref<1x128x128xf32, #tpu.memory_space<hbm>>
    %dma_wait3A_217 = tpu.memref_squeeze %dma_wait3A_216 : memref<1x128x128xf32, #tpu.memory_space<hbm>> -> memref<128x128xf32, #tpu.memory_space<hbm>>
    tpu.wait_dma2 semaphore(%arg17 : memref<!tpu.dma_semaphore, #tpu.memory_space<semaphore_mem>>) src(%arg10 : memref<128x128xf32, #tpu.memory_space<vmem>>) dst(%dma_wait3A_217 : memref<128x128xf32, #tpu.memory_space<hbm>>)
    %dma_wait3A_218 = arith.constant 49 : i32
    %dma_wait3A_219 = arith.constant 0 : i32
    %dma_wait3A_220 = tpu.memref_slice %arg4[%dma_wait3A_218, %mul3A_2, %dma_wait3A_219] : memref<50x4096x128xf32, #tpu.memory_space<hbm>> -> memref<1x128x128xf32, #tpu.memory_space<hbm>>
    %dma_wait3A_221 = tpu.memref_squeeze %dma_wait3A_220 : memref<1x128x128xf32, #tpu.memory_space<hbm>> -> memref<128x128xf32, #tpu.memory_space<hbm>>
    %dma_wait3A_222 = arith.constant 0 : i32
    %dma_wait3A_223 = tpu.memref_slice %arg4[%dma_wait3A_218, %mul3A_2, %dma_wait3A_222] : memref<50x4096x128xf32, #tpu.memory_space<hbm>> -> memref<1x128x128xf32, #tpu.memory_space<hbm>>
    %dma_wait3A_224 = tpu.memref_squeeze %dma_wait3A_223 : memref<1x128x128xf32, #tpu.memory_space<hbm>> -> memref<128x128xf32, #tpu.memory_space<hbm>>
    tpu.wait_dma2 semaphore(%arg18 : memref<!tpu.dma_semaphore, #tpu.memory_space<semaphore_mem>>) src(%arg11 : memref<128x128xf32, #tpu.memory_space<vmem>>) dst(%dma_wait3A_224 : memref<128x128xf32, #tpu.memory_space<hbm>>)
    return
  }
}

</mosaic_0001>

<sc_bundles>
// kernel: _emb_lookup.3.cloned.1.call-start
scs
__scs_entry_jumppad:
0x0: {  	(pc) =	sbr.rel $0x88, $3  }
0x1: {  	(tag) =	ssettag $0x0;
	lr =	simm.s32 $0x1  }
0x2: {  	[smem:$0x3F9F] =	sst lr;
	_ =	strace $0xD0000000  }
0x3: {  	_ = 	snop  }
0x4: {  	_ = 	snop  }
0x5: {  	_ = 	snop  }
0x6: {  	_ = 	snop  }
0x7: {  	_ = 	snop  }
__scs_overlays_trampoline_lowered:
0x8: {  	[smem:$0x3FAE] =	sst s0  }
0x9: {  	[smem:$0x3FAF] =	sst s1  }
0xa: {  	[smem:$0x3FB0] =	sst s2  }
0xb: {  	[smem:$0x3FB1] =	sst s3  }
0xc: {  	[smem:$0x3FB2] =	sst s4  }
0xd: {  	[smem:$0x3FB3] =	sst s5  }
0xe: {  	[smem:$0x3FB4] =	sst s6  }
0xf: {  	[smem:$0x3FB5] =	sst s7  }
0x10: {  	[smem:$0x3FB6] =	sst s8  }
0x11: {  	[smem:$0x3FB7] =	sst s9;
	s0 =	simm.s32 @!p0 $0x0  }
0x12: {  	s1 =	sld [smem:$0x3F9D];
	s0 =	simm.s32 @p0 $0x1  }
0x13: {  	[smem:$0x3FB8] =	sst s0;
	s0 =	simm.s32 @!p1 $0x0  }
0x14: {  	s2 =	sld [smem:$0x3F9C];
	s0 =	simm.s32 @p1 $0x1  }
0x15: {  	[smem:$0x3FB9] =	sst s0;
	s0 =	simm.s32 @!p2 $0x0  }
0x16: {  	s3 =	sld [smem:$0x3FDB];
	s0 =	simm.s32 @p2 $0x1  }
0x17: {  	s4 =	simm.s32 $0x1BF5;
	[smem:$0x3FBB] =	sst s0  }
0x18: {  	s0 =	sld [smem:$0x3F9E];
	_ =	swait.ge [sflag:s4], $0x0  }
0x19: {  	s7 =	sld [smem:$0x3F9F]  }
0x1a: {  	s8 =	sadd.s32 $0xFFFFE003, lr  }
0x1b: {  	s9 =	sadd.s32 $0xFFFFFEF7, lr;
	s5 =	simm.s32 $0xFFFFFFFF;
	p2 =	slt.u32 s8, $0xFFFFF086  }
0x1c: {  	p1 =	slt.u32 s9, $0xF7A;
	s5 =	simm.s32 @!p2 $0x0  }
0x1d: {  	s5 =	simm.s32 @p1 $0x1;
	p0 =	seq.s32 s7, s2  }
0x1e: {  	s7 =	smul.u32 @!p0 $0xF7A, s2;
	p2 =	seq.s32 @!p0 s5, $0x0  }
0x1f: {  	s9 =	smul.u32 $0xF7A, s1;
	s8 =	simm.s32 @!p0 $0x1BF5;
	p2 =	por !p2, p0  }
0x20: {  	[sflag:s8] =	ssyncset.s32 @!p0 $0xFFFFF086;
	s6 =	sadd.s32 @!p0 s3, s7;
	s7 =	simm.s32 @!p0 $0x108  }
0x21: {  	s3 =	sadd.s32 s3, s9;
	s6 =	sadd.s32 @!p0 $0x88, s6;
	s7 =	simm.s32 @p2 $0x1082  }
0x22: {  	[simem:s7], [sflag:s8] =	dma.local @!p0 [hbm:s6], $0xF7A  }
0x23: {  	s9 =	sor.u32 $0xD0000000, s2;
	s6 =	simm.s32 $0x108;
	_ =	swait.ge @!p0 [sflag:s8], $0x0  }
0x24: {  	s3 =	sadd.s32 $0x88, s3;
	s6 =	simm.s32 @!p1 $0x1082;
	[sflag:s4] =	ssyncset.s32 $0xFFFFF086  }
0x25: {  	[simem:s6], [sflag:s4] =	dma.local [hbm:s3], $0xF7A  }
0x26: {  	[smem:$0x3F9F] =	sst s1;
	(tag) =	ssettag s2;
	_ =	strace s9  }
0x27: {  	s1 =	sld [smem:$0x3FAF]  }
0x28: {  	s2 =	sld [smem:$0x3FB0]  }
0x29: {  	s4 =	sld [smem:$0x3FB2]  }
0x2a: {  	p0 =	seq.s32 s5, $0x0;
	s5 =	sld [smem:$0x3FB3]  }
0x2b: {  	s6 =	sld [smem:$0x3FB4]  }
0x2c: {  	s7 =	sld [smem:$0x3FB5]  }
0x2d: {  	s3 =	simm.s32 $0x108;
	s8 =	sld [smem:$0x3FB6]  }
0x2e: {  	s3 =	simm.s32 @!p0 $0x1082;
	s9 =	sld [smem:$0x3FB7]  }
0x2f: {  	lr =	sadd.s32 s0, s3;
	s0 =	sld [smem:$0x3FAE]  }
0x30: {  	s3 =	sld [smem:$0x3FB1]  }
0x31: {  	[smem:$0x3FBA] =	sst s10  }
0x32: {  	s10 =	sld [smem:$0x3FB8];
	_ =	sdelay $0x3  }
0x33: {  	p0 =	seq.s32 s10, $0x1;
	s10 =	sld [smem:$0x3FBA];
	_ =	sdelay $0x3  }
0x34: {  	[smem:$0x3FBA] =	sst s10  }
0x35: {  	s10 =	sld [smem:$0x3FB9];
	_ =	sdelay $0x3  }
0x36: {  	p1 =	seq.s32 s10, $0x1;
	s10 =	sld [smem:$0x3FBA];
	_ =	sdelay $0x3  }
0x37: {  	[smem:$0x3FBA] =	sst s10  }
0x38: {  	s10 =	sld [smem:$0x3FBB]  }
0x39: {  	_ = 	snop;
	(pc) =	sbr.ind lr, $3  }
0x3a: {  	_ = 	snop  }
0x3b: {  	_ = 	snop  }
0x3c: {  	p2 =	seq.s32 s10, $0x1;
	s10 =	sld [smem:$0x3FBA]  }
0x3d: {  	_ =	shalt  }
0x3e: {  	_ =	shalt  }
0x3f: {  	_ =	shalt  }
0x40: {  	_ =	shalt  }
0x41: {  	_ =	shalt  }
0x42: {  	_ =	shalt  }
0x43: {  	_ =	shalt  }
0x44: {  	_ =	shalt  }
0x45: {  	_ =	shalt  }
0x46: {  	_ =	shalt  }
0x47: {  	_ =	shalt  }
0x48: {  	_ =	shalt  }
0x49: {  	_ =	shalt  }
0x4a: {  	_ =	shalt  }
0x4b: {  	_ =	shalt  }
0x4c: {  	_ =	shalt  }
0x4d: {  	_ =	shalt  }
0x4e: {  	_ =	shalt  }
0x4f: {  	_ =	shalt  }
0x50: {  	_ =	shalt  }
0x51: {  	_ =	shalt  }
0x52: {  	_ =	shalt  }
0x53: {  	_ =	shalt  }
0x54: {  	_ =	shalt  }
0x55: {  	_ =	shalt  }
0x56: {  	_ =	shalt  }
0x57: {  	_ =	shalt  }
0x58: {  	_ =	shalt  }
0x59: {  	_ =	shalt  }
0x5a: {  	_ =	shalt  }
0x5b: {  	_ =	shalt  }
0x5c: {  	_ =	shalt  }
0x5d: {  	_ =	shalt  }
0x5e: {  	_ =	shalt  }
0x5f: {  	_ =	shalt  }
0x60: {  	_ =	shalt  }
0x61: {  	_ =	shalt  }
0x62: {  	_ =	shalt  }
0x63: {  	_ =	shalt  }
0x64: {  	_ =	shalt  }
0x65: {  	_ =	shalt  }
0x66: {  	_ =	shalt  }
0x67: {  	_ =	shalt  }
0x68: {  	_ =	shalt  }
0x69: {  	_ =	shalt  }
0x6a: {  	_ =	shalt  }
0x6b: {  	_ =	shalt  }
0x6c: {  	_ =	shalt  }
0x6d: {  	_ =	shalt  }
0x6e: {  	_ =	shalt  }
0x6f: {  	_ =	shalt  }
0x70: {  	_ =	shalt  }
0x71: {  	_ =	shalt  }
0x72: {  	_ =	shalt  }
0x73: {  	_ =	shalt  }
0x74: {  	_ =	shalt  }
0x75: {  	_ =	shalt  }
0x76: {  	_ =	shalt  }
0x77: {  	_ =	shalt  }
0x78: {  	_ =	shalt  }
0x79: {  	_ =	shalt  }
0x7a: {  	_ =	shalt  }
0x7b: {  	_ =	shalt  }
0x7c: {  	_ =	shalt  }
0x7d: {  	_ =	shalt  }
0x7e: {  	_ =	shalt  }
0x7f: {  	_ =	shalt  }
0x80: {  	_ =	shalt  }
0x81: {  	_ =	shalt  }
0x82: {  	_ =	shalt  }
0x83: {  	_ =	shalt  }
0x84: {  	_ =	shalt  }
0x85: {  	_ =	shalt  }
0x86: {  	_ =	shalt  }
0x87: {  	_ =	shalt  }
.Lfunc_end0:
.L_simem_size_0:
called_computation_lowered:
.L_overlay_start_0:
0x88: {  	s2 =	sld [smem:$0x3FD9]  }
0x89: {  	s3 =	sld [smem:$0x3FFE];
	_ =	sdelay $0x1  }
0x8a: {  	s1 =	srdreg.scid  }
0x8b: {  	s0 =	sand.u32 $0x1, s1  }
0x8c: {  	s18 =	sshll.u32 s0, $0xA;
	s2 =	sadd.s32 s3, s2  }
0x8d: {  	s2 =	sadd.s32 s2, s18  }
0x8e: {  	[smem:$0x3FC6] =	sst s2  }
0x8f: {  	_ = 	snop  }
0x90: {  	s2 =	sld [smem:$0x3FC9]  }
0x91: {  	s19 =	sld [smem:$0x3FC8]  }
0x92: {  	s4 =	sld [smem:$0x3FD0];
	(tm) =	ssettm $0x1  }
0x93: {  	s5 =	sld [smem:$0x3FFB];
	_ =	sdelay $0x3  }
0x94: {  	_ =	strace s5  }
0x95: {  	s5 =	sld [smem:$0x3FFC];
	_ =	sdelay $0x3  }
0x96: {  	_ =	strace s5  }
0x97: {  	s5 =	sld [smem:$0x3FFD];
	_ =	sdelay $0x3  }
0x98: {  	_ =	strace s5  }
0x99: {  	_ =	strace $0x8FFFFFFF  }
0x9a: {  	s20 =	sld [smem:$0x3FDB];
	_ =	sdelay $0x1  }
0x9b: {  	s6 =	simm.s32 $_scs_section_size  }
0x9c: {  	s7 =	simm.s32 $_size__tile_overlayer_lowered;
	s8 =	simm.s32 $_tile_overlayer_lowered  }
0x9d: {  	s23 =	simm.s32 $0x1BFF;
	s22 =	sshll.u32 s8, $0x1;
	s5 =	sadd.s32 s6, s20  }
0x9e: {  	s9 =	simm.s32 $0x0;
	s21 =	sshll.u32 s7, $0x1;
	s7 =	sadd.s32 s22, s5  }
0x9f: {  	[timem:s9], [sflag:s23] =	dma.local [hbm:s7], s21  }
0xa0: {  	_ =	swait.ge [sflag:s23], s21  }
0xa1: {  	s6 =	ssub.s32 $0x0, s21;
	[sflag:s23] =	ssyncset.done $0x0  }
0xa2: {  	[sflag:s23] =	ssyncadd.s32 s6;
	_ =	sdelay $0x1  }
0xa3: {  	s24 =	simm.s32 $0x1B8B  }
0xa4: {  	_ =	swait.ge [sflag:s24], $0x1  }
0xa5: {  	[sflag:s24] =	ssyncset.done $0x0  }
0xa6: {  	s25 =	simm.s32 $0x1B8E;
	[sflag:s24] =	ssyncadd.s32 $0xFFFFFFFF  }
0xa7: {  	s26 =	simm.s32 $execute0_lowered;
	[smem:$0x3FD2] =	sst s25  }
0xa8: {  	s6 =	sshll.u32 s26, $0x1;
	_ =	strace $0x80000046;
	[dreg:$0x1] =	wrdreg $0xFFFFFFFF  }
0xa9: {  	s28 =	simm.s32 $_size_execute0_lowered;
	s5 =	sadd.s32 s5, s6;
	[dreg:$0x0] =	wrdreg $0x0  }
0xaa: {  	s6 =	sshll.u32 s28, $0x1;
	[dreg:$0x2] =	wrdreg s5  }
0xab: {  	[dreg:$0x3] =	wrdreg s6  }
0xac: {  	[dreg:$0x4] =	wrdreg $0xC0  }
0xad: {  	_ =	task [dreg:s9], $0x5FFFF  }
0xae: {  	[dreg:$0x1] =	wrdreg $0xFFFFFFFF  }
0xaf: {  	[dreg:$0x0] =	wrdreg $0x60  }
0xb0: {  	[dreg:$0x2] =	wrdreg s2  }
0xb1: {  	[dreg:$0x3] =	wrdreg s19  }
0xb2: {  	[dreg:$0x4] =	wrdreg s4  }
0xb3: {  	[dreg:$0x5] =	wrdreg $0x9  }
0xb4: {  	_ =	task.clear_ibuf [dreg:s9], $0x6FFFF;
	_ =	strace $0x90000046  }
0xb5: {  	s29 =	simm.s32 $0x9;
	_ =	strace $0x80000048  }
0xb6: {  	_ =	swait.ge [sflag:s29], $0x1  }
0xb7: {  	[sflag:s29] =	ssyncadd.s32 $0xFFFFFFFF  }
0xb8: {  	_ =	strace $0x90000048  }
0xb9: {  	_ =	sfence  }
0xba: {  	s30 =	sld [smem:$0x0];
	_ =	sdelay $0x2  }
0xbb: {  	s31 =	sshll.u32 s1, $0xD;
	s1 =	sshrl.u32 s1, $0x2  }
0xbc: {  	s3 =	sand.u32 $0x4000, s31;
	s1 =	sadd.s32 s1, s30  }
0xbd: {  	s0 =	sor.u32 s3, s0;
	s1 =	sshll.u32 s1, $0x11  }
0xbe: {  	s0 =	sor.u32 s1, s0  }
0xbf: {  	s0 =	sadd.s32 $0x8F2B, s0  }
0xc0: {  	[sflag:s0] =	ssyncadd.remote.s32 $0x1  }
0xc1: {  	_ =	sfence.sel $0xFFFF  }
0xc2: {  	[dreg:$0x0] =	wrdreg $0xFFFFFFFF;
	(pc) =	sbr.abs _section_cstart, $3  }
0xc3: {  	[dreg:$0x1] =	wrdreg $0xFFFFFFFF  }
0xc4: {  	_ =	task.clear_ibuf [dreg:s9], $0x2FFFF;
	_ =	strace $0x9FFFFFFF  }
0xc5: {  	(tm) =	ssettm $0x7FFFFFFF  }
tec
execute0_lowered:
.L_overlay_start_1:
0x0: {  	(tag) =	ssettag $0x1  }
0x1: {  	s0 =	rddreg [dreg:$0x0]  }
0x2: {  	s2 =	rddreg [dreg:$0x1]  }
0x3: {  	s6 =	rddreg [dreg:$0x2];
	s1 =	srdreg.scid  }
0x4: {  	s3 =	stileid.u32;
	s4 =	simm.s32 $0x0;
	s30 =	simm.s32 $0x1  }
0x5: {  	s31 =	simm.s32 $0x11C00;
	s18 =	simm.s32 $0x15C00;
	s20 =	simm.s32 $0x3  }
0x6: {  	s19 =	simm.s32 $0x4;
	s28 =	simm.s32 $0x6;
	s1 =	sand.u32 $0x1, s1  }
0x7: {  	s3 =	sshll.u32 s3, $0x8;
	[smem:$0x7FF] =	sst s4;
	s5 =	sshll.u32 s1, $0x7  }
0x8: {  	s9 =	sadd.s32 $0x10000, s6;
	s1 =	ssub.s32 $0x2, s1;
	s3 =	sor.u32 s5, s3  }
0x9: {  	_ =	strace $0x80000047;
	s21 =	sshrl.u32 s1, $0x1;
	s7 =	sadd.s32 s0, s3  }
0xa: {  	s22 =	ssub.s32 s1, s21;
	[dreg:$0x4] =	wrdreg s7;
	s23 =	sadd.s32 $0x6000, s7  }
0xb: {  	s7 =	sshll.u32 s3, $0x4;
	s0 =	smax.u32 s22, $0x1;
	[dreg:$0x5] =	wrdreg s23  }
0xc: {  	s10 =	sadd.s32 $0x20000, s6;
	s3 =	sadd.s32 s7, s9;
	[dreg:$0xc] =	wrdreg s0  }
0xd: {  	s13 =	sadd.s32 $0x30000, s6;
	s25 =	sadd.s32 s7, s10;
	[dreg:$0x7] =	wrdreg s3  }
0xe: {  	s5 =	simm.s32 $0x0;
	s26 =	sadd.s32 s7, s13;
	[dreg:$0x8] =	wrdreg s25  }
0xf: {  	s22 =	simm.s32 $0x80;
	s24 =	sadd.s32 s6, s7;
	[dreg:$0x9] =	wrdreg s26  }
0x10: {  	s23 =	simm.s32 $0x9C00;
	s29 =	sadd.s32 $0x300000, s24;
	[dreg:$0x6] =	wrdreg s24  }
0x11: {  	s0 =	simm.s32 $0x5;
	s1 =	sadd.s32 $0x310000, s24;
	[dreg:$0xa] =	wrdreg s29  }
0x12: {  	s26 =	simm.s32 $0x7;
	[dreg:$0xb] =	wrdreg s1;
	s1 =	simm.s32 $0x2  }
.LBB2_1:
0x13: {  	[dreg:$0xd] =	wrdreg s5  }
0x14: {  	s3 =	rddreg [dreg:$0x4];
	s11 =	simm.s32 $0x400;
	s6 =	simm.s32 $0x8000  }
0x15: {  	[tilespmem:s4], [sflag:$0x8] =	stream.strided.gather [hbm4b:s3+s11], $0x1800, s6, s11, $0x38;
	[tilespmem:$0x1DC00] =	vst v63  }
0x16: {  	s12 =	rddreg [dreg:$0x5];
	s14 =	simm.s32 $0x1800;
	s15 =	simm.s32 $0x8  }
0x17: {  	[tilespmem:s14], [sflag:$0x8] =	stream.linear.gather [hbm4b:s12+s4], $0x100, $0x38;
	[tilespmem:$0x1DC00] =	vst v63  }
0x18: {  	_ =	swait.ge [sflag:s15], $0x1900  }
0x19: {  	[sflag:s15] =	ssyncset.done $0x0  }
0x1a: {  	s16 =	simm.s32 $0x1C00;
	[sflag:s15] =	ssyncadd.s32 $0xFFFFE700  }
0x1b: {  	[tilespmem:s16], [sflag:$0x1] =	stream.indirect.gather [hbm4b:s2+s22], $0x80, s4, s22, $0xb8;
	[tilespmem:$0x1DC00] =	vst v63  }
0x1c: {  	s17 =	simm.s32 $0x5C00  }
0x1d: {  	[tilespmem:s17], [sflag:$0x2] =	stream.indirect.gather [hbm4b:s2+s22], $0x80, s22, s22, $0xb8;
	[tilespmem:$0x1DC00] =	vst v63  }
0x1e: {  	s21 =	simm.s32 $0x100  }
0x1f: {  	[tilespmem:s23], [sflag:$0x3] =	stream.indirect.gather [hbm4b:s2+s22], $0x80, s21, s22, $0xb8;
	[tilespmem:$0x1DC00] =	vst v63  }
0x20: {  	s24 =	simm.s32 $0x180;
	s25 =	simm.s32 $0xDC00  }
0x21: {  	[tilespmem:s25], [sflag:$0x4] =	stream.indirect.gather [hbm4b:s2+s22], $0x80, s24, s22, $0xb8;
	[tilespmem:$0x1DC00] =	vst v63  }
0x22: {  	_ =	swait.ge [sflag:s30], $0x4000  }
0x23: {  	[sflag:s30] =	ssyncset.done $0x0  }
0x24: {  	s29 =	simm.s32 $0x1C80;
	[sflag:s30] =	ssyncadd.s32 $0xFFFFC000  }
0x25: {  	v0 =	vld [tilespmem:s29+$0x0];
	_ =	sdelay $0x3  }
0x26: {  	v1 =	vld [tilespmem:s29+$0xFFFFFF80]  }
0x27: {  	v0 =	vmul.f32 $1.131370830e+01, v0  }
0x28: {  	s11 =	simm.s32 $0x11C80  }
0x29: {  	[tilespmem:s11+$0x0] =	vst v0  }
0x2a: {  	v0 =	vld [tilespmem:s29+$0x10]  }
0x2b: {  	v1 =	vmul.f32 $1.131370830e+01, v1;
	_ =	sdelay $0x1  }
0x2c: {  	[tilespmem:s11+$0xFFFFFF80] =	vst v1  }
0x2d: {  	v1 =	vld [tilespmem:s29+$0xFFFFFF90]  }
0x2e: {  	v0 =	vmul.f32 $1.131370830e+01, v0  }
0x2f: {  	s14 =	simm.s32 $0x1D80  }
0x30: {  	[tilespmem:s11+$0x10] =	vst v0;
	v0 =	vld [tilespmem:s14+$0x0]  }
0x31: {  	v2 =	vld [tilespmem:s29+$0x20]  }
0x32: {  	v1 =	vmul.f32 $1.131370830e+01, v1;
	_ =	sdelay $0x1  }
0x33: {  	[tilespmem:s11+$0xFFFFFF90] =	vst v1;
	v1 =	vld [tilespmem:s14+$0xFFFFFF80]  }
0x34: {  	v3 =	vld [tilespmem:s29+$0xFFFFFFA0];
	v0 =	vmul.f32 $1.131370830e+01, v0  }
0x35: {  	s12 =	simm.s32 $0x11D80;
	v2 =	vmul.f32 $1.131370830e+01, v2  }
0x36: {  	[tilespmem:s12+$0x0] =	vst v0  }
0x37: {  	v0 =	vld [tilespmem:s14+$0x10];
	[tilespmem:s11+$0x20] =	vst v2  }
0x38: {  	v1 =	vmul.f32 $1.131370830e+01, v1;
	v2 =	vld [tilespmem:s29+$0x30]  }
0x39: {  	v3 =	vmul.f32 $1.131370830e+01, v3  }
0x3a: {  	[tilespmem:s12+$0xFFFFFF80] =	vst v1  }
0x3b: {  	v1 =	vld [tilespmem:s14+$0xFFFFFF90];
	[tilespmem:s11+$0xFFFFFFA0] =	vst v3  }
0x3c: {  	v3 =	vld [tilespmem:s29+$0xFFFFFFB0];
	v0 =	vmul.f32 $1.131370830e+01, v0  }
0x3d: {  	s5 =	simm.s32 $0x1E80;
	v2 =	vmul.f32 $1.131370830e+01, v2  }
0x3e: {  	[tilespmem:s12+$0x10] =	vst v0;
	v0 =	vld [tilespmem:s5+$0x0]  }
0x3f: {  	[tilespmem:s11+$0x30] =	vst v2;
	v2 =	vld [tilespmem:s14+$0x20]  }
0x40: {  	v1 =	vmul.f32 $1.131370830e+01, v1;
	v4 =	vld [tilespmem:s29+$0x40]  }
0x41: {  	v3 =	vmul.f32 $1.131370830e+01, v3  }
0x42: {  	[tilespmem:s12+$0xFFFFFF90] =	vst v1;
	v1 =	vld [tilespmem:s5+$0xFFFFFF80]  }
0x43: {  	[tilespmem:s11+$0xFFFFFFB0] =	vst v3;
	v3 =	vld [tilespmem:s14+$0xFFFFFFA0];
	v0 =	vmul.f32 $1.131370830e+01, v0  }
0x44: {  	s8 =	simm.s32 $0x11E80;
	v5 =	vld [tilespmem:s29+$0xFFFFFFC0];
	v2 =	vmul.f32 $1.131370830e+01, v2  }
0x45: {  	[tilespmem:s8+$0x0] =	vst v0;
	v0 =	vmul.f32 $1.131370830e+01, v4  }
0x46: {  	v4 =	vld [tilespmem:s5+$0x10];
	[tilespmem:s12+$0x20] =	vst v2  }
0x47: {  	v1 =	vmul.f32 $1.131370830e+01, v1;
	v2 =	vld [tilespmem:s14+$0x30];
	[tilespmem:s11+$0x40] =	vst v0  }
0x48: {  	v0 =	vmul.f32 $1.131370830e+01, v3;
	v3 =	vld [tilespmem:s29+$0x50]  }
0x49: {  	[tilespmem:s8+$0xFFFFFF80] =	vst v1;
	v1 =	vmul.f32 $1.131370830e+01, v5  }
0x4a: {  	v5 =	vld [tilespmem:s5+$0xFFFFFF90];
	[tilespmem:s12+$0xFFFFFFA0] =	vst v0  }
0x4b: {  	[tilespmem:s11+$0xFFFFFFC0] =	vst v1;
	v0 =	vmul.f32 $1.131370830e+01, v4;
	v4 =	vld [tilespmem:s14+$0xFFFFFFB0]  }
0x4c: {  	s15 =	simm.s32 $0x1F80;
	v1 =	vmul.f32 $1.131370830e+01, v2;
	v2 =	vld [tilespmem:s29+$0xFFFFFFD0]  }
0x4d: {  	[tilespmem:s8+$0x10] =	vst v0;
	v0 =	vmul.f32 $1.131370830e+01, v3;
	v3 =	vld [tilespmem:s15+$0x0]  }
0x4e: {  	[tilespmem:s12+$0x30] =	vst v1;
	v1 =	vld [tilespmem:s5+$0x20]  }
0x4f: {  	v5 =	vmul.f32 $1.131370830e+01, v5;
	[tilespmem:s11+$0x50] =	vst v0;
	v0 =	vld [tilespmem:s14+$0x40]  }
0x50: {  	v4 =	vmul.f32 $1.131370830e+01, v4;
	v6 =	vld [tilespmem:s29+$0x60]  }
0x51: {  	[tilespmem:s8+$0xFFFFFF90] =	vst v5;
	v5 =	vld [tilespmem:s15+$0xFFFFFF80];
	v2 =	vmul.f32 $1.131370830e+01, v2  }
0x52: {  	[tilespmem:s12+$0xFFFFFFB0] =	vst v4;
	v3 =	vmul.f32 $1.131370830e+01, v3;
	v4 =	vld [tilespmem:s5+$0xFFFFFFA0]  }
0x53: {  	s16 =	simm.s32 $0x11F80;
	[tilespmem:s11+$0xFFFFFFD0] =	vst v2;
	v1 =	vmul.f32 $1.131370830e+01, v1;
	v2 =	vld [tilespmem:s14+$0xFFFFFFC0]  }
0x54: {  	[tilespmem:s16+$0x0] =	vst v3;
	v0 =	vmul.f32 $1.131370830e+01, v0;
	v3 =	vld [tilespmem:s29+$0xFFFFFFE0]  }
0x55: {  	v7 =	vld [tilespmem:s15+$0x10];
	[tilespmem:s8+$0x20] =	vst v1;
	v1 =	vmul.f32 $1.131370830e+01, v6  }
0x56: {  	v5 =	vmul.f32 $1.131370830e+01, v5;
	v6 =	vld [tilespmem:s5+$0x30];
	[tilespmem:s12+$0x40] =	vst v0  }
0x57: {  	v4 =	vmul.f32 $1.131370830e+01, v4;
	v8 =	vld [tilespmem:s14+$0x50];
	[tilespmem:s11+$0x60] =	vst v1  }
0x58: {  	[tilespmem:s16+$0xFFFFFF80] =	vst v5;
	v1 =	vmul.f32 $1.131370830e+01, v2;
	v0 =	vld [tilespmem:s29+$0x70]  }
0x59: {  	v5 =	vld [tilespmem:s15+$0xFFFFFF90];
	[tilespmem:s8+$0xFFFFFFA0] =	vst v4;
	v3 =	vmul.f32 $1.131370830e+01, v3  }
0x5a: {  	v7 =	vmul.f32 $1.131370830e+01, v7;
	v4 =	vld [tilespmem:s5+$0xFFFFFFB0];
	[tilespmem:s12+$0xFFFFFFC0] =	vst v1  }
0x5b: {  	v2 =	vld [tilespmem:s14+$0xFFFFFFD0];
	[tilespmem:s11+$0xFFFFFFE0] =	vst v3;
	v6 =	vmul.f32 $1.131370830e+01, v6  }
0x5c: {  	s6 =	simm.s32 $0x11F80;
	s17 =	simm.s32 $0x6;
	s21 =	simm.s32 $0x2080;
	[tilespmem:s16+$0x10] =	vst v7;
	v3 =	vmul.f32 $1.131370830e+01, v8;
	v1 =	vld [tilespmem:s29+$0xFFFFFFF0]  }
.LBB2_2:
0x5d: {  	v7 =	vld [tilespmem:s21+$0x0];
	[tilespmem:s8+$0x30] =	vst v6;
	v0 =	vmul.f32 $1.131370830e+01, v0;
	s3 =	smov.u32 s15;
	s15 =	smov.u32 s21  }
0x5e: {  	v5 =	vmul.f32 $1.131370830e+01, v5;
	v6 =	vld [tilespmem:s3+$0x20];
	[tilespmem:s12+$0x50] =	vst v3  }
0x5f: {  	v3 =	vmul.f32 $1.131370830e+01, v4;
	v4 =	vld [tilespmem:s5+$0x40];
	[tilespmem:s11+$0x70] =	vst v0  }
0x60: {  	s17 =	sadd.s32 $0x2, s17;
	[tilespmem:s16+$0xFFFFFF90] =	vst v5;
	v0 =	vmul.f32 $1.131370830e+01, v2;
	v2 =	vld [tilespmem:s14+$0x60]  }
0x61: {  	p0 =	slt.u32 s17, $0x7E;
	v5 =	vld [tilespmem:s21+$0xFFFFFF80];
	[tilespmem:s8+$0xFFFFFFB0] =	vst v3;
	v1 =	vmul.f32 $1.131370830e+01, v1  }
0x62: {  	v3 =	vmul.f32 $1.131370830e+01, v7;
	v7 =	vld [tilespmem:s3+$0xFFFFFFA0];
	[tilespmem:s12+$0xFFFFFFD0] =	vst v0  }
0x63: {  	s16 =	sadd.s32 $0x100, s16;
	v0 =	vmul.f32 $1.131370830e+01, v6;
	v6 =	vld [tilespmem:s5+$0xFFFFFFC0];
	[tilespmem:s11+$0xFFFFFFF0] =	vst v1;
	s11 =	smov.u32 s12;
	s12 =	smov.u32 s8  }
0x64: {  	s8 =	smov.u32 s6;
	s6 =	smov.u32 s16;
	[tilespmem:s16+$0x0] =	vst v3;
	v1 =	vmul.f32 $1.131370830e+01, v4;
	v3 =	vld [tilespmem:s14+$0xFFFFFFE0]  }
0x65: {  	v4 =	vld [tilespmem:s21+$0x10];
	[tilespmem:s8+$0x20] =	vst v0;
	v0 =	vmul.f32 $1.131370830e+01, v2  }
0x66: {  	v2 =	vmul.f32 $1.131370830e+01, v5;
	v8 =	vld [tilespmem:s3+$0x30];
	[tilespmem:s12+$0x40] =	vst v1  }
0x67: {  	v1 =	vmul.f32 $1.131370830e+01, v7;
	v7 =	vld [tilespmem:s5+$0x50];
	[tilespmem:s11+$0x60] =	vst v0  }
.Ltmp0:
0x68: {  	[tilespmem:s16+$0xFFFFFF80] =	vst v2;
	v2 =	vmul.f32 $1.131370830e+01, v6;
	v0 =	vld [tilespmem:s14+$0x70];
	(pc) =	sbr.rel @p0 .LBB2_2-.Ltmp0, $4  }
0x69: {  	v5 =	vld [tilespmem:s21+$0xFFFFFF90];
	[tilespmem:s8+$0xFFFFFFA0] =	vst v1;
	v1 =	vmul.f32 $1.131370830e+01, v3  }
0x6a: {  	v3 =	vmul.f32 $1.131370830e+01, v4;
	v4 =	vld [tilespmem:s3+$0xFFFFFFB0];
	[tilespmem:s12+$0xFFFFFFC0] =	vst v2  }
0x6b: {  	v6 =	vmul.f32 $1.131370830e+01, v8;
	v2 =	vld [tilespmem:s5+$0xFFFFFFD0];
	[tilespmem:s11+$0xFFFFFFE0] =	vst v1  }
0x6c: {  	s21 =	sadd.s32 $0x100, s21;
	[tilespmem:s16+$0x10] =	vst v3;
	v3 =	vmul.f32 $1.131370830e+01, v7;
	v1 =	vld [tilespmem:s14+$0xFFFFFFF0];
	s14 =	smov.u32 s5;
	s5 =	smov.u32 s3  }
0x6d: {  	_ = 	snop  }
0x6e: {  	v5 =	vmul.f32 $1.131370830e+01, v5;
	_ =	sdelay $0x1  }
0x6f: {  	v7 =	vld [tilespmem:s15+$0x20];
	[tilespmem:s16+$0xFFFFFF90] =	vst v5  }
0x70: {  	v5 =	vld [tilespmem:s15+$0xFFFFFFA0];
	_ =	sdelay $0x3  }
0x71: {  	v7 =	vmul.f32 $1.131370830e+01, v7  }
0x72: {  	v5 =	vmul.f32 $1.131370830e+01, v5  }
0x73: {  	[tilespmem:s6+$0x20] =	vst v7  }
0x74: {  	v7 =	vld [tilespmem:s15+$0x30];
	[tilespmem:s6+$0xFFFFFFA0] =	vst v5  }
0x75: {  	v5 =	vld [tilespmem:s15+$0xFFFFFFB0];
	_ =	sdelay $0x2  }
0x76: {  	v4 =	vmul.f32 $1.131370830e+01, v4  }
0x77: {  	[tilespmem:s8+$0x30] =	vst v6;
	v6 =	vmul.f32 $1.131370830e+01, v7  }
0x78: {  	[tilespmem:s8+$0xFFFFFFB0] =	vst v4;
	v7 =	vld [tilespmem:s5+$0x40];
	v4 =	vmul.f32 $1.131370830e+01, v5  }
0x79: {  	[tilespmem:s6+$0x30] =	vst v6;
	v5 =	vld [tilespmem:s5+$0xFFFFFFC0]  }
0x7a: {  	v6 =	vld [tilespmem:s15+$0x40];
	[tilespmem:s6+$0xFFFFFFB0] =	vst v4  }
0x7b: {  	v4 =	vld [tilespmem:s15+$0xFFFFFFC0];
	_ =	sdelay $0x1  }
0x7c: {  	v7 =	vmul.f32 $1.131370830e+01, v7  }
0x7d: {  	v5 =	vmul.f32 $1.131370830e+01, v5  }
0x7e: {  	[tilespmem:s8+$0x40] =	vst v7;
	v6 =	vmul.f32 $1.131370830e+01, v6  }
0x7f: {  	v7 =	vld [tilespmem:s5+$0x50];
	[tilespmem:s8+$0xFFFFFFC0] =	vst v5;
	v4 =	vmul.f32 $1.131370830e+01, v4  }
0x80: {  	[tilespmem:s6+$0x40] =	vst v6;
	v5 =	vld [tilespmem:s5+$0xFFFFFFD0]  }
0x81: {  	v6 =	vld [tilespmem:s15+$0x50];
	[tilespmem:s6+$0xFFFFFFC0] =	vst v4  }
0x82: {  	v4 =	vld [tilespmem:s15+$0xFFFFFFD0]  }
0x83: {  	v2 =	vmul.f32 $1.131370830e+01, v2  }
0x84: {  	[tilespmem:s12+$0x50] =	vst v3;
	v3 =	vmul.f32 $1.131370830e+01, v7  }
0x85: {  	[tilespmem:s12+$0xFFFFFFD0] =	vst v2;
	v7 =	vld [tilespmem:s14+$0x60];
	v2 =	vmul.f32 $1.131370830e+01, v5  }
0x86: {  	[tilespmem:s8+$0x50] =	vst v3;
	v3 =	vmul.f32 $1.131370830e+01, v6;
	v5 =	vld [tilespmem:s14+$0xFFFFFFE0]  }
0x87: {  	v6 =	vld [tilespmem:s5+$0x60];
	[tilespmem:s8+$0xFFFFFFD0] =	vst v2;
	v2 =	vmul.f32 $1.131370830e+01, v4  }
0x88: {  	[tilespmem:s6+$0x50] =	vst v3;
	v4 =	vld [tilespmem:s5+$0xFFFFFFE0]  }
0x89: {  	v3 =	vld [tilespmem:s15+$0x60];
	[tilespmem:s6+$0xFFFFFFD0] =	vst v2  }
0x8a: {  	v2 =	vmul.f32 $1.131370830e+01, v7;
	v7 =	vld [tilespmem:s15+$0xFFFFFFE0]  }
0x8b: {  	v5 =	vmul.f32 $1.131370830e+01, v5  }
0x8c: {  	[tilespmem:s12+$0x60] =	vst v2;
	v2 =	vmul.f32 $1.131370830e+01, v6  }
0x8d: {  	[tilespmem:s12+$0xFFFFFFE0] =	vst v5;
	v6 =	vld [tilespmem:s14+$0x70];
	v4 =	vmul.f32 $1.131370830e+01, v4  }
0x8e: {  	v5 =	vld [tilespmem:s14+$0xFFFFFFF0];
	[tilespmem:s8+$0x60] =	vst v2;
	v2 =	vmul.f32 $1.131370830e+01, v3  }
0x8f: {  	v3 =	vld [tilespmem:s5+$0x70];
	[tilespmem:s8+$0xFFFFFFE0] =	vst v4;
	v4 =	vmul.f32 $1.131370830e+01, v7  }
0x90: {  	v0 =	vmul.f32 $1.131370830e+01, v0;
	v7 =	vld [tilespmem:s5+$0xFFFFFFF0];
	[tilespmem:s6+$0x60] =	vst v2  }
0x91: {  	v1 =	vmul.f32 $1.131370830e+01, v1;
	v2 =	vld [tilespmem:s15+$0x70];
	[tilespmem:s6+$0xFFFFFFE0] =	vst v4  }
0x92: {  	[tilespmem:s11+$0x70] =	vst v0;
	v0 =	vmul.f32 $1.131370830e+01, v6;
	v4 =	vld [tilespmem:s15+$0xFFFFFFF0]  }
0x93: {  	[tilespmem:s11+$0xFFFFFFF0] =	vst v1;
	v1 =	vmul.f32 $1.131370830e+01, v5  }
0x94: {  	[tilespmem:s12+$0x70] =	vst v0;
	v0 =	vmul.f32 $1.131370830e+01, v3  }
0x95: {  	[tilespmem:s12+$0xFFFFFFF0] =	vst v1;
	v1 =	vmul.f32 $1.131370830e+01, v7  }
0x96: {  	[tilespmem:s8+$0x70] =	vst v0;
	v0 =	vmul.f32 $1.131370830e+01, v2  }
0x97: {  	[tilespmem:s8+$0xFFFFFFF0] =	vst v1;
	v1 =	vmul.f32 $1.131370830e+01, v4  }
0x98: {  	[tilespmem:s6+$0x70] =	vst v0  }
0x99: {  	[tilespmem:s6+$0xFFFFFFF0] =	vst v1  }
0x9a: {  	s3 =	rddreg [dreg:$0x6]  }
0x9b: {  	[hbm4b:s3+s4] =	stream.linear.scatter [tilespmem:s31], [sflag:$0x5], $0x4000, $0x38;
	[tilespmem:$0x1DC00] =	vst v63  }
0x9c: {  	s24 =	simm.s32 $0x1C00;
	s25 =	simm.s32 $0x200  }
0x9d: {  	[tilespmem:s24], [sflag:$0x1] =	stream.indirect.gather [hbm4b:s2+s22], $0x80, s25, s22, $0xb8;
	[tilespmem:$0x1DC00] =	vst v63  }
0x9e: {  	_ =	swait.ge [sflag:s1], $0x4000  }
0x9f: {  	[sflag:s1] =	ssyncset.done $0x0  }
0xa0: {  	s29 =	simm.s32 $0x5C80;
	[sflag:s1] =	ssyncadd.s32 $0xFFFFC000  }
0xa1: {  	v0 =	vld [tilespmem:s29+$0x0];
	_ =	sdelay $0x3  }
0xa2: {  	v1 =	vld [tilespmem:s29+$0xFFFFFF80]  }
0xa3: {  	v0 =	vmul.f32 $1.131370830e+01, v0  }
0xa4: {  	s11 =	simm.s32 $0x15C80  }
0xa5: {  	[tilespmem:s11+$0x0] =	vst v0  }
0xa6: {  	v0 =	vld [tilespmem:s29+$0x10]  }
0xa7: {  	v1 =	vmul.f32 $1.131370830e+01, v1;
	_ =	sdelay $0x1  }
0xa8: {  	[tilespmem:s11+$0xFFFFFF80] =	vst v1  }
0xa9: {  	v1 =	vld [tilespmem:s29+$0xFFFFFF90]  }
0xaa: {  	v0 =	vmul.f32 $1.131370830e+01, v0  }
0xab: {  	s14 =	simm.s32 $0x5D80  }
0xac: {  	[tilespmem:s11+$0x10] =	vst v0;
	v0 =	vld [tilespmem:s14+$0x0]  }
0xad: {  	v2 =	vld [tilespmem:s29+$0x20]  }
0xae: {  	v1 =	vmul.f32 $1.131370830e+01, v1;
	_ =	sdelay $0x1  }
0xaf: {  	[tilespmem:s11+$0xFFFFFF90] =	vst v1;
	v1 =	vld [tilespmem:s14+$0xFFFFFF80]  }
0xb0: {  	v3 =	vld [tilespmem:s29+$0xFFFFFFA0];
	v0 =	vmul.f32 $1.131370830e+01, v0  }
0xb1: {  	s12 =	simm.s32 $0x15D80;
	v2 =	vmul.f32 $1.131370830e+01, v2  }
0xb2: {  	[tilespmem:s12+$0x0] =	vst v0  }
0xb3: {  	v0 =	vld [tilespmem:s14+$0x10];
	[tilespmem:s11+$0x20] =	vst v2  }
0xb4: {  	v1 =	vmul.f32 $1.131370830e+01, v1;
	v2 =	vld [tilespmem:s29+$0x30]  }
0xb5: {  	v3 =	vmul.f32 $1.131370830e+01, v3  }
0xb6: {  	[tilespmem:s12+$0xFFFFFF80] =	vst v1  }
0xb7: {  	v1 =	vld [tilespmem:s14+$0xFFFFFF90];
	[tilespmem:s11+$0xFFFFFFA0] =	vst v3  }
0xb8: {  	v3 =	vld [tilespmem:s29+$0xFFFFFFB0];
	v0 =	vmul.f32 $1.131370830e+01, v0  }
0xb9: {  	s5 =	simm.s32 $0x5E80;
	v2 =	vmul.f32 $1.131370830e+01, v2  }
0xba: {  	[tilespmem:s12+$0x10] =	vst v0;
	v0 =	vld [tilespmem:s5+$0x0]  }
0xbb: {  	[tilespmem:s11+$0x30] =	vst v2;
	v2 =	vld [tilespmem:s14+$0x20]  }
0xbc: {  	v1 =	vmul.f32 $1.131370830e+01, v1;
	v4 =	vld [tilespmem:s29+$0x40]  }
0xbd: {  	v3 =	vmul.f32 $1.131370830e+01, v3  }
0xbe: {  	[tilespmem:s12+$0xFFFFFF90] =	vst v1;
	v1 =	vld [tilespmem:s5+$0xFFFFFF80]  }
0xbf: {  	[tilespmem:s11+$0xFFFFFFB0] =	vst v3;
	v3 =	vld [tilespmem:s14+$0xFFFFFFA0];
	v0 =	vmul.f32 $1.131370830e+01, v0  }
0xc0: {  	s8 =	simm.s32 $0x15E80;
	v5 =	vld [tilespmem:s29+$0xFFFFFFC0];
	v2 =	vmul.f32 $1.131370830e+01, v2  }
0xc1: {  	[tilespmem:s8+$0x0] =	vst v0;
	v0 =	vmul.f32 $1.131370830e+01, v4  }
0xc2: {  	v4 =	vld [tilespmem:s5+$0x10];
	[tilespmem:s12+$0x20] =	vst v2  }
0xc3: {  	v1 =	vmul.f32 $1.131370830e+01, v1;
	v2 =	vld [tilespmem:s14+$0x30];
	[tilespmem:s11+$0x40] =	vst v0  }
0xc4: {  	v0 =	vmul.f32 $1.131370830e+01, v3;
	v3 =	vld [tilespmem:s29+$0x50]  }
0xc5: {  	[tilespmem:s8+$0xFFFFFF80] =	vst v1;
	v1 =	vmul.f32 $1.131370830e+01, v5  }
0xc6: {  	v5 =	vld [tilespmem:s5+$0xFFFFFF90];
	[tilespmem:s12+$0xFFFFFFA0] =	vst v0  }
0xc7: {  	[tilespmem:s11+$0xFFFFFFC0] =	vst v1;
	v0 =	vmul.f32 $1.131370830e+01, v4;
	v4 =	vld [tilespmem:s14+$0xFFFFFFB0]  }
0xc8: {  	s15 =	simm.s32 $0x5F80;
	v1 =	vmul.f32 $1.131370830e+01, v2;
	v2 =	vld [tilespmem:s29+$0xFFFFFFD0]  }
0xc9: {  	[tilespmem:s8+$0x10] =	vst v0;
	v0 =	vmul.f32 $1.131370830e+01, v3;
	v3 =	vld [tilespmem:s15+$0x0]  }
0xca: {  	[tilespmem:s12+$0x30] =	vst v1;
	v1 =	vld [tilespmem:s5+$0x20]  }
0xcb: {  	v5 =	vmul.f32 $1.131370830e+01, v5;
	[tilespmem:s11+$0x50] =	vst v0;
	v0 =	vld [tilespmem:s14+$0x40]  }
0xcc: {  	v4 =	vmul.f32 $1.131370830e+01, v4;
	v6 =	vld [tilespmem:s29+$0x60]  }
0xcd: {  	[tilespmem:s8+$0xFFFFFF90] =	vst v5;
	v5 =	vld [tilespmem:s15+$0xFFFFFF80];
	v2 =	vmul.f32 $1.131370830e+01, v2  }
0xce: {  	[tilespmem:s12+$0xFFFFFFB0] =	vst v4;
	v3 =	vmul.f32 $1.131370830e+01, v3;
	v4 =	vld [tilespmem:s5+$0xFFFFFFA0]  }
0xcf: {  	s16 =	simm.s32 $0x15F80;
	[tilespmem:s11+$0xFFFFFFD0] =	vst v2;
	v1 =	vmul.f32 $1.131370830e+01, v1;
	v2 =	vld [tilespmem:s14+$0xFFFFFFC0]  }
0xd0: {  	[tilespmem:s16+$0x0] =	vst v3;
	v0 =	vmul.f32 $1.131370830e+01, v0;
	v3 =	vld [tilespmem:s29+$0xFFFFFFE0]  }
0xd1: {  	v7 =	vld [tilespmem:s15+$0x10];
	[tilespmem:s8+$0x20] =	vst v1;
	v1 =	vmul.f32 $1.131370830e+01, v6  }
0xd2: {  	v5 =	vmul.f32 $1.131370830e+01, v5;
	v6 =	vld [tilespmem:s5+$0x30];
	[tilespmem:s12+$0x40] =	vst v0  }
0xd3: {  	v4 =	vmul.f32 $1.131370830e+01, v4;
	v8 =	vld [tilespmem:s14+$0x50];
	[tilespmem:s11+$0x60] =	vst v1  }
0xd4: {  	[tilespmem:s16+$0xFFFFFF80] =	vst v5;
	v1 =	vmul.f32 $1.131370830e+01, v2;
	v0 =	vld [tilespmem:s29+$0x70]  }
0xd5: {  	v5 =	vld [tilespmem:s15+$0xFFFFFF90];
	[tilespmem:s8+$0xFFFFFFA0] =	vst v4;
	v3 =	vmul.f32 $1.131370830e+01, v3  }
0xd6: {  	v7 =	vmul.f32 $1.131370830e+01, v7;
	v4 =	vld [tilespmem:s5+$0xFFFFFFB0];
	[tilespmem:s12+$0xFFFFFFC0] =	vst v1  }
0xd7: {  	v2 =	vld [tilespmem:s14+$0xFFFFFFD0];
	[tilespmem:s11+$0xFFFFFFE0] =	vst v3;
	v6 =	vmul.f32 $1.131370830e+01, v6  }
0xd8: {  	s17 =	simm.s32 $0x6;
	s21 =	simm.s32 $0x6080;
	s6 =	simm.s32 $0x15F80;
	[tilespmem:s16+$0x10] =	vst v7;
	v3 =	vmul.f32 $1.131370830e+01, v8;
	v1 =	vld [tilespmem:s29+$0xFFFFFFF0]  }
.LBB2_4:
0xd9: {  	v7 =	vld [tilespmem:s21+$0x0];
	[tilespmem:s8+$0x30] =	vst v6;
	v0 =	vmul.f32 $1.131370830e+01, v0;
	s3 =	smov.u32 s15;
	s15 =	smov.u32 s21  }
0xda: {  	v5 =	vmul.f32 $1.131370830e+01, v5;
	v6 =	vld [tilespmem:s3+$0x20];
	[tilespmem:s12+$0x50] =	vst v3  }
0xdb: {  	v3 =	vmul.f32 $1.131370830e+01, v4;
	v4 =	vld [tilespmem:s5+$0x40];
	[tilespmem:s11+$0x70] =	vst v0  }
0xdc: {  	s17 =	sadd.s32 $0x2, s17;
	[tilespmem:s16+$0xFFFFFF90] =	vst v5;
	v0 =	vmul.f32 $1.131370830e+01, v2;
	v2 =	vld [tilespmem:s14+$0x60]  }
0xdd: {  	p0 =	slt.u32 s17, $0x7E;
	v5 =	vld [tilespmem:s21+$0xFFFFFF80];
	[tilespmem:s8+$0xFFFFFFB0] =	vst v3;
	v1 =	vmul.f32 $1.131370830e+01, v1  }
0xde: {  	v3 =	vmul.f32 $1.131370830e+01, v7;
	v7 =	vld [tilespmem:s3+$0xFFFFFFA0];
	[tilespmem:s12+$0xFFFFFFD0] =	vst v0  }
0xdf: {  	s16 =	sadd.s32 $0x100, s16;
	v0 =	vmul.f32 $1.131370830e+01, v6;
	v6 =	vld [tilespmem:s5+$0xFFFFFFC0];
	[tilespmem:s11+$0xFFFFFFF0] =	vst v1;
	s11 =	smov.u32 s12;
	s12 =	smov.u32 s8  }
0xe0: {  	s8 =	smov.u32 s6;
	s6 =	smov.u32 s16;
	[tilespmem:s16+$0x0] =	vst v3;
	v1 =	vmul.f32 $1.131370830e+01, v4;
	v3 =	vld [tilespmem:s14+$0xFFFFFFE0]  }
0xe1: {  	v4 =	vld [tilespmem:s21+$0x10];
	[tilespmem:s8+$0x20] =	vst v0;
	v0 =	vmul.f32 $1.131370830e+01, v2  }
0xe2: {  	v2 =	vmul.f32 $1.131370830e+01, v5;
	v8 =	vld [tilespmem:s3+$0x30];
	[tilespmem:s12+$0x40] =	vst v1  }
0xe3: {  	v1 =	vmul.f32 $1.131370830e+01, v7;
	v7 =	vld [tilespmem:s5+$0x50];
	[tilespmem:s11+$0x60] =	vst v0  }
.Ltmp1:
0xe4: {  	[tilespmem:s16+$0xFFFFFF80] =	vst v2;
	v2 =	vmul.f32 $1.131370830e+01, v6;
	v0 =	vld [tilespmem:s14+$0x70];
	(pc) =	sbr.rel @p0 .LBB2_4-.Ltmp1, $4  }
0xe5: {  	v5 =	vld [tilespmem:s21+$0xFFFFFF90];
	[tilespmem:s8+$0xFFFFFFA0] =	vst v1;
	v1 =	vmul.f32 $1.131370830e+01, v3  }
0xe6: {  	v3 =	vmul.f32 $1.131370830e+01, v4;
	v4 =	vld [tilespmem:s3+$0xFFFFFFB0];
	[tilespmem:s12+$0xFFFFFFC0] =	vst v2  }
0xe7: {  	v6 =	vmul.f32 $1.131370830e+01, v8;
	v2 =	vld [tilespmem:s5+$0xFFFFFFD0];
	[tilespmem:s11+$0xFFFFFFE0] =	vst v1  }
0xe8: {  	s21 =	sadd.s32 $0x100, s21;
	[tilespmem:s16+$0x10] =	vst v3;
	v3 =	vmul.f32 $1.131370830e+01, v7;
	v1 =	vld [tilespmem:s14+$0xFFFFFFF0];
	s14 =	smov.u32 s5;
	s5 =	smov.u32 s3  }
0xe9: {  	_ = 	snop  }
0xea: {  	v5 =	vmul.f32 $1.131370830e+01, v5;
	_ =	sdelay $0x1  }
0xeb: {  	v7 =	vld [tilespmem:s15+$0x20];
	[tilespmem:s16+$0xFFFFFF90] =	vst v5  }
0xec: {  	v5 =	vld [tilespmem:s15+$0xFFFFFFA0];
	_ =	sdelay $0x3  }
0xed: {  	v7 =	vmul.f32 $1.131370830e+01, v7  }
0xee: {  	v5 =	vmul.f32 $1.131370830e+01, v5  }
0xef: {  	[tilespmem:s6+$0x20] =	vst v7  }
0xf0: {  	v7 =	vld [tilespmem:s15+$0x30];
	[tilespmem:s6+$0xFFFFFFA0] =	vst v5  }
0xf1: {  	v5 =	vld [tilespmem:s15+$0xFFFFFFB0];
	_ =	sdelay $0x2  }
0xf2: {  	v4 =	vmul.f32 $1.131370830e+01, v4  }
0xf3: {  	[tilespmem:s8+$0x30] =	vst v6;
	v6 =	vmul.f32 $1.131370830e+01, v7  }
0xf4: {  	[tilespmem:s8+$0xFFFFFFB0] =	vst v4;
	v7 =	vld [tilespmem:s5+$0x40];
	v4 =	vmul.f32 $1.131370830e+01, v5  }
0xf5: {  	[tilespmem:s6+$0x30] =	vst v6;
	v5 =	vld [tilespmem:s5+$0xFFFFFFC0]  }
0xf6: {  	v6 =	vld [tilespmem:s15+$0x40];
	[tilespmem:s6+$0xFFFFFFB0] =	vst v4  }
0xf7: {  	v4 =	vld [tilespmem:s15+$0xFFFFFFC0];
	_ =	sdelay $0x1  }
0xf8: {  	v7 =	vmul.f32 $1.131370830e+01, v7  }
0xf9: {  	v5 =	vmul.f32 $1.131370830e+01, v5  }
0xfa: {  	[tilespmem:s8+$0x40] =	vst v7;
	v6 =	vmul.f32 $1.131370830e+01, v6  }
0xfb: {  	v7 =	vld [tilespmem:s5+$0x50];
	[tilespmem:s8+$0xFFFFFFC0] =	vst v5;
	v4 =	vmul.f32 $1.131370830e+01, v4  }
0xfc: {  	[tilespmem:s6+$0x40] =	vst v6;
	v5 =	vld [tilespmem:s5+$0xFFFFFFD0]  }
0xfd: {  	v6 =	vld [tilespmem:s15+$0x50];
	[tilespmem:s6+$0xFFFFFFC0] =	vst v4  }
0xfe: {  	v4 =	vld [tilespmem:s15+$0xFFFFFFD0]  }
0xff: {  	v2 =	vmul.f32 $1.131370830e+01, v2  }
0x100: {  	[tilespmem:s12+$0x50] =	vst v3;
	v3 =	vmul.f32 $1.131370830e+01, v7  }
0x101: {  	[tilespmem:s12+$0xFFFFFFD0] =	vst v2;
	v7 =	vld [tilespmem:s14+$0x60];
	v2 =	vmul.f32 $1.131370830e+01, v5  }
0x102: {  	[tilespmem:s8+$0x50] =	vst v3;
	v3 =	vmul.f32 $1.131370830e+01, v6;
	v5 =	vld [tilespmem:s14+$0xFFFFFFE0]  }
0x103: {  	v6 =	vld [tilespmem:s5+$0x60];
	[tilespmem:s8+$0xFFFFFFD0] =	vst v2;
	v2 =	vmul.f32 $1.131370830e+01, v4  }
0x104: {  	[tilespmem:s6+$0x50] =	vst v3;
	v4 =	vld [tilespmem:s5+$0xFFFFFFE0]  }
0x105: {  	v3 =	vld [tilespmem:s15+$0x60];
	[tilespmem:s6+$0xFFFFFFD0] =	vst v2  }
0x106: {  	v2 =	vmul.f32 $1.131370830e+01, v7;
	v7 =	vld [tilespmem:s15+$0xFFFFFFE0]  }
0x107: {  	v5 =	vmul.f32 $1.131370830e+01, v5  }
0x108: {  	[tilespmem:s12+$0x60] =	vst v2;
	v2 =	vmul.f32 $1.131370830e+01, v6  }
0x109: {  	[tilespmem:s12+$0xFFFFFFE0] =	vst v5;
	v6 =	vld [tilespmem:s14+$0x70];
	v4 =	vmul.f32 $1.131370830e+01, v4  }
0x10a: {  	v5 =	vld [tilespmem:s14+$0xFFFFFFF0];
	[tilespmem:s8+$0x60] =	vst v2;
	v2 =	vmul.f32 $1.131370830e+01, v3  }
0x10b: {  	v3 =	vld [tilespmem:s5+$0x70];
	[tilespmem:s8+$0xFFFFFFE0] =	vst v4;
	v4 =	vmul.f32 $1.131370830e+01, v7  }
0x10c: {  	v0 =	vmul.f32 $1.131370830e+01, v0;
	v7 =	vld [tilespmem:s5+$0xFFFFFFF0];
	[tilespmem:s6+$0x60] =	vst v2  }
0x10d: {  	v1 =	vmul.f32 $1.131370830e+01, v1;
	v2 =	vld [tilespmem:s15+$0x70];
	[tilespmem:s6+$0xFFFFFFE0] =	vst v4  }
0x10e: {  	[tilespmem:s11+$0x70] =	vst v0;
	v0 =	vmul.f32 $1.131370830e+01, v6;
	v4 =	vld [tilespmem:s15+$0xFFFFFFF0]  }
0x10f: {  	[tilespmem:s11+$0xFFFFFFF0] =	vst v1;
	v1 =	vmul.f32 $1.131370830e+01, v5  }
0x110: {  	[tilespmem:s12+$0x70] =	vst v0;
	v0 =	vmul.f32 $1.131370830e+01, v3  }
0x111: {  	[tilespmem:s12+$0xFFFFFFF0] =	vst v1;
	v1 =	vmul.f32 $1.131370830e+01, v7  }
0x112: {  	[tilespmem:s8+$0x70] =	vst v0;
	v0 =	vmul.f32 $1.131370830e+01, v2  }
0x113: {  	[tilespmem:s8+$0xFFFFFFF0] =	vst v1;
	v1 =	vmul.f32 $1.131370830e+01, v4  }
0x114: {  	[tilespmem:s6+$0x70] =	vst v0  }
0x115: {  	[tilespmem:s6+$0xFFFFFFF0] =	vst v1  }
0x116: {  	s3 =	rddreg [dreg:$0x7]  }
0x117: {  	[hbm4b:s3+s4] =	stream.linear.scatter [tilespmem:s18], [sflag:$0x6], $0x4000, $0x38;
	[tilespmem:$0x1DC00] =	vst v63  }
0x118: {  	s24 =	simm.s32 $0x5C00;
	s25 =	simm.s32 $0x280  }
0x119: {  	[tilespmem:s24], [sflag:$0x2] =	stream.indirect.gather [hbm4b:s2+s22], $0x80, s25, s22, $0xb8;
	[tilespmem:$0x1DC00] =	vst v63  }
0x11a: {  	_ =	swait.ge [sflag:s20], $0x4000  }
0x11b: {  	[sflag:s20] =	ssyncset.done $0x0  }
0x11c: {  	s29 =	simm.s32 $0x9C80;
	[sflag:s20] =	ssyncadd.s32 $0xFFFFC000  }
0x11d: {  	v0 =	vld [tilespmem:s29+$0x0];
	_ =	sdelay $0x3  }
0x11e: {  	v1 =	vld [tilespmem:s29+$0xFFFFFF80]  }
0x11f: {  	v0 =	vmul.f32 $1.131370830e+01, v0  }
0x120: {  	s11 =	simm.s32 $0x19C80  }
0x121: {  	[tilespmem:s11+$0x0] =	vst v0  }
0x122: {  	v0 =	vld [tilespmem:s29+$0x10]  }
0x123: {  	v1 =	vmul.f32 $1.131370830e+01, v1;
	_ =	sdelay $0x1  }
0x124: {  	[tilespmem:s11+$0xFFFFFF80] =	vst v1  }
0x125: {  	v1 =	vld [tilespmem:s29+$0xFFFFFF90]  }
0x126: {  	v0 =	vmul.f32 $1.131370830e+01, v0  }
0x127: {  	s14 =	simm.s32 $0x9D80  }
0x128: {  	[tilespmem:s11+$0x10] =	vst v0;
	v0 =	vld [tilespmem:s14+$0x0]  }
0x129: {  	v2 =	vld [tilespmem:s29+$0x20]  }
0x12a: {  	v1 =	vmul.f32 $1.131370830e+01, v1;
	_ =	sdelay $0x1  }
0x12b: {  	[tilespmem:s11+$0xFFFFFF90] =	vst v1;
	v1 =	vld [tilespmem:s14+$0xFFFFFF80]  }
0x12c: {  	v3 =	vld [tilespmem:s29+$0xFFFFFFA0];
	v0 =	vmul.f32 $1.131370830e+01, v0  }
0x12d: {  	s12 =	simm.s32 $0x19D80;
	v2 =	vmul.f32 $1.131370830e+01, v2  }
0x12e: {  	[tilespmem:s12+$0x0] =	vst v0  }
0x12f: {  	v0 =	vld [tilespmem:s14+$0x10];
	[tilespmem:s11+$0x20] =	vst v2  }
0x130: {  	v1 =	vmul.f32 $1.131370830e+01, v1;
	v2 =	vld [tilespmem:s29+$0x30]  }
0x131: {  	v3 =	vmul.f32 $1.131370830e+01, v3  }
0x132: {  	[tilespmem:s12+$0xFFFFFF80] =	vst v1  }
0x133: {  	v1 =	vld [tilespmem:s14+$0xFFFFFF90];
	[tilespmem:s11+$0xFFFFFFA0] =	vst v3  }
0x134: {  	v3 =	vld [tilespmem:s29+$0xFFFFFFB0];
	v0 =	vmul.f32 $1.131370830e+01, v0  }
0x135: {  	s5 =	simm.s32 $0x9E80;
	v2 =	vmul.f32 $1.131370830e+01, v2  }
0x136: {  	[tilespmem:s12+$0x10] =	vst v0;
	v0 =	vld [tilespmem:s5+$0x0]  }
0x137: {  	[tilespmem:s11+$0x30] =	vst v2;
	v2 =	vld [tilespmem:s14+$0x20]  }
0x138: {  	v1 =	vmul.f32 $1.131370830e+01, v1;
	v4 =	vld [tilespmem:s29+$0x40]  }
0x139: {  	v3 =	vmul.f32 $1.131370830e+01, v3  }
0x13a: {  	[tilespmem:s12+$0xFFFFFF90] =	vst v1;
	v1 =	vld [tilespmem:s5+$0xFFFFFF80]  }
0x13b: {  	[tilespmem:s11+$0xFFFFFFB0] =	vst v3;
	v3 =	vld [tilespmem:s14+$0xFFFFFFA0];
	v0 =	vmul.f32 $1.131370830e+01, v0  }
0x13c: {  	s8 =	simm.s32 $0x19E80;
	v5 =	vld [tilespmem:s29+$0xFFFFFFC0];
	v2 =	vmul.f32 $1.131370830e+01, v2  }
0x13d: {  	[tilespmem:s8+$0x0] =	vst v0;
	v0 =	vmul.f32 $1.131370830e+01, v4  }
0x13e: {  	v4 =	vld [tilespmem:s5+$0x10];
	[tilespmem:s12+$0x20] =	vst v2  }
0x13f: {  	v1 =	vmul.f32 $1.131370830e+01, v1;
	v2 =	vld [tilespmem:s14+$0x30];
	[tilespmem:s11+$0x40] =	vst v0  }
0x140: {  	v0 =	vmul.f32 $1.131370830e+01, v3;
	v3 =	vld [tilespmem:s29+$0x50]  }
0x141: {  	[tilespmem:s8+$0xFFFFFF80] =	vst v1;
	v1 =	vmul.f32 $1.131370830e+01, v5  }
0x142: {  	v5 =	vld [tilespmem:s5+$0xFFFFFF90];
	[tilespmem:s12+$0xFFFFFFA0] =	vst v0  }
0x143: {  	[tilespmem:s11+$0xFFFFFFC0] =	vst v1;
	v0 =	vmul.f32 $1.131370830e+01, v4;
	v4 =	vld [tilespmem:s14+$0xFFFFFFB0]  }
0x144: {  	s15 =	simm.s32 $0x9F80;
	v1 =	vmul.f32 $1.131370830e+01, v2;
	v2 =	vld [tilespmem:s29+$0xFFFFFFD0]  }
0x145: {  	[tilespmem:s8+$0x10] =	vst v0;
	v0 =	vmul.f32 $1.131370830e+01, v3;
	v3 =	vld [tilespmem:s15+$0x0]  }
0x146: {  	[tilespmem:s12+$0x30] =	vst v1;
	v1 =	vld [tilespmem:s5+$0x20]  }
0x147: {  	v5 =	vmul.f32 $1.131370830e+01, v5;
	[tilespmem:s11+$0x50] =	vst v0;
	v0 =	vld [tilespmem:s14+$0x40]  }
0x148: {  	v4 =	vmul.f32 $1.131370830e+01, v4;
	v6 =	vld [tilespmem:s29+$0x60]  }
0x149: {  	[tilespmem:s8+$0xFFFFFF90] =	vst v5;
	v5 =	vld [tilespmem:s15+$0xFFFFFF80];
	v2 =	vmul.f32 $1.131370830e+01, v2  }
0x14a: {  	[tilespmem:s12+$0xFFFFFFB0] =	vst v4;
	v3 =	vmul.f32 $1.131370830e+01, v3;
	v4 =	vld [tilespmem:s5+$0xFFFFFFA0]  }
0x14b: {  	s16 =	simm.s32 $0x19F80;
	[tilespmem:s11+$0xFFFFFFD0] =	vst v2;
	v1 =	vmul.f32 $1.131370830e+01, v1;
	v2 =	vld [tilespmem:s14+$0xFFFFFFC0]  }
0x14c: {  	[tilespmem:s16+$0x0] =	vst v3;
	v0 =	vmul.f32 $1.131370830e+01, v0;
	v3 =	vld [tilespmem:s29+$0xFFFFFFE0]  }
0x14d: {  	v7 =	vld [tilespmem:s15+$0x10];
	[tilespmem:s8+$0x20] =	vst v1;
	v1 =	vmul.f32 $1.131370830e+01, v6  }
0x14e: {  	v5 =	vmul.f32 $1.131370830e+01, v5;
	v6 =	vld [tilespmem:s5+$0x30];
	[tilespmem:s12+$0x40] =	vst v0  }
0x14f: {  	v4 =	vmul.f32 $1.131370830e+01, v4;
	v8 =	vld [tilespmem:s14+$0x50];
	[tilespmem:s11+$0x60] =	vst v1  }
0x150: {  	[tilespmem:s16+$0xFFFFFF80] =	vst v5;
	v1 =	vmul.f32 $1.131370830e+01, v2;
	v0 =	vld [tilespmem:s29+$0x70]  }
0x151: {  	v5 =	vld [tilespmem:s15+$0xFFFFFF90];
	[tilespmem:s8+$0xFFFFFFA0] =	vst v4;
	v3 =	vmul.f32 $1.131370830e+01, v3  }
0x152: {  	v7 =	vmul.f32 $1.131370830e+01, v7;
	v4 =	vld [tilespmem:s5+$0xFFFFFFB0];
	[tilespmem:s12+$0xFFFFFFC0] =	vst v1  }
0x153: {  	v2 =	vld [tilespmem:s14+$0xFFFFFFD0];
	[tilespmem:s11+$0xFFFFFFE0] =	vst v3;
	v6 =	vmul.f32 $1.131370830e+01, v6  }
0x154: {  	s17 =	simm.s32 $0x6;
	s21 =	simm.s32 $0xA080;
	s6 =	simm.s32 $0x19F80;
	[tilespmem:s16+$0x10] =	vst v7;
	v3 =	vmul.f32 $1.131370830e+01, v8;
	v1 =	vld [tilespmem:s29+$0xFFFFFFF0]  }
.LBB2_6:
0x155: {  	v7 =	vld [tilespmem:s21+$0x0];
	[tilespmem:s8+$0x30] =	vst v6;
	v0 =	vmul.f32 $1.131370830e+01, v0;
	s3 =	smov.u32 s15;
	s15 =	smov.u32 s21  }
0x156: {  	v5 =	vmul.f32 $1.131370830e+01, v5;
	v6 =	vld [tilespmem:s3+$0x20];
	[tilespmem:s12+$0x50] =	vst v3  }
0x157: {  	v3 =	vmul.f32 $1.131370830e+01, v4;
	v4 =	vld [tilespmem:s5+$0x40];
	[tilespmem:s11+$0x70] =	vst v0  }
0x158: {  	s17 =	sadd.s32 $0x2, s17;
	[tilespmem:s16+$0xFFFFFF90] =	vst v5;
	v0 =	vmul.f32 $1.131370830e+01, v2;
	v2 =	vld [tilespmem:s14+$0x60]  }
0x159: {  	p0 =	slt.u32 s17, $0x7E;
	v5 =	vld [tilespmem:s21+$0xFFFFFF80];
	[tilespmem:s8+$0xFFFFFFB0] =	vst v3;
	v1 =	vmul.f32 $1.131370830e+01, v1  }
0x15a: {  	v3 =	vmul.f32 $1.131370830e+01, v7;
	v7 =	vld [tilespmem:s3+$0xFFFFFFA0];
	[tilespmem:s12+$0xFFFFFFD0] =	vst v0  }
0x15b: {  	s16 =	sadd.s32 $0x100, s16;
	v0 =	vmul.f32 $1.131370830e+01, v6;
	v6 =	vld [tilespmem:s5+$0xFFFFFFC0];
	[tilespmem:s11+$0xFFFFFFF0] =	vst v1;
	s11 =	smov.u32 s12;
	s12 =	smov.u32 s8  }
0x15c: {  	s8 =	smov.u32 s6;
	s6 =	smov.u32 s16;
	[tilespmem:s16+$0x0] =	vst v3;
	v1 =	vmul.f32 $1.131370830e+01, v4;
	v3 =	vld [tilespmem:s14+$0xFFFFFFE0]  }
0x15d: {  	v4 =	vld [tilespmem:s21+$0x10];
	[tilespmem:s8+$0x20] =	vst v0;
	v0 =	vmul.f32 $1.131370830e+01, v2  }
0x15e: {  	v2 =	vmul.f32 $1.131370830e+01, v5;
	v8 =	vld [tilespmem:s3+$0x30];
	[tilespmem:s12+$0x40] =	vst v1  }
0x15f: {  	v1 =	vmul.f32 $1.131370830e+01, v7;
	v7 =	vld [tilespmem:s5+$0x50];
	[tilespmem:s11+$0x60] =	vst v0  }
.Ltmp2:
0x160: {  	[tilespmem:s16+$0xFFFFFF80] =	vst v2;
	v2 =	vmul.f32 $1.131370830e+01, v6;
	v0 =	vld [tilespmem:s14+$0x70];
	(pc) =	sbr.rel @p0 .LBB2_6-.Ltmp2, $4  }
0x161: {  	v5 =	vld [tilespmem:s21+$0xFFFFFF90];
	[tilespmem:s8+$0xFFFFFFA0] =	vst v1;
	v1 =	vmul.f32 $1.131370830e+01, v3  }
0x162: {  	v3 =	vmul.f32 $1.131370830e+01, v4;
	v4 =	vld [tilespmem:s3+$0xFFFFFFB0];
	[tilespmem:s12+$0xFFFFFFC0] =	vst v2  }
0x163: {  	v6 =	vmul.f32 $1.131370830e+01, v8;
	v2 =	vld [tilespmem:s5+$0xFFFFFFD0];
	[tilespmem:s11+$0xFFFFFFE0] =	vst v1  }
0x164: {  	s21 =	sadd.s32 $0x100, s21;
	[tilespmem:s16+$0x10] =	vst v3;
	v3 =	vmul.f32 $1.131370830e+01, v7;
	v1 =	vld [tilespmem:s14+$0xFFFFFFF0];
	s14 =	smov.u32 s5;
	s5 =	smov.u32 s3  }
0x165: {  	_ = 	snop  }
0x166: {  	v5 =	vmul.f32 $1.131370830e+01, v5;
	_ =	sdelay $0x1  }
0x167: {  	v7 =	vld [tilespmem:s15+$0x20];
	[tilespmem:s16+$0xFFFFFF90] =	vst v5  }
0x168: {  	v5 =	vld [tilespmem:s15+$0xFFFFFFA0];
	_ =	sdelay $0x3  }
0x169: {  	v7 =	vmul.f32 $1.131370830e+01, v7  }
0x16a: {  	v5 =	vmul.f32 $1.131370830e+01, v5  }
0x16b: {  	[tilespmem:s6+$0x20] =	vst v7  }
0x16c: {  	v7 =	vld [tilespmem:s15+$0x30];
	[tilespmem:s6+$0xFFFFFFA0] =	vst v5  }
0x16d: {  	v5 =	vld [tilespmem:s15+$0xFFFFFFB0];
	_ =	sdelay $0x2  }
0x16e: {  	v4 =	vmul.f32 $1.131370830e+01, v4  }
0x16f: {  	[tilespmem:s8+$0x30] =	vst v6;
	v6 =	vmul.f32 $1.131370830e+01, v7  }
0x170: {  	[tilespmem:s8+$0xFFFFFFB0] =	vst v4;
	v7 =	vld [tilespmem:s5+$0x40];
	v4 =	vmul.f32 $1.131370830e+01, v5  }
0x171: {  	[tilespmem:s6+$0x30] =	vst v6;
	v5 =	vld [tilespmem:s5+$0xFFFFFFC0]  }
0x172: {  	v6 =	vld [tilespmem:s15+$0x40];
	[tilespmem:s6+$0xFFFFFFB0] =	vst v4  }
0x173: {  	v4 =	vld [tilespmem:s15+$0xFFFFFFC0];
	_ =	sdelay $0x1  }
0x174: {  	v7 =	vmul.f32 $1.131370830e+01, v7  }
0x175: {  	v5 =	vmul.f32 $1.131370830e+01, v5  }
0x176: {  	[tilespmem:s8+$0x40] =	vst v7;
	v6 =	vmul.f32 $1.131370830e+01, v6  }
0x177: {  	v7 =	vld [tilespmem:s5+$0x50];
	[tilespmem:s8+$0xFFFFFFC0] =	vst v5;
	v4 =	vmul.f32 $1.131370830e+01, v4  }
0x178: {  	[tilespmem:s6+$0x40] =	vst v6;
	v5 =	vld [tilespmem:s5+$0xFFFFFFD0]  }
0x179: {  	v6 =	vld [tilespmem:s15+$0x50];
	[tilespmem:s6+$0xFFFFFFC0] =	vst v4  }
0x17a: {  	v4 =	vld [tilespmem:s15+$0xFFFFFFD0]  }
0x17b: {  	v2 =	vmul.f32 $1.131370830e+01, v2  }
0x17c: {  	[tilespmem:s12+$0x50] =	vst v3;
	v3 =	vmul.f32 $1.131370830e+01, v7  }
0x17d: {  	[tilespmem:s12+$0xFFFFFFD0] =	vst v2;
	v7 =	vld [tilespmem:s14+$0x60];
	v2 =	vmul.f32 $1.131370830e+01, v5  }
0x17e: {  	[tilespmem:s8+$0x50] =	vst v3;
	v3 =	vmul.f32 $1.131370830e+01, v6;
	v5 =	vld [tilespmem:s14+$0xFFFFFFE0]  }
0x17f: {  	v6 =	vld [tilespmem:s5+$0x60];
	[tilespmem:s8+$0xFFFFFFD0] =	vst v2;
	v2 =	vmul.f32 $1.131370830e+01, v4  }
0x180: {  	[tilespmem:s6+$0x50] =	vst v3;
	v4 =	vld [tilespmem:s5+$0xFFFFFFE0]  }
0x181: {  	v3 =	vld [tilespmem:s15+$0x60];
	[tilespmem:s6+$0xFFFFFFD0] =	vst v2  }
0x182: {  	v2 =	vmul.f32 $1.131370830e+01, v7;
	v7 =	vld [tilespmem:s15+$0xFFFFFFE0]  }
0x183: {  	v5 =	vmul.f32 $1.131370830e+01, v5  }
0x184: {  	[tilespmem:s12+$0x60] =	vst v2;
	v2 =	vmul.f32 $1.131370830e+01, v6  }
0x185: {  	[tilespmem:s12+$0xFFFFFFE0] =	vst v5;
	v6 =	vld [tilespmem:s14+$0x70];
	v4 =	vmul.f32 $1.131370830e+01, v4  }
0x186: {  	v5 =	vld [tilespmem:s14+$0xFFFFFFF0];
	[tilespmem:s8+$0x60] =	vst v2;
	v2 =	vmul.f32 $1.131370830e+01, v3  }
0x187: {  	v3 =	vld [tilespmem:s5+$0x70];
	[tilespmem:s8+$0xFFFFFFE0] =	vst v4;
	v4 =	vmul.f32 $1.131370830e+01, v7  }
0x188: {  	v0 =	vmul.f32 $1.131370830e+01, v0;
	v7 =	vld [tilespmem:s5+$0xFFFFFFF0];
	[tilespmem:s6+$0x60] =	vst v2  }
0x189: {  	v1 =	vmul.f32 $1.131370830e+01, v1;
	v2 =	vld [tilespmem:s15+$0x70];
	[tilespmem:s6+$0xFFFFFFE0] =	vst v4  }
0x18a: {  	[tilespmem:s11+$0x70] =	vst v0;
	v0 =	vmul.f32 $1.131370830e+01, v6;
	v4 =	vld [tilespmem:s15+$0xFFFFFFF0]  }
0x18b: {  	[tilespmem:s11+$0xFFFFFFF0] =	vst v1;
	v1 =	vmul.f32 $1.131370830e+01, v5  }
0x18c: {  	[tilespmem:s12+$0x70] =	vst v0;
	v0 =	vmul.f32 $1.131370830e+01, v3  }
0x18d: {  	[tilespmem:s12+$0xFFFFFFF0] =	vst v1;
	v1 =	vmul.f32 $1.131370830e+01, v7  }
0x18e: {  	[tilespmem:s8+$0x70] =	vst v0;
	v0 =	vmul.f32 $1.131370830e+01, v2  }
0x18f: {  	[tilespmem:s8+$0xFFFFFFF0] =	vst v1;
	v1 =	vmul.f32 $1.131370830e+01, v4  }
0x190: {  	[tilespmem:s6+$0x70] =	vst v0  }
0x191: {  	[tilespmem:s6+$0xFFFFFFF0] =	vst v1  }
0x192: {  	s24 =	simm.s32 $0x19C00;
	s3 =	rddreg [dreg:$0x8]  }
0x193: {  	[hbm4b:s3+s4] =	stream.linear.scatter [tilespmem:s24], [sflag:$0x7], $0x4000, $0x38;
	[tilespmem:$0x1DC00] =	vst v63  }
0x194: {  	s25 =	simm.s32 $0x300  }
0x195: {  	[tilespmem:s23], [sflag:$0x3] =	stream.indirect.gather [hbm4b:s2+s22], $0x80, s25, s22, $0xb8;
	[tilespmem:$0x1DC00] =	vst v63  }
0x196: {  	_ =	swait.ge [sflag:s0], $0x4000  }
0x197: {  	[sflag:s0] =	ssyncset.done $0x0  }
0x198: {  	[sflag:s0] =	ssyncadd.s32 $0xFFFFC000  }
0x199: {  	_ =	swait.ge [sflag:s19], $0x4000  }
0x19a: {  	[sflag:s19] =	ssyncset.done $0x0  }
0x19b: {  	s29 =	simm.s32 $0xDC80;
	[sflag:s19] =	ssyncadd.s32 $0xFFFFC000  }
0x19c: {  	v0 =	vld [tilespmem:s29+$0x0];
	_ =	sdelay $0x3  }
0x19d: {  	v1 =	vld [tilespmem:s29+$0xFFFFFF80]  }
0x19e: {  	v0 =	vmul.f32 $1.131370830e+01, v0  }
0x19f: {  	s11 =	simm.s32 $0x11C80  }
0x1a0: {  	[tilespmem:s11+$0x0] =	vst v0  }
0x1a1: {  	v0 =	vld [tilespmem:s29+$0x10]  }
0x1a2: {  	v1 =	vmul.f32 $1.131370830e+01, v1;
	_ =	sdelay $0x1  }
0x1a3: {  	[tilespmem:s11+$0xFFFFFF80] =	vst v1  }
0x1a4: {  	v1 =	vld [tilespmem:s29+$0xFFFFFF90]  }
0x1a5: {  	v0 =	vmul.f32 $1.131370830e+01, v0  }
0x1a6: {  	s14 =	simm.s32 $0xDD80  }
0x1a7: {  	[tilespmem:s11+$0x10] =	vst v0;
	v0 =	vld [tilespmem:s14+$0x0]  }
0x1a8: {  	v2 =	vld [tilespmem:s29+$0x20]  }
0x1a9: {  	v1 =	vmul.f32 $1.131370830e+01, v1;
	_ =	sdelay $0x1  }
0x1aa: {  	[tilespmem:s11+$0xFFFFFF90] =	vst v1;
	v1 =	vld [tilespmem:s14+$0xFFFFFF80]  }
0x1ab: {  	v3 =	vld [tilespmem:s29+$0xFFFFFFA0];
	v0 =	vmul.f32 $1.131370830e+01, v0  }
0x1ac: {  	s12 =	simm.s32 $0x11D80;
	v2 =	vmul.f32 $1.131370830e+01, v2  }
0x1ad: {  	[tilespmem:s12+$0x0] =	vst v0  }
0x1ae: {  	v0 =	vld [tilespmem:s14+$0x10];
	[tilespmem:s11+$0x20] =	vst v2  }
0x1af: {  	v1 =	vmul.f32 $1.131370830e+01, v1;
	v2 =	vld [tilespmem:s29+$0x30]  }
0x1b0: {  	v3 =	vmul.f32 $1.131370830e+01, v3  }
0x1b1: {  	[tilespmem:s12+$0xFFFFFF80] =	vst v1  }
0x1b2: {  	v1 =	vld [tilespmem:s14+$0xFFFFFF90];
	[tilespmem:s11+$0xFFFFFFA0] =	vst v3  }
0x1b3: {  	v3 =	vld [tilespmem:s29+$0xFFFFFFB0];
	v0 =	vmul.f32 $1.131370830e+01, v0  }
0x1b4: {  	s5 =	simm.s32 $0xDE80;
	v2 =	vmul.f32 $1.131370830e+01, v2  }
0x1b5: {  	[tilespmem:s12+$0x10] =	vst v0;
	v0 =	vld [tilespmem:s5+$0x0]  }
0x1b6: {  	[tilespmem:s11+$0x30] =	vst v2;
	v2 =	vld [tilespmem:s14+$0x20]  }
0x1b7: {  	v1 =	vmul.f32 $1.131370830e+01, v1;
	v4 =	vld [tilespmem:s29+$0x40]  }
0x1b8: {  	v3 =	vmul.f32 $1.131370830e+01, v3  }
0x1b9: {  	[tilespmem:s12+$0xFFFFFF90] =	vst v1;
	v1 =	vld [tilespmem:s5+$0xFFFFFF80]  }
0x1ba: {  	[tilespmem:s11+$0xFFFFFFB0] =	vst v3;
	v3 =	vld [tilespmem:s14+$0xFFFFFFA0];
	v0 =	vmul.f32 $1.131370830e+01, v0  }
0x1bb: {  	s8 =	simm.s32 $0x11E80;
	v5 =	vld [tilespmem:s29+$0xFFFFFFC0];
	v2 =	vmul.f32 $1.131370830e+01, v2  }
0x1bc: {  	[tilespmem:s8+$0x0] =	vst v0;
	v0 =	vmul.f32 $1.131370830e+01, v4  }
0x1bd: {  	v4 =	vld [tilespmem:s5+$0x10];
	[tilespmem:s12+$0x20] =	vst v2  }
0x1be: {  	v1 =	vmul.f32 $1.131370830e+01, v1;
	v2 =	vld [tilespmem:s14+$0x30];
	[tilespmem:s11+$0x40] =	vst v0  }
0x1bf: {  	v0 =	vmul.f32 $1.131370830e+01, v3;
	v3 =	vld [tilespmem:s29+$0x50]  }
0x1c0: {  	[tilespmem:s8+$0xFFFFFF80] =	vst v1;
	v1 =	vmul.f32 $1.131370830e+01, v5  }
0x1c1: {  	v5 =	vld [tilespmem:s5+$0xFFFFFF90];
	[tilespmem:s12+$0xFFFFFFA0] =	vst v0  }
0x1c2: {  	[tilespmem:s11+$0xFFFFFFC0] =	vst v1;
	v0 =	vmul.f32 $1.131370830e+01, v4;
	v4 =	vld [tilespmem:s14+$0xFFFFFFB0]  }
0x1c3: {  	s15 =	simm.s32 $0xDF80;
	v1 =	vmul.f32 $1.131370830e+01, v2;
	v2 =	vld [tilespmem:s29+$0xFFFFFFD0]  }
0x1c4: {  	[tilespmem:s8+$0x10] =	vst v0;
	v0 =	vmul.f32 $1.131370830e+01, v3;
	v3 =	vld [tilespmem:s15+$0x0]  }
0x1c5: {  	[tilespmem:s12+$0x30] =	vst v1;
	v1 =	vld [tilespmem:s5+$0x20]  }
0x1c6: {  	v5 =	vmul.f32 $1.131370830e+01, v5;
	[tilespmem:s11+$0x50] =	vst v0;
	v0 =	vld [tilespmem:s14+$0x40]  }
0x1c7: {  	v4 =	vmul.f32 $1.131370830e+01, v4;
	v6 =	vld [tilespmem:s29+$0x60]  }
0x1c8: {  	[tilespmem:s8+$0xFFFFFF90] =	vst v5;
	v5 =	vld [tilespmem:s15+$0xFFFFFF80];
	v2 =	vmul.f32 $1.131370830e+01, v2  }
0x1c9: {  	[tilespmem:s12+$0xFFFFFFB0] =	vst v4;
	v3 =	vmul.f32 $1.131370830e+01, v3;
	v4 =	vld [tilespmem:s5+$0xFFFFFFA0]  }
0x1ca: {  	s16 =	simm.s32 $0x11F80;
	[tilespmem:s11+$0xFFFFFFD0] =	vst v2;
	v1 =	vmul.f32 $1.131370830e+01, v1;
	v2 =	vld [tilespmem:s14+$0xFFFFFFC0]  }
0x1cb: {  	[tilespmem:s16+$0x0] =	vst v3;
	v0 =	vmul.f32 $1.131370830e+01, v0;
	v3 =	vld [tilespmem:s29+$0xFFFFFFE0]  }
0x1cc: {  	v7 =	vld [tilespmem:s15+$0x10];
	[tilespmem:s8+$0x20] =	vst v1;
	v1 =	vmul.f32 $1.131370830e+01, v6  }
0x1cd: {  	v5 =	vmul.f32 $1.131370830e+01, v5;
	v6 =	vld [tilespmem:s5+$0x30];
	[tilespmem:s12+$0x40] =	vst v0  }
0x1ce: {  	v4 =	vmul.f32 $1.131370830e+01, v4;
	v8 =	vld [tilespmem:s14+$0x50];
	[tilespmem:s11+$0x60] =	vst v1  }
0x1cf: {  	[tilespmem:s16+$0xFFFFFF80] =	vst v5;
	v1 =	vmul.f32 $1.131370830e+01, v2;
	v0 =	vld [tilespmem:s29+$0x70]  }
0x1d0: {  	v5 =	vld [tilespmem:s15+$0xFFFFFF90];
	[tilespmem:s8+$0xFFFFFFA0] =	vst v4;
	v3 =	vmul.f32 $1.131370830e+01, v3  }
0x1d1: {  	v7 =	vmul.f32 $1.131370830e+01, v7;
	v4 =	vld [tilespmem:s5+$0xFFFFFFB0];
	[tilespmem:s12+$0xFFFFFFC0] =	vst v1  }
0x1d2: {  	v2 =	vld [tilespmem:s14+$0xFFFFFFD0];
	[tilespmem:s11+$0xFFFFFFE0] =	vst v3;
	v6 =	vmul.f32 $1.131370830e+01, v6  }
0x1d3: {  	s17 =	simm.s32 $0x6;
	s21 =	simm.s32 $0xE080;
	s6 =	simm.s32 $0x11F80;
	[tilespmem:s16+$0x10] =	vst v7;
	v3 =	vmul.f32 $1.131370830e+01, v8;
	v1 =	vld [tilespmem:s29+$0xFFFFFFF0]  }
.LBB2_8:
0x1d4: {  	v7 =	vld [tilespmem:s21+$0x0];
	[tilespmem:s8+$0x30] =	vst v6;
	v0 =	vmul.f32 $1.131370830e+01, v0;
	s3 =	smov.u32 s15;
	s15 =	smov.u32 s21  }
0x1d5: {  	v5 =	vmul.f32 $1.131370830e+01, v5;
	v6 =	vld [tilespmem:s3+$0x20];
	[tilespmem:s12+$0x50] =	vst v3  }
0x1d6: {  	v3 =	vmul.f32 $1.131370830e+01, v4;
	v4 =	vld [tilespmem:s5+$0x40];
	[tilespmem:s11+$0x70] =	vst v0  }
0x1d7: {  	s17 =	sadd.s32 $0x2, s17;
	[tilespmem:s16+$0xFFFFFF90] =	vst v5;
	v0 =	vmul.f32 $1.131370830e+01, v2;
	v2 =	vld [tilespmem:s14+$0x60]  }
0x1d8: {  	p0 =	slt.u32 s17, $0x7E;
	v5 =	vld [tilespmem:s21+$0xFFFFFF80];
	[tilespmem:s8+$0xFFFFFFB0] =	vst v3;
	v1 =	vmul.f32 $1.131370830e+01, v1  }
0x1d9: {  	v3 =	vmul.f32 $1.131370830e+01, v7;
	v7 =	vld [tilespmem:s3+$0xFFFFFFA0];
	[tilespmem:s12+$0xFFFFFFD0] =	vst v0  }
0x1da: {  	s16 =	sadd.s32 $0x100, s16;
	v0 =	vmul.f32 $1.131370830e+01, v6;
	v6 =	vld [tilespmem:s5+$0xFFFFFFC0];
	[tilespmem:s11+$0xFFFFFFF0] =	vst v1;
	s11 =	smov.u32 s12;
	s12 =	smov.u32 s8  }
0x1db: {  	s8 =	smov.u32 s6;
	s6 =	smov.u32 s16;
	[tilespmem:s16+$0x0] =	vst v3;
	v1 =	vmul.f32 $1.131370830e+01, v4;
	v3 =	vld [tilespmem:s14+$0xFFFFFFE0]  }
0x1dc: {  	v4 =	vld [tilespmem:s21+$0x10];
	[tilespmem:s8+$0x20] =	vst v0;
	v0 =	vmul.f32 $1.131370830e+01, v2  }
0x1dd: {  	v2 =	vmul.f32 $1.131370830e+01, v5;
	v8 =	vld [tilespmem:s3+$0x30];
	[tilespmem:s12+$0x40] =	vst v1  }
0x1de: {  	v1 =	vmul.f32 $1.131370830e+01, v7;
	v7 =	vld [tilespmem:s5+$0x50];
	[tilespmem:s11+$0x60] =	vst v0  }
.Ltmp3:
0x1df: {  	[tilespmem:s16+$0xFFFFFF80] =	vst v2;
	v2 =	vmul.f32 $1.131370830e+01, v6;
	v0 =	vld [tilespmem:s14+$0x70];
	(pc) =	sbr.rel @p0 .LBB2_8-.Ltmp3, $4  }
0x1e0: {  	v5 =	vld [tilespmem:s21+$0xFFFFFF90];
	[tilespmem:s8+$0xFFFFFFA0] =	vst v1;
	v1 =	vmul.f32 $1.131370830e+01, v3  }
0x1e1: {  	v3 =	vmul.f32 $1.131370830e+01, v4;
	v4 =	vld [tilespmem:s3+$0xFFFFFFB0];
	[tilespmem:s12+$0xFFFFFFC0] =	vst v2  }
0x1e2: {  	v6 =	vmul.f32 $1.131370830e+01, v8;
	v2 =	vld [tilespmem:s5+$0xFFFFFFD0];
	[tilespmem:s11+$0xFFFFFFE0] =	vst v1  }
0x1e3: {  	s21 =	sadd.s32 $0x100, s21;
	[tilespmem:s16+$0x10] =	vst v3;
	v3 =	vmul.f32 $1.131370830e+01, v7;
	v1 =	vld [tilespmem:s14+$0xFFFFFFF0];
	s14 =	smov.u32 s5;
	s5 =	smov.u32 s3  }
0x1e4: {  	_ = 	snop  }
0x1e5: {  	v5 =	vmul.f32 $1.131370830e+01, v5;
	_ =	sdelay $0x1  }
0x1e6: {  	v7 =	vld [tilespmem:s15+$0x20];
	[tilespmem:s16+$0xFFFFFF90] =	vst v5  }
0x1e7: {  	v5 =	vld [tilespmem:s15+$0xFFFFFFA0];
	_ =	sdelay $0x3  }
0x1e8: {  	v7 =	vmul.f32 $1.131370830e+01, v7  }
0x1e9: {  	v5 =	vmul.f32 $1.131370830e+01, v5  }
0x1ea: {  	[tilespmem:s6+$0x20] =	vst v7  }
0x1eb: {  	v7 =	vld [tilespmem:s15+$0x30];
	[tilespmem:s6+$0xFFFFFFA0] =	vst v5  }
0x1ec: {  	v5 =	vld [tilespmem:s15+$0xFFFFFFB0];
	_ =	sdelay $0x2  }
0x1ed: {  	v4 =	vmul.f32 $1.131370830e+01, v4  }
0x1ee: {  	[tilespmem:s8+$0x30] =	vst v6;
	v36 =	vmul.f32 $1.131370830e+01, v7  }
0x1ef: {  	v37 =	vld [tilespmem:s5+$0x40];
	[tilespmem:s8+$0xFFFFFFB0] =	vst v4;
	v38 =	vmul.f32 $1.131370830e+01, v5  }
0x1f0: {  	v39 =	vld [tilespmem:s5+$0xFFFFFFC0];
	[tilespmem:s6+$0x30] =	vst v36  }
0x1f1: {  	v6 =	vld [tilespmem:s15+$0x40];
	[tilespmem:s6+$0xFFFFFFB0] =	vst v38  }
0x1f2: {  	v4 =	vld [tilespmem:s15+$0xFFFFFFC0];
	_ =	sdelay $0x1  }
0x1f3: {  	v7 =	vmul.f32 $1.131370830e+01, v37  }
0x1f4: {  	v5 =	vmul.f32 $1.131370830e+01, v39  }
0x1f5: {  	[tilespmem:s8+$0x40] =	vst v7;
	v6 =	vmul.f32 $1.131370830e+01, v6  }
0x1f6: {  	v7 =	vld [tilespmem:s5+$0x50];
	[tilespmem:s8+$0xFFFFFFC0] =	vst v5;
	v4 =	vmul.f32 $1.131370830e+01, v4  }
0x1f7: {  	v5 =	vld [tilespmem:s5+$0xFFFFFFD0];
	[tilespmem:s6+$0x40] =	vst v6  }
0x1f8: {  	v6 =	vld [tilespmem:s15+$0x50];
	[tilespmem:s6+$0xFFFFFFC0] =	vst v4  }
0x1f9: {  	v4 =	vld [tilespmem:s15+$0xFFFFFFD0]  }
0x1fa: {  	v2 =	vmul.f32 $1.131370830e+01, v2  }
0x1fb: {  	[tilespmem:s12+$0x50] =	vst v3;
	v40 =	vmul.f32 $1.131370830e+01, v7  }
0x1fc: {  	v41 =	vld [tilespmem:s14+$0x60];
	[tilespmem:s12+$0xFFFFFFD0] =	vst v2;
	v42 =	vmul.f32 $1.131370830e+01, v5  }
0x1fd: {  	v43 =	vld [tilespmem:s14+$0xFFFFFFE0];
	[tilespmem:s8+$0x50] =	vst v40;
	v44 =	vmul.f32 $1.131370830e+01, v6  }
0x1fe: {  	v45 =	vld [tilespmem:s5+$0x60];
	[tilespmem:s8+$0xFFFFFFD0] =	vst v42;
	v46 =	vmul.f32 $1.131370830e+01, v4  }
0x1ff: {  	v47 =	vld [tilespmem:s5+$0xFFFFFFE0];
	[tilespmem:s6+$0x50] =	vst v44  }
0x200: {  	v3 =	vld [tilespmem:s15+$0x60];
	[tilespmem:s6+$0xFFFFFFD0] =	vst v46  }
0x201: {  	v48 =	vmul.f32 $1.131370830e+01, v41;
	v49 =	vld [tilespmem:s15+$0xFFFFFFE0]  }
0x202: {  	v5 =	vmul.f32 $1.131370830e+01, v43  }
0x203: {  	[tilespmem:s12+$0x60] =	vst v48;
	v50 =	vmul.f32 $1.131370830e+01, v45  }
0x204: {  	v51 =	vld [tilespmem:s14+$0x70];
	[tilespmem:s12+$0xFFFFFFE0] =	vst v5;
	v4 =	vmul.f32 $1.131370830e+01, v47  }
0x205: {  	v52 =	vld [tilespmem:s14+$0xFFFFFFF0];
	[tilespmem:s8+$0x60] =	vst v50;
	v3 =	vmul.f32 $1.131370830e+01, v3  }
0x206: {  	v53 =	vld [tilespmem:s5+$0x70];
	[tilespmem:s8+$0xFFFFFFE0] =	vst v4;
	v54 =	vmul.f32 $1.131370830e+01, v49  }
0x207: {  	v0 =	vmul.f32 $1.131370830e+01, v0;
	v55 =	vld [tilespmem:s5+$0xFFFFFFF0];
	[tilespmem:s6+$0x60] =	vst v3  }
0x208: {  	v1 =	vmul.f32 $1.131370830e+01, v1;
	v56 =	vld [tilespmem:s15+$0x70];
	[tilespmem:s6+$0xFFFFFFE0] =	vst v54  }
0x209: {  	[tilespmem:s11+$0x70] =	vst v0;
	v57 =	vmul.f32 $1.131370830e+01, v51;
	v58 =	vld [tilespmem:s15+$0xFFFFFFF0]  }
0x20a: {  	[tilespmem:s11+$0xFFFFFFF0] =	vst v1;
	v59 =	vmul.f32 $1.131370830e+01, v52  }
0x20b: {  	[tilespmem:s12+$0x70] =	vst v57;
	v60 =	vmul.f32 $1.131370830e+01, v53  }
0x20c: {  	[tilespmem:s12+$0xFFFFFFF0] =	vst v59;
	v61 =	vmul.f32 $1.131370830e+01, v55  }
0x20d: {  	[tilespmem:s8+$0x70] =	vst v60;
	v62 =	vmul.f32 $1.131370830e+01, v56  }
0x20e: {  	[tilespmem:s8+$0xFFFFFFF0] =	vst v61;
	v63 =	vmul.f32 $1.131370830e+01, v58  }
0x20f: {  	[tilespmem:s6+$0x70] =	vst v62  }
0x210: {  	[tilespmem:s6+$0xFFFFFFF0] =	vst v63  }
0x211: {  	s3 =	rddreg [dreg:$0x9]  }
0x212: {  	[hbm4b:s3+s4] =	stream.linear.scatter [tilespmem:s31], [sflag:$0x5], $0x4000, $0x38;
	[tilespmem:$0x1DC00] =	vst v63  }
0x213: {  	s25 =	simm.s32 $0xDC00;
	s29 =	simm.s32 $0x380;
	s11 =	simm.s32 $0x1  }
0x214: {  	[tilespmem:s25], [sflag:$0x4] =	stream.indirect.gather [hbm4b:s2+s22], $0x80, s29, s22, $0xb8;
	[tilespmem:$0x1DC00] =	vst v63  }
.LBB2_10:
0x215: {  	_ =	swait.ge [sflag:s0], $0x4000  }
0x216: {  	[sflag:s0] =	ssyncset.done $0x0  }
0x217: {  	[sflag:s0] =	ssyncadd.s32 $0xFFFFC000  }
0x218: {  	_ =	swait.ge [sflag:s30], $0x4000  }
0x219: {  	[sflag:s30] =	ssyncset.done $0x0  }
0x21a: {  	s3 =	simm.s32 $0x1C80;
	[sflag:s30] =	ssyncadd.s32 $0xFFFFC000  }
0x21b: {  	v0 =	vld [tilespmem:s3+$0x0];
	_ =	sdelay $0x3  }
0x21c: {  	v1 =	vld [tilespmem:s3+$0xFFFFFF80]  }
0x21d: {  	v0 =	vmul.f32 $1.131370830e+01, v0  }
0x21e: {  	s14 =	simm.s32 $0x11C80  }
0x21f: {  	[tilespmem:s14+$0x0] =	vst v0  }
0x220: {  	v0 =	vld [tilespmem:s3+$0x10]  }
0x221: {  	v1 =	vmul.f32 $1.131370830e+01, v1;
	_ =	sdelay $0x1  }
0x222: {  	[tilespmem:s14+$0xFFFFFF80] =	vst v1  }
0x223: {  	v1 =	vld [tilespmem:s3+$0xFFFFFF90]  }
0x224: {  	v0 =	vmul.f32 $1.131370830e+01, v0  }
0x225: {  	s16 =	simm.s32 $0x1D80  }
0x226: {  	[tilespmem:s14+$0x10] =	vst v0;
	v0 =	vld [tilespmem:s16+$0x0]  }
0x227: {  	v2 =	vld [tilespmem:s3+$0x20]  }
0x228: {  	v1 =	vmul.f32 $1.131370830e+01, v1;
	_ =	sdelay $0x1  }
0x229: {  	[tilespmem:s14+$0xFFFFFF90] =	vst v1;
	v1 =	vld [tilespmem:s16+$0xFFFFFF80]  }
0x22a: {  	v3 =	vld [tilespmem:s3+$0xFFFFFFA0];
	v0 =	vmul.f32 $1.131370830e+01, v0  }
0x22b: {  	s15 =	simm.s32 $0x11D80;
	v2 =	vmul.f32 $1.131370830e+01, v2  }
0x22c: {  	[tilespmem:s15+$0x0] =	vst v0  }
0x22d: {  	v0 =	vld [tilespmem:s16+$0x10];
	[tilespmem:s14+$0x20] =	vst v2  }
0x22e: {  	v1 =	vmul.f32 $1.131370830e+01, v1;
	v2 =	vld [tilespmem:s3+$0x30]  }
0x22f: {  	v3 =	vmul.f32 $1.131370830e+01, v3  }
0x230: {  	[tilespmem:s15+$0xFFFFFF80] =	vst v1  }
0x231: {  	v1 =	vld [tilespmem:s16+$0xFFFFFF90];
	[tilespmem:s14+$0xFFFFFFA0] =	vst v3  }
0x232: {  	v3 =	vld [tilespmem:s3+$0xFFFFFFB0];
	v0 =	vmul.f32 $1.131370830e+01, v0  }
0x233: {  	s17 =	simm.s32 $0x1E80;
	v2 =	vmul.f32 $1.131370830e+01, v2  }
0x234: {  	[tilespmem:s15+$0x10] =	vst v0;
	v0 =	vld [tilespmem:s17+$0x0]  }
0x235: {  	[tilespmem:s14+$0x30] =	vst v2;
	v2 =	vld [tilespmem:s16+$0x20]  }
0x236: {  	v1 =	vmul.f32 $1.131370830e+01, v1;
	v4 =	vld [tilespmem:s3+$0x40]  }
0x237: {  	v3 =	vmul.f32 $1.131370830e+01, v3  }
0x238: {  	[tilespmem:s15+$0xFFFFFF90] =	vst v1;
	v1 =	vld [tilespmem:s17+$0xFFFFFF80]  }
0x239: {  	[tilespmem:s14+$0xFFFFFFB0] =	vst v3;
	v3 =	vld [tilespmem:s16+$0xFFFFFFA0];
	v0 =	vmul.f32 $1.131370830e+01, v0  }
0x23a: {  	s5 =	simm.s32 $0x11E80;
	v5 =	vld [tilespmem:s3+$0xFFFFFFC0];
	v2 =	vmul.f32 $1.131370830e+01, v2  }
0x23b: {  	[tilespmem:s5+$0x0] =	vst v0;
	v0 =	vmul.f32 $1.131370830e+01, v4  }
0x23c: {  	v4 =	vld [tilespmem:s17+$0x10];
	[tilespmem:s15+$0x20] =	vst v2  }
0x23d: {  	v1 =	vmul.f32 $1.131370830e+01, v1;
	v2 =	vld [tilespmem:s16+$0x30];
	[tilespmem:s14+$0x40] =	vst v0  }
0x23e: {  	v0 =	vmul.f32 $1.131370830e+01, v3;
	v3 =	vld [tilespmem:s3+$0x50]  }
0x23f: {  	[tilespmem:s5+$0xFFFFFF80] =	vst v1;
	v1 =	vmul.f32 $1.131370830e+01, v5  }
0x240: {  	v5 =	vld [tilespmem:s17+$0xFFFFFF90];
	[tilespmem:s15+$0xFFFFFFA0] =	vst v0  }
0x241: {  	[tilespmem:s14+$0xFFFFFFC0] =	vst v1;
	v0 =	vmul.f32 $1.131370830e+01, v4;
	v4 =	vld [tilespmem:s16+$0xFFFFFFB0]  }
0x242: {  	s8 =	simm.s32 $0x1F80;
	v1 =	vmul.f32 $1.131370830e+01, v2;
	v2 =	vld [tilespmem:s3+$0xFFFFFFD0]  }
0x243: {  	[tilespmem:s5+$0x10] =	vst v0;
	v0 =	vmul.f32 $1.131370830e+01, v3;
	v3 =	vld [tilespmem:s8+$0x0]  }
0x244: {  	[tilespmem:s15+$0x30] =	vst v1;
	v1 =	vld [tilespmem:s17+$0x20]  }
0x245: {  	v5 =	vmul.f32 $1.131370830e+01, v5;
	[tilespmem:s14+$0x50] =	vst v0;
	v0 =	vld [tilespmem:s16+$0x40]  }
0x246: {  	v4 =	vmul.f32 $1.131370830e+01, v4;
	v6 =	vld [tilespmem:s3+$0x60]  }
0x247: {  	[tilespmem:s5+$0xFFFFFF90] =	vst v5;
	v5 =	vld [tilespmem:s8+$0xFFFFFF80];
	v2 =	vmul.f32 $1.131370830e+01, v2  }
0x248: {  	[tilespmem:s15+$0xFFFFFFB0] =	vst v4;
	v3 =	vmul.f32 $1.131370830e+01, v3;
	v4 =	vld [tilespmem:s17+$0xFFFFFFA0]  }
0x249: {  	s29 =	simm.s32 $0x11F80;
	[tilespmem:s14+$0xFFFFFFD0] =	vst v2;
	v1 =	vmul.f32 $1.131370830e+01, v1;
	v2 =	vld [tilespmem:s16+$0xFFFFFFC0]  }
0x24a: {  	[tilespmem:s29+$0x0] =	vst v3;
	v0 =	vmul.f32 $1.131370830e+01, v0;
	v3 =	vld [tilespmem:s3+$0xFFFFFFE0]  }
0x24b: {  	v7 =	vld [tilespmem:s8+$0x10];
	[tilespmem:s5+$0x20] =	vst v1;
	v1 =	vmul.f32 $1.131370830e+01, v6  }
0x24c: {  	v5 =	vmul.f32 $1.131370830e+01, v5;
	v6 =	vld [tilespmem:s17+$0x30];
	[tilespmem:s15+$0x40] =	vst v0  }
0x24d: {  	v4 =	vmul.f32 $1.131370830e+01, v4;
	v8 =	vld [tilespmem:s16+$0x50];
	[tilespmem:s14+$0x60] =	vst v1  }
0x24e: {  	[tilespmem:s29+$0xFFFFFF80] =	vst v5;
	v1 =	vmul.f32 $1.131370830e+01, v2;
	v0 =	vld [tilespmem:s3+$0x70]  }
0x24f: {  	v5 =	vld [tilespmem:s8+$0xFFFFFF90];
	[tilespmem:s5+$0xFFFFFFA0] =	vst v4;
	v3 =	vmul.f32 $1.131370830e+01, v3  }
0x250: {  	s6 =	sshll.u32 s11, $0x12;
	v7 =	vmul.f32 $1.131370830e+01, v7;
	v4 =	vld [tilespmem:s17+$0xFFFFFFB0];
	[tilespmem:s15+$0xFFFFFFC0] =	vst v1  }
0x251: {  	s23 =	simm.s32 $0x2080;
	s12 =	sor.u32 s7, s6;
	s25 =	rddreg [dreg:$0x2];
	v2 =	vld [tilespmem:s16+$0xFFFFFFD0];
	[tilespmem:s14+$0xFFFFFFE0] =	vst v3;
	v6 =	vmul.f32 $1.131370830e+01, v6  }
0x252: {  	s6 =	simm.s32 $0x11F80;
	s21 =	sadd.s32 s25, s12;
	s25 =	simm.s32 $0x6;
	[tilespmem:s29+$0x10] =	vst v7;
	v3 =	vmul.f32 $1.131370830e+01, v8;
	v1 =	vld [tilespmem:s3+$0xFFFFFFF0]  }
.LBB2_11:
0x253: {  	v7 =	vld [tilespmem:s23+$0x0];
	[tilespmem:s5+$0x30] =	vst v6;
	v0 =	vmul.f32 $1.131370830e+01, v0;
	s3 =	smov.u32 s8;
	s8 =	smov.u32 s23  }
0x254: {  	v5 =	vmul.f32 $1.131370830e+01, v5;
	v6 =	vld [tilespmem:s3+$0x20];
	[tilespmem:s15+$0x50] =	vst v3  }
0x255: {  	v3 =	vmul.f32 $1.131370830e+01, v4;
	v4 =	vld [tilespmem:s17+$0x40];
	[tilespmem:s14+$0x70] =	vst v0  }
0x256: {  	s25 =	sadd.s32 $0x2, s25;
	[tilespmem:s29+$0xFFFFFF90] =	vst v5;
	v0 =	vmul.f32 $1.131370830e+01, v2;
	v2 =	vld [tilespmem:s16+$0x60]  }
0x257: {  	p0 =	slt.u32 s25, $0x7E;
	v5 =	vld [tilespmem:s23+$0xFFFFFF80];
	[tilespmem:s5+$0xFFFFFFB0] =	vst v3;
	v1 =	vmul.f32 $1.131370830e+01, v1  }
0x258: {  	v3 =	vmul.f32 $1.131370830e+01, v7;
	v7 =	vld [tilespmem:s3+$0xFFFFFFA0];
	[tilespmem:s15+$0xFFFFFFD0] =	vst v0  }
0x259: {  	s29 =	sadd.s32 $0x100, s29;
	v0 =	vmul.f32 $1.131370830e+01, v6;
	v6 =	vld [tilespmem:s17+$0xFFFFFFC0];
	[tilespmem:s14+$0xFFFFFFF0] =	vst v1;
	s14 =	smov.u32 s15;
	s15 =	smov.u32 s5  }
0x25a: {  	s5 =	smov.u32 s6;
	s6 =	smov.u32 s29;
	[tilespmem:s29+$0x0] =	vst v3;
	v1 =	vmul.f32 $1.131370830e+01, v4;
	v3 =	vld [tilespmem:s16+$0xFFFFFFE0]  }
0x25b: {  	v4 =	vld [tilespmem:s23+$0x10];
	[tilespmem:s5+$0x20] =	vst v0;
	v0 =	vmul.f32 $1.131370830e+01, v2  }
0x25c: {  	v2 =	vmul.f32 $1.131370830e+01, v5;
	v8 =	vld [tilespmem:s3+$0x30];
	[tilespmem:s15+$0x40] =	vst v1  }
0x25d: {  	v1 =	vmul.f32 $1.131370830e+01, v7;
	v7 =	vld [tilespmem:s17+$0x50];
	[tilespmem:s14+$0x60] =	vst v0  }
.Ltmp4:
0x25e: {  	[tilespmem:s29+$0xFFFFFF80] =	vst v2;
	v2 =	vmul.f32 $1.131370830e+01, v6;
	v0 =	vld [tilespmem:s16+$0x70];
	(pc) =	sbr.rel @p0 .LBB2_11-.Ltmp4, $4  }
0x25f: {  	v5 =	vld [tilespmem:s23+$0xFFFFFF90];
	[tilespmem:s5+$0xFFFFFFA0] =	vst v1;
	v1 =	vmul.f32 $1.131370830e+01, v3  }
0x260: {  	v3 =	vmul.f32 $1.131370830e+01, v4;
	v4 =	vld [tilespmem:s3+$0xFFFFFFB0];
	[tilespmem:s15+$0xFFFFFFC0] =	vst v2  }
0x261: {  	v6 =	vmul.f32 $1.131370830e+01, v8;
	v2 =	vld [tilespmem:s17+$0xFFFFFFD0];
	[tilespmem:s14+$0xFFFFFFE0] =	vst v1  }
0x262: {  	s23 =	sadd.s32 $0x100, s23;
	[tilespmem:s29+$0x10] =	vst v3;
	v3 =	vmul.f32 $1.131370830e+01, v7;
	v1 =	vld [tilespmem:s16+$0xFFFFFFF0];
	s16 =	smov.u32 s17;
	s17 =	smov.u32 s3  }
0x263: {  	_ = 	snop  }
0x264: {  	v5 =	vmul.f32 $1.131370830e+01, v5;
	_ =	sdelay $0x1  }
0x265: {  	v7 =	vld [tilespmem:s8+$0x20];
	[tilespmem:s29+$0xFFFFFF90] =	vst v5  }
0x266: {  	v5 =	vld [tilespmem:s8+$0xFFFFFFA0];
	_ =	sdelay $0x3  }
0x267: {  	v7 =	vmul.f32 $1.131370830e+01, v7  }
0x268: {  	v5 =	vmul.f32 $1.131370830e+01, v5  }
0x269: {  	[tilespmem:s6+$0x20] =	vst v7  }
0x26a: {  	v7 =	vld [tilespmem:s8+$0x30];
	[tilespmem:s6+$0xFFFFFFA0] =	vst v5  }
0x26b: {  	v5 =	vld [tilespmem:s8+$0xFFFFFFB0];
	_ =	sdelay $0x2  }
0x26c: {  	v4 =	vmul.f32 $1.131370830e+01, v4  }
0x26d: {  	[tilespmem:s5+$0x30] =	vst v6;
	v6 =	vmul.f32 $1.131370830e+01, v7  }
0x26e: {  	[tilespmem:s5+$0xFFFFFFB0] =	vst v4;
	v7 =	vld [tilespmem:s17+$0x40];
	v4 =	vmul.f32 $1.131370830e+01, v5  }
0x26f: {  	[tilespmem:s6+$0x30] =	vst v6;
	v5 =	vld [tilespmem:s17+$0xFFFFFFC0]  }
0x270: {  	v6 =	vld [tilespmem:s8+$0x40];
	[tilespmem:s6+$0xFFFFFFB0] =	vst v4  }
0x271: {  	v4 =	vld [tilespmem:s8+$0xFFFFFFC0];
	_ =	sdelay $0x1  }
0x272: {  	v7 =	vmul.f32 $1.131370830e+01, v7  }
0x273: {  	v5 =	vmul.f32 $1.131370830e+01, v5  }
0x274: {  	[tilespmem:s5+$0x40] =	vst v7;
	v6 =	vmul.f32 $1.131370830e+01, v6  }
0x275: {  	v7 =	vld [tilespmem:s17+$0x50];
	[tilespmem:s5+$0xFFFFFFC0] =	vst v5;
	v4 =	vmul.f32 $1.131370830e+01, v4  }
0x276: {  	[tilespmem:s6+$0x40] =	vst v6;
	v5 =	vld [tilespmem:s17+$0xFFFFFFD0]  }
0x277: {  	v6 =	vld [tilespmem:s8+$0x50];
	[tilespmem:s6+$0xFFFFFFC0] =	vst v4  }
0x278: {  	v4 =	vld [tilespmem:s8+$0xFFFFFFD0]  }
0x279: {  	v2 =	vmul.f32 $1.131370830e+01, v2  }
0x27a: {  	[tilespmem:s15+$0x50] =	vst v3;
	v3 =	vmul.f32 $1.131370830e+01, v7  }
0x27b: {  	[tilespmem:s15+$0xFFFFFFD0] =	vst v2;
	v7 =	vld [tilespmem:s16+$0x60];
	v2 =	vmul.f32 $1.131370830e+01, v5  }
0x27c: {  	[tilespmem:s5+$0x50] =	vst v3;
	v3 =	vmul.f32 $1.131370830e+01, v6;
	v5 =	vld [tilespmem:s16+$0xFFFFFFE0]  }
0x27d: {  	v6 =	vld [tilespmem:s17+$0x60];
	[tilespmem:s5+$0xFFFFFFD0] =	vst v2;
	v2 =	vmul.f32 $1.131370830e+01, v4  }
0x27e: {  	[tilespmem:s6+$0x50] =	vst v3;
	v4 =	vld [tilespmem:s17+$0xFFFFFFE0]  }
0x27f: {  	v3 =	vld [tilespmem:s8+$0x60];
	[tilespmem:s6+$0xFFFFFFD0] =	vst v2  }
0x280: {  	v2 =	vmul.f32 $1.131370830e+01, v7;
	v7 =	vld [tilespmem:s8+$0xFFFFFFE0]  }
0x281: {  	v5 =	vmul.f32 $1.131370830e+01, v5  }
0x282: {  	[tilespmem:s15+$0x60] =	vst v2;
	v2 =	vmul.f32 $1.131370830e+01, v6  }
0x283: {  	[tilespmem:s15+$0xFFFFFFE0] =	vst v5;
	v6 =	vld [tilespmem:s16+$0x70];
	v4 =	vmul.f32 $1.131370830e+01, v4  }
0x284: {  	v5 =	vld [tilespmem:s16+$0xFFFFFFF0];
	[tilespmem:s5+$0x60] =	vst v2;
	v2 =	vmul.f32 $1.131370830e+01, v3  }
0x285: {  	v3 =	vld [tilespmem:s17+$0x70];
	[tilespmem:s5+$0xFFFFFFE0] =	vst v4;
	v4 =	vmul.f32 $1.131370830e+01, v7  }
0x286: {  	v0 =	vmul.f32 $1.131370830e+01, v0;
	v7 =	vld [tilespmem:s17+$0xFFFFFFF0];
	[tilespmem:s6+$0x60] =	vst v2  }
0x287: {  	v1 =	vmul.f32 $1.131370830e+01, v1;
	v2 =	vld [tilespmem:s8+$0x70];
	[tilespmem:s6+$0xFFFFFFE0] =	vst v4  }
0x288: {  	[tilespmem:s14+$0x70] =	vst v0;
	v0 =	vmul.f32 $1.131370830e+01, v6;
	v4 =	vld [tilespmem:s8+$0xFFFFFFF0]  }
0x289: {  	[tilespmem:s14+$0xFFFFFFF0] =	vst v1;
	v1 =	vmul.f32 $1.131370830e+01, v5  }
0x28a: {  	[tilespmem:s15+$0x70] =	vst v0;
	v0 =	vmul.f32 $1.131370830e+01, v3  }
0x28b: {  	[tilespmem:s15+$0xFFFFFFF0] =	vst v1;
	v1 =	vmul.f32 $1.131370830e+01, v7  }
0x28c: {  	[tilespmem:s5+$0x70] =	vst v0;
	v0 =	vmul.f32 $1.131370830e+01, v2  }
0x28d: {  	[tilespmem:s5+$0xFFFFFFF0] =	vst v1;
	v1 =	vmul.f32 $1.131370830e+01, v4  }
0x28e: {  	s3 =	sshll.u32 s11, $0x9;
	[tilespmem:s6+$0x70] =	vst v0  }
0x28f: {  	s14 =	sand.u32 $0x3FFFFE00, s3;
	[tilespmem:s6+$0xFFFFFFF0] =	vst v1  }
0x290: {  	[hbm4b:s21+s4] =	stream.linear.scatter [tilespmem:s31], [sflag:$0x5], $0x4000, $0x38;
	[tilespmem:$0x1DC00] =	vst v63  }
0x291: {  	s23 =	simm.s32 $0x1C00;
	s3 =	sadd.s32 $0x200, s14  }
0x292: {  	[tilespmem:s23], [sflag:$0x1] =	stream.indirect.gather [hbm4b:s2+s22], $0x80, s3, s22, $0xb8;
	[tilespmem:$0x1DC00] =	vst v63  }
0x293: {  	_ =	swait.ge [sflag:s28], $0x4000  }
0x294: {  	[sflag:s28] =	ssyncset.done $0x0  }
0x295: {  	[sflag:s28] =	ssyncadd.s32 $0xFFFFC000  }
0x296: {  	_ =	swait.ge [sflag:s1], $0x4000  }
0x297: {  	[sflag:s1] =	ssyncset.done $0x0  }
0x298: {  	s24 =	simm.s32 $0x5C80;
	[sflag:s1] =	ssyncadd.s32 $0xFFFFC000  }
0x299: {  	v0 =	vld [tilespmem:s24+$0x0];
	_ =	sdelay $0x3  }
0x29a: {  	v1 =	vld [tilespmem:s24+$0xFFFFFF80]  }
0x29b: {  	v0 =	vmul.f32 $1.131370830e+01, v0  }
0x29c: {  	s15 =	simm.s32 $0x15C80  }
0x29d: {  	[tilespmem:s15+$0x0] =	vst v0  }
0x29e: {  	v0 =	vld [tilespmem:s24+$0x10]  }
0x29f: {  	v1 =	vmul.f32 $1.131370830e+01, v1;
	_ =	sdelay $0x1  }
0x2a0: {  	[tilespmem:s15+$0xFFFFFF80] =	vst v1  }
0x2a1: {  	v1 =	vld [tilespmem:s24+$0xFFFFFF90]  }
0x2a2: {  	v0 =	vmul.f32 $1.131370830e+01, v0  }
0x2a3: {  	s17 =	simm.s32 $0x5D80  }
0x2a4: {  	[tilespmem:s15+$0x10] =	vst v0;
	v0 =	vld [tilespmem:s17+$0x0]  }
0x2a5: {  	v2 =	vld [tilespmem:s24+$0x20]  }
0x2a6: {  	v1 =	vmul.f32 $1.131370830e+01, v1;
	_ =	sdelay $0x1  }
0x2a7: {  	[tilespmem:s15+$0xFFFFFF90] =	vst v1;
	v1 =	vld [tilespmem:s17+$0xFFFFFF80]  }
0x2a8: {  	v3 =	vld [tilespmem:s24+$0xFFFFFFA0];
	v0 =	vmul.f32 $1.131370830e+01, v0  }
0x2a9: {  	s16 =	simm.s32 $0x15D80;
	v2 =	vmul.f32 $1.131370830e+01, v2  }
0x2aa: {  	[tilespmem:s16+$0x0] =	vst v0  }
0x2ab: {  	v0 =	vld [tilespmem:s17+$0x10];
	[tilespmem:s15+$0x20] =	vst v2  }
0x2ac: {  	v1 =	vmul.f32 $1.131370830e+01, v1;
	v2 =	vld [tilespmem:s24+$0x30]  }
0x2ad: {  	v3 =	vmul.f32 $1.131370830e+01, v3  }
0x2ae: {  	[tilespmem:s16+$0xFFFFFF80] =	vst v1  }
0x2af: {  	v1 =	vld [tilespmem:s17+$0xFFFFFF90];
	[tilespmem:s15+$0xFFFFFFA0] =	vst v3  }
0x2b0: {  	v3 =	vld [tilespmem:s24+$0xFFFFFFB0];
	v0 =	vmul.f32 $1.131370830e+01, v0  }
0x2b1: {  	s5 =	simm.s32 $0x5E80;
	v2 =	vmul.f32 $1.131370830e+01, v2  }
0x2b2: {  	[tilespmem:s16+$0x10] =	vst v0;
	v0 =	vld [tilespmem:s5+$0x0]  }
0x2b3: {  	[tilespmem:s15+$0x30] =	vst v2;
	v2 =	vld [tilespmem:s17+$0x20]  }
0x2b4: {  	v1 =	vmul.f32 $1.131370830e+01, v1;
	v4 =	vld [tilespmem:s24+$0x40]  }
0x2b5: {  	v3 =	vmul.f32 $1.131370830e+01, v3  }
0x2b6: {  	[tilespmem:s16+$0xFFFFFF90] =	vst v1;
	v1 =	vld [tilespmem:s5+$0xFFFFFF80]  }
0x2b7: {  	[tilespmem:s15+$0xFFFFFFB0] =	vst v3;
	v3 =	vld [tilespmem:s17+$0xFFFFFFA0];
	v0 =	vmul.f32 $1.131370830e+01, v0  }
0x2b8: {  	s8 =	simm.s32 $0x15E80;
	v5 =	vld [tilespmem:s24+$0xFFFFFFC0];
	v2 =	vmul.f32 $1.131370830e+01, v2  }
0x2b9: {  	[tilespmem:s8+$0x0] =	vst v0;
	v0 =	vmul.f32 $1.131370830e+01, v4  }
0x2ba: {  	v4 =	vld [tilespmem:s5+$0x10];
	[tilespmem:s16+$0x20] =	vst v2  }
0x2bb: {  	v1 =	vmul.f32 $1.131370830e+01, v1;
	v2 =	vld [tilespmem:s17+$0x30];
	[tilespmem:s15+$0x40] =	vst v0  }
0x2bc: {  	v0 =	vmul.f32 $1.131370830e+01, v3;
	v3 =	vld [tilespmem:s24+$0x50]  }
0x2bd: {  	[tilespmem:s8+$0xFFFFFF80] =	vst v1;
	v1 =	vmul.f32 $1.131370830e+01, v5  }
0x2be: {  	v5 =	vld [tilespmem:s5+$0xFFFFFF90];
	[tilespmem:s16+$0xFFFFFFA0] =	vst v0  }
0x2bf: {  	[tilespmem:s15+$0xFFFFFFC0] =	vst v1;
	v0 =	vmul.f32 $1.131370830e+01, v4;
	v4 =	vld [tilespmem:s17+$0xFFFFFFB0]  }
0x2c0: {  	s21 =	simm.s32 $0x5F80;
	v1 =	vmul.f32 $1.131370830e+01, v2;
	v2 =	vld [tilespmem:s24+$0xFFFFFFD0]  }
0x2c1: {  	[tilespmem:s8+$0x10] =	vst v0;
	v0 =	vmul.f32 $1.131370830e+01, v3;
	v3 =	vld [tilespmem:s21+$0x0]  }
0x2c2: {  	[tilespmem:s16+$0x30] =	vst v1;
	v1 =	vld [tilespmem:s5+$0x20]  }
0x2c3: {  	v5 =	vmul.f32 $1.131370830e+01, v5;
	[tilespmem:s15+$0x50] =	vst v0;
	v0 =	vld [tilespmem:s17+$0x40]  }
0x2c4: {  	v4 =	vmul.f32 $1.131370830e+01, v4;
	v6 =	vld [tilespmem:s24+$0x60]  }
0x2c5: {  	[tilespmem:s8+$0xFFFFFF90] =	vst v5;
	v5 =	vld [tilespmem:s21+$0xFFFFFF80];
	v2 =	vmul.f32 $1.131370830e+01, v2  }
0x2c6: {  	[tilespmem:s16+$0xFFFFFFB0] =	vst v4;
	v3 =	vmul.f32 $1.131370830e+01, v3;
	v4 =	vld [tilespmem:s5+$0xFFFFFFA0]  }
0x2c7: {  	s29 =	simm.s32 $0x15F80;
	[tilespmem:s15+$0xFFFFFFD0] =	vst v2;
	v1 =	vmul.f32 $1.131370830e+01, v1;
	v2 =	vld [tilespmem:s17+$0xFFFFFFC0]  }
0x2c8: {  	[tilespmem:s29+$0x0] =	vst v3;
	v0 =	vmul.f32 $1.131370830e+01, v0;
	v3 =	vld [tilespmem:s24+$0xFFFFFFE0]  }
0x2c9: {  	v7 =	vld [tilespmem:s21+$0x10];
	[tilespmem:s8+$0x20] =	vst v1;
	v1 =	vmul.f32 $1.131370830e+01, v6  }
0x2ca: {  	v5 =	vmul.f32 $1.131370830e+01, v5;
	v6 =	vld [tilespmem:s5+$0x30];
	[tilespmem:s16+$0x40] =	vst v0  }
0x2cb: {  	v4 =	vmul.f32 $1.131370830e+01, v4;
	v8 =	vld [tilespmem:s17+$0x50];
	[tilespmem:s15+$0x60] =	vst v1  }
0x2cc: {  	[tilespmem:s29+$0xFFFFFF80] =	vst v5;
	v1 =	vmul.f32 $1.131370830e+01, v2;
	v0 =	vld [tilespmem:s24+$0x70]  }
0x2cd: {  	v5 =	vld [tilespmem:s21+$0xFFFFFF90];
	[tilespmem:s8+$0xFFFFFFA0] =	vst v4;
	v3 =	vmul.f32 $1.131370830e+01, v3  }
0x2ce: {  	v7 =	vmul.f32 $1.131370830e+01, v7;
	v4 =	vld [tilespmem:s5+$0xFFFFFFB0];
	[tilespmem:s16+$0xFFFFFFC0] =	vst v1  }
0x2cf: {  	s25 =	simm.s32 $0x6;
	v2 =	vld [tilespmem:s17+$0xFFFFFFD0];
	[tilespmem:s15+$0xFFFFFFE0] =	vst v3;
	v6 =	vmul.f32 $1.131370830e+01, v6  }
0x2d0: {  	s6 =	sadd.s32 s12, s9;
	s23 =	simm.s32 $0x6080;
	s3 =	simm.s32 $0x15F80;
	[tilespmem:s29+$0x10] =	vst v7;
	v3 =	vmul.f32 $1.131370830e+01, v8;
	v1 =	vld [tilespmem:s24+$0xFFFFFFF0]  }
.LBB2_13:
0x2d1: {  	v7 =	vld [tilespmem:s23+$0x0];
	[tilespmem:s8+$0x30] =	vst v6;
	v0 =	vmul.f32 $1.131370830e+01, v0;
	s24 =	smov.u32 s21;
	s21 =	smov.u32 s23  }
0x2d2: {  	v5 =	vmul.f32 $1.131370830e+01, v5;
	v6 =	vld [tilespmem:s24+$0x20];
	[tilespmem:s16+$0x50] =	vst v3  }
0x2d3: {  	v3 =	vmul.f32 $1.131370830e+01, v4;
	v4 =	vld [tilespmem:s5+$0x40];
	[tilespmem:s15+$0x70] =	vst v0  }
0x2d4: {  	s25 =	sadd.s32 $0x2, s25;
	[tilespmem:s29+$0xFFFFFF90] =	vst v5;
	v0 =	vmul.f32 $1.131370830e+01, v2;
	v2 =	vld [tilespmem:s17+$0x60]  }
0x2d5: {  	p0 =	slt.u32 s25, $0x7E;
	v5 =	vld [tilespmem:s23+$0xFFFFFF80];
	[tilespmem:s8+$0xFFFFFFB0] =	vst v3;
	v1 =	vmul.f32 $1.131370830e+01, v1  }
0x2d6: {  	v3 =	vmul.f32 $1.131370830e+01, v7;
	v7 =	vld [tilespmem:s24+$0xFFFFFFA0];
	[tilespmem:s16+$0xFFFFFFD0] =	vst v0  }
0x2d7: {  	s29 =	sadd.s32 $0x100, s29;
	v0 =	vmul.f32 $1.131370830e+01, v6;
	v6 =	vld [tilespmem:s5+$0xFFFFFFC0];
	[tilespmem:s15+$0xFFFFFFF0] =	vst v1;
	s15 =	smov.u32 s16;
	s16 =	smov.u32 s8  }
0x2d8: {  	s8 =	smov.u32 s3;
	s3 =	smov.u32 s29;
	[tilespmem:s29+$0x0] =	vst v3;
	v1 =	vmul.f32 $1.131370830e+01, v4;
	v3 =	vld [tilespmem:s17+$0xFFFFFFE0]  }
0x2d9: {  	v4 =	vld [tilespmem:s23+$0x10];
	[tilespmem:s8+$0x20] =	vst v0;
	v0 =	vmul.f32 $1.131370830e+01, v2  }
0x2da: {  	v2 =	vmul.f32 $1.131370830e+01, v5;
	v8 =	vld [tilespmem:s24+$0x30];
	[tilespmem:s16+$0x40] =	vst v1  }
0x2db: {  	v1 =	vmul.f32 $1.131370830e+01, v7;
	v7 =	vld [tilespmem:s5+$0x50];
	[tilespmem:s15+$0x60] =	vst v0  }
.Ltmp5:
0x2dc: {  	[tilespmem:s29+$0xFFFFFF80] =	vst v2;
	v2 =	vmul.f32 $1.131370830e+01, v6;
	v0 =	vld [tilespmem:s17+$0x70];
	(pc) =	sbr.rel @p0 .LBB2_13-.Ltmp5, $4  }
0x2dd: {  	v5 =	vld [tilespmem:s23+$0xFFFFFF90];
	[tilespmem:s8+$0xFFFFFFA0] =	vst v1;
	v1 =	vmul.f32 $1.131370830e+01, v3  }
0x2de: {  	v3 =	vmul.f32 $1.131370830e+01, v4;
	v4 =	vld [tilespmem:s24+$0xFFFFFFB0];
	[tilespmem:s16+$0xFFFFFFC0] =	vst v2  }
0x2df: {  	v6 =	vmul.f32 $1.131370830e+01, v8;
	v2 =	vld [tilespmem:s5+$0xFFFFFFD0];
	[tilespmem:s15+$0xFFFFFFE0] =	vst v1  }
0x2e0: {  	s23 =	sadd.s32 $0x100, s23;
	[tilespmem:s29+$0x10] =	vst v3;
	v3 =	vmul.f32 $1.131370830e+01, v7;
	v1 =	vld [tilespmem:s17+$0xFFFFFFF0];
	s17 =	smov.u32 s5;
	s5 =	smov.u32 s24  }
0x2e1: {  	_ = 	snop  }
0x2e2: {  	v5 =	vmul.f32 $1.131370830e+01, v5;
	_ =	sdelay $0x1  }
0x2e3: {  	v7 =	vld [tilespmem:s21+$0x20];
	[tilespmem:s29+$0xFFFFFF90] =	vst v5  }
0x2e4: {  	v5 =	vld [tilespmem:s21+$0xFFFFFFA0];
	_ =	sdelay $0x3  }
0x2e5: {  	v7 =	vmul.f32 $1.131370830e+01, v7  }
0x2e6: {  	v5 =	vmul.f32 $1.131370830e+01, v5  }
0x2e7: {  	[tilespmem:s3+$0x20] =	vst v7  }
0x2e8: {  	v7 =	vld [tilespmem:s21+$0x30];
	[tilespmem:s3+$0xFFFFFFA0] =	vst v5  }
0x2e9: {  	v5 =	vld [tilespmem:s21+$0xFFFFFFB0];
	_ =	sdelay $0x2  }
0x2ea: {  	v4 =	vmul.f32 $1.131370830e+01, v4  }
0x2eb: {  	[tilespmem:s8+$0x30] =	vst v6;
	v6 =	vmul.f32 $1.131370830e+01, v7  }
0x2ec: {  	[tilespmem:s8+$0xFFFFFFB0] =	vst v4;
	v7 =	vld [tilespmem:s5+$0x40];
	v4 =	vmul.f32 $1.131370830e+01, v5  }
0x2ed: {  	[tilespmem:s3+$0x30] =	vst v6;
	v5 =	vld [tilespmem:s5+$0xFFFFFFC0]  }
0x2ee: {  	v6 =	vld [tilespmem:s21+$0x40];
	[tilespmem:s3+$0xFFFFFFB0] =	vst v4  }
0x2ef: {  	v4 =	vld [tilespmem:s21+$0xFFFFFFC0];
	_ =	sdelay $0x1  }
0x2f0: {  	v7 =	vmul.f32 $1.131370830e+01, v7  }
0x2f1: {  	v5 =	vmul.f32 $1.131370830e+01, v5  }
0x2f2: {  	[tilespmem:s8+$0x40] =	vst v7;
	v6 =	vmul.f32 $1.131370830e+01, v6  }
0x2f3: {  	v7 =	vld [tilespmem:s5+$0x50];
	[tilespmem:s8+$0xFFFFFFC0] =	vst v5;
	v4 =	vmul.f32 $1.131370830e+01, v4  }
0x2f4: {  	[tilespmem:s3+$0x40] =	vst v6;
	v5 =	vld [tilespmem:s5+$0xFFFFFFD0]  }
0x2f5: {  	v6 =	vld [tilespmem:s21+$0x50];
	[tilespmem:s3+$0xFFFFFFC0] =	vst v4  }
0x2f6: {  	v4 =	vld [tilespmem:s21+$0xFFFFFFD0]  }
0x2f7: {  	v2 =	vmul.f32 $1.131370830e+01, v2  }
0x2f8: {  	[tilespmem:s16+$0x50] =	vst v3;
	v3 =	vmul.f32 $1.131370830e+01, v7  }
0x2f9: {  	[tilespmem:s16+$0xFFFFFFD0] =	vst v2;
	v7 =	vld [tilespmem:s17+$0x60];
	v2 =	vmul.f32 $1.131370830e+01, v5  }
0x2fa: {  	[tilespmem:s8+$0x50] =	vst v3;
	v3 =	vmul.f32 $1.131370830e+01, v6;
	v5 =	vld [tilespmem:s17+$0xFFFFFFE0]  }
0x2fb: {  	v6 =	vld [tilespmem:s5+$0x60];
	[tilespmem:s8+$0xFFFFFFD0] =	vst v2;
	v2 =	vmul.f32 $1.131370830e+01, v4  }
0x2fc: {  	[tilespmem:s3+$0x50] =	vst v3;
	v4 =	vld [tilespmem:s5+$0xFFFFFFE0]  }
0x2fd: {  	v3 =	vld [tilespmem:s21+$0x60];
	[tilespmem:s3+$0xFFFFFFD0] =	vst v2  }
0x2fe: {  	v2 =	vmul.f32 $1.131370830e+01, v7;
	v7 =	vld [tilespmem:s21+$0xFFFFFFE0]  }
0x2ff: {  	v5 =	vmul.f32 $1.131370830e+01, v5  }
0x300: {  	[tilespmem:s16+$0x60] =	vst v2;
	v2 =	vmul.f32 $1.131370830e+01, v6  }
0x301: {  	[tilespmem:s16+$0xFFFFFFE0] =	vst v5;
	v6 =	vld [tilespmem:s17+$0x70];
	v4 =	vmul.f32 $1.131370830e+01, v4  }
0x302: {  	v5 =	vld [tilespmem:s17+$0xFFFFFFF0];
	[tilespmem:s8+$0x60] =	vst v2;
	v2 =	vmul.f32 $1.131370830e+01, v3  }
0x303: {  	v3 =	vld [tilespmem:s5+$0x70];
	[tilespmem:s8+$0xFFFFFFE0] =	vst v4;
	v4 =	vmul.f32 $1.131370830e+01, v7  }
0x304: {  	v0 =	vmul.f32 $1.131370830e+01, v0;
	v7 =	vld [tilespmem:s5+$0xFFFFFFF0];
	[tilespmem:s3+$0x60] =	vst v2  }
0x305: {  	v1 =	vmul.f32 $1.131370830e+01, v1;
	v2 =	vld [tilespmem:s21+$0x70];
	[tilespmem:s3+$0xFFFFFFE0] =	vst v4  }
0x306: {  	[tilespmem:s15+$0x70] =	vst v0;
	v0 =	vmul.f32 $1.131370830e+01, v6;
	v4 =	vld [tilespmem:s21+$0xFFFFFFF0]  }
0x307: {  	[tilespmem:s15+$0xFFFFFFF0] =	vst v1;
	v1 =	vmul.f32 $1.131370830e+01, v5  }
0x308: {  	[tilespmem:s16+$0x70] =	vst v0;
	v0 =	vmul.f32 $1.131370830e+01, v3  }
0x309: {  	[tilespmem:s16+$0xFFFFFFF0] =	vst v1;
	v1 =	vmul.f32 $1.131370830e+01, v7  }
0x30a: {  	[tilespmem:s8+$0x70] =	vst v0;
	v0 =	vmul.f32 $1.131370830e+01, v2  }
0x30b: {  	[tilespmem:s8+$0xFFFFFFF0] =	vst v1;
	v1 =	vmul.f32 $1.131370830e+01, v4  }
0x30c: {  	[tilespmem:s3+$0x70] =	vst v0  }
0x30d: {  	[tilespmem:s3+$0xFFFFFFF0] =	vst v1  }
0x30e: {  	[hbm4b:s6+s4] =	stream.linear.scatter [tilespmem:s18], [sflag:$0x6], $0x4000, $0x38;
	[tilespmem:$0x1DC00] =	vst v63  }
0x30f: {  	s23 =	simm.s32 $0x5C00;
	s21 =	sadd.s32 $0x280, s14  }
0x310: {  	[tilespmem:s23], [sflag:$0x2] =	stream.indirect.gather [hbm4b:s2+s22], $0x80, s21, s22, $0xb8;
	[tilespmem:$0x1DC00] =	vst v63  }
0x311: {  	_ =	swait.ge [sflag:s26], $0x4000  }
0x312: {  	[sflag:s26] =	ssyncset.done $0x0  }
0x313: {  	[sflag:s26] =	ssyncadd.s32 $0xFFFFC000  }
0x314: {  	_ =	swait.ge [sflag:s20], $0x4000  }
0x315: {  	[sflag:s20] =	ssyncset.done $0x0  }
0x316: {  	s24 =	simm.s32 $0x9C80;
	[sflag:s20] =	ssyncadd.s32 $0xFFFFC000  }
0x317: {  	v0 =	vld [tilespmem:s24+$0x0];
	_ =	sdelay $0x3  }
0x318: {  	v1 =	vld [tilespmem:s24+$0xFFFFFF80]  }
0x319: {  	v0 =	vmul.f32 $1.131370830e+01, v0  }
0x31a: {  	s15 =	simm.s32 $0x19C80  }
0x31b: {  	[tilespmem:s15+$0x0] =	vst v0  }
0x31c: {  	v0 =	vld [tilespmem:s24+$0x10]  }
0x31d: {  	v1 =	vmul.f32 $1.131370830e+01, v1;
	_ =	sdelay $0x1  }
0x31e: {  	[tilespmem:s15+$0xFFFFFF80] =	vst v1  }
0x31f: {  	v1 =	vld [tilespmem:s24+$0xFFFFFF90]  }
0x320: {  	v0 =	vmul.f32 $1.131370830e+01, v0  }
0x321: {  	s17 =	simm.s32 $0x9D80  }
0x322: {  	[tilespmem:s15+$0x10] =	vst v0;
	v0 =	vld [tilespmem:s17+$0x0]  }
0x323: {  	v2 =	vld [tilespmem:s24+$0x20]  }
0x324: {  	v1 =	vmul.f32 $1.131370830e+01, v1;
	_ =	sdelay $0x1  }
0x325: {  	[tilespmem:s15+$0xFFFFFF90] =	vst v1;
	v1 =	vld [tilespmem:s17+$0xFFFFFF80]  }
0x326: {  	v3 =	vld [tilespmem:s24+$0xFFFFFFA0];
	v0 =	vmul.f32 $1.131370830e+01, v0  }
0x327: {  	s16 =	simm.s32 $0x19D80;
	v2 =	vmul.f32 $1.131370830e+01, v2  }
0x328: {  	[tilespmem:s16+$0x0] =	vst v0  }
0x329: {  	v0 =	vld [tilespmem:s17+$0x10];
	[tilespmem:s15+$0x20] =	vst v2  }
0x32a: {  	v1 =	vmul.f32 $1.131370830e+01, v1;
	v2 =	vld [tilespmem:s24+$0x30]  }
0x32b: {  	v3 =	vmul.f32 $1.131370830e+01, v3  }
0x32c: {  	[tilespmem:s16+$0xFFFFFF80] =	vst v1  }
0x32d: {  	v1 =	vld [tilespmem:s17+$0xFFFFFF90];
	[tilespmem:s15+$0xFFFFFFA0] =	vst v3  }
0x32e: {  	v3 =	vld [tilespmem:s24+$0xFFFFFFB0];
	v0 =	vmul.f32 $1.131370830e+01, v0  }
0x32f: {  	s5 =	simm.s32 $0x9E80;
	v2 =	vmul.f32 $1.131370830e+01, v2  }
0x330: {  	[tilespmem:s16+$0x10] =	vst v0;
	v0 =	vld [tilespmem:s5+$0x0]  }
0x331: {  	[tilespmem:s15+$0x30] =	vst v2;
	v2 =	vld [tilespmem:s17+$0x20]  }
0x332: {  	v1 =	vmul.f32 $1.131370830e+01, v1;
	v4 =	vld [tilespmem:s24+$0x40]  }
0x333: {  	v3 =	vmul.f32 $1.131370830e+01, v3  }
0x334: {  	[tilespmem:s16+$0xFFFFFF90] =	vst v1;
	v1 =	vld [tilespmem:s5+$0xFFFFFF80]  }
0x335: {  	[tilespmem:s15+$0xFFFFFFB0] =	vst v3;
	v3 =	vld [tilespmem:s17+$0xFFFFFFA0];
	v0 =	vmul.f32 $1.131370830e+01, v0  }
0x336: {  	s8 =	simm.s32 $0x19E80;
	v5 =	vld [tilespmem:s24+$0xFFFFFFC0];
	v2 =	vmul.f32 $1.131370830e+01, v2  }
0x337: {  	[tilespmem:s8+$0x0] =	vst v0;
	v0 =	vmul.f32 $1.131370830e+01, v4  }
0x338: {  	v4 =	vld [tilespmem:s5+$0x10];
	[tilespmem:s16+$0x20] =	vst v2  }
0x339: {  	v1 =	vmul.f32 $1.131370830e+01, v1;
	v2 =	vld [tilespmem:s17+$0x30];
	[tilespmem:s15+$0x40] =	vst v0  }
0x33a: {  	v0 =	vmul.f32 $1.131370830e+01, v3;
	v3 =	vld [tilespmem:s24+$0x50]  }
0x33b: {  	[tilespmem:s8+$0xFFFFFF80] =	vst v1;
	v1 =	vmul.f32 $1.131370830e+01, v5  }
0x33c: {  	v5 =	vld [tilespmem:s5+$0xFFFFFF90];
	[tilespmem:s16+$0xFFFFFFA0] =	vst v0  }
0x33d: {  	[tilespmem:s15+$0xFFFFFFC0] =	vst v1;
	v0 =	vmul.f32 $1.131370830e+01, v4;
	v4 =	vld [tilespmem:s17+$0xFFFFFFB0]  }
0x33e: {  	s21 =	simm.s32 $0x9F80;
	v1 =	vmul.f32 $1.131370830e+01, v2;
	v2 =	vld [tilespmem:s24+$0xFFFFFFD0]  }
0x33f: {  	[tilespmem:s8+$0x10] =	vst v0;
	v0 =	vmul.f32 $1.131370830e+01, v3;
	v3 =	vld [tilespmem:s21+$0x0]  }
0x340: {  	[tilespmem:s16+$0x30] =	vst v1;
	v1 =	vld [tilespmem:s5+$0x20]  }
0x341: {  	v5 =	vmul.f32 $1.131370830e+01, v5;
	[tilespmem:s15+$0x50] =	vst v0;
	v0 =	vld [tilespmem:s17+$0x40]  }
0x342: {  	v4 =	vmul.f32 $1.131370830e+01, v4;
	v6 =	vld [tilespmem:s24+$0x60]  }
0x343: {  	[tilespmem:s8+$0xFFFFFF90] =	vst v5;
	v5 =	vld [tilespmem:s21+$0xFFFFFF80];
	v2 =	vmul.f32 $1.131370830e+01, v2  }
0x344: {  	[tilespmem:s16+$0xFFFFFFB0] =	vst v4;
	v3 =	vmul.f32 $1.131370830e+01, v3;
	v4 =	vld [tilespmem:s5+$0xFFFFFFA0]  }
0x345: {  	s29 =	simm.s32 $0x19F80;
	[tilespmem:s15+$0xFFFFFFD0] =	vst v2;
	v1 =	vmul.f32 $1.131370830e+01, v1;
	v2 =	vld [tilespmem:s17+$0xFFFFFFC0]  }
0x346: {  	[tilespmem:s29+$0x0] =	vst v3;
	v0 =	vmul.f32 $1.131370830e+01, v0;
	v3 =	vld [tilespmem:s24+$0xFFFFFFE0]  }
0x347: {  	v7 =	vld [tilespmem:s21+$0x10];
	[tilespmem:s8+$0x20] =	vst v1;
	v1 =	vmul.f32 $1.131370830e+01, v6  }
0x348: {  	v5 =	vmul.f32 $1.131370830e+01, v5;
	v6 =	vld [tilespmem:s5+$0x30];
	[tilespmem:s16+$0x40] =	vst v0  }
0x349: {  	v4 =	vmul.f32 $1.131370830e+01, v4;
	v8 =	vld [tilespmem:s17+$0x50];
	[tilespmem:s15+$0x60] =	vst v1  }
0x34a: {  	[tilespmem:s29+$0xFFFFFF80] =	vst v5;
	v1 =	vmul.f32 $1.131370830e+01, v2;
	v0 =	vld [tilespmem:s24+$0x70]  }
0x34b: {  	v5 =	vld [tilespmem:s21+$0xFFFFFF90];
	[tilespmem:s8+$0xFFFFFFA0] =	vst v4;
	v3 =	vmul.f32 $1.131370830e+01, v3  }
0x34c: {  	v7 =	vmul.f32 $1.131370830e+01, v7;
	v4 =	vld [tilespmem:s5+$0xFFFFFFB0];
	[tilespmem:s16+$0xFFFFFFC0] =	vst v1  }
0x34d: {  	s25 =	simm.s32 $0x6;
	v2 =	vld [tilespmem:s17+$0xFFFFFFD0];
	[tilespmem:s15+$0xFFFFFFE0] =	vst v3;
	v6 =	vmul.f32 $1.131370830e+01, v6  }
0x34e: {  	s3 =	simm.s32 $0x19F80;
	s6 =	sadd.s32 s12, s10;
	s23 =	simm.s32 $0xA080;
	[tilespmem:s29+$0x10] =	vst v7;
	v3 =	vmul.f32 $1.131370830e+01, v8;
	v1 =	vld [tilespmem:s24+$0xFFFFFFF0]  }
.LBB2_15:
0x34f: {  	v7 =	vld [tilespmem:s23+$0x0];
	[tilespmem:s8+$0x30] =	vst v6;
	v0 =	vmul.f32 $1.131370830e+01, v0;
	s24 =	smov.u32 s21;
	s21 =	smov.u32 s23  }
0x350: {  	v5 =	vmul.f32 $1.131370830e+01, v5;
	v6 =	vld [tilespmem:s24+$0x20];
	[tilespmem:s16+$0x50] =	vst v3  }
0x351: {  	v3 =	vmul.f32 $1.131370830e+01, v4;
	v4 =	vld [tilespmem:s5+$0x40];
	[tilespmem:s15+$0x70] =	vst v0  }
0x352: {  	s25 =	sadd.s32 $0x2, s25;
	[tilespmem:s29+$0xFFFFFF90] =	vst v5;
	v0 =	vmul.f32 $1.131370830e+01, v2;
	v2 =	vld [tilespmem:s17+$0x60]  }
0x353: {  	p0 =	slt.u32 s25, $0x7E;
	v5 =	vld [tilespmem:s23+$0xFFFFFF80];
	[tilespmem:s8+$0xFFFFFFB0] =	vst v3;
	v1 =	vmul.f32 $1.131370830e+01, v1  }
0x354: {  	v3 =	vmul.f32 $1.131370830e+01, v7;
	v7 =	vld [tilespmem:s24+$0xFFFFFFA0];
	[tilespmem:s16+$0xFFFFFFD0] =	vst v0  }
0x355: {  	s29 =	sadd.s32 $0x100, s29;
	v0 =	vmul.f32 $1.131370830e+01, v6;
	v6 =	vld [tilespmem:s5+$0xFFFFFFC0];
	[tilespmem:s15+$0xFFFFFFF0] =	vst v1;
	s15 =	smov.u32 s16;
	s16 =	smov.u32 s8  }
0x356: {  	s8 =	smov.u32 s3;
	s3 =	smov.u32 s29;
	[tilespmem:s29+$0x0] =	vst v3;
	v1 =	vmul.f32 $1.131370830e+01, v4;
	v3 =	vld [tilespmem:s17+$0xFFFFFFE0]  }
0x357: {  	v4 =	vld [tilespmem:s23+$0x10];
	[tilespmem:s8+$0x20] =	vst v0;
	v0 =	vmul.f32 $1.131370830e+01, v2  }
0x358: {  	v2 =	vmul.f32 $1.131370830e+01, v5;
	v8 =	vld [tilespmem:s24+$0x30];
	[tilespmem:s16+$0x40] =	vst v1  }
0x359: {  	v1 =	vmul.f32 $1.131370830e+01, v7;
	v7 =	vld [tilespmem:s5+$0x50];
	[tilespmem:s15+$0x60] =	vst v0  }
.Ltmp6:
0x35a: {  	[tilespmem:s29+$0xFFFFFF80] =	vst v2;
	v2 =	vmul.f32 $1.131370830e+01, v6;
	v0 =	vld [tilespmem:s17+$0x70];
	(pc) =	sbr.rel @p0 .LBB2_15-.Ltmp6, $4  }
0x35b: {  	v5 =	vld [tilespmem:s23+$0xFFFFFF90];
	[tilespmem:s8+$0xFFFFFFA0] =	vst v1;
	v1 =	vmul.f32 $1.131370830e+01, v3  }
0x35c: {  	v3 =	vmul.f32 $1.131370830e+01, v4;
	v4 =	vld [tilespmem:s24+$0xFFFFFFB0];
	[tilespmem:s16+$0xFFFFFFC0] =	vst v2  }
0x35d: {  	v6 =	vmul.f32 $1.131370830e+01, v8;
	v2 =	vld [tilespmem:s5+$0xFFFFFFD0];
	[tilespmem:s15+$0xFFFFFFE0] =	vst v1  }
0x35e: {  	s23 =	sadd.s32 $0x100, s23;
	[tilespmem:s29+$0x10] =	vst v3;
	v3 =	vmul.f32 $1.131370830e+01, v7;
	v1 =	vld [tilespmem:s17+$0xFFFFFFF0];
	s17 =	smov.u32 s5;
	s5 =	smov.u32 s24  }
0x35f: {  	_ = 	snop  }
0x360: {  	v5 =	vmul.f32 $1.131370830e+01, v5;
	_ =	sdelay $0x1  }
0x361: {  	v7 =	vld [tilespmem:s21+$0x20];
	[tilespmem:s29+$0xFFFFFF90] =	vst v5  }
0x362: {  	v5 =	vld [tilespmem:s21+$0xFFFFFFA0];
	_ =	sdelay $0x3  }
0x363: {  	v7 =	vmul.f32 $1.131370830e+01, v7  }
0x364: {  	v5 =	vmul.f32 $1.131370830e+01, v5  }
0x365: {  	[tilespmem:s3+$0x20] =	vst v7  }
0x366: {  	v7 =	vld [tilespmem:s21+$0x30];
	[tilespmem:s3+$0xFFFFFFA0] =	vst v5  }
0x367: {  	v5 =	vld [tilespmem:s21+$0xFFFFFFB0];
	_ =	sdelay $0x2  }
0x368: {  	v4 =	vmul.f32 $1.131370830e+01, v4  }
0x369: {  	[tilespmem:s8+$0x30] =	vst v6;
	v6 =	vmul.f32 $1.131370830e+01, v7  }
0x36a: {  	[tilespmem:s8+$0xFFFFFFB0] =	vst v4;
	v7 =	vld [tilespmem:s5+$0x40];
	v4 =	vmul.f32 $1.131370830e+01, v5  }
0x36b: {  	[tilespmem:s3+$0x30] =	vst v6;
	v5 =	vld [tilespmem:s5+$0xFFFFFFC0]  }
0x36c: {  	v6 =	vld [tilespmem:s21+$0x40];
	[tilespmem:s3+$0xFFFFFFB0] =	vst v4  }
0x36d: {  	v4 =	vld [tilespmem:s21+$0xFFFFFFC0];
	_ =	sdelay $0x1  }
0x36e: {  	v7 =	vmul.f32 $1.131370830e+01, v7  }
0x36f: {  	v5 =	vmul.f32 $1.131370830e+01, v5  }
0x370: {  	[tilespmem:s8+$0x40] =	vst v7;
	v6 =	vmul.f32 $1.131370830e+01, v6  }
0x371: {  	v7 =	vld [tilespmem:s5+$0x50];
	[tilespmem:s8+$0xFFFFFFC0] =	vst v5;
	v4 =	vmul.f32 $1.131370830e+01, v4  }
0x372: {  	[tilespmem:s3+$0x40] =	vst v6;
	v5 =	vld [tilespmem:s5+$0xFFFFFFD0]  }
0x373: {  	v6 =	vld [tilespmem:s21+$0x50];
	[tilespmem:s3+$0xFFFFFFC0] =	vst v4  }
0x374: {  	v4 =	vld [tilespmem:s21+$0xFFFFFFD0]  }
0x375: {  	v2 =	vmul.f32 $1.131370830e+01, v2  }
0x376: {  	[tilespmem:s16+$0x50] =	vst v3;
	v3 =	vmul.f32 $1.131370830e+01, v7  }
0x377: {  	[tilespmem:s16+$0xFFFFFFD0] =	vst v2;
	v7 =	vld [tilespmem:s17+$0x60];
	v2 =	vmul.f32 $1.131370830e+01, v5  }
0x378: {  	[tilespmem:s8+$0x50] =	vst v3;
	v3 =	vmul.f32 $1.131370830e+01, v6;
	v5 =	vld [tilespmem:s17+$0xFFFFFFE0]  }
0x379: {  	v6 =	vld [tilespmem:s5+$0x60];
	[tilespmem:s8+$0xFFFFFFD0] =	vst v2;
	v2 =	vmul.f32 $1.131370830e+01, v4  }
0x37a: {  	[tilespmem:s3+$0x50] =	vst v3;
	v4 =	vld [tilespmem:s5+$0xFFFFFFE0]  }
0x37b: {  	v3 =	vld [tilespmem:s21+$0x60];
	[tilespmem:s3+$0xFFFFFFD0] =	vst v2  }
0x37c: {  	v2 =	vmul.f32 $1.131370830e+01, v7;
	v7 =	vld [tilespmem:s21+$0xFFFFFFE0]  }
0x37d: {  	v5 =	vmul.f32 $1.131370830e+01, v5  }
0x37e: {  	[tilespmem:s16+$0x60] =	vst v2;
	v2 =	vmul.f32 $1.131370830e+01, v6  }
0x37f: {  	[tilespmem:s16+$0xFFFFFFE0] =	vst v5;
	v6 =	vld [tilespmem:s17+$0x70];
	v4 =	vmul.f32 $1.131370830e+01, v4  }
0x380: {  	v5 =	vld [tilespmem:s17+$0xFFFFFFF0];
	[tilespmem:s8+$0x60] =	vst v2;
	v2 =	vmul.f32 $1.131370830e+01, v3  }
0x381: {  	v3 =	vld [tilespmem:s5+$0x70];
	[tilespmem:s8+$0xFFFFFFE0] =	vst v4;
	v4 =	vmul.f32 $1.131370830e+01, v7  }
0x382: {  	v0 =	vmul.f32 $1.131370830e+01, v0;
	v7 =	vld [tilespmem:s5+$0xFFFFFFF0];
	[tilespmem:s3+$0x60] =	vst v2  }
0x383: {  	v1 =	vmul.f32 $1.131370830e+01, v1;
	v2 =	vld [tilespmem:s21+$0x70];
	[tilespmem:s3+$0xFFFFFFE0] =	vst v4  }
0x384: {  	[tilespmem:s15+$0x70] =	vst v0;
	v0 =	vmul.f32 $1.131370830e+01, v6;
	v4 =	vld [tilespmem:s21+$0xFFFFFFF0]  }
0x385: {  	[tilespmem:s15+$0xFFFFFFF0] =	vst v1;
	v1 =	vmul.f32 $1.131370830e+01, v5  }
0x386: {  	[tilespmem:s16+$0x70] =	vst v0;
	v0 =	vmul.f32 $1.131370830e+01, v3  }
0x387: {  	[tilespmem:s16+$0xFFFFFFF0] =	vst v1;
	v1 =	vmul.f32 $1.131370830e+01, v7  }
0x388: {  	[tilespmem:s8+$0x70] =	vst v0;
	v0 =	vmul.f32 $1.131370830e+01, v2  }
0x389: {  	[tilespmem:s8+$0xFFFFFFF0] =	vst v1;
	v1 =	vmul.f32 $1.131370830e+01, v4  }
0x38a: {  	[tilespmem:s3+$0x70] =	vst v0  }
0x38b: {  	s24 =	simm.s32 $0x19C00;
	p0 =	seq.s32 s11, $0xB;
	[tilespmem:s3+$0xFFFFFFF0] =	vst v1  }
0x38c: {  	[hbm4b:s6+s4] =	stream.linear.scatter [tilespmem:s24], [sflag:$0x7], $0x4000, $0x38;
	[tilespmem:$0x1DC00] =	vst v63  }
0x38d: {  	s5 =	simm.s32 @!p0 $0x80;
	s3 =	sadd.s32 @!p0 $0x300, s14;
	s6 =	simm.s32 @!p0 $0x9C00  }
0x38e: {  	[tilespmem:s6], [sflag:$0x3] =	stream.indirect.gather @!p0 [hbm4b:s2+s5], $0x80, s3, s5, $0xb8;
	[tilespmem:$0x1DC00] =	vst v63  }
0x38f: {  	_ =	swait.ge [sflag:s0], $0x4000  }
0x390: {  	[sflag:s0] =	ssyncset.done $0x0  }
0x391: {  	[sflag:s0] =	ssyncadd.s32 $0xFFFFC000  }
0x392: {  	_ =	swait.ge [sflag:s19], $0x4000  }
0x393: {  	[sflag:s19] =	ssyncset.done $0x0  }
0x394: {  	s25 =	simm.s32 $0xDC80;
	[sflag:s19] =	ssyncadd.s32 $0xFFFFC000  }
0x395: {  	v0 =	vld [tilespmem:s25+$0x0];
	_ =	sdelay $0x3  }
0x396: {  	v1 =	vld [tilespmem:s25+$0xFFFFFF80]  }
0x397: {  	v0 =	vmul.f32 $1.131370830e+01, v0  }
0x398: {  	s15 =	simm.s32 $0x11C80  }
0x399: {  	[tilespmem:s15+$0x0] =	vst v0  }
0x39a: {  	v0 =	vld [tilespmem:s25+$0x10]  }
0x39b: {  	v1 =	vmul.f32 $1.131370830e+01, v1;
	_ =	sdelay $0x1  }
0x39c: {  	[tilespmem:s15+$0xFFFFFF80] =	vst v1  }
0x39d: {  	v1 =	vld [tilespmem:s25+$0xFFFFFF90]  }
0x39e: {  	v0 =	vmul.f32 $1.131370830e+01, v0  }
0x39f: {  	s17 =	simm.s32 $0xDD80  }
0x3a0: {  	[tilespmem:s15+$0x10] =	vst v0;
	v0 =	vld [tilespmem:s17+$0x0]  }
0x3a1: {  	v2 =	vld [tilespmem:s25+$0x20]  }
0x3a2: {  	v1 =	vmul.f32 $1.131370830e+01, v1;
	_ =	sdelay $0x1  }
0x3a3: {  	[tilespmem:s15+$0xFFFFFF90] =	vst v1;
	v1 =	vld [tilespmem:s17+$0xFFFFFF80]  }
0x3a4: {  	v3 =	vld [tilespmem:s25+$0xFFFFFFA0];
	v0 =	vmul.f32 $1.131370830e+01, v0  }
0x3a5: {  	s16 =	simm.s32 $0x11D80;
	v2 =	vmul.f32 $1.131370830e+01, v2  }
0x3a6: {  	[tilespmem:s16+$0x0] =	vst v0  }
0x3a7: {  	v0 =	vld [tilespmem:s17+$0x10];
	[tilespmem:s15+$0x20] =	vst v2  }
0x3a8: {  	v1 =	vmul.f32 $1.131370830e+01, v1;
	v2 =	vld [tilespmem:s25+$0x30]  }
0x3a9: {  	v3 =	vmul.f32 $1.131370830e+01, v3  }
0x3aa: {  	[tilespmem:s16+$0xFFFFFF80] =	vst v1  }
0x3ab: {  	v1 =	vld [tilespmem:s17+$0xFFFFFF90];
	[tilespmem:s15+$0xFFFFFFA0] =	vst v3  }
0x3ac: {  	v3 =	vld [tilespmem:s25+$0xFFFFFFB0];
	v0 =	vmul.f32 $1.131370830e+01, v0  }
0x3ad: {  	s5 =	simm.s32 $0xDE80;
	v2 =	vmul.f32 $1.131370830e+01, v2  }
0x3ae: {  	[tilespmem:s16+$0x10] =	vst v0;
	v0 =	vld [tilespmem:s5+$0x0]  }
0x3af: {  	[tilespmem:s15+$0x30] =	vst v2;
	v2 =	vld [tilespmem:s17+$0x20]  }
0x3b0: {  	v1 =	vmul.f32 $1.131370830e+01, v1;
	v4 =	vld [tilespmem:s25+$0x40]  }
0x3b1: {  	v3 =	vmul.f32 $1.131370830e+01, v3  }
0x3b2: {  	[tilespmem:s16+$0xFFFFFF90] =	vst v1;
	v1 =	vld [tilespmem:s5+$0xFFFFFF80]  }
0x3b3: {  	[tilespmem:s15+$0xFFFFFFB0] =	vst v3;
	v3 =	vld [tilespmem:s17+$0xFFFFFFA0];
	v0 =	vmul.f32 $1.131370830e+01, v0  }
0x3b4: {  	s8 =	simm.s32 $0x11E80;
	v5 =	vld [tilespmem:s25+$0xFFFFFFC0];
	v2 =	vmul.f32 $1.131370830e+01, v2  }
0x3b5: {  	[tilespmem:s8+$0x0] =	vst v0;
	v0 =	vmul.f32 $1.131370830e+01, v4  }
0x3b6: {  	v4 =	vld [tilespmem:s5+$0x10];
	[tilespmem:s16+$0x20] =	vst v2  }
0x3b7: {  	v1 =	vmul.f32 $1.131370830e+01, v1;
	v2 =	vld [tilespmem:s17+$0x30];
	[tilespmem:s15+$0x40] =	vst v0  }
0x3b8: {  	v0 =	vmul.f32 $1.131370830e+01, v3;
	v3 =	vld [tilespmem:s25+$0x50]  }
0x3b9: {  	[tilespmem:s8+$0xFFFFFF80] =	vst v1;
	v1 =	vmul.f32 $1.131370830e+01, v5  }
0x3ba: {  	v5 =	vld [tilespmem:s5+$0xFFFFFF90];
	[tilespmem:s16+$0xFFFFFFA0] =	vst v0  }
0x3bb: {  	[tilespmem:s15+$0xFFFFFFC0] =	vst v1;
	v0 =	vmul.f32 $1.131370830e+01, v4;
	v4 =	vld [tilespmem:s17+$0xFFFFFFB0]  }
0x3bc: {  	s21 =	simm.s32 $0xDF80;
	v1 =	vmul.f32 $1.131370830e+01, v2;
	v2 =	vld [tilespmem:s25+$0xFFFFFFD0]  }
0x3bd: {  	[tilespmem:s8+$0x10] =	vst v0;
	v0 =	vmul.f32 $1.131370830e+01, v3;
	v3 =	vld [tilespmem:s21+$0x0]  }
0x3be: {  	[tilespmem:s16+$0x30] =	vst v1;
	v1 =	vld [tilespmem:s5+$0x20]  }
0x3bf: {  	v5 =	vmul.f32 $1.131370830e+01, v5;
	[tilespmem:s15+$0x50] =	vst v0;
	v0 =	vld [tilespmem:s17+$0x40]  }
0x3c0: {  	v4 =	vmul.f32 $1.131370830e+01, v4;
	v6 =	vld [tilespmem:s25+$0x60]  }
0x3c1: {  	[tilespmem:s8+$0xFFFFFF90] =	vst v5;
	v5 =	vld [tilespmem:s21+$0xFFFFFF80];
	v2 =	vmul.f32 $1.131370830e+01, v2  }
0x3c2: {  	[tilespmem:s16+$0xFFFFFFB0] =	vst v4;
	v3 =	vmul.f32 $1.131370830e+01, v3;
	v4 =	vld [tilespmem:s5+$0xFFFFFFA0]  }
0x3c3: {  	s29 =	simm.s32 $0x11F80;
	[tilespmem:s15+$0xFFFFFFD0] =	vst v2;
	v1 =	vmul.f32 $1.131370830e+01, v1;
	v2 =	vld [tilespmem:s17+$0xFFFFFFC0]  }
0x3c4: {  	[tilespmem:s29+$0x0] =	vst v3;
	v0 =	vmul.f32 $1.131370830e+01, v0;
	v3 =	vld [tilespmem:s25+$0xFFFFFFE0]  }
0x3c5: {  	v7 =	vld [tilespmem:s21+$0x10];
	[tilespmem:s8+$0x20] =	vst v1;
	v1 =	vmul.f32 $1.131370830e+01, v6  }
0x3c6: {  	v5 =	vmul.f32 $1.131370830e+01, v5;
	v6 =	vld [tilespmem:s5+$0x30];
	[tilespmem:s16+$0x40] =	vst v0  }
0x3c7: {  	v4 =	vmul.f32 $1.131370830e+01, v4;
	v8 =	vld [tilespmem:s17+$0x50];
	[tilespmem:s15+$0x60] =	vst v1  }
0x3c8: {  	[tilespmem:s29+$0xFFFFFF80] =	vst v5;
	v1 =	vmul.f32 $1.131370830e+01, v2;
	v0 =	vld [tilespmem:s25+$0x70]  }
0x3c9: {  	v5 =	vld [tilespmem:s21+$0xFFFFFF90];
	[tilespmem:s8+$0xFFFFFFA0] =	vst v4;
	v3 =	vmul.f32 $1.131370830e+01, v3  }
0x3ca: {  	v7 =	vmul.f32 $1.131370830e+01, v7;
	v4 =	vld [tilespmem:s5+$0xFFFFFFB0];
	[tilespmem:s16+$0xFFFFFFC0] =	vst v1  }
0x3cb: {  	s23 =	simm.s32 $0xE080;
	v2 =	vld [tilespmem:s17+$0xFFFFFFD0];
	[tilespmem:s15+$0xFFFFFFE0] =	vst v3;
	v6 =	vmul.f32 $1.131370830e+01, v6  }
0x3cc: {  	s6 =	sadd.s32 s12, s13;
	s12 =	simm.s32 $0x6;
	s3 =	simm.s32 $0x11F80;
	[tilespmem:s29+$0x10] =	vst v7;
	v3 =	vmul.f32 $1.131370830e+01, v8;
	v1 =	vld [tilespmem:s25+$0xFFFFFFF0]  }
.LBB2_17:
0x3cd: {  	v7 =	vld [tilespmem:s23+$0x0];
	[tilespmem:s8+$0x30] =	vst v6;
	v0 =	vmul.f32 $1.131370830e+01, v0;
	s24 =	smov.u32 s21;
	s21 =	smov.u32 s23  }
0x3ce: {  	v5 =	vmul.f32 $1.131370830e+01, v5;
	v6 =	vld [tilespmem:s24+$0x20];
	[tilespmem:s16+$0x50] =	vst v3  }
0x3cf: {  	v3 =	vmul.f32 $1.131370830e+01, v4;
	v4 =	vld [tilespmem:s5+$0x40];
	[tilespmem:s15+$0x70] =	vst v0  }
0x3d0: {  	s12 =	sadd.s32 $0x2, s12;
	[tilespmem:s29+$0xFFFFFF90] =	vst v5;
	v0 =	vmul.f32 $1.131370830e+01, v2;
	v2 =	vld [tilespmem:s17+$0x60]  }
0x3d1: {  	p1 =	slt.u32 s12, $0x7E;
	v5 =	vld [tilespmem:s23+$0xFFFFFF80];
	[tilespmem:s8+$0xFFFFFFB0] =	vst v3;
	v1 =	vmul.f32 $1.131370830e+01, v1  }
0x3d2: {  	v3 =	vmul.f32 $1.131370830e+01, v7;
	v7 =	vld [tilespmem:s24+$0xFFFFFFA0];
	[tilespmem:s16+$0xFFFFFFD0] =	vst v0  }
0x3d3: {  	s29 =	sadd.s32 $0x100, s29;
	v0 =	vmul.f32 $1.131370830e+01, v6;
	v6 =	vld [tilespmem:s5+$0xFFFFFFC0];
	[tilespmem:s15+$0xFFFFFFF0] =	vst v1;
	s15 =	smov.u32 s16;
	s16 =	smov.u32 s8  }
0x3d4: {  	s8 =	smov.u32 s3;
	s3 =	smov.u32 s29;
	[tilespmem:s29+$0x0] =	vst v3;
	v1 =	vmul.f32 $1.131370830e+01, v4;
	v3 =	vld [tilespmem:s17+$0xFFFFFFE0]  }
0x3d5: {  	v4 =	vld [tilespmem:s23+$0x10];
	[tilespmem:s8+$0x20] =	vst v0;
	v0 =	vmul.f32 $1.131370830e+01, v2  }
0x3d6: {  	v2 =	vmul.f32 $1.131370830e+01, v5;
	v8 =	vld [tilespmem:s24+$0x30];
	[tilespmem:s16+$0x40] =	vst v1  }
0x3d7: {  	v1 =	vmul.f32 $1.131370830e+01, v7;
	v7 =	vld [tilespmem:s5+$0x50];
	[tilespmem:s15+$0x60] =	vst v0  }
.Ltmp7:
0x3d8: {  	[tilespmem:s29+$0xFFFFFF80] =	vst v2;
	v2 =	vmul.f32 $1.131370830e+01, v6;
	v0 =	vld [tilespmem:s17+$0x70];
	(pc) =	sbr.rel @p1 .LBB2_17-.Ltmp7, $4  }
0x3d9: {  	v5 =	vld [tilespmem:s23+$0xFFFFFF90];
	[tilespmem:s8+$0xFFFFFFA0] =	vst v1;
	v1 =	vmul.f32 $1.131370830e+01, v3  }
0x3da: {  	v3 =	vmul.f32 $1.131370830e+01, v4;
	v4 =	vld [tilespmem:s24+$0xFFFFFFB0];
	[tilespmem:s16+$0xFFFFFFC0] =	vst v2  }
0x3db: {  	v6 =	vmul.f32 $1.131370830e+01, v8;
	v2 =	vld [tilespmem:s5+$0xFFFFFFD0];
	[tilespmem:s15+$0xFFFFFFE0] =	vst v1  }
0x3dc: {  	s23 =	sadd.s32 $0x100, s23;
	[tilespmem:s29+$0x10] =	vst v3;
	v3 =	vmul.f32 $1.131370830e+01, v7;
	v1 =	vld [tilespmem:s17+$0xFFFFFFF0];
	s17 =	smov.u32 s5;
	s5 =	smov.u32 s24  }
0x3dd: {  	_ = 	snop  }
0x3de: {  	v5 =	vmul.f32 $1.131370830e+01, v5;
	_ =	sdelay $0x1  }
0x3df: {  	v7 =	vld [tilespmem:s21+$0x20];
	[tilespmem:s29+$0xFFFFFF90] =	vst v5  }
0x3e0: {  	v5 =	vld [tilespmem:s21+$0xFFFFFFA0];
	_ =	sdelay $0x3  }
0x3e1: {  	v7 =	vmul.f32 $1.131370830e+01, v7  }
0x3e2: {  	v5 =	vmul.f32 $1.131370830e+01, v5  }
0x3e3: {  	[tilespmem:s3+$0x20] =	vst v7  }
0x3e4: {  	v7 =	vld [tilespmem:s21+$0x30];
	[tilespmem:s3+$0xFFFFFFA0] =	vst v5  }
0x3e5: {  	v5 =	vld [tilespmem:s21+$0xFFFFFFB0];
	_ =	sdelay $0x2  }
0x3e6: {  	v4 =	vmul.f32 $1.131370830e+01, v4  }
0x3e7: {  	[tilespmem:s8+$0x30] =	vst v6;
	v36 =	vmul.f32 $1.131370830e+01, v7  }
0x3e8: {  	v37 =	vld [tilespmem:s5+$0x40];
	[tilespmem:s8+$0xFFFFFFB0] =	vst v4;
	v38 =	vmul.f32 $1.131370830e+01, v5  }
0x3e9: {  	v39 =	vld [tilespmem:s5+$0xFFFFFFC0];
	[tilespmem:s3+$0x30] =	vst v36  }
0x3ea: {  	v6 =	vld [tilespmem:s21+$0x40];
	[tilespmem:s3+$0xFFFFFFB0] =	vst v38  }
0x3eb: {  	v4 =	vld [tilespmem:s21+$0xFFFFFFC0];
	_ =	sdelay $0x1  }
0x3ec: {  	v7 =	vmul.f32 $1.131370830e+01, v37  }
0x3ed: {  	v5 =	vmul.f32 $1.131370830e+01, v39  }
0x3ee: {  	[tilespmem:s8+$0x40] =	vst v7;
	v6 =	vmul.f32 $1.131370830e+01, v6  }
0x3ef: {  	v7 =	vld [tilespmem:s5+$0x50];
	[tilespmem:s8+$0xFFFFFFC0] =	vst v5;
	v4 =	vmul.f32 $1.131370830e+01, v4  }
0x3f0: {  	v5 =	vld [tilespmem:s5+$0xFFFFFFD0];
	[tilespmem:s3+$0x40] =	vst v6  }
0x3f1: {  	v6 =	vld [tilespmem:s21+$0x50];
	[tilespmem:s3+$0xFFFFFFC0] =	vst v4  }
0x3f2: {  	v4 =	vld [tilespmem:s21+$0xFFFFFFD0]  }
0x3f3: {  	v2 =	vmul.f32 $1.131370830e+01, v2  }
0x3f4: {  	[tilespmem:s16+$0x50] =	vst v3;
	v40 =	vmul.f32 $1.131370830e+01, v7  }
0x3f5: {  	v41 =	vld [tilespmem:s17+$0x60];
	[tilespmem:s16+$0xFFFFFFD0] =	vst v2;
	v42 =	vmul.f32 $1.131370830e+01, v5  }
0x3f6: {  	v43 =	vld [tilespmem:s17+$0xFFFFFFE0];
	[tilespmem:s8+$0x50] =	vst v40;
	v44 =	vmul.f32 $1.131370830e+01, v6  }
0x3f7: {  	v45 =	vld [tilespmem:s5+$0x60];
	[tilespmem:s8+$0xFFFFFFD0] =	vst v42;
	v46 =	vmul.f32 $1.131370830e+01, v4  }
0x3f8: {  	v47 =	vld [tilespmem:s5+$0xFFFFFFE0];
	[tilespmem:s3+$0x50] =	vst v44  }
0x3f9: {  	v3 =	vld [tilespmem:s21+$0x60];
	[tilespmem:s3+$0xFFFFFFD0] =	vst v46  }
0x3fa: {  	v48 =	vmul.f32 $1.131370830e+01, v41;
	v49 =	vld [tilespmem:s21+$0xFFFFFFE0]  }
0x3fb: {  	v5 =	vmul.f32 $1.131370830e+01, v43  }
0x3fc: {  	[tilespmem:s16+$0x60] =	vst v48;
	v50 =	vmul.f32 $1.131370830e+01, v45  }
0x3fd: {  	v51 =	vld [tilespmem:s17+$0x70];
	[tilespmem:s16+$0xFFFFFFE0] =	vst v5;
	v4 =	vmul.f32 $1.131370830e+01, v47  }
0x3fe: {  	v52 =	vld [tilespmem:s17+$0xFFFFFFF0];
	[tilespmem:s8+$0x60] =	vst v50;
	v3 =	vmul.f32 $1.131370830e+01, v3  }
0x3ff: {  	v53 =	vld [tilespmem:s5+$0x70];
	[tilespmem:s8+$0xFFFFFFE0] =	vst v4;
	v54 =	vmul.f32 $1.131370830e+01, v49  }
0x400: {  	v0 =	vmul.f32 $1.131370830e+01, v0;
	v55 =	vld [tilespmem:s5+$0xFFFFFFF0];
	[tilespmem:s3+$0x60] =	vst v3  }
0x401: {  	v1 =	vmul.f32 $1.131370830e+01, v1;
	v56 =	vld [tilespmem:s21+$0x70];
	[tilespmem:s3+$0xFFFFFFE0] =	vst v54  }
0x402: {  	[tilespmem:s15+$0x70] =	vst v0;
	v57 =	vmul.f32 $1.131370830e+01, v51;
	v58 =	vld [tilespmem:s21+$0xFFFFFFF0]  }
0x403: {  	[tilespmem:s15+$0xFFFFFFF0] =	vst v1;
	v59 =	vmul.f32 $1.131370830e+01, v52  }
0x404: {  	[tilespmem:s16+$0x70] =	vst v57;
	v60 =	vmul.f32 $1.131370830e+01, v53  }
0x405: {  	[tilespmem:s16+$0xFFFFFFF0] =	vst v59;
	v61 =	vmul.f32 $1.131370830e+01, v55  }
.Ltmp8:
0x406: {  	[tilespmem:s8+$0x70] =	vst v60;
	v62 =	vmul.f32 $1.131370830e+01, v56;
	(pc) =	sbr.rel @p0 .LBB2_20-.Ltmp8, $4  }
0x407: {  	[tilespmem:s8+$0xFFFFFFF0] =	vst v61;
	v63 =	vmul.f32 $1.131370830e+01, v58  }
0x408: {  	[tilespmem:s3+$0x70] =	vst v62  }
0x409: {  	[tilespmem:s3+$0xFFFFFFF0] =	vst v63  }
0x40a: {  	[hbm4b:s6+s4] =	stream.linear.scatter [tilespmem:s31], [sflag:$0x5], $0x4000, $0x38;
	[tilespmem:$0x1DC00] =	vst v63  }
.Ltmp9:
0x40b: {  	(pc) =	sbr.rel .LBB2_10-.Ltmp9, $3  }
0x40c: {  	_ =	sdelay $0x1  }
0x40d: {  	s3 =	sadd.s32 $0x380, s14;
	s5 =	simm.s32 $0xDC00;
	s11 =	sadd.s32 $0x1, s11  }
0x40e: {  	[tilespmem:s5], [sflag:$0x4] =	stream.indirect.gather [hbm4b:s2+s22], $0x80, s3, s22, $0xb8;
	[tilespmem:$0x1DC00] =	vst v63  }
.LBB2_20:
0x40f: {  	_ =	swait.ge [sflag:s0], $0x4000  }
0x410: {  	[sflag:s0] =	ssyncset.done $0x0  }
0x411: {  	[sflag:s0] =	ssyncadd.s32 $0xFFFFC000  }
0x412: {  	_ =	swait.ge [sflag:s30], $0x4000  }
0x413: {  	[sflag:s30] =	ssyncset.done $0x0  }
0x414: {  	s3 =	simm.s32 $0x1C80;
	[sflag:s30] =	ssyncadd.s32 $0xFFFFC000  }
0x415: {  	v0 =	vld [tilespmem:s3+$0x0];
	_ =	sdelay $0x3  }
0x416: {  	v1 =	vld [tilespmem:s3+$0xFFFFFF80]  }
0x417: {  	v0 =	vmul.f32 $1.131370830e+01, v0  }
0x418: {  	s11 =	simm.s32 $0x11C80  }
0x419: {  	[tilespmem:s11+$0x0] =	vst v0  }
0x41a: {  	v0 =	vld [tilespmem:s3+$0x10]  }
0x41b: {  	v1 =	vmul.f32 $1.131370830e+01, v1;
	_ =	sdelay $0x1  }
0x41c: {  	[tilespmem:s11+$0xFFFFFF80] =	vst v1  }
0x41d: {  	v1 =	vld [tilespmem:s3+$0xFFFFFF90]  }
0x41e: {  	v0 =	vmul.f32 $1.131370830e+01, v0  }
0x41f: {  	s14 =	simm.s32 $0x1D80  }
0x420: {  	[tilespmem:s11+$0x10] =	vst v0;
	v0 =	vld [tilespmem:s14+$0x0]  }
0x421: {  	v2 =	vld [tilespmem:s3+$0x20]  }
0x422: {  	v1 =	vmul.f32 $1.131370830e+01, v1;
	_ =	sdelay $0x1  }
0x423: {  	[tilespmem:s11+$0xFFFFFF90] =	vst v1;
	v1 =	vld [tilespmem:s14+$0xFFFFFF80]  }
0x424: {  	v3 =	vld [tilespmem:s3+$0xFFFFFFA0];
	v0 =	vmul.f32 $1.131370830e+01, v0  }
0x425: {  	s12 =	simm.s32 $0x11D80;
	v2 =	vmul.f32 $1.131370830e+01, v2  }
0x426: {  	[tilespmem:s12+$0x0] =	vst v0  }
0x427: {  	v0 =	vld [tilespmem:s14+$0x10];
	[tilespmem:s11+$0x20] =	vst v2  }
0x428: {  	v1 =	vmul.f32 $1.131370830e+01, v1;
	v2 =	vld [tilespmem:s3+$0x30]  }
0x429: {  	v3 =	vmul.f32 $1.131370830e+01, v3  }
0x42a: {  	[tilespmem:s12+$0xFFFFFF80] =	vst v1  }
0x42b: {  	v1 =	vld [tilespmem:s14+$0xFFFFFF90];
	[tilespmem:s11+$0xFFFFFFA0] =	vst v3  }
0x42c: {  	v3 =	vld [tilespmem:s3+$0xFFFFFFB0];
	v0 =	vmul.f32 $1.131370830e+01, v0  }
0x42d: {  	s5 =	simm.s32 $0x1E80;
	v2 =	vmul.f32 $1.131370830e+01, v2  }
0x42e: {  	[tilespmem:s12+$0x10] =	vst v0;
	v0 =	vld [tilespmem:s5+$0x0]  }
0x42f: {  	[tilespmem:s11+$0x30] =	vst v2;
	v2 =	vld [tilespmem:s14+$0x20]  }
0x430: {  	v1 =	vmul.f32 $1.131370830e+01, v1;
	v4 =	vld [tilespmem:s3+$0x40]  }
0x431: {  	v3 =	vmul.f32 $1.131370830e+01, v3  }
0x432: {  	[tilespmem:s12+$0xFFFFFF90] =	vst v1;
	v1 =	vld [tilespmem:s5+$0xFFFFFF80]  }
0x433: {  	[tilespmem:s11+$0xFFFFFFB0] =	vst v3;
	v3 =	vld [tilespmem:s14+$0xFFFFFFA0];
	v0 =	vmul.f32 $1.131370830e+01, v0  }
0x434: {  	s8 =	simm.s32 $0x11E80;
	v5 =	vld [tilespmem:s3+$0xFFFFFFC0];
	v2 =	vmul.f32 $1.131370830e+01, v2  }
0x435: {  	[tilespmem:s8+$0x0] =	vst v0;
	v0 =	vmul.f32 $1.131370830e+01, v4  }
0x436: {  	v4 =	vld [tilespmem:s5+$0x10];
	[tilespmem:s12+$0x20] =	vst v2  }
0x437: {  	v1 =	vmul.f32 $1.131370830e+01, v1;
	v2 =	vld [tilespmem:s14+$0x30];
	[tilespmem:s11+$0x40] =	vst v0  }
0x438: {  	v0 =	vmul.f32 $1.131370830e+01, v3;
	v3 =	vld [tilespmem:s3+$0x50]  }
0x439: {  	[tilespmem:s8+$0xFFFFFF80] =	vst v1;
	v1 =	vmul.f32 $1.131370830e+01, v5  }
0x43a: {  	v5 =	vld [tilespmem:s5+$0xFFFFFF90];
	[tilespmem:s12+$0xFFFFFFA0] =	vst v0  }
0x43b: {  	[tilespmem:s11+$0xFFFFFFC0] =	vst v1;
	v0 =	vmul.f32 $1.131370830e+01, v4;
	v4 =	vld [tilespmem:s14+$0xFFFFFFB0]  }
0x43c: {  	s15 =	simm.s32 $0x1F80;
	v1 =	vmul.f32 $1.131370830e+01, v2;
	v2 =	vld [tilespmem:s3+$0xFFFFFFD0]  }
0x43d: {  	[tilespmem:s8+$0x10] =	vst v0;
	v0 =	vmul.f32 $1.131370830e+01, v3;
	v3 =	vld [tilespmem:s15+$0x0]  }
0x43e: {  	[tilespmem:s12+$0x30] =	vst v1;
	v1 =	vld [tilespmem:s5+$0x20]  }
0x43f: {  	v5 =	vmul.f32 $1.131370830e+01, v5;
	[tilespmem:s11+$0x50] =	vst v0;
	v0 =	vld [tilespmem:s14+$0x40]  }
0x440: {  	v4 =	vmul.f32 $1.131370830e+01, v4;
	v6 =	vld [tilespmem:s3+$0x60]  }
0x441: {  	[tilespmem:s8+$0xFFFFFF90] =	vst v5;
	v5 =	vld [tilespmem:s15+$0xFFFFFF80];
	v2 =	vmul.f32 $1.131370830e+01, v2  }
0x442: {  	[tilespmem:s12+$0xFFFFFFB0] =	vst v4;
	v3 =	vmul.f32 $1.131370830e+01, v3;
	v4 =	vld [tilespmem:s5+$0xFFFFFFA0]  }
0x443: {  	s6 =	simm.s32 $0x11F80;
	[tilespmem:s11+$0xFFFFFFD0] =	vst v2;
	v1 =	vmul.f32 $1.131370830e+01, v1;
	v2 =	vld [tilespmem:s14+$0xFFFFFFC0]  }
0x444: {  	[tilespmem:s6+$0x0] =	vst v3;
	v0 =	vmul.f32 $1.131370830e+01, v0;
	v3 =	vld [tilespmem:s3+$0xFFFFFFE0]  }
0x445: {  	v7 =	vld [tilespmem:s15+$0x10];
	[tilespmem:s8+$0x20] =	vst v1;
	v1 =	vmul.f32 $1.131370830e+01, v6  }
0x446: {  	v5 =	vmul.f32 $1.131370830e+01, v5;
	v6 =	vld [tilespmem:s5+$0x30];
	[tilespmem:s12+$0x40] =	vst v0  }
0x447: {  	v4 =	vmul.f32 $1.131370830e+01, v4;
	v8 =	vld [tilespmem:s14+$0x50];
	[tilespmem:s11+$0x60] =	vst v1  }
0x448: {  	[tilespmem:s6+$0xFFFFFF80] =	vst v5;
	v1 =	vmul.f32 $1.131370830e+01, v2;
	v0 =	vld [tilespmem:s3+$0x70]  }
0x449: {  	v5 =	vld [tilespmem:s15+$0xFFFFFF90];
	[tilespmem:s8+$0xFFFFFFA0] =	vst v4;
	v3 =	vmul.f32 $1.131370830e+01, v3  }
0x44a: {  	v7 =	vmul.f32 $1.131370830e+01, v7;
	v4 =	vld [tilespmem:s5+$0xFFFFFFB0];
	[tilespmem:s12+$0xFFFFFFC0] =	vst v1  }
0x44b: {  	v2 =	vld [tilespmem:s14+$0xFFFFFFD0];
	[tilespmem:s11+$0xFFFFFFE0] =	vst v3;
	v6 =	vmul.f32 $1.131370830e+01, v6  }
0x44c: {  	s16 =	simm.s32 $0x6;
	s17 =	simm.s32 $0x2080;
	[tilespmem:s6+$0x10] =	vst v7;
	v3 =	vmul.f32 $1.131370830e+01, v8;
	v1 =	vld [tilespmem:s3+$0xFFFFFFF0];
	s3 =	simm.s32 $0x11F80  }
.LBB2_21:
0x44d: {  	v7 =	vld [tilespmem:s17+$0x0];
	[tilespmem:s8+$0x30] =	vst v6;
	v0 =	vmul.f32 $1.131370830e+01, v0;
	s21 =	smov.u32 s15;
	s15 =	smov.u32 s17  }
0x44e: {  	v5 =	vmul.f32 $1.131370830e+01, v5;
	v6 =	vld [tilespmem:s21+$0x20];
	[tilespmem:s12+$0x50] =	vst v3  }
0x44f: {  	v3 =	vmul.f32 $1.131370830e+01, v4;
	v4 =	vld [tilespmem:s5+$0x40];
	[tilespmem:s11+$0x70] =	vst v0  }
0x450: {  	s16 =	sadd.s32 $0x2, s16;
	[tilespmem:s6+$0xFFFFFF90] =	vst v5;
	v0 =	vmul.f32 $1.131370830e+01, v2;
	v2 =	vld [tilespmem:s14+$0x60]  }
0x451: {  	p0 =	slt.u32 s16, $0x7E;
	v5 =	vld [tilespmem:s17+$0xFFFFFF80];
	[tilespmem:s8+$0xFFFFFFB0] =	vst v3;
	v1 =	vmul.f32 $1.131370830e+01, v1  }
0x452: {  	v3 =	vmul.f32 $1.131370830e+01, v7;
	v7 =	vld [tilespmem:s21+$0xFFFFFFA0];
	[tilespmem:s12+$0xFFFFFFD0] =	vst v0  }
0x453: {  	s6 =	sadd.s32 $0x100, s6;
	v0 =	vmul.f32 $1.131370830e+01, v6;
	v6 =	vld [tilespmem:s5+$0xFFFFFFC0];
	[tilespmem:s11+$0xFFFFFFF0] =	vst v1;
	s11 =	smov.u32 s12;
	s12 =	smov.u32 s8  }
0x454: {  	s8 =	smov.u32 s3;
	s3 =	smov.u32 s6;
	[tilespmem:s6+$0x0] =	vst v3;
	v1 =	vmul.f32 $1.131370830e+01, v4;
	v3 =	vld [tilespmem:s14+$0xFFFFFFE0]  }
0x455: {  	v4 =	vld [tilespmem:s17+$0x10];
	[tilespmem:s8+$0x20] =	vst v0;
	v0 =	vmul.f32 $1.131370830e+01, v2  }
0x456: {  	v2 =	vmul.f32 $1.131370830e+01, v5;
	v8 =	vld [tilespmem:s21+$0x30];
	[tilespmem:s12+$0x40] =	vst v1  }
0x457: {  	v1 =	vmul.f32 $1.131370830e+01, v7;
	v7 =	vld [tilespmem:s5+$0x50];
	[tilespmem:s11+$0x60] =	vst v0  }
.Ltmp10:
0x458: {  	[tilespmem:s6+$0xFFFFFF80] =	vst v2;
	v2 =	vmul.f32 $1.131370830e+01, v6;
	v0 =	vld [tilespmem:s14+$0x70];
	(pc) =	sbr.rel @p0 .LBB2_21-.Ltmp10, $4  }
0x459: {  	v5 =	vld [tilespmem:s17+$0xFFFFFF90];
	[tilespmem:s8+$0xFFFFFFA0] =	vst v1;
	v1 =	vmul.f32 $1.131370830e+01, v3  }
0x45a: {  	v3 =	vmul.f32 $1.131370830e+01, v4;
	v4 =	vld [tilespmem:s21+$0xFFFFFFB0];
	[tilespmem:s12+$0xFFFFFFC0] =	vst v2  }
0x45b: {  	v6 =	vmul.f32 $1.131370830e+01, v8;
	v2 =	vld [tilespmem:s5+$0xFFFFFFD0];
	[tilespmem:s11+$0xFFFFFFE0] =	vst v1  }
0x45c: {  	s17 =	sadd.s32 $0x100, s17;
	[tilespmem:s6+$0x10] =	vst v3;
	v3 =	vmul.f32 $1.131370830e+01, v7;
	v1 =	vld [tilespmem:s14+$0xFFFFFFF0];
	s14 =	smov.u32 s5;
	s5 =	smov.u32 s21  }
0x45d: {  	_ = 	snop  }
0x45e: {  	v5 =	vmul.f32 $1.131370830e+01, v5;
	_ =	sdelay $0x1  }
0x45f: {  	v7 =	vld [tilespmem:s15+$0x20];
	[tilespmem:s6+$0xFFFFFF90] =	vst v5  }
0x460: {  	v5 =	vld [tilespmem:s15+$0xFFFFFFA0];
	_ =	sdelay $0x3  }
0x461: {  	v7 =	vmul.f32 $1.131370830e+01, v7  }
0x462: {  	v5 =	vmul.f32 $1.131370830e+01, v5  }
0x463: {  	[tilespmem:s3+$0x20] =	vst v7  }
0x464: {  	v7 =	vld [tilespmem:s15+$0x30];
	[tilespmem:s3+$0xFFFFFFA0] =	vst v5  }
0x465: {  	v5 =	vld [tilespmem:s15+$0xFFFFFFB0];
	_ =	sdelay $0x2  }
0x466: {  	v4 =	vmul.f32 $1.131370830e+01, v4  }
0x467: {  	[tilespmem:s8+$0x30] =	vst v6;
	v6 =	vmul.f32 $1.131370830e+01, v7  }
0x468: {  	[tilespmem:s8+$0xFFFFFFB0] =	vst v4;
	v7 =	vld [tilespmem:s5+$0x40];
	v4 =	vmul.f32 $1.131370830e+01, v5  }
0x469: {  	[tilespmem:s3+$0x30] =	vst v6;
	v5 =	vld [tilespmem:s5+$0xFFFFFFC0]  }
0x46a: {  	v6 =	vld [tilespmem:s15+$0x40];
	[tilespmem:s3+$0xFFFFFFB0] =	vst v4  }
0x46b: {  	v4 =	vld [tilespmem:s15+$0xFFFFFFC0];
	_ =	sdelay $0x1  }
0x46c: {  	v7 =	vmul.f32 $1.131370830e+01, v7  }
0x46d: {  	v5 =	vmul.f32 $1.131370830e+01, v5  }
0x46e: {  	[tilespmem:s8+$0x40] =	vst v7;
	v6 =	vmul.f32 $1.131370830e+01, v6  }
0x46f: {  	v7 =	vld [tilespmem:s5+$0x50];
	[tilespmem:s8+$0xFFFFFFC0] =	vst v5;
	v4 =	vmul.f32 $1.131370830e+01, v4  }
0x470: {  	[tilespmem:s3+$0x40] =	vst v6;
	v5 =	vld [tilespmem:s5+$0xFFFFFFD0]  }
0x471: {  	v6 =	vld [tilespmem:s15+$0x50];
	[tilespmem:s3+$0xFFFFFFC0] =	vst v4  }
0x472: {  	v4 =	vld [tilespmem:s15+$0xFFFFFFD0]  }
0x473: {  	v2 =	vmul.f32 $1.131370830e+01, v2  }
0x474: {  	[tilespmem:s12+$0x50] =	vst v3;
	v3 =	vmul.f32 $1.131370830e+01, v7  }
0x475: {  	[tilespmem:s12+$0xFFFFFFD0] =	vst v2;
	v7 =	vld [tilespmem:s14+$0x60];
	v2 =	vmul.f32 $1.131370830e+01, v5  }
0x476: {  	[tilespmem:s8+$0x50] =	vst v3;
	v3 =	vmul.f32 $1.131370830e+01, v6;
	v5 =	vld [tilespmem:s14+$0xFFFFFFE0]  }
0x477: {  	v6 =	vld [tilespmem:s5+$0x60];
	[tilespmem:s8+$0xFFFFFFD0] =	vst v2;
	v2 =	vmul.f32 $1.131370830e+01, v4  }
0x478: {  	[tilespmem:s3+$0x50] =	vst v3;
	v4 =	vld [tilespmem:s5+$0xFFFFFFE0]  }
0x479: {  	v3 =	vld [tilespmem:s15+$0x60];
	[tilespmem:s3+$0xFFFFFFD0] =	vst v2  }
0x47a: {  	v2 =	vmul.f32 $1.131370830e+01, v7;
	v7 =	vld [tilespmem:s15+$0xFFFFFFE0]  }
0x47b: {  	v5 =	vmul.f32 $1.131370830e+01, v5  }
0x47c: {  	[tilespmem:s12+$0x60] =	vst v2;
	v2 =	vmul.f32 $1.131370830e+01, v6  }
0x47d: {  	[tilespmem:s12+$0xFFFFFFE0] =	vst v5;
	v6 =	vld [tilespmem:s14+$0x70];
	v4 =	vmul.f32 $1.131370830e+01, v4  }
0x47e: {  	v5 =	vld [tilespmem:s14+$0xFFFFFFF0];
	[tilespmem:s8+$0x60] =	vst v2;
	v2 =	vmul.f32 $1.131370830e+01, v3  }
0x47f: {  	v3 =	vld [tilespmem:s5+$0x70];
	[tilespmem:s8+$0xFFFFFFE0] =	vst v4;
	v4 =	vmul.f32 $1.131370830e+01, v7  }
0x480: {  	v0 =	vmul.f32 $1.131370830e+01, v0;
	v7 =	vld [tilespmem:s5+$0xFFFFFFF0];
	[tilespmem:s3+$0x60] =	vst v2  }
0x481: {  	v1 =	vmul.f32 $1.131370830e+01, v1;
	v2 =	vld [tilespmem:s15+$0x70];
	[tilespmem:s3+$0xFFFFFFE0] =	vst v4  }
0x482: {  	[tilespmem:s11+$0x70] =	vst v0;
	v0 =	vmul.f32 $1.131370830e+01, v6;
	v4 =	vld [tilespmem:s15+$0xFFFFFFF0]  }
0x483: {  	[tilespmem:s11+$0xFFFFFFF0] =	vst v1;
	v1 =	vmul.f32 $1.131370830e+01, v5  }
0x484: {  	[tilespmem:s12+$0x70] =	vst v0;
	v0 =	vmul.f32 $1.131370830e+01, v3  }
0x485: {  	[tilespmem:s12+$0xFFFFFFF0] =	vst v1;
	v1 =	vmul.f32 $1.131370830e+01, v7  }
0x486: {  	[tilespmem:s8+$0x70] =	vst v0;
	v0 =	vmul.f32 $1.131370830e+01, v2  }
0x487: {  	[tilespmem:s8+$0xFFFFFFF0] =	vst v1;
	v1 =	vmul.f32 $1.131370830e+01, v4  }
0x488: {  	[tilespmem:s3+$0x70] =	vst v0  }
0x489: {  	[tilespmem:s3+$0xFFFFFFF0] =	vst v1  }
0x48a: {  	s3 =	rddreg [dreg:$0xa]  }
0x48b: {  	[hbm4b:s3+s4] =	stream.linear.scatter [tilespmem:s31], [sflag:$0x5], $0x4000, $0x38;
	[tilespmem:$0x1DC00] =	vst v63  }
0x48c: {  	_ =	swait.ge [sflag:s28], $0x4000  }
0x48d: {  	[sflag:s28] =	ssyncset.done $0x0  }
0x48e: {  	[sflag:s28] =	ssyncadd.s32 $0xFFFFC000  }
0x48f: {  	_ =	swait.ge [sflag:s1], $0x4000  }
0x490: {  	[sflag:s1] =	ssyncset.done $0x0  }
0x491: {  	s29 =	simm.s32 $0x5C80;
	[sflag:s1] =	ssyncadd.s32 $0xFFFFC000  }
0x492: {  	v0 =	vld [tilespmem:s29+$0x0];
	_ =	sdelay $0x3  }
0x493: {  	v1 =	vld [tilespmem:s29+$0xFFFFFF80]  }
0x494: {  	v0 =	vmul.f32 $1.131370830e+01, v0  }
0x495: {  	s11 =	simm.s32 $0x15C80  }
0x496: {  	[tilespmem:s11+$0x0] =	vst v0  }
0x497: {  	v0 =	vld [tilespmem:s29+$0x10]  }
0x498: {  	v1 =	vmul.f32 $1.131370830e+01, v1;
	_ =	sdelay $0x1  }
0x499: {  	[tilespmem:s11+$0xFFFFFF80] =	vst v1  }
0x49a: {  	v1 =	vld [tilespmem:s29+$0xFFFFFF90]  }
0x49b: {  	v0 =	vmul.f32 $1.131370830e+01, v0  }
0x49c: {  	s14 =	simm.s32 $0x5D80  }
0x49d: {  	[tilespmem:s11+$0x10] =	vst v0;
	v0 =	vld [tilespmem:s14+$0x0]  }
0x49e: {  	v2 =	vld [tilespmem:s29+$0x20]  }
0x49f: {  	v1 =	vmul.f32 $1.131370830e+01, v1;
	_ =	sdelay $0x1  }
0x4a0: {  	[tilespmem:s11+$0xFFFFFF90] =	vst v1;
	v1 =	vld [tilespmem:s14+$0xFFFFFF80]  }
0x4a1: {  	v3 =	vld [tilespmem:s29+$0xFFFFFFA0];
	v0 =	vmul.f32 $1.131370830e+01, v0  }
0x4a2: {  	s12 =	simm.s32 $0x15D80;
	v2 =	vmul.f32 $1.131370830e+01, v2  }
0x4a3: {  	[tilespmem:s12+$0x0] =	vst v0  }
0x4a4: {  	v0 =	vld [tilespmem:s14+$0x10];
	[tilespmem:s11+$0x20] =	vst v2  }
0x4a5: {  	v1 =	vmul.f32 $1.131370830e+01, v1;
	v2 =	vld [tilespmem:s29+$0x30]  }
0x4a6: {  	v3 =	vmul.f32 $1.131370830e+01, v3  }
0x4a7: {  	[tilespmem:s12+$0xFFFFFF80] =	vst v1  }
0x4a8: {  	v1 =	vld [tilespmem:s14+$0xFFFFFF90];
	[tilespmem:s11+$0xFFFFFFA0] =	vst v3  }
0x4a9: {  	v3 =	vld [tilespmem:s29+$0xFFFFFFB0];
	v0 =	vmul.f32 $1.131370830e+01, v0  }
0x4aa: {  	s5 =	simm.s32 $0x5E80;
	v2 =	vmul.f32 $1.131370830e+01, v2  }
0x4ab: {  	[tilespmem:s12+$0x10] =	vst v0;
	v0 =	vld [tilespmem:s5+$0x0]  }
0x4ac: {  	[tilespmem:s11+$0x30] =	vst v2;
	v2 =	vld [tilespmem:s14+$0x20]  }
0x4ad: {  	v1 =	vmul.f32 $1.131370830e+01, v1;
	v4 =	vld [tilespmem:s29+$0x40]  }
0x4ae: {  	v3 =	vmul.f32 $1.131370830e+01, v3  }
0x4af: {  	[tilespmem:s12+$0xFFFFFF90] =	vst v1;
	v1 =	vld [tilespmem:s5+$0xFFFFFF80]  }
0x4b0: {  	[tilespmem:s11+$0xFFFFFFB0] =	vst v3;
	v3 =	vld [tilespmem:s14+$0xFFFFFFA0];
	v0 =	vmul.f32 $1.131370830e+01, v0  }
0x4b1: {  	s8 =	simm.s32 $0x15E80;
	v5 =	vld [tilespmem:s29+$0xFFFFFFC0];
	v2 =	vmul.f32 $1.131370830e+01, v2  }
0x4b2: {  	[tilespmem:s8+$0x0] =	vst v0;
	v0 =	vmul.f32 $1.131370830e+01, v4  }
0x4b3: {  	v4 =	vld [tilespmem:s5+$0x10];
	[tilespmem:s12+$0x20] =	vst v2  }
0x4b4: {  	v1 =	vmul.f32 $1.131370830e+01, v1;
	v2 =	vld [tilespmem:s14+$0x30];
	[tilespmem:s11+$0x40] =	vst v0  }
0x4b5: {  	v0 =	vmul.f32 $1.131370830e+01, v3;
	v3 =	vld [tilespmem:s29+$0x50]  }
0x4b6: {  	[tilespmem:s8+$0xFFFFFF80] =	vst v1;
	v1 =	vmul.f32 $1.131370830e+01, v5  }
0x4b7: {  	v5 =	vld [tilespmem:s5+$0xFFFFFF90];
	[tilespmem:s12+$0xFFFFFFA0] =	vst v0  }
0x4b8: {  	[tilespmem:s11+$0xFFFFFFC0] =	vst v1;
	v0 =	vmul.f32 $1.131370830e+01, v4;
	v4 =	vld [tilespmem:s14+$0xFFFFFFB0]  }
0x4b9: {  	s15 =	simm.s32 $0x5F80;
	v1 =	vmul.f32 $1.131370830e+01, v2;
	v2 =	vld [tilespmem:s29+$0xFFFFFFD0]  }
0x4ba: {  	[tilespmem:s8+$0x10] =	vst v0;
	v0 =	vmul.f32 $1.131370830e+01, v3;
	v3 =	vld [tilespmem:s15+$0x0]  }
0x4bb: {  	[tilespmem:s12+$0x30] =	vst v1;
	v1 =	vld [tilespmem:s5+$0x20]  }
0x4bc: {  	v5 =	vmul.f32 $1.131370830e+01, v5;
	[tilespmem:s11+$0x50] =	vst v0;
	v0 =	vld [tilespmem:s14+$0x40]  }
0x4bd: {  	v4 =	vmul.f32 $1.131370830e+01, v4;
	v6 =	vld [tilespmem:s29+$0x60]  }
0x4be: {  	[tilespmem:s8+$0xFFFFFF90] =	vst v5;
	v5 =	vld [tilespmem:s15+$0xFFFFFF80];
	v2 =	vmul.f32 $1.131370830e+01, v2  }
0x4bf: {  	[tilespmem:s12+$0xFFFFFFB0] =	vst v4;
	v3 =	vmul.f32 $1.131370830e+01, v3;
	v4 =	vld [tilespmem:s5+$0xFFFFFFA0]  }
0x4c0: {  	s6 =	simm.s32 $0x15F80;
	[tilespmem:s11+$0xFFFFFFD0] =	vst v2;
	v1 =	vmul.f32 $1.131370830e+01, v1;
	v2 =	vld [tilespmem:s14+$0xFFFFFFC0]  }
0x4c1: {  	[tilespmem:s6+$0x0] =	vst v3;
	v0 =	vmul.f32 $1.131370830e+01, v0;
	v3 =	vld [tilespmem:s29+$0xFFFFFFE0]  }
0x4c2: {  	v7 =	vld [tilespmem:s15+$0x10];
	[tilespmem:s8+$0x20] =	vst v1;
	v1 =	vmul.f32 $1.131370830e+01, v6  }
0x4c3: {  	v5 =	vmul.f32 $1.131370830e+01, v5;
	v6 =	vld [tilespmem:s5+$0x30];
	[tilespmem:s12+$0x40] =	vst v0  }
0x4c4: {  	v4 =	vmul.f32 $1.131370830e+01, v4;
	v8 =	vld [tilespmem:s14+$0x50];
	[tilespmem:s11+$0x60] =	vst v1  }
0x4c5: {  	[tilespmem:s6+$0xFFFFFF80] =	vst v5;
	v1 =	vmul.f32 $1.131370830e+01, v2;
	v0 =	vld [tilespmem:s29+$0x70]  }
0x4c6: {  	v5 =	vld [tilespmem:s15+$0xFFFFFF90];
	[tilespmem:s8+$0xFFFFFFA0] =	vst v4;
	v3 =	vmul.f32 $1.131370830e+01, v3  }
0x4c7: {  	v7 =	vmul.f32 $1.131370830e+01, v7;
	v4 =	vld [tilespmem:s5+$0xFFFFFFB0];
	[tilespmem:s12+$0xFFFFFFC0] =	vst v1  }
0x4c8: {  	s17 =	simm.s32 $0x6080;
	v2 =	vld [tilespmem:s14+$0xFFFFFFD0];
	[tilespmem:s11+$0xFFFFFFE0] =	vst v3;
	v6 =	vmul.f32 $1.131370830e+01, v6  }
0x4c9: {  	s16 =	simm.s32 $0x6;
	s23 =	simm.s32 $0x9C00;
	s3 =	simm.s32 $0x15F80;
	[tilespmem:s6+$0x10] =	vst v7;
	v3 =	vmul.f32 $1.131370830e+01, v8;
	v1 =	vld [tilespmem:s29+$0xFFFFFFF0]  }
.LBB2_23:
0x4ca: {  	v7 =	vld [tilespmem:s17+$0x0];
	[tilespmem:s8+$0x30] =	vst v6;
	v0 =	vmul.f32 $1.131370830e+01, v0;
	s21 =	smov.u32 s15;
	s15 =	smov.u32 s17  }
0x4cb: {  	v5 =	vmul.f32 $1.131370830e+01, v5;
	v6 =	vld [tilespmem:s21+$0x20];
	[tilespmem:s12+$0x50] =	vst v3  }
0x4cc: {  	v3 =	vmul.f32 $1.131370830e+01, v4;
	v4 =	vld [tilespmem:s5+$0x40];
	[tilespmem:s11+$0x70] =	vst v0  }
0x4cd: {  	s16 =	sadd.s32 $0x2, s16;
	[tilespmem:s6+$0xFFFFFF90] =	vst v5;
	v0 =	vmul.f32 $1.131370830e+01, v2;
	v2 =	vld [tilespmem:s14+$0x60]  }
0x4ce: {  	p0 =	slt.u32 s16, $0x7E;
	v5 =	vld [tilespmem:s17+$0xFFFFFF80];
	[tilespmem:s8+$0xFFFFFFB0] =	vst v3;
	v1 =	vmul.f32 $1.131370830e+01, v1  }
0x4cf: {  	v3 =	vmul.f32 $1.131370830e+01, v7;
	v7 =	vld [tilespmem:s21+$0xFFFFFFA0];
	[tilespmem:s12+$0xFFFFFFD0] =	vst v0  }
0x4d0: {  	s6 =	sadd.s32 $0x100, s6;
	v0 =	vmul.f32 $1.131370830e+01, v6;
	v6 =	vld [tilespmem:s5+$0xFFFFFFC0];
	[tilespmem:s11+$0xFFFFFFF0] =	vst v1;
	s11 =	smov.u32 s12;
	s12 =	smov.u32 s8  }
0x4d1: {  	s8 =	smov.u32 s3;
	s3 =	smov.u32 s6;
	[tilespmem:s6+$0x0] =	vst v3;
	v1 =	vmul.f32 $1.131370830e+01, v4;
	v3 =	vld [tilespmem:s14+$0xFFFFFFE0]  }
0x4d2: {  	v4 =	vld [tilespmem:s17+$0x10];
	[tilespmem:s8+$0x20] =	vst v0;
	v0 =	vmul.f32 $1.131370830e+01, v2  }
0x4d3: {  	v2 =	vmul.f32 $1.131370830e+01, v5;
	v8 =	vld [tilespmem:s21+$0x30];
	[tilespmem:s12+$0x40] =	vst v1  }
0x4d4: {  	v1 =	vmul.f32 $1.131370830e+01, v7;
	v7 =	vld [tilespmem:s5+$0x50];
	[tilespmem:s11+$0x60] =	vst v0  }
.Ltmp11:
0x4d5: {  	[tilespmem:s6+$0xFFFFFF80] =	vst v2;
	v2 =	vmul.f32 $1.131370830e+01, v6;
	v0 =	vld [tilespmem:s14+$0x70];
	(pc) =	sbr.rel @p0 .LBB2_23-.Ltmp11, $4  }
0x4d6: {  	v5 =	vld [tilespmem:s17+$0xFFFFFF90];
	[tilespmem:s8+$0xFFFFFFA0] =	vst v1;
	v1 =	vmul.f32 $1.131370830e+01, v3  }
0x4d7: {  	v3 =	vmul.f32 $1.131370830e+01, v4;
	v4 =	vld [tilespmem:s21+$0xFFFFFFB0];
	[tilespmem:s12+$0xFFFFFFC0] =	vst v2  }
0x4d8: {  	v6 =	vmul.f32 $1.131370830e+01, v8;
	v2 =	vld [tilespmem:s5+$0xFFFFFFD0];
	[tilespmem:s11+$0xFFFFFFE0] =	vst v1  }
0x4d9: {  	s17 =	sadd.s32 $0x100, s17;
	[tilespmem:s6+$0x10] =	vst v3;
	v3 =	vmul.f32 $1.131370830e+01, v7;
	v1 =	vld [tilespmem:s14+$0xFFFFFFF0];
	s14 =	smov.u32 s5;
	s5 =	smov.u32 s21  }
0x4da: {  	_ = 	snop  }
0x4db: {  	v5 =	vmul.f32 $1.131370830e+01, v5;
	_ =	sdelay $0x1  }
0x4dc: {  	v7 =	vld [tilespmem:s15+$0x20];
	[tilespmem:s6+$0xFFFFFF90] =	vst v5  }
0x4dd: {  	v5 =	vld [tilespmem:s15+$0xFFFFFFA0];
	_ =	sdelay $0x3  }
0x4de: {  	v7 =	vmul.f32 $1.131370830e+01, v7  }
0x4df: {  	v5 =	vmul.f32 $1.131370830e+01, v5  }
0x4e0: {  	[tilespmem:s3+$0x20] =	vst v7  }
0x4e1: {  	v7 =	vld [tilespmem:s15+$0x30];
	[tilespmem:s3+$0xFFFFFFA0] =	vst v5  }
0x4e2: {  	v5 =	vld [tilespmem:s15+$0xFFFFFFB0];
	_ =	sdelay $0x2  }
0x4e3: {  	v4 =	vmul.f32 $1.131370830e+01, v4  }
0x4e4: {  	[tilespmem:s8+$0x30] =	vst v6;
	v36 =	vmul.f32 $1.131370830e+01, v7  }
0x4e5: {  	v37 =	vld [tilespmem:s5+$0x40];
	[tilespmem:s8+$0xFFFFFFB0] =	vst v4;
	v38 =	vmul.f32 $1.131370830e+01, v5  }
0x4e6: {  	v39 =	vld [tilespmem:s5+$0xFFFFFFC0];
	[tilespmem:s3+$0x30] =	vst v36  }
0x4e7: {  	v6 =	vld [tilespmem:s15+$0x40];
	[tilespmem:s3+$0xFFFFFFB0] =	vst v38  }
0x4e8: {  	v4 =	vld [tilespmem:s15+$0xFFFFFFC0];
	_ =	sdelay $0x1  }
0x4e9: {  	v7 =	vmul.f32 $1.131370830e+01, v37  }
0x4ea: {  	v5 =	vmul.f32 $1.131370830e+01, v39  }
0x4eb: {  	[tilespmem:s8+$0x40] =	vst v7;
	v6 =	vmul.f32 $1.131370830e+01, v6  }
0x4ec: {  	v7 =	vld [tilespmem:s5+$0x50];
	[tilespmem:s8+$0xFFFFFFC0] =	vst v5;
	v4 =	vmul.f32 $1.131370830e+01, v4  }
0x4ed: {  	v5 =	vld [tilespmem:s5+$0xFFFFFFD0];
	[tilespmem:s3+$0x40] =	vst v6  }
0x4ee: {  	v6 =	vld [tilespmem:s15+$0x50];
	[tilespmem:s3+$0xFFFFFFC0] =	vst v4  }
0x4ef: {  	v4 =	vld [tilespmem:s15+$0xFFFFFFD0]  }
0x4f0: {  	v2 =	vmul.f32 $1.131370830e+01, v2  }
0x4f1: {  	[tilespmem:s12+$0x50] =	vst v3;
	v40 =	vmul.f32 $1.131370830e+01, v7  }
0x4f2: {  	v41 =	vld [tilespmem:s14+$0x60];
	[tilespmem:s12+$0xFFFFFFD0] =	vst v2;
	v42 =	vmul.f32 $1.131370830e+01, v5  }
0x4f3: {  	v43 =	vld [tilespmem:s14+$0xFFFFFFE0];
	[tilespmem:s8+$0x50] =	vst v40;
	v44 =	vmul.f32 $1.131370830e+01, v6  }
0x4f4: {  	v45 =	vld [tilespmem:s5+$0x60];
	[tilespmem:s8+$0xFFFFFFD0] =	vst v42;
	v46 =	vmul.f32 $1.131370830e+01, v4  }
0x4f5: {  	v47 =	vld [tilespmem:s5+$0xFFFFFFE0];
	[tilespmem:s3+$0x50] =	vst v44  }
0x4f6: {  	v3 =	vld [tilespmem:s15+$0x60];
	[tilespmem:s3+$0xFFFFFFD0] =	vst v46  }
0x4f7: {  	v48 =	vmul.f32 $1.131370830e+01, v41;
	v49 =	vld [tilespmem:s15+$0xFFFFFFE0]  }
0x4f8: {  	v5 =	vmul.f32 $1.131370830e+01, v43  }
0x4f9: {  	[tilespmem:s12+$0x60] =	vst v48;
	v50 =	vmul.f32 $1.131370830e+01, v45  }
0x4fa: {  	v51 =	vld [tilespmem:s14+$0x70];
	[tilespmem:s12+$0xFFFFFFE0] =	vst v5;
	v4 =	vmul.f32 $1.131370830e+01, v47  }
0x4fb: {  	v52 =	vld [tilespmem:s14+$0xFFFFFFF0];
	[tilespmem:s8+$0x60] =	vst v50;
	v3 =	vmul.f32 $1.131370830e+01, v3  }
0x4fc: {  	v53 =	vld [tilespmem:s5+$0x70];
	[tilespmem:s8+$0xFFFFFFE0] =	vst v4;
	v54 =	vmul.f32 $1.131370830e+01, v49  }
0x4fd: {  	v0 =	vmul.f32 $1.131370830e+01, v0;
	v55 =	vld [tilespmem:s5+$0xFFFFFFF0];
	[tilespmem:s3+$0x60] =	vst v3  }
0x4fe: {  	v1 =	vmul.f32 $1.131370830e+01, v1;
	v56 =	vld [tilespmem:s15+$0x70];
	[tilespmem:s3+$0xFFFFFFE0] =	vst v54  }
0x4ff: {  	[tilespmem:s11+$0x70] =	vst v0;
	v57 =	vmul.f32 $1.131370830e+01, v51;
	v58 =	vld [tilespmem:s15+$0xFFFFFFF0]  }
0x500: {  	[tilespmem:s11+$0xFFFFFFF0] =	vst v1;
	v59 =	vmul.f32 $1.131370830e+01, v52  }
0x501: {  	[tilespmem:s12+$0x70] =	vst v57;
	v60 =	vmul.f32 $1.131370830e+01, v53  }
0x502: {  	[tilespmem:s12+$0xFFFFFFF0] =	vst v59;
	v61 =	vmul.f32 $1.131370830e+01, v55  }
0x503: {  	[tilespmem:s8+$0x70] =	vst v60;
	v62 =	vmul.f32 $1.131370830e+01, v56  }
0x504: {  	[tilespmem:s8+$0xFFFFFFF0] =	vst v61;
	v63 =	vmul.f32 $1.131370830e+01, v58  }
0x505: {  	[tilespmem:s3+$0x70] =	vst v62  }
0x506: {  	[tilespmem:s3+$0xFFFFFFF0] =	vst v63  }
0x507: {  	s3 =	rddreg [dreg:$0xb]  }
0x508: {  	[hbm4b:s3+s4] =	stream.linear.scatter [tilespmem:s18], [sflag:$0x6], $0x4000, $0x38;
	[tilespmem:$0x1DC00] =	vst v63  }
0x509: {  	_ =	swait.ge [sflag:s26], $0x4000  }
0x50a: {  	[sflag:s26] =	ssyncset.done $0x0  }
0x50b: {  	[sflag:s26] =	ssyncadd.s32 $0xFFFFC000  }
0x50c: {  	_ =	swait.ge [sflag:s0], $0x4000  }
0x50d: {  	[sflag:s0] =	ssyncset.done $0x0  }
0x50e: {  	[sflag:s0] =	ssyncadd.s32 $0xFFFFC000  }
0x50f: {  	_ =	swait.ge [sflag:s28], $0x4000  }
0x510: {  	s25 =	rddreg [dreg:$0xd]  }
0x511: {  	s29 =	rddreg [dreg:$0xc];
	s5 =	sadd.s32 $0x1, s25  }
0x512: {  	p0 =	sne.s32 s5, s29  }
.Ltmp12:
0x513: {  	_ = 	snop;
	(pc) =	sbr.rel @p0 .LBB2_1-.Ltmp12, $3  }
0x514: {  	_ =	sdelay $0x1  }
0x515: {  	[sflag:s28] =	ssyncset.done $0x0  }
0x516: {  	[sflag:s28] =	ssyncadd.s32 $0xFFFFC000  }
0x517: {  	_ =	sfence.sel $0x180000  }
0x518: {  	[bflag:$0x0] =	sbarrier.arrive $0xFFFF  }
0x519: {  	_ =	strace $0x90000047  }
0x51a: {  	s0 =	stileid.u32;
	[bflag:$0x2] =	sbarrier.arrive $0xFFFF  }
0x51b: {  	p0 =	sne.s32 s0, $0x0;
	s0 =	rddreg [dreg:$0x3]  }
0x51c: {  	s0 =	sadd.s32 @!p0 $0x100000, s0  }
0x51d: {  	[sflag:s0] =	ssyncadd.tile.s32 @!p0 $0x1;
	_ =	shalt  }
.Lfunc_end2:
_tile_overlayer_lowered:
.L_overlay_start_2:
0x51e: {  	(tag) =	ssettag $0x2  }
0x51f: {  	s0 =	rddreg [dreg:$0x0];
	s2 =	stileid.u32  }
0x520: {  	s1 =	rddreg [dreg:$0x1];
	p0 =	sne.s32 s2, $0x0  }
0x521: {  	s3 =	rddreg [dreg:$0x2];
	[bflag:$0x3] =	sbarrier.arrive $0xFFFF;
	s2 =	simm.s32 @!p0 $0x1C08  }
0x522: {  	[timem:s3], [sflag:s2] =	dma.local @!p0 [hbm:s0], s1  }
0x523: {  	s0 =	simm.s32 @!p0 $0x8  }
0x524: {  	_ =	swait.ge @!p0 [sflag:s0], s1  }
0x525: {  	s1 =	ssub.s32 @!p0 $0x0, s1;
	[sflag:s0] =	ssyncset.done @!p0 $0x0  }
0x526: {  	[sflag:s0] =	ssyncadd.s32 @!p0 s1  }
0x527: {  	[bflag:$0x3] =	sbarrier.arrive $0xFFFF  }
0x528: {  	_ =	shalt  }

</sc_bundles>
